<compile_context>
chip_gen: v7x
topology: tpu7x:2x2x1
jax: 0.10.2.dev20260603
libtpu: 0.0.44.dev20260713+nightly
codegen_flags: <defaults>
</compile_context>

<pallas_src>
import functools

import jax
import jax.numpy as jnp
from jax import lax
from jax.experimental import pallas as pl
from jax.experimental.pallas import tpu as pltpu
from jax.experimental.pallas import tpu_sc as plsc

SEQ = 8192
BATCH = 4
D_MODEL = 1024
LANES = 16

NUM_CORES = 2
NUM_SUBCORES = 16
NW = NUM_CORES * NUM_SUBCORES

CH = 4
CH4 = CH * BATCH
NBUF = 4
POS_PER_W = SEQ // NW
NCHUNK = POS_PER_W // CH
ROWS_PER_W = POS_PER_W * BATCH
ROUNDS = NCHUNK // NBUF
PREFETCH = 2


def _body(x_hbm, idx_hbm, tab_hbm, out_hbm, xbuf, pebuf, idxbuf,
          lsem, psem, ssem):
    cid = lax.axis_index("c")
    sid = lax.axis_index("s")
    wid = sid * NUM_CORES + cid
    row0 = wid * ROWS_PER_W

    pltpu.sync_copy(idx_hbm.at[wid], idxbuf)

    def issue_loads(j, t):
        pltpu.async_copy(
            x_hbm.at[pl.ds(row0 + t * CH4, CH4)], xbuf.at[j], lsem.at[j])
        pltpu.async_copy(tab_hbm.at[idxbuf.at[t]], pebuf.at[j], psem.at[j])

    def wait_loads(j, t):
        pltpu.make_async_copy(
            x_hbm.at[pl.ds(row0 + t * CH4, CH4)], xbuf.at[j],
            lsem.at[j]).wait()
        pltpu.make_async_copy(
            tab_hbm.at[pl.ds(0, CH)], pebuf.at[j], psem.at[j]).wait()

    def issue_store(j, t):
        pltpu.async_copy(
            xbuf.at[j], out_hbm.at[pl.ds(row0 + t * CH4, CH4)], ssem.at[j])

    def wait_store(j):
        pltpu.make_async_copy(
            xbuf.at[j], out_hbm.at[pl.ds(row0, CH4)], ssem.at[j]).wait()

    def compute(j):
        def p_body(p, _):
            def u_body(u, __):
                base = u * (LANES * 16)
                for v in range(16):
                    off = base + v * LANES
                    pe_v = pebuf[j, p, pl.ds(off, LANES)]
                    for b in range(BATCH):
                        plsc.addupdate(
                            xbuf.at[j, p * BATCH + b, pl.ds(off, LANES)],
                            pe_v)
                return 0
            lax.fori_loop(0, D_MODEL // (LANES * 16), u_body, 0)
            return 0
        lax.fori_loop(0, CH, p_body, 0)

    for t in range(PREFETCH):
        issue_loads(t % NBUF, t)

    @pl.loop(0, ROUNDS)
    def _round(r):
        for j in range(NBUF):
            t = r * NBUF + j
            wait_loads(j, t)
            compute(j)
            issue_store(j, t)
            nt = t + PREFETCH
            jn = (j + PREFETCH) % NBUF

            @pl.when(nt < NCHUNK)
            def _():
                @pl.when(nt >= NBUF)
                def _():
                    wait_store(jn)
                issue_loads(jn, nt)

    for j in range(NBUF):
        wait_store(j)


@jax.jit
def kernel(x, indices, lpe_weight):
    x2d = x.reshape(SEQ * BATCH, D_MODEL)
    idx3 = indices.reshape(NW, NCHUNK, CH)
    mesh = plsc.VectorSubcoreMesh(
        core_axis_name="c", subcore_axis_name="s",
        num_cores=NUM_CORES, num_subcores=NUM_SUBCORES)
    out2d = pl.kernel(
        _body,
        out_type=jax.ShapeDtypeStruct((SEQ * BATCH, D_MODEL), jnp.float32),
        mesh=mesh,
        scratch_types=[
            pltpu.VMEM((NBUF, CH4, D_MODEL), jnp.float32),
            pltpu.VMEM((NBUF, CH, D_MODEL), jnp.float32),
            pltpu.VMEM((NCHUNK, CH), jnp.int32),
            pltpu.SemaphoreType.DMA((NBUF,)),
            pltpu.SemaphoreType.DMA((NBUF,)),
            pltpu.SemaphoreType.DMA((NBUF,)),
        ],
    )(x2d, idx3, lpe_weight)
    return out2d.reshape(SEQ, BATCH, D_MODEL)

# --- scband reference (transcript-rebuilt; emitter-appended) ---
"""Pipeline reference for scband-positional-encoding-61194694033603 (READ-ONLY COPY).

The authoritative reference and input builder live on the scoring server;
editing this copy changes nothing except your own understanding.
"""

import jax, jax.numpy as jnp
import numpy as np

SEQ = 8192
BATCH = 4
D_MODEL = 1024
MAX_LEN = 8192


def setup_inputs(seed: int = 0) -> dict:
    key = jax.random.key(seed)
    k1, k2, k3 = jax.random.split(key, 3)
    x = jax.random.normal(k1, (SEQ, BATCH, D_MODEL), dtype=jnp.float32)
    # position indices into the learned positional embedding table, shape [SEQ, 1]
    indices = jax.random.randint(k2, (SEQ, 1), 0, MAX_LEN, dtype=jnp.int32)
    # learned positional embedding table: nn.Embedding(max_len + 1, d_model)
    lpe_weight = jax.random.normal(k3, (MAX_LEN + 1, D_MODEL), dtype=jnp.float32) * 0.1
    return {"x": x, "indices": indices, "lpe_weight": lpe_weight}


def reference(x, indices, lpe_weight):
    # PositionalEncoding.forward with explicit indices, eval mode (dropout = identity).
    # self.lpe(indices): gather rows -> [SEQ, 1, D_MODEL], broadcast-add to x [SEQ, BATCH, D_MODEL].
    pe = jnp.take(lpe_weight, indices, axis=0)
    out = x + pe
    return out

if __name__ == "__main__":
    import jax
    _d = setup_inputs()
    print(jax.jit(kernel)(*tuple(_d.values())))

</pallas_src>

<mosaic_0001>
#map = affine_map<(d0, d1) -> (0, 0)>
#map1 = affine_map<(d0, d1) -> (0, 0, 0)>
module attributes {stable_mosaic.version = 14 : i64} {
  func.func @_body(%arg0: i32, %arg1: i32, %arg2: memref<32768x1024xf32, #tpu.memory_space<hbm>>, %arg3: memref<32x64x4xi32, #tpu.memory_space<hbm>>, %arg4: memref<8193x1024xf32, #tpu.memory_space<hbm>>, %arg5: memref<32768x1024xf32, #tpu.memory_space<hbm>>, %arg6: memref<4x16x1024xf32, #tpu.memory_space<vmem>>, %arg7: memref<4x4x1024xf32, #tpu.memory_space<vmem>>, %arg8: memref<64x4xi32, #tpu.memory_space<vmem>>, %arg9: memref<4x!tpu.dma_semaphore, #tpu.memory_space<semaphore_mem>>, %arg10: memref<4x!tpu.dma_semaphore, #tpu.memory_space<semaphore_mem>>, %arg11: memref<4x!tpu.dma_semaphore, #tpu.memory_space<semaphore_mem>>) attributes {dimension_semantics = [#tpu.dimension_semantics<core_parallel>, #tpu.dimension_semantics<subcore_parallel>], iteration_bounds = array<i64: 2, 16>, scalar_prefetch = 0 : i64, scratch_operands = 6 : i64, tpu.core_type = #tpu.core_type<sc_vector_subcore>, window_params = [{transform_indices = #map}, {transform_indices = #map1}, {transform_indices = #map}, {transform_indices = #map}]} {
    %mul3A = arith.constant 2 : i32
    %mul3A_0 = arith.muli %arg1, %mul3A : i32
    %add3A = arith.addi %mul3A_0, %arg0 : i32
    %mul3A_1 = arith.constant 1024 : i32
    %mul3A_2 = arith.muli %add3A, %mul3A_1 : i32
    "tpu.region"() ({
      %run_scoped3A = tpu.sem_alloc : memref<!tpu.dma_semaphore, #tpu.memory_space<semaphore_mem>>
      %dma_start3A_135 = arith.constant 0 : i32
      %dma_start3A_136 = arith.constant 0 : i32
      %dma_start3A_137 = tpu.memref_slice %arg3[%add3A, %dma_start3A_135, %dma_start3A_136] : memref<32x64x4xi32, #tpu.memory_space<hbm>> -> memref<1x64x4xi32, #tpu.memory_space<hbm>>
      %dma_start3A_138 = tpu.memref_squeeze %dma_start3A_137 : memref<1x64x4xi32, #tpu.memory_space<hbm>> -> memref<64x4xi32, #tpu.memory_space<hbm>>
      %dma_start3A_139 = arith.constant 0 : i32
      %dma_start3A_140 = arith.constant 0 : i32
      %dma_start3A_141 = tpu.memref_slice %arg3[%add3A, %dma_start3A_139, %dma_start3A_140] : memref<32x64x4xi32, #tpu.memory_space<hbm>> -> memref<1x64x4xi32, #tpu.memory_space<hbm>>
      %dma_start3A_142 = tpu.memref_squeeze %dma_start3A_141 : memref<1x64x4xi32, #tpu.memory_space<hbm>> -> memref<64x4xi32, #tpu.memory_space<hbm>>
      tpu.enqueue_dma source(%dma_start3A_142 : memref<64x4xi32, #tpu.memory_space<hbm>>) target(%arg8 : memref<64x4xi32, #tpu.memory_space<vmem>>) target_semaphore(%run_scoped3A : memref<!tpu.dma_semaphore, #tpu.memory_space<semaphore_mem>>)
      %dma_wait3A_143 = arith.constant 0 : i32
      %dma_wait3A_144 = arith.constant 0 : i32
      %dma_wait3A_145 = tpu.memref_slice %arg3[%add3A, %dma_wait3A_143, %dma_wait3A_144] : memref<32x64x4xi32, #tpu.memory_space<hbm>> -> memref<1x64x4xi32, #tpu.memory_space<hbm>>
      %dma_wait3A_146 = tpu.memref_squeeze %dma_wait3A_145 : memref<1x64x4xi32, #tpu.memory_space<hbm>> -> memref<64x4xi32, #tpu.memory_space<hbm>>
      %dma_wait3A_147 = arith.constant 0 : i32
      %dma_wait3A_148 = arith.constant 0 : i32
      %dma_wait3A_149 = tpu.memref_slice %arg3[%add3A, %dma_wait3A_147, %dma_wait3A_148] : memref<32x64x4xi32, #tpu.memory_space<hbm>> -> memref<1x64x4xi32, #tpu.memory_space<hbm>>
      %dma_wait3A_150 = tpu.memref_squeeze %dma_wait3A_149 : memref<1x64x4xi32, #tpu.memory_space<hbm>> -> memref<64x4xi32, #tpu.memory_space<hbm>>
      tpu.wait_dma2 semaphore(%run_scoped3A : memref<!tpu.dma_semaphore, #tpu.memory_space<semaphore_mem>>) src(%dma_wait3A_150 : memref<64x4xi32, #tpu.memory_space<hbm>>) dst(%arg8 : memref<64x4xi32, #tpu.memory_space<vmem>>)
      tpu.yield
    }) : () -> ()
    %add3A_3 = arith.constant 0 : i32
    %add3A_4 = arith.addi %mul3A_2, %add3A_3 : i32
    %dma_start3A = arith.constant 0 : i32
    %dma_start3A_5 = arith.constant 0 : i32
    %dma_start3A_6 = arith.constant 0 : i32
    %dma_start3A_7 = arith.constant 0 : i32
    %dma_start3A_8 = tpu.memref_slice %arg6[%dma_start3A, %dma_start3A_6, %dma_start3A_7] : memref<4x16x1024xf32, #tpu.memory_space<vmem>> -> memref<1x16x1024xf32, #tpu.memory_space<vmem>>
    %dma_start3A_9 = tpu.memref_squeeze %dma_start3A_8 : memref<1x16x1024xf32, #tpu.memory_space<vmem>> -> memref<16x1024xf32, #tpu.memory_space<vmem>>
    %dma_start3A_10 = arith.constant 0 : i32
    %dma_start3A_11 = tpu.memref_slice %arg2[%add3A_4, %dma_start3A_10] : memref<32768x1024xf32, #tpu.memory_space<hbm>> -> memref<16x1024xf32, #tpu.memory_space<hbm>>
    %dma_start3A_12 = tpu.memref_slice %arg9[%dma_start3A_5] : memref<4x!tpu.dma_semaphore, #tpu.memory_space<semaphore_mem>> -> memref<1x!tpu.dma_semaphore, #tpu.memory_space<semaphore_mem>>
    %dma_start3A_13 = tpu.memref_squeeze %dma_start3A_12 : memref<1x!tpu.dma_semaphore, #tpu.memory_space<semaphore_mem>> -> memref<!tpu.dma_semaphore, #tpu.memory_space<semaphore_mem>>
    %dma_start3A_14 = arith.constant 0 : i32
    %dma_start3A_15 = arith.constant 0 : i32
    %dma_start3A_16 = tpu.memref_slice %arg6[%dma_start3A, %dma_start3A_14, %dma_start3A_15] : memref<4x16x1024xf32, #tpu.memory_space<vmem>> -> memref<1x16x1024xf32, #tpu.memory_space<vmem>>
    %dma_start3A_17 = tpu.memref_squeeze %dma_start3A_16 : memref<1x16x1024xf32, #tpu.memory_space<vmem>> -> memref<16x1024xf32, #tpu.memory_space<vmem>>
    %dma_start3A_18 = arith.constant 0 : i32
    %dma_start3A_19 = tpu.memref_slice %arg2[%add3A_4, %dma_start3A_18] : memref<32768x1024xf32, #tpu.memory_space<hbm>> -> memref<16x1024xf32, #tpu.memory_space<hbm>>
    tpu.enqueue_dma source(%dma_start3A_19 : memref<16x1024xf32, #tpu.memory_space<hbm>>) target(%dma_start3A_17 : memref<16x1024xf32, #tpu.memory_space<vmem>>) target_semaphore(%dma_start3A_13 : memref<!tpu.dma_semaphore, #tpu.memory_space<semaphore_mem>>)
    %dma_start3A_20 = arith.constant 0 : i32
    %dma_start3A_21 = arith.constant 0 : i32
    %dma_start3A_22 = arith.constant 0 : i32
    %dma_start3A_23 = arith.constant 0 : i32
    %dma_start3A_24 = arith.constant 0 : i32
    %dma_start3A_25 = tpu.memref_slice %arg7[%dma_start3A_21, %dma_start3A_23, %dma_start3A_24] : memref<4x4x1024xf32, #tpu.memory_space<vmem>> -> memref<1x4x1024xf32, #tpu.memory_space<vmem>>
    %dma_start3A_26 = tpu.memref_squeeze %dma_start3A_25 : memref<1x4x1024xf32, #tpu.memory_space<vmem>> -> memref<4x1024xf32, #tpu.memory_space<vmem>>
    %dma_start3A_27 = arith.constant 0 : i32
    %dma_start3A_28 = tpu.memref_slice %arg8[%dma_start3A_20, %dma_start3A_27] : memref<64x4xi32, #tpu.memory_space<vmem>> -> memref<1x4xi32, #tpu.memory_space<vmem>>
    %dma_start3A_29 = tpu.memref_squeeze %dma_start3A_28 : memref<1x4xi32, #tpu.memory_space<vmem>> -> memref<4xi32, #tpu.memory_space<vmem>>
    %dma_start3A_30 = arith.constant 0 : i32
    %dma_start3A_31 = arith.constant 0 : i32
    %dma_start3A_32 = tpu.memref_slice %arg4[%dma_start3A_30, %dma_start3A_31] : memref<8193x1024xf32, #tpu.memory_space<hbm>> -> memref<8193x1024xf32, #tpu.memory_space<hbm>>
    %dma_start3A_33 = tpu.memref_slice %arg10[%dma_start3A_22] : memref<4x!tpu.dma_semaphore, #tpu.memory_space<semaphore_mem>> -> memref<1x!tpu.dma_semaphore, #tpu.memory_space<semaphore_mem>>
    %dma_start3A_34 = tpu.memref_squeeze %dma_start3A_33 : memref<1x!tpu.dma_semaphore, #tpu.memory_space<semaphore_mem>> -> memref<!tpu.dma_semaphore, #tpu.memory_space<semaphore_mem>>
    tpu.enqueue_indirect_dma source(%dma_start3A_32 : memref<8193x1024xf32, #tpu.memory_space<hbm>>) target(%dma_start3A_26 : memref<4x1024xf32, #tpu.memory_space<vmem>>) offsets(%dma_start3A_29 : memref<4xi32, #tpu.memory_space<vmem>>) semaphore(%dma_start3A_34 : memref<!tpu.dma_semaphore, #tpu.memory_space<semaphore_mem>>)
    %add3A_35 = arith.constant 16 : i32
    %add3A_36 = arith.addi %mul3A_2, %add3A_35 : i32
    %dma_start3A_37 = arith.constant 1 : i32
    %dma_start3A_38 = arith.constant 1 : i32
    %dma_start3A_39 = arith.constant 0 : i32
    %dma_start3A_40 = arith.constant 0 : i32
    %dma_start3A_41 = tpu.memref_slice %arg6[%dma_start3A_37, %dma_start3A_39, %dma_start3A_40] : memref<4x16x1024xf32, #tpu.memory_space<vmem>> -> memref<1x16x1024xf32, #tpu.memory_space<vmem>>
    %dma_start3A_42 = tpu.memref_squeeze %dma_start3A_41 : memref<1x16x1024xf32, #tpu.memory_space<vmem>> -> memref<16x1024xf32, #tpu.memory_space<vmem>>
    %dma_start3A_43 = arith.constant 0 : i32
    %dma_start3A_44 = tpu.memref_slice %arg2[%add3A_36, %dma_start3A_43] : memref<32768x1024xf32, #tpu.memory_space<hbm>> -> memref<16x1024xf32, #tpu.memory_space<hbm>>
    %dma_start3A_45 = tpu.memref_slice %arg9[%dma_start3A_38] : memref<4x!tpu.dma_semaphore, #tpu.memory_space<semaphore_mem>> -> memref<1x!tpu.dma_semaphore, #tpu.memory_space<semaphore_mem>>
    %dma_start3A_46 = tpu.memref_squeeze %dma_start3A_45 : memref<1x!tpu.dma_semaphore, #tpu.memory_space<semaphore_mem>> -> memref<!tpu.dma_semaphore, #tpu.memory_space<semaphore_mem>>
    %dma_start3A_47 = arith.constant 0 : i32
    %dma_start3A_48 = arith.constant 0 : i32
    %dma_start3A_49 = tpu.memref_slice %arg6[%dma_start3A_37, %dma_start3A_47, %dma_start3A_48] : memref<4x16x1024xf32, #tpu.memory_space<vmem>> -> memref<1x16x1024xf32, #tpu.memory_space<vmem>>
    %dma_start3A_50 = tpu.memref_squeeze %dma_start3A_49 : memref<1x16x1024xf32, #tpu.memory_space<vmem>> -> memref<16x1024xf32, #tpu.memory_space<vmem>>
    %dma_start3A_51 = arith.constant 0 : i32
    %dma_start3A_52 = tpu.memref_slice %arg2[%add3A_36, %dma_start3A_51] : memref<32768x1024xf32, #tpu.memory_space<hbm>> -> memref<16x1024xf32, #tpu.memory_space<hbm>>
    tpu.enqueue_dma source(%dma_start3A_52 : memref<16x1024xf32, #tpu.memory_space<hbm>>) target(%dma_start3A_50 : memref<16x1024xf32, #tpu.memory_space<vmem>>) target_semaphore(%dma_start3A_46 : memref<!tpu.dma_semaphore, #tpu.memory_space<semaphore_mem>>)
    %dma_start3A_53 = arith.constant 1 : i32
    %dma_start3A_54 = arith.constant 1 : i32
    %dma_start3A_55 = arith.constant 1 : i32
    %dma_start3A_56 = arith.constant 0 : i32
    %dma_start3A_57 = arith.constant 0 : i32
    %dma_start3A_58 = tpu.memref_slice %arg7[%dma_start3A_54, %dma_start3A_56, %dma_start3A_57] : memref<4x4x1024xf32, #tpu.memory_space<vmem>> -> memref<1x4x1024xf32, #tpu.memory_space<vmem>>
    %dma_start3A_59 = tpu.memref_squeeze %dma_start3A_58 : memref<1x4x1024xf32, #tpu.memory_space<vmem>> -> memref<4x1024xf32, #tpu.memory_space<vmem>>
    %dma_start3A_60 = arith.constant 0 : i32
    %dma_start3A_61 = tpu.memref_slice %arg8[%dma_start3A_53, %dma_start3A_60] : memref<64x4xi32, #tpu.memory_space<vmem>> -> memref<1x4xi32, #tpu.memory_space<vmem>>
    %dma_start3A_62 = tpu.memref_squeeze %dma_start3A_61 : memref<1x4xi32, #tpu.memory_space<vmem>> -> memref<4xi32, #tpu.memory_space<vmem>>
    %dma_start3A_63 = arith.constant 0 : i32
    %dma_start3A_64 = arith.constant 0 : i32
    %dma_start3A_65 = tpu.memref_slice %arg4[%dma_start3A_63, %dma_start3A_64] : memref<8193x1024xf32, #tpu.memory_space<hbm>> -> memref<8193x1024xf32, #tpu.memory_space<hbm>>
    %dma_start3A_66 = tpu.memref_slice %arg10[%dma_start3A_55] : memref<4x!tpu.dma_semaphore, #tpu.memory_space<semaphore_mem>> -> memref<1x!tpu.dma_semaphore, #tpu.memory_space<semaphore_mem>>
    %dma_start3A_67 = tpu.memref_squeeze %dma_start3A_66 : memref<1x!tpu.dma_semaphore, #tpu.memory_space<semaphore_mem>> -> memref<!tpu.dma_semaphore, #tpu.memory_space<semaphore_mem>>
    tpu.enqueue_indirect_dma source(%dma_start3A_65 : memref<8193x1024xf32, #tpu.memory_space<hbm>>) target(%dma_start3A_59 : memref<4x1024xf32, #tpu.memory_space<vmem>>) offsets(%dma_start3A_62 : memref<4xi32, #tpu.memory_space<vmem>>) semaphore(%dma_start3A_67 : memref<!tpu.dma_semaphore, #tpu.memory_space<semaphore_mem>>)
    %scan3A = arith.constant 0 : i32
    %scan3A_68 = arith.constant 16 : i32
    %scan3A_69 = arith.addi %scan3A, %scan3A_68 : i32
    %scan3A_70 = arith.constant 1 : i32
    scf.for %scan3A_135 = %scan3A to %scan3A_69 step %scan3A_70  : i32 {
      %mul3A_136 = arith.constant 1 : i32
      %mul3A_137 = arith.muli %scan3A_135, %mul3A_136 : i32
      %add3A_138 = arith.constant 0 : i32
      %add3A_139 = arith.addi %add3A_138, %mul3A_137 : i32
      %mul3A_140 = arith.constant 4 : i32
      %mul3A_141 = arith.muli %add3A_139, %mul3A_140 : i32
      %add3A_142 = arith.constant 0 : i32
      %add3A_143 = arith.addi %mul3A_141, %add3A_142 : i32
      %mul3A_144 = arith.constant 16 : i32
      %mul3A_145 = arith.muli %add3A_143, %mul3A_144 : i32
      %add3A_146 = arith.addi %mul3A_2, %mul3A_145 : i32
      %dma_wait3A_147 = arith.constant 0 : i32
      %dma_wait3A_148 = arith.constant 0 : i32
      %dma_wait3A_149 = arith.constant 0 : i32
      %dma_wait3A_150 = arith.constant 0 : i32
      %dma_wait3A_151 = tpu.memref_slice %arg6[%dma_wait3A_147, %dma_wait3A_149, %dma_wait3A_150] : memref<4x16x1024xf32, #tpu.memory_space<vmem>> -> memref<1x16x1024xf32, #tpu.memory_space<vmem>>
      %dma_wait3A_152 = tpu.memref_squeeze %dma_wait3A_151 : memref<1x16x1024xf32, #tpu.memory_space<vmem>> -> memref<16x1024xf32, #tpu.memory_space<vmem>>
      %dma_wait3A_153 = arith.constant 0 : i32
      %dma_wait3A_154 = tpu.memref_slice %arg2[%add3A_146, %dma_wait3A_153] : memref<32768x1024xf32, #tpu.memory_space<hbm>> -> memref<16x1024xf32, #tpu.memory_space<hbm>>
      %dma_wait3A_155 = tpu.memref_slice %arg9[%dma_wait3A_148] : memref<4x!tpu.dma_semaphore, #tpu.memory_space<semaphore_mem>> -> memref<1x!tpu.dma_semaphore, #tpu.memory_space<semaphore_mem>>
      %dma_wait3A_156 = tpu.memref_squeeze %dma_wait3A_155 : memref<1x!tpu.dma_semaphore, #tpu.memory_space<semaphore_mem>> -> memref<!tpu.dma_semaphore, #tpu.memory_space<semaphore_mem>>
      %dma_wait3A_157 = arith.constant 0 : i32
      %dma_wait3A_158 = arith.constant 0 : i32
      %dma_wait3A_159 = tpu.memref_slice %arg6[%dma_wait3A_147, %dma_wait3A_157, %dma_wait3A_158] : memref<4x16x1024xf32, #tpu.memory_space<vmem>> -> memref<1x16x1024xf32, #tpu.memory_space<vmem>>
      %dma_wait3A_160 = tpu.memref_squeeze %dma_wait3A_159 : memref<1x16x1024xf32, #tpu.memory_space<vmem>> -> memref<16x1024xf32, #tpu.memory_space<vmem>>
      %dma_wait3A_161 = arith.constant 0 : i32
      %dma_wait3A_162 = tpu.memref_slice %arg2[%add3A_146, %dma_wait3A_161] : memref<32768x1024xf32, #tpu.memory_space<hbm>> -> memref<16x1024xf32, #tpu.memory_space<hbm>>
      tpu.wait_dma2 semaphore(%dma_wait3A_156 : memref<!tpu.dma_semaphore, #tpu.memory_space<semaphore_mem>>) src(%dma_wait3A_162 : memref<16x1024xf32, #tpu.memory_space<hbm>>) dst(%dma_wait3A_160 : memref<16x1024xf32, #tpu.memory_space<vmem>>)
      %dma_wait3A_163 = arith.constant 0 : i32
      %dma_wait3A_164 = arith.constant 0 : i32
      %dma_wait3A_165 = arith.constant 0 : i32
      %dma_wait3A_166 = arith.constant 0 : i32
      %dma_wait3A_167 = tpu.memref_slice %arg7[%dma_wait3A_163, %dma_wait3A_165, %dma_wait3A_166] : memref<4x4x1024xf32, #tpu.memory_space<vmem>> -> memref<1x4x1024xf32, #tpu.memory_space<vmem>>
      %dma_wait3A_168 = tpu.memref_squeeze %dma_wait3A_167 : memref<1x4x1024xf32, #tpu.memory_space<vmem>> -> memref<4x1024xf32, #tpu.memory_space<vmem>>
      %dma_wait3A_169 = arith.constant 0 : i32
      %dma_wait3A_170 = arith.constant 0 : i32
      %dma_wait3A_171 = tpu.memref_slice %arg4[%dma_wait3A_169, %dma_wait3A_170] : memref<8193x1024xf32, #tpu.memory_space<hbm>> -> memref<4x1024xf32, #tpu.memory_space<hbm>>
      %dma_wait3A_172 = tpu.memref_slice %arg10[%dma_wait3A_164] : memref<4x!tpu.dma_semaphore, #tpu.memory_space<semaphore_mem>> -> memref<1x!tpu.dma_semaphore, #tpu.memory_space<semaphore_mem>>
      %dma_wait3A_173 = tpu.memref_squeeze %dma_wait3A_172 : memref<1x!tpu.dma_semaphore, #tpu.memory_space<semaphore_mem>> -> memref<!tpu.dma_semaphore, #tpu.memory_space<semaphore_mem>>
      %dma_wait3A_174 = arith.constant 0 : i32
      %dma_wait3A_175 = arith.constant 0 : i32
      %dma_wait3A_176 = tpu.memref_slice %arg7[%dma_wait3A_163, %dma_wait3A_174, %dma_wait3A_175] : memref<4x4x1024xf32, #tpu.memory_space<vmem>> -> memref<1x4x1024xf32, #tpu.memory_space<vmem>>
      %dma_wait3A_177 = tpu.memref_squeeze %dma_wait3A_176 : memref<1x4x1024xf32, #tpu.memory_space<vmem>> -> memref<4x1024xf32, #tpu.memory_space<vmem>>
      %dma_wait3A_178 = arith.constant 0 : i32
      %dma_wait3A_179 = arith.constant 0 : i32
      %dma_wait3A_180 = tpu.memref_slice %arg4[%dma_wait3A_178, %dma_wait3A_179] : memref<8193x1024xf32, #tpu.memory_space<hbm>> -> memref<4x1024xf32, #tpu.memory_space<hbm>>
      tpu.wait_dma2 semaphore(%dma_wait3A_173 : memref<!tpu.dma_semaphore, #tpu.memory_space<semaphore_mem>>) src(%dma_wait3A_180 : memref<4x1024xf32, #tpu.memory_space<hbm>>) dst(%dma_wait3A_177 : memref<4x1024xf32, #tpu.memory_space<vmem>>)
      %scan3A_181 = arith.constant 0 : i32
      %scan3A_182 = arith.constant 0 : i32
      %scan3A_183 = arith.constant 4 : i32
      %scan3A_184 = arith.addi %scan3A_182, %scan3A_183 : i32
      %scan3A_185 = arith.constant 1 : i32
      %scan3A_186 = scf.for %scan3A_433 = %scan3A_182 to %scan3A_184 step %scan3A_185 iter_args(%scan3A_434 = %scan3A_181) -> (i32)  : i32 {
        %scan3A_435 = arith.constant 0 : i32
        %scan3A_436 = arith.constant 0 : i32
        %scan3A_437 = arith.constant 4 : i32
        %scan3A_438 = arith.addi %scan3A_436, %scan3A_437 : i32
        %scan3A_439 = arith.constant 1 : i32
        %scan3A_440 = scf.for %scan3A_443 = %scan3A_436 to %scan3A_438 step %scan3A_439 iter_args(%scan3A_444 = %scan3A_435) -> (i32)  : i32 {
          %mul3A_445 = arith.constant 256 : i32
          %mul3A_446 = arith.muli %scan3A_443, %mul3A_445 : i32
          %add3A_447 = arith.constant 0 : i32
          %add3A_448 = arith.addi %mul3A_446, %add3A_447 : i32
          %get3A = arith.constant 0 : i32
          %get3A_449 = arith.index_cast %get3A : i32 to index
          %get3A_450 = arith.index_cast %scan3A_433 : i32 to index
          %get3A_451 = arith.index_cast %add3A_448 : i32 to index
          %get3A_452 = tpu.vector_load %arg7[%get3A_449, %get3A_450, %get3A_451] {strides = array<i32>} : memref<4x4x1024xf32, #tpu.memory_space<vmem>>, vector<1x1x16xf32>,
          %get3A_453 = vector.shape_cast %get3A_452 : vector<1x1x16xf32> to vector<16xf32>
          %mul3A_454 = arith.constant 4 : i32
          %mul3A_455 = arith.muli %scan3A_433, %mul3A_454 : i32
          %add3A_456 = arith.constant 0 : i32
          %add3A_457 = arith.addi %mul3A_455, %add3A_456 : i32
          %swap3A = arith.constant 0 : i32
          %swap3A_458 = arith.index_cast %swap3A : i32 to index
          %swap3A_459 = arith.index_cast %add3A_457 : i32 to index
          %swap3A_460 = arith.index_cast %add3A_448 : i32 to index
          %swap3A_461 = tpu.vector_load %arg6[%swap3A_458, %swap3A_459, %swap3A_460] {strides = array<i32>} : memref<4x16x1024xf32, #tpu.memory_space<vmem>>, vector<1x1x16xf32>,
          %swap3A_462 = vector.shape_cast %swap3A_461 : vector<1x1x16xf32> to vector<16xf32>
          %swap3A_463 = vector.shape_cast %get3A_453 : vector<16xf32> to vector<1x1x16xf32>
          tpu.vector_store %arg6[%swap3A_458, %swap3A_459, %swap3A_460], %swap3A_463 {add = true, strides = array<i32>} : memref<4x16x1024xf32, #tpu.memory_space<vmem>>, vector<1x1x16xf32>,
          %mul3A_464 = arith.constant 4 : i32
          %mul3A_465 = arith.muli %scan3A_433, %mul3A_464 : i32
          %add3A_466 = arith.constant 1 : i32
          %add3A_467 = arith.addi %mul3A_465, %add3A_466 : i32
          %swap3A_468 = arith.constant 0 : i32
          %swap3A_469 = arith.index_cast %swap3A_468 : i32 to index
          %swap3A_470 = arith.index_cast %add3A_467 : i32 to index
          %swap3A_471 = arith.index_cast %add3A_448 : i32 to index
          %swap3A_472 = tpu.vector_load %arg6[%swap3A_469, %swap3A_470, %swap3A_471] {strides = array<i32>} : memref<4x16x1024xf32, #tpu.memory_space<vmem>>, vector<1x1x16xf32>,
          %swap3A_473 = vector.shape_cast %swap3A_472 : vector<1x1x16xf32> to vector<16xf32>
          %swap3A_474 = vector.shape_cast %get3A_453 : vector<16xf32> to vector<1x1x16xf32>
          tpu.vector_store %arg6[%swap3A_469, %swap3A_470, %swap3A_471], %swap3A_474 {add = true, strides = array<i32>} : memref<4x16x1024xf32, #tpu.memory_space<vmem>>, vector<1x1x16xf32>,
          %mul3A_475 = arith.constant 4 : i32
          %mul3A_476 = arith.muli %scan3A_433, %mul3A_475 : i32
          %add3A_477 = arith.constant 2 : i32
          %add3A_478 = arith.addi %mul3A_476, %add3A_477 : i32
          %swap3A_479 = arith.constant 0 : i32
          %swap3A_480 = arith.index_cast %swap3A_479 : i32 to index
          %swap3A_481 = arith.index_cast %add3A_478 : i32 to index
          %swap3A_482 = arith.index_cast %add3A_448 : i32 to index
          %swap3A_483 = tpu.vector_load %arg6[%swap3A_480, %swap3A_481, %swap3A_482] {strides = array<i32>} : memref<4x16x1024xf32, #tpu.memory_space<vmem>>, vector<1x1x16xf32>,
          %swap3A_484 = vector.shape_cast %swap3A_483 : vector<1x1x16xf32> to vector<16xf32>
          %swap3A_485 = vector.shape_cast %get3A_453 : vector<16xf32> to vector<1x1x16xf32>
          tpu.vector_store %arg6[%swap3A_480, %swap3A_481, %swap3A_482], %swap3A_485 {add = true, strides = array<i32>} : memref<4x16x1024xf32, #tpu.memory_space<vmem>>, vector<1x1x16xf32>,
          %mul3A_486 = arith.constant 4 : i32
          %mul3A_487 = arith.muli %scan3A_433, %mul3A_486 : i32
          %add3A_488 = arith.constant 3 : i32
          %add3A_489 = arith.addi %mul3A_487, %add3A_488 : i32
          %swap3A_490 = arith.constant 0 : i32
          %swap3A_491 = arith.index_cast %swap3A_490 : i32 to index
          %swap3A_492 = arith.index_cast %add3A_489 : i32 to index
          %swap3A_493 = arith.index_cast %add3A_448 : i32 to index
          %swap3A_494 = tpu.vector_load %arg6[%swap3A_491, %swap3A_492, %swap3A_493] {strides = array<i32>} : memref<4x16x1024xf32, #tpu.memory_space<vmem>>, vector<1x1x16xf32>,
          %swap3A_495 = vector.shape_cast %swap3A_494 : vector<1x1x16xf32> to vector<16xf32>
          %swap3A_496 = vector.shape_cast %get3A_453 : vector<16xf32> to vector<1x1x16xf32>
          tpu.vector_store %arg6[%swap3A_491, %swap3A_492, %swap3A_493], %swap3A_496 {add = true, strides = array<i32>} : memref<4x16x1024xf32, #tpu.memory_space<vmem>>, vector<1x1x16xf32>,
          %add3A_497 = arith.constant 16 : i32
          %add3A_498 = arith.addi %mul3A_446, %add3A_497 : i32
          %get3A_499 = arith.constant 0 : i32
          %get3A_500 = arith.index_cast %get3A_499 : i32 to index
          %get3A_501 = arith.index_cast %scan3A_433 : i32 to index
          %get3A_502 = arith.index_cast %add3A_498 : i32 to index
          %get3A_503 = tpu.vector_load %arg7[%get3A_500, %get3A_501, %get3A_502] {strides = array<i32>} : memref<4x4x1024xf32, #tpu.memory_space<vmem>>, vector<1x1x16xf32>,
          %get3A_504 = vector.shape_cast %get3A_503 : vector<1x1x16xf32> to vector<16xf32>
          %mul3A_505 = arith.constant 4 : i32
          %mul3A_506 = arith.muli %scan3A_433, %mul3A_505 : i32
          %add3A_507 = arith.constant 0 : i32
          %add3A_508 = arith.addi %mul3A_506, %add3A_507 : i32
          %swap3A_509 = arith.constant 0 : i32
          %swap3A_510 = arith.index_cast %swap3A_509 : i32 to index
          %swap3A_511 = arith.index_cast %add3A_508 : i32 to index
          %swap3A_512 = arith.index_cast %add3A_498 : i32 to index
          %swap3A_513 = tpu.vector_load %arg6[%swap3A_510, %swap3A_511, %swap3A_512] {strides = array<i32>} : memref<4x16x1024xf32, #tpu.memory_space<vmem>>, vector<1x1x16xf32>,
          %swap3A_514 = vector.shape_cast %swap3A_513 : vector<1x1x16xf32> to vector<16xf32>
          %swap3A_515 = vector.shape_cast %get3A_504 : vector<16xf32> to vector<1x1x16xf32>
          tpu.vector_store %arg6[%swap3A_510, %swap3A_511, %swap3A_512], %swap3A_515 {add = true, strides = array<i32>} : memref<4x16x1024xf32, #tpu.memory_space<vmem>>, vector<1x1x16xf32>,
          %mul3A_516 = arith.constant 4 : i32
          %mul3A_517 = arith.muli %scan3A_433, %mul3A_516 : i32
          %add3A_518 = arith.constant 1 : i32
          %add3A_519 = arith.addi %mul3A_517, %add3A_518 : i32
          %swap3A_520 = arith.constant 0 : i32
          %swap3A_521 = arith.index_cast %swap3A_520 : i32 to index
          %swap3A_522 = arith.index_cast %add3A_519 : i32 to index
          %swap3A_523 = arith.index_cast %add3A_498 : i32 to index
          %swap3A_524 = tpu.vector_load %arg6[%swap3A_521, %swap3A_522, %swap3A_523] {strides = array<i32>} : memref<4x16x1024xf32, #tpu.memory_space<vmem>>, vector<1x1x16xf32>,
          %swap3A_525 = vector.shape_cast %swap3A_524 : vector<1x1x16xf32> to vector<16xf32>
          %swap3A_526 = vector.shape_cast %get3A_504 : vector<16xf32> to vector<1x1x16xf32>
          tpu.vector_store %arg6[%swap3A_521, %swap3A_522, %swap3A_523], %swap3A_526 {add = true, strides = array<i32>} : memref<4x16x1024xf32, #tpu.memory_space<vmem>>, vector<1x1x16xf32>,
          %mul3A_527 = arith.constant 4 : i32
          %mul3A_528 = arith.muli %scan3A_433, %mul3A_527 : i32
          %add3A_529 = arith.constant 2 : i32
          %add3A_530 = arith.addi %mul3A_528, %add3A_529 : i32
          %swap3A_531 = arith.constant 0 : i32
          %swap3A_532 = arith.index_cast %swap3A_531 : i32 to index
          %swap3A_533 = arith.index_cast %add3A_530 : i32 to index
          %swap3A_534 = arith.index_cast %add3A_498 : i32 to index
          %swap3A_535 = tpu.vector_load %arg6[%swap3A_532, %swap3A_533, %swap3A_534] {strides = array<i32>} : memref<4x16x1024xf32, #tpu.memory_space<vmem>>, vector<1x1x16xf32>,
          %swap3A_536 = vector.shape_cast %swap3A_535 : vector<1x1x16xf32> to vector<16xf32>
          %swap3A_537 = vector.shape_cast %get3A_504 : vector<16xf32> to vector<1x1x16xf32>
          tpu.vector_store %arg6[%swap3A_532, %swap3A_533, %swap3A_534], %swap3A_537 {add = true, strides = array<i32>} : memref<4x16x1024xf32, #tpu.memory_space<vmem>>, vector<1x1x16xf32>,
          %mul3A_538 = arith.constant 4 : i32
          %mul3A_539 = arith.muli %scan3A_433, %mul3A_538 : i32
          %add3A_540 = arith.constant 3 : i32
          %add3A_541 = arith.addi %mul3A_539, %add3A_540 : i32
          %swap3A_542 = arith.constant 0 : i32
          %swap3A_543 = arith.index_cast %swap3A_542 : i32 to index
          %swap3A_544 = arith.index_cast %add3A_541 : i32 to index
          %swap3A_545 = arith.index_cast %add3A_498 : i32 to index
          %swap3A_546 = tpu.vector_load %arg6[%swap3A_543, %swap3A_544, %swap3A_545] {strides = array<i32>} : memref<4x16x1024xf32, #tpu.memory_space<vmem>>, vector<1x1x16xf32>,
          %swap3A_547 = vector.shape_cast %swap3A_546 : vector<1x1x16xf32> to vector<16xf32>
          %swap3A_548 = vector.shape_cast %get3A_504 : vector<16xf32> to vector<1x1x16xf32>
          tpu.vector_store %arg6[%swap3A_543, %swap3A_544, %swap3A_545], %swap3A_548 {add = true, strides = array<i32>} : memref<4x16x1024xf32, #tpu.memory_space<vmem>>, vector<1x1x16xf32>,
          %add3A_549 = arith.constant 32 : i32
          %add3A_550 = arith.addi %mul3A_446, %add3A_549 : i32
          %get3A_551 = arith.constant 0 : i32
          %get3A_552 = arith.index_cast %get3A_551 : i32 to index
          %get3A_553 = arith.index_cast %scan3A_433 : i32 to index
          %get3A_554 = arith.index_cast %add3A_550 : i32 to index
          %get3A_555 = tpu.vector_load %arg7[%get3A_552, %get3A_553, %get3A_554] {strides = array<i32>} : memref<4x4x1024xf32, #tpu.memory_space<vmem>>, vector<1x1x16xf32>,
          %get3A_556 = vector.shape_cast %get3A_555 : vector<1x1x16xf32> to vector<16xf32>
          %mul3A_557 = arith.constant 4 : i32
          %mul3A_558 = arith.muli %scan3A_433, %mul3A_557 : i32
          %add3A_559 = arith.constant 0 : i32
          %add3A_560 = arith.addi %mul3A_558, %add3A_559 : i32
          %swap3A_561 = arith.constant 0 : i32
          %swap3A_562 = arith.index_cast %swap3A_561 : i32 to index
          %swap3A_563 = arith.index_cast %add3A_560 : i32 to index
          %swap3A_564 = arith.index_cast %add3A_550 : i32 to index
          %swap3A_565 = tpu.vector_load %arg6[%swap3A_562, %swap3A_563, %swap3A_564] {strides = array<i32>} : memref<4x16x1024xf32, #tpu.memory_space<vmem>>, vector<1x1x16xf32>,
          %swap3A_566 = vector.shape_cast %swap3A_565 : vector<1x1x16xf32> to vector<16xf32>
          %swap3A_567 = vector.shape_cast %get3A_556 : vector<16xf32> to vector<1x1x16xf32>
          tpu.vector_store %arg6[%swap3A_562, %swap3A_563, %swap3A_564], %swap3A_567 {add = true, strides = array<i32>} : memref<4x16x1024xf32, #tpu.memory_space<vmem>>, vector<1x1x16xf32>,
          %mul3A_568 = arith.constant 4 : i32
          %mul3A_569 = arith.muli %scan3A_433, %mul3A_568 : i32
          %add3A_570 = arith.constant 1 : i32
          %add3A_571 = arith.addi %mul3A_569, %add3A_570 : i32
          %swap3A_572 = arith.constant 0 : i32
          %swap3A_573 = arith.index_cast %swap3A_572 : i32 to index
          %swap3A_574 = arith.index_cast %add3A_571 : i32 to index
          %swap3A_575 = arith.index_cast %add3A_550 : i32 to index
          %swap3A_576 = tpu.vector_load %arg6[%swap3A_573, %swap3A_574, %swap3A_575] {strides = array<i32>} : memref<4x16x1024xf32, #tpu.memory_space<vmem>>, vector<1x1x16xf32>,
          %swap3A_577 = vector.shape_cast %swap3A_576 : vector<1x1x16xf32> to vector<16xf32>
          %swap3A_578 = vector.shape_cast %get3A_556 : vector<16xf32> to vector<1x1x16xf32>
          tpu.vector_store %arg6[%swap3A_573, %swap3A_574, %swap3A_575], %swap3A_578 {add = true, strides = array<i32>} : memref<4x16x1024xf32, #tpu.memory_space<vmem>>, vector<1x1x16xf32>,
          %mul3A_579 = arith.constant 4 : i32
          %mul3A_580 = arith.muli %scan3A_433, %mul3A_579 : i32
          %add3A_581 = arith.constant 2 : i32
          %add3A_582 = arith.addi %mul3A_580, %add3A_581 : i32
          %swap3A_583 = arith.constant 0 : i32
          %swap3A_584 = arith.index_cast %swap3A_583 : i32 to index
          %swap3A_585 = arith.index_cast %add3A_582 : i32 to index
          %swap3A_586 = arith.index_cast %add3A_550 : i32 to index
          %swap3A_587 = tpu.vector_load %arg6[%swap3A_584, %swap3A_585, %swap3A_586] {strides = array<i32>} : memref<4x16x1024xf32, #tpu.memory_space<vmem>>, vector<1x1x16xf32>,
          %swap3A_588 = vector.shape_cast %swap3A_587 : vector<1x1x16xf32> to vector<16xf32>
          %swap3A_589 = vector.shape_cast %get3A_556 : vector<16xf32> to vector<1x1x16xf32>
          tpu.vector_store %arg6[%swap3A_584, %swap3A_585, %swap3A_586], %swap3A_589 {add = true, strides = array<i32>} : memref<4x16x1024xf32, #tpu.memory_space<vmem>>, vector<1x1x16xf32>,
          %mul3A_590 = arith.constant 4 : i32
          %mul3A_591 = arith.muli %scan3A_433, %mul3A_590 : i32
          %add3A_592 = arith.constant 3 : i32
          %add3A_593 = arith.addi %mul3A_591, %add3A_592 : i32
          %swap3A_594 = arith.constant 0 : i32
          %swap3A_595 = arith.index_cast %swap3A_594 : i32 to index
          %swap3A_596 = arith.index_cast %add3A_593 : i32 to index
          %swap3A_597 = arith.index_cast %add3A_550 : i32 to index
          %swap3A_598 = tpu.vector_load %arg6[%swap3A_595, %swap3A_596, %swap3A_597] {strides = array<i32>} : memref<4x16x1024xf32, #tpu.memory_space<vmem>>, vector<1x1x16xf32>,
          %swap3A_599 = vector.shape_cast %swap3A_598 : vector<1x1x16xf32> to vector<16xf32>
          %swap3A_600 = vector.shape_cast %get3A_556 : vector<16xf32> to vector<1x1x16xf32>
          tpu.vector_store %arg6[%swap3A_595, %swap3A_596, %swap3A_597], %swap3A_600 {add = true, strides = array<i32>} : memref<4x16x1024xf32, #tpu.memory_space<vmem>>, vector<1x1x16xf32>,
          %add3A_601 = arith.constant 48 : i32
          %add3A_602 = arith.addi %mul3A_446, %add3A_601 : i32
          %get3A_603 = arith.constant 0 : i32
          %get3A_604 = arith.index_cast %get3A_603 : i32 to index
          %get3A_605 = arith.index_cast %scan3A_433 : i32 to index
          %get3A_606 = arith.index_cast %add3A_602 : i32 to index
          %get3A_607 = tpu.vector_load %arg7[%get3A_604, %get3A_605, %get3A_606] {strides = array<i32>} : memref<4x4x1024xf32, #tpu.memory_space<vmem>>, vector<1x1x16xf32>,
          %get3A_608 = vector.shape_cast %get3A_607 : vector<1x1x16xf32> to vector<16xf32>
          %mul3A_609 = arith.constant 4 : i32
          %mul3A_610 = arith.muli %scan3A_433, %mul3A_609 : i32
          %add3A_611 = arith.constant 0 : i32
          %add3A_612 = arith.addi %mul3A_610, %add3A_611 : i32
          %swap3A_613 = arith.constant 0 : i32
          %swap3A_614 = arith.index_cast %swap3A_613 : i32 to index
          %swap3A_615 = arith.index_cast %add3A_612 : i32 to index
          %swap3A_616 = arith.index_cast %add3A_602 : i32 to index
          %swap3A_617 = tpu.vector_load %arg6[%swap3A_614, %swap3A_615, %swap3A_616] {strides = array<i32>} : memref<4x16x1024xf32, #tpu.memory_space<vmem>>, vector<1x1x16xf32>,
          %swap3A_618 = vector.shape_cast %swap3A_617 : vector<1x1x16xf32> to vector<16xf32>
          %swap3A_619 = vector.shape_cast %get3A_608 : vector<16xf32> to vector<1x1x16xf32>
          tpu.vector_store %arg6[%swap3A_614, %swap3A_615, %swap3A_616], %swap3A_619 {add = true, strides = array<i32>} : memref<4x16x1024xf32, #tpu.memory_space<vmem>>, vector<1x1x16xf32>,
          %mul3A_620 = arith.constant 4 : i32
          %mul3A_621 = arith.muli %scan3A_433, %mul3A_620 : i32
          %add3A_622 = arith.constant 1 : i32
          %add3A_623 = arith.addi %mul3A_621, %add3A_622 : i32
          %swap3A_624 = arith.constant 0 : i32
          %swap3A_625 = arith.index_cast %swap3A_624 : i32 to index
          %swap3A_626 = arith.index_cast %add3A_623 : i32 to index
          %swap3A_627 = arith.index_cast %add3A_602 : i32 to index
          %swap3A_628 = tpu.vector_load %arg6[%swap3A_625, %swap3A_626, %swap3A_627] {strides = array<i32>} : memref<4x16x1024xf32, #tpu.memory_space<vmem>>, vector<1x1x16xf32>,
          %swap3A_629 = vector.shape_cast %swap3A_628 : vector<1x1x16xf32> to vector<16xf32>
          %swap3A_630 = vector.shape_cast %get3A_608 : vector<16xf32> to vector<1x1x16xf32>
          tpu.vector_store %arg6[%swap3A_625, %swap3A_626, %swap3A_627], %swap3A_630 {add = true, strides = array<i32>} : memref<4x16x1024xf32, #tpu.memory_space<vmem>>, vector<1x1x16xf32>,
          %mul3A_631 = arith.constant 4 : i32
          %mul3A_632 = arith.muli %scan3A_433, %mul3A_631 : i32
          %add3A_633 = arith.constant 2 : i32
          %add3A_634 = arith.addi %mul3A_632, %add3A_633 : i32
          %swap3A_635 = arith.constant 0 : i32
          %swap3A_636 = arith.index_cast %swap3A_635 : i32 to index
          %swap3A_637 = arith.index_cast %add3A_634 : i32 to index
          %swap3A_638 = arith.index_cast %add3A_602 : i32 to index
          %swap3A_639 = tpu.vector_load %arg6[%swap3A_636, %swap3A_637, %swap3A_638] {strides = array<i32>} : memref<4x16x1024xf32, #tpu.memory_space<vmem>>, vector<1x1x16xf32>,
          %swap3A_640 = vector.shape_cast %swap3A_639 : vector<1x1x16xf32> to vector<16xf32>
          %swap3A_641 = vector.shape_cast %get3A_608 : vector<16xf32> to vector<1x1x16xf32>
          tpu.vector_store %arg6[%swap3A_636, %swap3A_637, %swap3A_638], %swap3A_641 {add = true, strides = array<i32>} : memref<4x16x1024xf32, #tpu.memory_space<vmem>>, vector<1x1x16xf32>,
          %mul3A_642 = arith.constant 4 : i32
          %mul3A_643 = arith.muli %scan3A_433, %mul3A_642 : i32
          %add3A_644 = arith.constant 3 : i32
          %add3A_645 = arith.addi %mul3A_643, %add3A_644 : i32
          %swap3A_646 = arith.constant 0 : i32
          %swap3A_647 = arith.index_cast %swap3A_646 : i32 to index
          %swap3A_648 = arith.index_cast %add3A_645 : i32 to index
          %swap3A_649 = arith.index_cast %add3A_602 : i32 to index
          %swap3A_650 = tpu.vector_load %arg6[%swap3A_647, %swap3A_648, %swap3A_649] {strides = array<i32>} : memref<4x16x1024xf32, #tpu.memory_space<vmem>>, vector<1x1x16xf32>,
          %swap3A_651 = vector.shape_cast %swap3A_650 : vector<1x1x16xf32> to vector<16xf32>
          %swap3A_652 = vector.shape_cast %get3A_608 : vector<16xf32> to vector<1x1x16xf32>
          tpu.vector_store %arg6[%swap3A_647, %swap3A_648, %swap3A_649], %swap3A_652 {add = true, strides = array<i32>} : memref<4x16x1024xf32, #tpu.memory_space<vmem>>, vector<1x1x16xf32>,
          %add3A_653 = arith.constant 64 : i32
          %add3A_654 = arith.addi %mul3A_446, %add3A_653 : i32
          %get3A_655 = arith.constant 0 : i32
          %get3A_656 = arith.index_cast %get3A_655 : i32 to index
          %get3A_657 = arith.index_cast %scan3A_433 : i32 to index
          %get3A_658 = arith.index_cast %add3A_654 : i32 to index
          %get3A_659 = tpu.vector_load %arg7[%get3A_656, %get3A_657, %get3A_658] {strides = array<i32>} : memref<4x4x1024xf32, #tpu.memory_space<vmem>>, vector<1x1x16xf32>,
          %get3A_660 = vector.shape_cast %get3A_659 : vector<1x1x16xf32> to vector<16xf32>
          %mul3A_661 = arith.constant 4 : i32
          %mul3A_662 = arith.muli %scan3A_433, %mul3A_661 : i32
          %add3A_663 = arith.constant 0 : i32
          %add3A_664 = arith.addi %mul3A_662, %add3A_663 : i32
          %swap3A_665 = arith.constant 0 : i32
          %swap3A_666 = arith.index_cast %swap3A_665 : i32 to index
          %swap3A_667 = arith.index_cast %add3A_664 : i32 to index
          %swap3A_668 = arith.index_cast %add3A_654 : i32 to index
          %swap3A_669 = tpu.vector_load %arg6[%swap3A_666, %swap3A_667, %swap3A_668] {strides = array<i32>} : memref<4x16x1024xf32, #tpu.memory_space<vmem>>, vector<1x1x16xf32>,
          %swap3A_670 = vector.shape_cast %swap3A_669 : vector<1x1x16xf32> to vector<16xf32>
          %swap3A_671 = vector.shape_cast %get3A_660 : vector<16xf32> to vector<1x1x16xf32>
          tpu.vector_store %arg6[%swap3A_666, %swap3A_667, %swap3A_668], %swap3A_671 {add = true, strides = array<i32>} : memref<4x16x1024xf32, #tpu.memory_space<vmem>>, vector<1x1x16xf32>,
          %mul3A_672 = arith.constant 4 : i32
          %mul3A_673 = arith.muli %scan3A_433, %mul3A_672 : i32
          %add3A_674 = arith.constant 1 : i32
          %add3A_675 = arith.addi %mul3A_673, %add3A_674 : i32
          %swap3A_676 = arith.constant 0 : i32
          %swap3A_677 = arith.index_cast %swap3A_676 : i32 to index
          %swap3A_678 = arith.index_cast %add3A_675 : i32 to index
          %swap3A_679 = arith.index_cast %add3A_654 : i32 to index
          %swap3A_680 = tpu.vector_load %arg6[%swap3A_677, %swap3A_678, %swap3A_679] {strides = array<i32>} : memref<4x16x1024xf32, #tpu.memory_space<vmem>>, vector<1x1x16xf32>,
          %swap3A_681 = vector.shape_cast %swap3A_680 : vector<1x1x16xf32> to vector<16xf32>
          %swap3A_682 = vector.shape_cast %get3A_660 : vector<16xf32> to vector<1x1x16xf32>
          tpu.vector_store %arg6[%swap3A_677, %swap3A_678, %swap3A_679], %swap3A_682 {add = true, strides = array<i32>} : memref<4x16x1024xf32, #tpu.memory_space<vmem>>, vector<1x1x16xf32>,
          %mul3A_683 = arith.constant 4 : i32
          %mul3A_684 = arith.muli %scan3A_433, %mul3A_683 : i32
          %add3A_685 = arith.constant 2 : i32
          %add3A_686 = arith.addi %mul3A_684, %add3A_685 : i32
          %swap3A_687 = arith.constant 0 : i32
          %swap3A_688 = arith.index_cast %swap3A_687 : i32 to index
          %swap3A_689 = arith.index_cast %add3A_686 : i32 to index
          %swap3A_690 = arith.index_cast %add3A_654 : i32 to index
          %swap3A_691 = tpu.vector_load %arg6[%swap3A_688, %swap3A_689, %swap3A_690] {strides = array<i32>} : memref<4x16x1024xf32, #tpu.memory_space<vmem>>, vector<1x1x16xf32>,
          %swap3A_692 = vector.shape_cast %swap3A_691 : vector<1x1x16xf32> to vector<16xf32>
          %swap3A_693 = vector.shape_cast %get3A_660 : vector<16xf32> to vector<1x1x16xf32>
          tpu.vector_store %arg6[%swap3A_688, %swap3A_689, %swap3A_690], %swap3A_693 {add = true, strides = array<i32>} : memref<4x16x1024xf32, #tpu.memory_space<vmem>>, vector<1x1x16xf32>,
          %mul3A_694 = arith.constant 4 : i32
          %mul3A_695 = arith.muli %scan3A_433, %mul3A_694 : i32
          %add3A_696 = arith.constant 3 : i32
          %add3A_697 = arith.addi %mul3A_695, %add3A_696 : i32
          %swap3A_698 = arith.constant 0 : i32
          %swap3A_699 = arith.index_cast %swap3A_698 : i32 to index
          %swap3A_700 = arith.index_cast %add3A_697 : i32 to index
          %swap3A_701 = arith.index_cast %add3A_654 : i32 to index
          %swap3A_702 = tpu.vector_load %arg6[%swap3A_699, %swap3A_700, %swap3A_701] {strides = array<i32>} : memref<4x16x1024xf32, #tpu.memory_space<vmem>>, vector<1x1x16xf32>,
          %swap3A_703 = vector.shape_cast %swap3A_702 : vector<1x1x16xf32> to vector<16xf32>
          %swap3A_704 = vector.shape_cast %get3A_660 : vector<16xf32> to vector<1x1x16xf32>
          tpu.vector_store %arg6[%swap3A_699, %swap3A_700, %swap3A_701], %swap3A_704 {add = true, strides = array<i32>} : memref<4x16x1024xf32, #tpu.memory_space<vmem>>, vector<1x1x16xf32>,
          %add3A_705 = arith.constant 80 : i32
          %add3A_706 = arith.addi %mul3A_446, %add3A_705 : i32
          %get3A_707 = arith.constant 0 : i32
          %get3A_708 = arith.index_cast %get3A_707 : i32 to index
          %get3A_709 = arith.index_cast %scan3A_433 : i32 to index
          %get3A_710 = arith.index_cast %add3A_706 : i32 to index
          %get3A_711 = tpu.vector_load %arg7[%get3A_708, %get3A_709, %get3A_710] {strides = array<i32>} : memref<4x4x1024xf32, #tpu.memory_space<vmem>>, vector<1x1x16xf32>,
          %get3A_712 = vector.shape_cast %get3A_711 : vector<1x1x16xf32> to vector<16xf32>
          %mul3A_713 = arith.constant 4 : i32
          %mul3A_714 = arith.muli %scan3A_433, %mul3A_713 : i32
          %add3A_715 = arith.constant 0 : i32
          %add3A_716 = arith.addi %mul3A_714, %add3A_715 : i32
          %swap3A_717 = arith.constant 0 : i32
          %swap3A_718 = arith.index_cast %swap3A_717 : i32 to index
          %swap3A_719 = arith.index_cast %add3A_716 : i32 to index
          %swap3A_720 = arith.index_cast %add3A_706 : i32 to index
          %swap3A_721 = tpu.vector_load %arg6[%swap3A_718, %swap3A_719, %swap3A_720] {strides = array<i32>} : memref<4x16x1024xf32, #tpu.memory_space<vmem>>, vector<1x1x16xf32>,
          %swap3A_722 = vector.shape_cast %swap3A_721 : vector<1x1x16xf32> to vector<16xf32>
          %swap3A_723 = vector.shape_cast %get3A_712 : vector<16xf32> to vector<1x1x16xf32>
          tpu.vector_store %arg6[%swap3A_718, %swap3A_719, %swap3A_720], %swap3A_723 {add = true, strides = array<i32>} : memref<4x16x1024xf32, #tpu.memory_space<vmem>>, vector<1x1x16xf32>,
          %mul3A_724 = arith.constant 4 : i32
          %mul3A_725 = arith.muli %scan3A_433, %mul3A_724 : i32
          %add3A_726 = arith.constant 1 : i32
          %add3A_727 = arith.addi %mul3A_725, %add3A_726 : i32
          %swap3A_728 = arith.constant 0 : i32
          %swap3A_729 = arith.index_cast %swap3A_728 : i32 to index
          %swap3A_730 = arith.index_cast %add3A_727 : i32 to index
          %swap3A_731 = arith.index_cast %add3A_706 : i32 to index
          %swap3A_732 = tpu.vector_load %arg6[%swap3A_729, %swap3A_730, %swap3A_731] {strides = array<i32>} : memref<4x16x1024xf32, #tpu.memory_space<vmem>>, vector<1x1x16xf32>,
          %swap3A_733 = vector.shape_cast %swap3A_732 : vector<1x1x16xf32> to vector<16xf32>
          %swap3A_734 = vector.shape_cast %get3A_712 : vector<16xf32> to vector<1x1x16xf32>
          tpu.vector_store %arg6[%swap3A_729, %swap3A_730, %swap3A_731], %swap3A_734 {add = true, strides = array<i32>} : memref<4x16x1024xf32, #tpu.memory_space<vmem>>, vector<1x1x16xf32>,
          %mul3A_735 = arith.constant 4 : i32
          %mul3A_736 = arith.muli %scan3A_433, %mul3A_735 : i32
          %add3A_737 = arith.constant 2 : i32
          %add3A_738 = arith.addi %mul3A_736, %add3A_737 : i32
          %swap3A_739 = arith.constant 0 : i32
          %swap3A_740 = arith.index_cast %swap3A_739 : i32 to index
          %swap3A_741 = arith.index_cast %add3A_738 : i32 to index
          %swap3A_742 = arith.index_cast %add3A_706 : i32 to index
          %swap3A_743 = tpu.vector_load %arg6[%swap3A_740, %swap3A_741, %swap3A_742] {strides = array<i32>} : memref<4x16x1024xf32, #tpu.memory_space<vmem>>, vector<1x1x16xf32>,
          %swap3A_744 = vector.shape_cast %swap3A_743 : vector<1x1x16xf32> to vector<16xf32>
          %swap3A_745 = vector.shape_cast %get3A_712 : vector<16xf32> to vector<1x1x16xf32>
          tpu.vector_store %arg6[%swap3A_740, %swap3A_741, %swap3A_742], %swap3A_745 {add = true, strides = array<i32>} : memref<4x16x1024xf32, #tpu.memory_space<vmem>>, vector<1x1x16xf32>,
          %mul3A_746 = arith.constant 4 : i32
          %mul3A_747 = arith.muli %scan3A_433, %mul3A_746 : i32
          %add3A_748 = arith.constant 3 : i32
          %add3A_749 = arith.addi %mul3A_747, %add3A_748 : i32
          %swap3A_750 = arith.constant 0 : i32
          %swap3A_751 = arith.index_cast %swap3A_750 : i32 to index
          %swap3A_752 = arith.index_cast %add3A_749 : i32 to index
          %swap3A_753 = arith.index_cast %add3A_706 : i32 to index
          %swap3A_754 = tpu.vector_load %arg6[%swap3A_751, %swap3A_752, %swap3A_753] {strides = array<i32>} : memref<4x16x1024xf32, #tpu.memory_space<vmem>>, vector<1x1x16xf32>,
          %swap3A_755 = vector.shape_cast %swap3A_754 : vector<1x1x16xf32> to vector<16xf32>
          %swap3A_756 = vector.shape_cast %get3A_712 : vector<16xf32> to vector<1x1x16xf32>
          tpu.vector_store %arg6[%swap3A_751, %swap3A_752, %swap3A_753], %swap3A_756 {add = true, strides = array<i32>} : memref<4x16x1024xf32, #tpu.memory_space<vmem>>, vector<1x1x16xf32>,
          %add3A_757 = arith.constant 96 : i32
          %add3A_758 = arith.addi %mul3A_446, %add3A_757 : i32
          %get3A_759 = arith.constant 0 : i32
          %get3A_760 = arith.index_cast %get3A_759 : i32 to index
          %get3A_761 = arith.index_cast %scan3A_433 : i32 to index
          %get3A_762 = arith.index_cast %add3A_758 : i32 to index
          %get3A_763 = tpu.vector_load %arg7[%get3A_760, %get3A_761, %get3A_762] {strides = array<i32>} : memref<4x4x1024xf32, #tpu.memory_space<vmem>>, vector<1x1x16xf32>,
          %get3A_764 = vector.shape_cast %get3A_763 : vector<1x1x16xf32> to vector<16xf32>
          %mul3A_765 = arith.constant 4 : i32
          %mul3A_766 = arith.muli %scan3A_433, %mul3A_765 : i32
          %add3A_767 = arith.constant 0 : i32
          %add3A_768 = arith.addi %mul3A_766, %add3A_767 : i32
          %swap3A_769 = arith.constant 0 : i32
          %swap3A_770 = arith.index_cast %swap3A_769 : i32 to index
          %swap3A_771 = arith.index_cast %add3A_768 : i32 to index
          %swap3A_772 = arith.index_cast %add3A_758 : i32 to index
          %swap3A_773 = tpu.vector_load %arg6[%swap3A_770, %swap3A_771, %swap3A_772] {strides = array<i32>} : memref<4x16x1024xf32, #tpu.memory_space<vmem>>, vector<1x1x16xf32>,
          %swap3A_774 = vector.shape_cast %swap3A_773 : vector<1x1x16xf32> to vector<16xf32>
          %swap3A_775 = vector.shape_cast %get3A_764 : vector<16xf32> to vector<1x1x16xf32>
          tpu.vector_store %arg6[%swap3A_770, %swap3A_771, %swap3A_772], %swap3A_775 {add = true, strides = array<i32>} : memref<4x16x1024xf32, #tpu.memory_space<vmem>>, vector<1x1x16xf32>,
          %mul3A_776 = arith.constant 4 : i32
          %mul3A_777 = arith.muli %scan3A_433, %mul3A_776 : i32
          %add3A_778 = arith.constant 1 : i32
          %add3A_779 = arith.addi %mul3A_777, %add3A_778 : i32
          %swap3A_780 = arith.constant 0 : i32
          %swap3A_781 = arith.index_cast %swap3A_780 : i32 to index
          %swap3A_782 = arith.index_cast %add3A_779 : i32 to index
          %swap3A_783 = arith.index_cast %add3A_758 : i32 to index
          %swap3A_784 = tpu.vector_load %arg6[%swap3A_781, %swap3A_782, %swap3A_783] {strides = array<i32>} : memref<4x16x1024xf32, #tpu.memory_space<vmem>>, vector<1x1x16xf32>,
          %swap3A_785 = vector.shape_cast %swap3A_784 : vector<1x1x16xf32> to vector<16xf32>
          %swap3A_786 = vector.shape_cast %get3A_764 : vector<16xf32> to vector<1x1x16xf32>
          tpu.vector_store %arg6[%swap3A_781, %swap3A_782, %swap3A_783], %swap3A_786 {add = true, strides = array<i32>} : memref<4x16x1024xf32, #tpu.memory_space<vmem>>, vector<1x1x16xf32>,
          %mul3A_787 = arith.constant 4 : i32
          %mul3A_788 = arith.muli %scan3A_433, %mul3A_787 : i32
          %add3A_789 = arith.constant 2 : i32
          %add3A_790 = arith.addi %mul3A_788, %add3A_789 : i32
          %swap3A_791 = arith.constant 0 : i32
          %swap3A_792 = arith.index_cast %swap3A_791 : i32 to index
          %swap3A_793 = arith.index_cast %add3A_790 : i32 to index
          %swap3A_794 = arith.index_cast %add3A_758 : i32 to index
          %swap3A_795 = tpu.vector_load %arg6[%swap3A_792, %swap3A_793, %swap3A_794] {strides = array<i32>} : memref<4x16x1024xf32, #tpu.memory_space<vmem>>, vector<1x1x16xf32>,
          %swap3A_796 = vector.shape_cast %swap3A_795 : vector<1x1x16xf32> to vector<16xf32>
          %swap3A_797 = vector.shape_cast %get3A_764 : vector<16xf32> to vector<1x1x16xf32>
          tpu.vector_store %arg6[%swap3A_792, %swap3A_793, %swap3A_794], %swap3A_797 {add = true, strides = array<i32>} : memref<4x16x1024xf32, #tpu.memory_space<vmem>>, vector<1x1x16xf32>,
          %mul3A_798 = arith.constant 4 : i32
          %mul3A_799 = arith.muli %scan3A_433, %mul3A_798 : i32
          %add3A_800 = arith.constant 3 : i32
          %add3A_801 = arith.addi %mul3A_799, %add3A_800 : i32
          %swap3A_802 = arith.constant 0 : i32
          %swap3A_803 = arith.index_cast %swap3A_802 : i32 to index
          %swap3A_804 = arith.index_cast %add3A_801 : i32 to index
          %swap3A_805 = arith.index_cast %add3A_758 : i32 to index
          %swap3A_806 = tpu.vector_load %arg6[%swap3A_803, %swap3A_804, %swap3A_805] {strides = array<i32>} : memref<4x16x1024xf32, #tpu.memory_space<vmem>>, vector<1x1x16xf32>,
          %swap3A_807 = vector.shape_cast %swap3A_806 : vector<1x1x16xf32> to vector<16xf32>
          %swap3A_808 = vector.shape_cast %get3A_764 : vector<16xf32> to vector<1x1x16xf32>
          tpu.vector_store %arg6[%swap3A_803, %swap3A_804, %swap3A_805], %swap3A_808 {add = true, strides = array<i32>} : memref<4x16x1024xf32, #tpu.memory_space<vmem>>, vector<1x1x16xf32>,
          %add3A_809 = arith.constant 112 : i32
          %add3A_810 = arith.addi %mul3A_446, %add3A_809 : i32
          %get3A_811 = arith.constant 0 : i32
          %get3A_812 = arith.index_cast %get3A_811 : i32 to index
          %get3A_813 = arith.index_cast %scan3A_433 : i32 to index
          %get3A_814 = arith.index_cast %add3A_810 : i32 to index
          %get3A_815 = tpu.vector_load %arg7[%get3A_812, %get3A_813, %get3A_814] {strides = array<i32>} : memref<4x4x1024xf32, #tpu.memory_space<vmem>>, vector<1x1x16xf32>,
          %get3A_816 = vector.shape_cast %get3A_815 : vector<1x1x16xf32> to vector<16xf32>
          %mul3A_817 = arith.constant 4 : i32
          %mul3A_818 = arith.muli %scan3A_433, %mul3A_817 : i32
          %add3A_819 = arith.constant 0 : i32
          %add3A_820 = arith.addi %mul3A_818, %add3A_819 : i32
          %swap3A_821 = arith.constant 0 : i32
          %swap3A_822 = arith.index_cast %swap3A_821 : i32 to index
          %swap3A_823 = arith.index_cast %add3A_820 : i32 to index
          %swap3A_824 = arith.index_cast %add3A_810 : i32 to index
          %swap3A_825 = tpu.vector_load %arg6[%swap3A_822, %swap3A_823, %swap3A_824] {strides = array<i32>} : memref<4x16x1024xf32, #tpu.memory_space<vmem>>, vector<1x1x16xf32>,
          %swap3A_826 = vector.shape_cast %swap3A_825 : vector<1x1x16xf32> to vector<16xf32>
          %swap3A_827 = vector.shape_cast %get3A_816 : vector<16xf32> to vector<1x1x16xf32>
          tpu.vector_store %arg6[%swap3A_822, %swap3A_823, %swap3A_824], %swap3A_827 {add = true, strides = array<i32>} : memref<4x16x1024xf32, #tpu.memory_space<vmem>>, vector<1x1x16xf32>,
          %mul3A_828 = arith.constant 4 : i32
          %mul3A_829 = arith.muli %scan3A_433, %mul3A_828 : i32
          %add3A_830 = arith.constant 1 : i32
          %add3A_831 = arith.addi %mul3A_829, %add3A_830 : i32
          %swap3A_832 = arith.constant 0 : i32
          %swap3A_833 = arith.index_cast %swap3A_832 : i32 to index
          %swap3A_834 = arith.index_cast %add3A_831 : i32 to index
          %swap3A_835 = arith.index_cast %add3A_810 : i32 to index
          %swap3A_836 = tpu.vector_load %arg6[%swap3A_833, %swap3A_834, %swap3A_835] {strides = array<i32>} : memref<4x16x1024xf32, #tpu.memory_space<vmem>>, vector<1x1x16xf32>,
          %swap3A_837 = vector.shape_cast %swap3A_836 : vector<1x1x16xf32> to vector<16xf32>
          %swap3A_838 = vector.shape_cast %get3A_816 : vector<16xf32> to vector<1x1x16xf32>
          tpu.vector_store %arg6[%swap3A_833, %swap3A_834, %swap3A_835], %swap3A_838 {add = true, strides = array<i32>} : memref<4x16x1024xf32, #tpu.memory_space<vmem>>, vector<1x1x16xf32>,
          %mul3A_839 = arith.constant 4 : i32
          %mul3A_840 = arith.muli %scan3A_433, %mul3A_839 : i32
          %add3A_841 = arith.constant 2 : i32
          %add3A_842 = arith.addi %mul3A_840, %add3A_841 : i32
          %swap3A_843 = arith.constant 0 : i32
          %swap3A_844 = arith.index_cast %swap3A_843 : i32 to index
          %swap3A_845 = arith.index_cast %add3A_842 : i32 to index
          %swap3A_846 = arith.index_cast %add3A_810 : i32 to index
          %swap3A_847 = tpu.vector_load %arg6[%swap3A_844, %swap3A_845, %swap3A_846] {strides = array<i32>} : memref<4x16x1024xf32, #tpu.memory_space<vmem>>, vector<1x1x16xf32>,
          %swap3A_848 = vector.shape_cast %swap3A_847 : vector<1x1x16xf32> to vector<16xf32>
          %swap3A_849 = vector.shape_cast %get3A_816 : vector<16xf32> to vector<1x1x16xf32>
          tpu.vector_store %arg6[%swap3A_844, %swap3A_845, %swap3A_846], %swap3A_849 {add = true, strides = array<i32>} : memref<4x16x1024xf32, #tpu.memory_space<vmem>>, vector<1x1x16xf32>,
          %mul3A_850 = arith.constant 4 : i32
          %mul3A_851 = arith.muli %scan3A_433, %mul3A_850 : i32
          %add3A_852 = arith.constant 3 : i32
          %add3A_853 = arith.addi %mul3A_851, %add3A_852 : i32
          %swap3A_854 = arith.constant 0 : i32
          %swap3A_855 = arith.index_cast %swap3A_854 : i32 to index
          %swap3A_856 = arith.index_cast %add3A_853 : i32 to index
          %swap3A_857 = arith.index_cast %add3A_810 : i32 to index
          %swap3A_858 = tpu.vector_load %arg6[%swap3A_855, %swap3A_856, %swap3A_857] {strides = array<i32>} : memref<4x16x1024xf32, #tpu.memory_space<vmem>>, vector<1x1x16xf32>,
          %swap3A_859 = vector.shape_cast %swap3A_858 : vector<1x1x16xf32> to vector<16xf32>
          %swap3A_860 = vector.shape_cast %get3A_816 : vector<16xf32> to vector<1x1x16xf32>
          tpu.vector_store %arg6[%swap3A_855, %swap3A_856, %swap3A_857], %swap3A_860 {add = true, strides = array<i32>} : memref<4x16x1024xf32, #tpu.memory_space<vmem>>, vector<1x1x16xf32>,
          %add3A_861 = arith.constant 128 : i32
          %add3A_862 = arith.addi %mul3A_446, %add3A_861 : i32
          %get3A_863 = arith.constant 0 : i32
          %get3A_864 = arith.index_cast %get3A_863 : i32 to index
          %get3A_865 = arith.index_cast %scan3A_433 : i32 to index
          %get3A_866 = arith.index_cast %add3A_862 : i32 to index
          %get3A_867 = tpu.vector_load %arg7[%get3A_864, %get3A_865, %get3A_866] {strides = array<i32>} : memref<4x4x1024xf32, #tpu.memory_space<vmem>>, vector<1x1x16xf32>,
          %get3A_868 = vector.shape_cast %get3A_867 : vector<1x1x16xf32> to vector<16xf32>
          %mul3A_869 = arith.constant 4 : i32
          %mul3A_870 = arith.muli %scan3A_433, %mul3A_869 : i32
          %add3A_871 = arith.constant 0 : i32
          %add3A_872 = arith.addi %mul3A_870, %add3A_871 : i32
          %swap3A_873 = arith.constant 0 : i32
          %swap3A_874 = arith.index_cast %swap3A_873 : i32 to index
          %swap3A_875 = arith.index_cast %add3A_872 : i32 to index
          %swap3A_876 = arith.index_cast %add3A_862 : i32 to index
          %swap3A_877 = tpu.vector_load %arg6[%swap3A_874, %swap3A_875, %swap3A_876] {strides = array<i32>} : memref<4x16x1024xf32, #tpu.memory_space<vmem>>, vector<1x1x16xf32>,
          %swap3A_878 = vector.shape_cast %swap3A_877 : vector<1x1x16xf32> to vector<16xf32>
          %swap3A_879 = vector.shape_cast %get3A_868 : vector<16xf32> to vector<1x1x16xf32>
          tpu.vector_store %arg6[%swap3A_874, %swap3A_875, %swap3A_876], %swap3A_879 {add = true, strides = array<i32>} : memref<4x16x1024xf32, #tpu.memory_space<vmem>>, vector<1x1x16xf32>,
          %mul3A_880 = arith.constant 4 : i32
          %mul3A_881 = arith.muli %scan3A_433, %mul3A_880 : i32
          %add3A_882 = arith.constant 1 : i32
          %add3A_883 = arith.addi %mul3A_881, %add3A_882 : i32
          %swap3A_884 = arith.constant 0 : i32
          %swap3A_885 = arith.index_cast %swap3A_884 : i32 to index
          %swap3A_886 = arith.index_cast %add3A_883 : i32 to index
          %swap3A_887 = arith.index_cast %add3A_862 : i32 to index
          %swap3A_888 = tpu.vector_load %arg6[%swap3A_885, %swap3A_886, %swap3A_887] {strides = array<i32>} : memref<4x16x1024xf32, #tpu.memory_space<vmem>>, vector<1x1x16xf32>,
          %swap3A_889 = vector.shape_cast %swap3A_888 : vector<1x1x16xf32> to vector<16xf32>
          %swap3A_890 = vector.shape_cast %get3A_868 : vector<16xf32> to vector<1x1x16xf32>
          tpu.vector_store %arg6[%swap3A_885, %swap3A_886, %swap3A_887], %swap3A_890 {add = true, strides = array<i32>} : memref<4x16x1024xf32, #tpu.memory_space<vmem>>, vector<1x1x16xf32>,
          %mul3A_891 = arith.constant 4 : i32
          %mul3A_892 = arith.muli %scan3A_433, %mul3A_891 : i32
          %add3A_893 = arith.constant 2 : i32
          %add3A_894 = arith.addi %mul3A_892, %add3A_893 : i32
          %swap3A_895 = arith.constant 0 : i32
          %swap3A_896 = arith.index_cast %swap3A_895 : i32 to index
          %swap3A_897 = arith.index_cast %add3A_894 : i32 to index
          %swap3A_898 = arith.index_cast %add3A_862 : i32 to index
          %swap3A_899 = tpu.vector_load %arg6[%swap3A_896, %swap3A_897, %swap3A_898] {strides = array<i32>} : memref<4x16x1024xf32, #tpu.memory_space<vmem>>, vector<1x1x16xf32>,
          %swap3A_900 = vector.shape_cast %swap3A_899 : vector<1x1x16xf32> to vector<16xf32>
          %swap3A_901 = vector.shape_cast %get3A_868 : vector<16xf32> to vector<1x1x16xf32>
          tpu.vector_store %arg6[%swap3A_896, %swap3A_897, %swap3A_898], %swap3A_901 {add = true, strides = array<i32>} : memref<4x16x1024xf32, #tpu.memory_space<vmem>>, vector<1x1x16xf32>,
          %mul3A_902 = arith.constant 4 : i32
          %mul3A_903 = arith.muli %scan3A_433, %mul3A_902 : i32
          %add3A_904 = arith.constant 3 : i32
          %add3A_905 = arith.addi %mul3A_903, %add3A_904 : i32
          %swap3A_906 = arith.constant 0 : i32
          %swap3A_907 = arith.index_cast %swap3A_906 : i32 to index
          %swap3A_908 = arith.index_cast %add3A_905 : i32 to index
          %swap3A_909 = arith.index_cast %add3A_862 : i32 to index
          %swap3A_910 = tpu.vector_load %arg6[%swap3A_907, %swap3A_908, %swap3A_909] {strides = array<i32>} : memref<4x16x1024xf32, #tpu.memory_space<vmem>>, vector<1x1x16xf32>,
          %swap3A_911 = vector.shape_cast %swap3A_910 : vector<1x1x16xf32> to vector<16xf32>
          %swap3A_912 = vector.shape_cast %get3A_868 : vector<16xf32> to vector<1x1x16xf32>
          tpu.vector_store %arg6[%swap3A_907, %swap3A_908, %swap3A_909], %swap3A_912 {add = true, strides = array<i32>} : memref<4x16x1024xf32, #tpu.memory_space<vmem>>, vector<1x1x16xf32>,
          %add3A_913 = arith.constant 144 : i32
          %add3A_914 = arith.addi %mul3A_446, %add3A_913 : i32
          %get3A_915 = arith.constant 0 : i32
          %get3A_916 = arith.index_cast %get3A_915 : i32 to index
          %get3A_917 = arith.index_cast %scan3A_433 : i32 to index
          %get3A_918 = arith.index_cast %add3A_914 : i32 to index
          %get3A_919 = tpu.vector_load %arg7[%get3A_916, %get3A_917, %get3A_918] {strides = array<i32>} : memref<4x4x1024xf32, #tpu.memory_space<vmem>>, vector<1x1x16xf32>,
          %get3A_920 = vector.shape_cast %get3A_919 : vector<1x1x16xf32> to vector<16xf32>
          %mul3A_921 = arith.constant 4 : i32
          %mul3A_922 = arith.muli %scan3A_433, %mul3A_921 : i32
          %add3A_923 = arith.constant 0 : i32
          %add3A_924 = arith.addi %mul3A_922, %add3A_923 : i32
          %swap3A_925 = arith.constant 0 : i32
          %swap3A_926 = arith.index_cast %swap3A_925 : i32 to index
          %swap3A_927 = arith.index_cast %add3A_924 : i32 to index
          %swap3A_928 = arith.index_cast %add3A_914 : i32 to index
          %swap3A_929 = tpu.vector_load %arg6[%swap3A_926, %swap3A_927, %swap3A_928] {strides = array<i32>} : memref<4x16x1024xf32, #tpu.memory_space<vmem>>, vector<1x1x16xf32>,
          %swap3A_930 = vector.shape_cast %swap3A_929 : vector<1x1x16xf32> to vector<16xf32>
          %swap3A_931 = vector.shape_cast %get3A_920 : vector<16xf32> to vector<1x1x16xf32>
          tpu.vector_store %arg6[%swap3A_926, %swap3A_927, %swap3A_928], %swap3A_931 {add = true, strides = array<i32>} : memref<4x16x1024xf32, #tpu.memory_space<vmem>>, vector<1x1x16xf32>,
          %mul3A_932 = arith.constant 4 : i32
          %mul3A_933 = arith.muli %scan3A_433, %mul3A_932 : i32
          %add3A_934 = arith.constant 1 : i32
          %add3A_935 = arith.addi %mul3A_933, %add3A_934 : i32
          %swap3A_936 = arith.constant 0 : i32
          %swap3A_937 = arith.index_cast %swap3A_936 : i32 to index
          %swap3A_938 = arith.index_cast %add3A_935 : i32 to index
          %swap3A_939 = arith.index_cast %add3A_914 : i32 to index
          %swap3A_940 = tpu.vector_load %arg6[%swap3A_937, %swap3A_938, %swap3A_939] {strides = array<i32>} : memref<4x16x1024xf32, #tpu.memory_space<vmem>>, vector<1x1x16xf32>,
          %swap3A_941 = vector.shape_cast %swap3A_940 : vector<1x1x16xf32> to vector<16xf32>
          %swap3A_942 = vector.shape_cast %get3A_920 : vector<16xf32> to vector<1x1x16xf32>
          tpu.vector_store %arg6[%swap3A_937, %swap3A_938, %swap3A_939], %swap3A_942 {add = true, strides = array<i32>} : memref<4x16x1024xf32, #tpu.memory_space<vmem>>, vector<1x1x16xf32>,
          %mul3A_943 = arith.constant 4 : i32
          %mul3A_944 = arith.muli %scan3A_433, %mul3A_943 : i32
          %add3A_945 = arith.constant 2 : i32
          %add3A_946 = arith.addi %mul3A_944, %add3A_945 : i32
          %swap3A_947 = arith.constant 0 : i32
          %swap3A_948 = arith.index_cast %swap3A_947 : i32 to index
          %swap3A_949 = arith.index_cast %add3A_946 : i32 to index
          %swap3A_950 = arith.index_cast %add3A_914 : i32 to index
          %swap3A_951 = tpu.vector_load %arg6[%swap3A_948, %swap3A_949, %swap3A_950] {strides = array<i32>} : memref<4x16x1024xf32, #tpu.memory_space<vmem>>, vector<1x1x16xf32>,
          %swap3A_952 = vector.shape_cast %swap3A_951 : vector<1x1x16xf32> to vector<16xf32>
          %swap3A_953 = vector.shape_cast %get3A_920 : vector<16xf32> to vector<1x1x16xf32>
          tpu.vector_store %arg6[%swap3A_948, %swap3A_949, %swap3A_950], %swap3A_953 {add = true, strides = array<i32>} : memref<4x16x1024xf32, #tpu.memory_space<vmem>>, vector<1x1x16xf32>,
          %mul3A_954 = arith.constant 4 : i32
          %mul3A_955 = arith.muli %scan3A_433, %mul3A_954 : i32
          %add3A_956 = arith.constant 3 : i32
          %add3A_957 = arith.addi %mul3A_955, %add3A_956 : i32
          %swap3A_958 = arith.constant 0 : i32
          %swap3A_959 = arith.index_cast %swap3A_958 : i32 to index
          %swap3A_960 = arith.index_cast %add3A_957 : i32 to index
          %swap3A_961 = arith.index_cast %add3A_914 : i32 to index
          %swap3A_962 = tpu.vector_load %arg6[%swap3A_959, %swap3A_960, %swap3A_961] {strides = array<i32>} : memref<4x16x1024xf32, #tpu.memory_space<vmem>>, vector<1x1x16xf32>,
          %swap3A_963 = vector.shape_cast %swap3A_962 : vector<1x1x16xf32> to vector<16xf32>
          %swap3A_964 = vector.shape_cast %get3A_920 : vector<16xf32> to vector<1x1x16xf32>
          tpu.vector_store %arg6[%swap3A_959, %swap3A_960, %swap3A_961], %swap3A_964 {add = true, strides = array<i32>} : memref<4x16x1024xf32, #tpu.memory_space<vmem>>, vector<1x1x16xf32>,
          %add3A_965 = arith.constant 160 : i32
          %add3A_966 = arith.addi %mul3A_446, %add3A_965 : i32
          %get3A_967 = arith.constant 0 : i32
          %get3A_968 = arith.index_cast %get3A_967 : i32 to index
          %get3A_969 = arith.index_cast %scan3A_433 : i32 to index
          %get3A_970 = arith.index_cast %add3A_966 : i32 to index
          %get3A_971 = tpu.vector_load %arg7[%get3A_968, %get3A_969, %get3A_970] {strides = array<i32>} : memref<4x4x1024xf32, #tpu.memory_space<vmem>>, vector<1x1x16xf32>,
          %get3A_972 = vector.shape_cast %get3A_971 : vector<1x1x16xf32> to vector<16xf32>
          %mul3A_973 = arith.constant 4 : i32
          %mul3A_974 = arith.muli %scan3A_433, %mul3A_973 : i32
          %add3A_975 = arith.constant 0 : i32
          %add3A_976 = arith.addi %mul3A_974, %add3A_975 : i32
          %swap3A_977 = arith.constant 0 : i32
          %swap3A_978 = arith.index_cast %swap3A_977 : i32 to index
          %swap3A_979 = arith.index_cast %add3A_976 : i32 to index
          %swap3A_980 = arith.index_cast %add3A_966 : i32 to index
          %swap3A_981 = tpu.vector_load %arg6[%swap3A_978, %swap3A_979, %swap3A_980] {strides = array<i32>} : memref<4x16x1024xf32, #tpu.memory_space<vmem>>, vector<1x1x16xf32>,
          %swap3A_982 = vector.shape_cast %swap3A_981 : vector<1x1x16xf32> to vector<16xf32>
          %swap3A_983 = vector.shape_cast %get3A_972 : vector<16xf32> to vector<1x1x16xf32>
          tpu.vector_store %arg6[%swap3A_978, %swap3A_979, %swap3A_980], %swap3A_983 {add = true, strides = array<i32>} : memref<4x16x1024xf32, #tpu.memory_space<vmem>>, vector<1x1x16xf32>,
          %mul3A_984 = arith.constant 4 : i32
          %mul3A_985 = arith.muli %scan3A_433, %mul3A_984 : i32
          %add3A_986 = arith.constant 1 : i32
          %add3A_987 = arith.addi %mul3A_985, %add3A_986 : i32
          %swap3A_988 = arith.constant 0 : i32
          %swap3A_989 = arith.index_cast %swap3A_988 : i32 to index
          %swap3A_990 = arith.index_cast %add3A_987 : i32 to index
          %swap3A_991 = arith.index_cast %add3A_966 : i32 to index
          %swap3A_992 = tpu.vector_load %arg6[%swap3A_989, %swap3A_990, %swap3A_991] {strides = array<i32>} : memref<4x16x1024xf32, #tpu.memory_space<vmem>>, vector<1x1x16xf32>,
          %swap3A_993 = vector.shape_cast %swap3A_992 : vector<1x1x16xf32> to vector<16xf32>
          %swap3A_994 = vector.shape_cast %get3A_972 : vector<16xf32> to vector<1x1x16xf32>
          tpu.vector_store %arg6[%swap3A_989, %swap3A_990, %swap3A_991], %swap3A_994 {add = true, strides = array<i32>} : memref<4x16x1024xf32, #tpu.memory_space<vmem>>, vector<1x1x16xf32>,
          %mul3A_995 = arith.constant 4 : i32
          %mul3A_996 = arith.muli %scan3A_433, %mul3A_995 : i32
          %add3A_997 = arith.constant 2 : i32
          %add3A_998 = arith.addi %mul3A_996, %add3A_997 : i32
          %swap3A_999 = arith.constant 0 : i32
          %swap3A_1000 = arith.index_cast %swap3A_999 : i32 to index
          %swap3A_1001 = arith.index_cast %add3A_998 : i32 to index
          %swap3A_1002 = arith.index_cast %add3A_966 : i32 to index
          %swap3A_1003 = tpu.vector_load %arg6[%swap3A_1000, %swap3A_1001, %swap3A_1002] {strides = array<i32>} : memref<4x16x1024xf32, #tpu.memory_space<vmem>>, vector<1x1x16xf32>,
          %swap3A_1004 = vector.shape_cast %swap3A_1003 : vector<1x1x16xf32> to vector<16xf32>
          %swap3A_1005 = vector.shape_cast %get3A_972 : vector<16xf32> to vector<1x1x16xf32>
          tpu.vector_store %arg6[%swap3A_1000, %swap3A_1001, %swap3A_1002], %swap3A_1005 {add = true, strides = array<i32>} : memref<4x16x1024xf32, #tpu.memory_space<vmem>>, vector<1x1x16xf32>,
          %mul3A_1006 = arith.constant 4 : i32
          %mul3A_1007 = arith.muli %scan3A_433, %mul3A_1006 : i32
          %add3A_1008 = arith.constant 3 : i32
          %add3A_1009 = arith.addi %mul3A_1007, %add3A_1008 : i32
          %swap3A_1010 = arith.constant 0 : i32
          %swap3A_1011 = arith.index_cast %swap3A_1010 : i32 to index
          %swap3A_1012 = arith.index_cast %add3A_1009 : i32 to index
          %swap3A_1013 = arith.index_cast %add3A_966 : i32 to index
          %swap3A_1014 = tpu.vector_load %arg6[%swap3A_1011, %swap3A_1012, %swap3A_1013] {strides = array<i32>} : memref<4x16x1024xf32, #tpu.memory_space<vmem>>, vector<1x1x16xf32>,
          %swap3A_1015 = vector.shape_cast %swap3A_1014 : vector<1x1x16xf32> to vector<16xf32>
          %swap3A_1016 = vector.shape_cast %get3A_972 : vector<16xf32> to vector<1x1x16xf32>
          tpu.vector_store %arg6[%swap3A_1011, %swap3A_1012, %swap3A_1013], %swap3A_1016 {add = true, strides = array<i32>} : memref<4x16x1024xf32, #tpu.memory_space<vmem>>, vector<1x1x16xf32>,
          %add3A_1017 = arith.constant 176 : i32
          %add3A_1018 = arith.addi %mul3A_446, %add3A_1017 : i32
          %get3A_1019 = arith.constant 0 : i32
          %get3A_1020 = arith.index_cast %get3A_1019 : i32 to index
          %get3A_1021 = arith.index_cast %scan3A_433 : i32 to index
          %get3A_1022 = arith.index_cast %add3A_1018 : i32 to index
          %get3A_1023 = tpu.vector_load %arg7[%get3A_1020, %get3A_1021, %get3A_1022] {strides = array<i32>} : memref<4x4x1024xf32, #tpu.memory_space<vmem>>, vector<1x1x16xf32>,
          %get3A_1024 = vector.shape_cast %get3A_1023 : vector<1x1x16xf32> to vector<16xf32>
          %mul3A_1025 = arith.constant 4 : i32
          %mul3A_1026 = arith.muli %scan3A_433, %mul3A_1025 : i32
          %add3A_1027 = arith.constant 0 : i32
          %add3A_1028 = arith.addi %mul3A_1026, %add3A_1027 : i32
          %swap3A_1029 = arith.constant 0 : i32
          %swap3A_1030 = arith.index_cast %swap3A_1029 : i32 to index
          %swap3A_1031 = arith.index_cast %add3A_1028 : i32 to index
          %swap3A_1032 = arith.index_cast %add3A_1018 : i32 to index
          %swap3A_1033 = tpu.vector_load %arg6[%swap3A_1030, %swap3A_1031, %swap3A_1032] {strides = array<i32>} : memref<4x16x1024xf32, #tpu.memory_space<vmem>>, vector<1x1x16xf32>,
          %swap3A_1034 = vector.shape_cast %swap3A_1033 : vector<1x1x16xf32> to vector<16xf32>
          %swap3A_1035 = vector.shape_cast %get3A_1024 : vector<16xf32> to vector<1x1x16xf32>
          tpu.vector_store %arg6[%swap3A_1030, %swap3A_1031, %swap3A_1032], %swap3A_1035 {add = true, strides = array<i32>} : memref<4x16x1024xf32, #tpu.memory_space<vmem>>, vector<1x1x16xf32>,
          %mul3A_1036 = arith.constant 4 : i32
          %mul3A_1037 = arith.muli %scan3A_433, %mul3A_1036 : i32
          %add3A_1038 = arith.constant 1 : i32
          %add3A_1039 = arith.addi %mul3A_1037, %add3A_1038 : i32
          %swap3A_1040 = arith.constant 0 : i32
          %swap3A_1041 = arith.index_cast %swap3A_1040 : i32 to index
          %swap3A_1042 = arith.index_cast %add3A_1039 : i32 to index
          %swap3A_1043 = arith.index_cast %add3A_1018 : i32 to index
          %swap3A_1044 = tpu.vector_load %arg6[%swap3A_1041, %swap3A_1042, %swap3A_1043] {strides = array<i32>} : memref<4x16x1024xf32, #tpu.memory_space<vmem>>, vector<1x1x16xf32>,
          %swap3A_1045 = vector.shape_cast %swap3A_1044 : vector<1x1x16xf32> to vector<16xf32>
          %swap3A_1046 = vector.shape_cast %get3A_1024 : vector<16xf32> to vector<1x1x16xf32>
          tpu.vector_store %arg6[%swap3A_1041, %swap3A_1042, %swap3A_1043], %swap3A_1046 {add = true, strides = array<i32>} : memref<4x16x1024xf32, #tpu.memory_space<vmem>>, vector<1x1x16xf32>,
          %mul3A_1047 = arith.constant 4 : i32
          %mul3A_1048 = arith.muli %scan3A_433, %mul3A_1047 : i32
          %add3A_1049 = arith.constant 2 : i32
          %add3A_1050 = arith.addi %mul3A_1048, %add3A_1049 : i32
          %swap3A_1051 = arith.constant 0 : i32
          %swap3A_1052 = arith.index_cast %swap3A_1051 : i32 to index
          %swap3A_1053 = arith.index_cast %add3A_1050 : i32 to index
          %swap3A_1054 = arith.index_cast %add3A_1018 : i32 to index
          %swap3A_1055 = tpu.vector_load %arg6[%swap3A_1052, %swap3A_1053, %swap3A_1054] {strides = array<i32>} : memref<4x16x1024xf32, #tpu.memory_space<vmem>>, vector<1x1x16xf32>,
          %swap3A_1056 = vector.shape_cast %swap3A_1055 : vector<1x1x16xf32> to vector<16xf32>
          %swap3A_1057 = vector.shape_cast %get3A_1024 : vector<16xf32> to vector<1x1x16xf32>
          tpu.vector_store %arg6[%swap3A_1052, %swap3A_1053, %swap3A_1054], %swap3A_1057 {add = true, strides = array<i32>} : memref<4x16x1024xf32, #tpu.memory_space<vmem>>, vector<1x1x16xf32>,
          %mul3A_1058 = arith.constant 4 : i32
          %mul3A_1059 = arith.muli %scan3A_433, %mul3A_1058 : i32
          %add3A_1060 = arith.constant 3 : i32
          %add3A_1061 = arith.addi %mul3A_1059, %add3A_1060 : i32
          %swap3A_1062 = arith.constant 0 : i32
          %swap3A_1063 = arith.index_cast %swap3A_1062 : i32 to index
          %swap3A_1064 = arith.index_cast %add3A_1061 : i32 to index
          %swap3A_1065 = arith.index_cast %add3A_1018 : i32 to index
          %swap3A_1066 = tpu.vector_load %arg6[%swap3A_1063, %swap3A_1064, %swap3A_1065] {strides = array<i32>} : memref<4x16x1024xf32, #tpu.memory_space<vmem>>, vector<1x1x16xf32>,
          %swap3A_1067 = vector.shape_cast %swap3A_1066 : vector<1x1x16xf32> to vector<16xf32>
          %swap3A_1068 = vector.shape_cast %get3A_1024 : vector<16xf32> to vector<1x1x16xf32>
          tpu.vector_store %arg6[%swap3A_1063, %swap3A_1064, %swap3A_1065], %swap3A_1068 {add = true, strides = array<i32>} : memref<4x16x1024xf32, #tpu.memory_space<vmem>>, vector<1x1x16xf32>,
          %add3A_1069 = arith.constant 192 : i32
          %add3A_1070 = arith.addi %mul3A_446, %add3A_1069 : i32
          %get3A_1071 = arith.constant 0 : i32
          %get3A_1072 = arith.index_cast %get3A_1071 : i32 to index
          %get3A_1073 = arith.index_cast %scan3A_433 : i32 to index
          %get3A_1074 = arith.index_cast %add3A_1070 : i32 to index
          %get3A_1075 = tpu.vector_load %arg7[%get3A_1072, %get3A_1073, %get3A_1074] {strides = array<i32>} : memref<4x4x1024xf32, #tpu.memory_space<vmem>>, vector<1x1x16xf32>,
          %get3A_1076 = vector.shape_cast %get3A_1075 : vector<1x1x16xf32> to vector<16xf32>
          %mul3A_1077 = arith.constant 4 : i32
          %mul3A_1078 = arith.muli %scan3A_433, %mul3A_1077 : i32
          %add3A_1079 = arith.constant 0 : i32
          %add3A_1080 = arith.addi %mul3A_1078, %add3A_1079 : i32
          %swap3A_1081 = arith.constant 0 : i32
          %swap3A_1082 = arith.index_cast %swap3A_1081 : i32 to index
          %swap3A_1083 = arith.index_cast %add3A_1080 : i32 to index
          %swap3A_1084 = arith.index_cast %add3A_1070 : i32 to index
          %swap3A_1085 = tpu.vector_load %arg6[%swap3A_1082, %swap3A_1083, %swap3A_1084] {strides = array<i32>} : memref<4x16x1024xf32, #tpu.memory_space<vmem>>, vector<1x1x16xf32>,
          %swap3A_1086 = vector.shape_cast %swap3A_1085 : vector<1x1x16xf32> to vector<16xf32>
          %swap3A_1087 = vector.shape_cast %get3A_1076 : vector<16xf32> to vector<1x1x16xf32>
          tpu.vector_store %arg6[%swap3A_1082, %swap3A_1083, %swap3A_1084], %swap3A_1087 {add = true, strides = array<i32>} : memref<4x16x1024xf32, #tpu.memory_space<vmem>>, vector<1x1x16xf32>,
          %mul3A_1088 = arith.constant 4 : i32
          %mul3A_1089 = arith.muli %scan3A_433, %mul3A_1088 : i32
          %add3A_1090 = arith.constant 1 : i32
          %add3A_1091 = arith.addi %mul3A_1089, %add3A_1090 : i32
          %swap3A_1092 = arith.constant 0 : i32
          %swap3A_1093 = arith.index_cast %swap3A_1092 : i32 to index
          %swap3A_1094 = arith.index_cast %add3A_1091 : i32 to index
          %swap3A_1095 = arith.index_cast %add3A_1070 : i32 to index
          %swap3A_1096 = tpu.vector_load %arg6[%swap3A_1093, %swap3A_1094, %swap3A_1095] {strides = array<i32>} : memref<4x16x1024xf32, #tpu.memory_space<vmem>>, vector<1x1x16xf32>,
          %swap3A_1097 = vector.shape_cast %swap3A_1096 : vector<1x1x16xf32> to vector<16xf32>
          %swap3A_1098 = vector.shape_cast %get3A_1076 : vector<16xf32> to vector<1x1x16xf32>
          tpu.vector_store %arg6[%swap3A_1093, %swap3A_1094, %swap3A_1095], %swap3A_1098 {add = true, strides = array<i32>} : memref<4x16x1024xf32, #tpu.memory_space<vmem>>, vector<1x1x16xf32>,
          %mul3A_1099 = arith.constant 4 : i32
          %mul3A_1100 = arith.muli %scan3A_433, %mul3A_1099 : i32
          %add3A_1101 = arith.constant 2 : i32
          %add3A_1102 = arith.addi %mul3A_1100, %add3A_1101 : i32
          %swap3A_1103 = arith.constant 0 : i32
          %swap3A_1104 = arith.index_cast %swap3A_1103 : i32 to index
          %swap3A_1105 = arith.index_cast %add3A_1102 : i32 to index
          %swap3A_1106 = arith.index_cast %add3A_1070 : i32 to index
          %swap3A_1107 = tpu.vector_load %arg6[%swap3A_1104, %swap3A_1105, %swap3A_1106] {strides = array<i32>} : memref<4x16x1024xf32, #tpu.memory_space<vmem>>, vector<1x1x16xf32>,
          %swap3A_1108 = vector.shape_cast %swap3A_1107 : vector<1x1x16xf32> to vector<16xf32>
          %swap3A_1109 = vector.shape_cast %get3A_1076 : vector<16xf32> to vector<1x1x16xf32>
          tpu.vector_store %arg6[%swap3A_1104, %swap3A_1105, %swap3A_1106], %swap3A_1109 {add = true, strides = array<i32>} : memref<4x16x1024xf32, #tpu.memory_space<vmem>>, vector<1x1x16xf32>,
          %mul3A_1110 = arith.constant 4 : i32
          %mul3A_1111 = arith.muli %scan3A_433, %mul3A_1110 : i32
          %add3A_1112 = arith.constant 3 : i32
          %add3A_1113 = arith.addi %mul3A_1111, %add3A_1112 : i32
          %swap3A_1114 = arith.constant 0 : i32
          %swap3A_1115 = arith.index_cast %swap3A_1114 : i32 to index
          %swap3A_1116 = arith.index_cast %add3A_1113 : i32 to index
          %swap3A_1117 = arith.index_cast %add3A_1070 : i32 to index
          %swap3A_1118 = tpu.vector_load %arg6[%swap3A_1115, %swap3A_1116, %swap3A_1117] {strides = array<i32>} : memref<4x16x1024xf32, #tpu.memory_space<vmem>>, vector<1x1x16xf32>,
          %swap3A_1119 = vector.shape_cast %swap3A_1118 : vector<1x1x16xf32> to vector<16xf32>
          %swap3A_1120 = vector.shape_cast %get3A_1076 : vector<16xf32> to vector<1x1x16xf32>
          tpu.vector_store %arg6[%swap3A_1115, %swap3A_1116, %swap3A_1117], %swap3A_1120 {add = true, strides = array<i32>} : memref<4x16x1024xf32, #tpu.memory_space<vmem>>, vector<1x1x16xf32>,
          %add3A_1121 = arith.constant 208 : i32
          %add3A_1122 = arith.addi %mul3A_446, %add3A_1121 : i32
          %get3A_1123 = arith.constant 0 : i32
          %get3A_1124 = arith.index_cast %get3A_1123 : i32 to index
          %get3A_1125 = arith.index_cast %scan3A_433 : i32 to index
          %get3A_1126 = arith.index_cast %add3A_1122 : i32 to index
          %get3A_1127 = tpu.vector_load %arg7[%get3A_1124, %get3A_1125, %get3A_1126] {strides = array<i32>} : memref<4x4x1024xf32, #tpu.memory_space<vmem>>, vector<1x1x16xf32>,
          %get3A_1128 = vector.shape_cast %get3A_1127 : vector<1x1x16xf32> to vector<16xf32>
          %mul3A_1129 = arith.constant 4 : i32
          %mul3A_1130 = arith.muli %scan3A_433, %mul3A_1129 : i32
          %add3A_1131 = arith.constant 0 : i32
          %add3A_1132 = arith.addi %mul3A_1130, %add3A_1131 : i32
          %swap3A_1133 = arith.constant 0 : i32
          %swap3A_1134 = arith.index_cast %swap3A_1133 : i32 to index
          %swap3A_1135 = arith.index_cast %add3A_1132 : i32 to index
          %swap3A_1136 = arith.index_cast %add3A_1122 : i32 to index
          %swap3A_1137 = tpu.vector_load %arg6[%swap3A_1134, %swap3A_1135, %swap3A_1136] {strides = array<i32>} : memref<4x16x1024xf32, #tpu.memory_space<vmem>>, vector<1x1x16xf32>,
          %swap3A_1138 = vector.shape_cast %swap3A_1137 : vector<1x1x16xf32> to vector<16xf32>
          %swap3A_1139 = vector.shape_cast %get3A_1128 : vector<16xf32> to vector<1x1x16xf32>
          tpu.vector_store %arg6[%swap3A_1134, %swap3A_1135, %swap3A_1136], %swap3A_1139 {add = true, strides = array<i32>} : memref<4x16x1024xf32, #tpu.memory_space<vmem>>, vector<1x1x16xf32>,
          %mul3A_1140 = arith.constant 4 : i32
          %mul3A_1141 = arith.muli %scan3A_433, %mul3A_1140 : i32
          %add3A_1142 = arith.constant 1 : i32
          %add3A_1143 = arith.addi %mul3A_1141, %add3A_1142 : i32
          %swap3A_1144 = arith.constant 0 : i32
          %swap3A_1145 = arith.index_cast %swap3A_1144 : i32 to index
          %swap3A_1146 = arith.index_cast %add3A_1143 : i32 to index
          %swap3A_1147 = arith.index_cast %add3A_1122 : i32 to index
          %swap3A_1148 = tpu.vector_load %arg6[%swap3A_1145, %swap3A_1146, %swap3A_1147] {strides = array<i32>} : memref<4x16x1024xf32, #tpu.memory_space<vmem>>, vector<1x1x16xf32>,
          %swap3A_1149 = vector.shape_cast %swap3A_1148 : vector<1x1x16xf32> to vector<16xf32>
          %swap3A_1150 = vector.shape_cast %get3A_1128 : vector<16xf32> to vector<1x1x16xf32>
          tpu.vector_store %arg6[%swap3A_1145, %swap3A_1146, %swap3A_1147], %swap3A_1150 {add = true, strides = array<i32>} : memref<4x16x1024xf32, #tpu.memory_space<vmem>>, vector<1x1x16xf32>,
          %mul3A_1151 = arith.constant 4 : i32
          %mul3A_1152 = arith.muli %scan3A_433, %mul3A_1151 : i32
          %add3A_1153 = arith.constant 2 : i32
          %add3A_1154 = arith.addi %mul3A_1152, %add3A_1153 : i32
          %swap3A_1155 = arith.constant 0 : i32
          %swap3A_1156 = arith.index_cast %swap3A_1155 : i32 to index
          %swap3A_1157 = arith.index_cast %add3A_1154 : i32 to index
          %swap3A_1158 = arith.index_cast %add3A_1122 : i32 to index
          %swap3A_1159 = tpu.vector_load %arg6[%swap3A_1156, %swap3A_1157, %swap3A_1158] {strides = array<i32>} : memref<4x16x1024xf32, #tpu.memory_space<vmem>>, vector<1x1x16xf32>,
          %swap3A_1160 = vector.shape_cast %swap3A_1159 : vector<1x1x16xf32> to vector<16xf32>
          %swap3A_1161 = vector.shape_cast %get3A_1128 : vector<16xf32> to vector<1x1x16xf32>
          tpu.vector_store %arg6[%swap3A_1156, %swap3A_1157, %swap3A_1158], %swap3A_1161 {add = true, strides = array<i32>} : memref<4x16x1024xf32, #tpu.memory_space<vmem>>, vector<1x1x16xf32>,
          %mul3A_1162 = arith.constant 4 : i32
          %mul3A_1163 = arith.muli %scan3A_433, %mul3A_1162 : i32
          %add3A_1164 = arith.constant 3 : i32
          %add3A_1165 = arith.addi %mul3A_1163, %add3A_1164 : i32
          %swap3A_1166 = arith.constant 0 : i32
          %swap3A_1167 = arith.index_cast %swap3A_1166 : i32 to index
          %swap3A_1168 = arith.index_cast %add3A_1165 : i32 to index
          %swap3A_1169 = arith.index_cast %add3A_1122 : i32 to index
          %swap3A_1170 = tpu.vector_load %arg6[%swap3A_1167, %swap3A_1168, %swap3A_1169] {strides = array<i32>} : memref<4x16x1024xf32, #tpu.memory_space<vmem>>, vector<1x1x16xf32>,
          %swap3A_1171 = vector.shape_cast %swap3A_1170 : vector<1x1x16xf32> to vector<16xf32>
          %swap3A_1172 = vector.shape_cast %get3A_1128 : vector<16xf32> to vector<1x1x16xf32>
          tpu.vector_store %arg6[%swap3A_1167, %swap3A_1168, %swap3A_1169], %swap3A_1172 {add = true, strides = array<i32>} : memref<4x16x1024xf32, #tpu.memory_space<vmem>>, vector<1x1x16xf32>,
          %add3A_1173 = arith.constant 224 : i32
          %add3A_1174 = arith.addi %mul3A_446, %add3A_1173 : i32
          %get3A_1175 = arith.constant 0 : i32
          %get3A_1176 = arith.index_cast %get3A_1175 : i32 to index
          %get3A_1177 = arith.index_cast %scan3A_433 : i32 to index
          %get3A_1178 = arith.index_cast %add3A_1174 : i32 to index
          %get3A_1179 = tpu.vector_load %arg7[%get3A_1176, %get3A_1177, %get3A_1178] {strides = array<i32>} : memref<4x4x1024xf32, #tpu.memory_space<vmem>>, vector<1x1x16xf32>,
          %get3A_1180 = vector.shape_cast %get3A_1179 : vector<1x1x16xf32> to vector<16xf32>
          %mul3A_1181 = arith.constant 4 : i32
          %mul3A_1182 = arith.muli %scan3A_433, %mul3A_1181 : i32
          %add3A_1183 = arith.constant 0 : i32
          %add3A_1184 = arith.addi %mul3A_1182, %add3A_1183 : i32
          %swap3A_1185 = arith.constant 0 : i32
          %swap3A_1186 = arith.index_cast %swap3A_1185 : i32 to index
          %swap3A_1187 = arith.index_cast %add3A_1184 : i32 to index
          %swap3A_1188 = arith.index_cast %add3A_1174 : i32 to index
          %swap3A_1189 = tpu.vector_load %arg6[%swap3A_1186, %swap3A_1187, %swap3A_1188] {strides = array<i32>} : memref<4x16x1024xf32, #tpu.memory_space<vmem>>, vector<1x1x16xf32>,
          %swap3A_1190 = vector.shape_cast %swap3A_1189 : vector<1x1x16xf32> to vector<16xf32>
          %swap3A_1191 = vector.shape_cast %get3A_1180 : vector<16xf32> to vector<1x1x16xf32>
          tpu.vector_store %arg6[%swap3A_1186, %swap3A_1187, %swap3A_1188], %swap3A_1191 {add = true, strides = array<i32>} : memref<4x16x1024xf32, #tpu.memory_space<vmem>>, vector<1x1x16xf32>,
          %mul3A_1192 = arith.constant 4 : i32
          %mul3A_1193 = arith.muli %scan3A_433, %mul3A_1192 : i32
          %add3A_1194 = arith.constant 1 : i32
          %add3A_1195 = arith.addi %mul3A_1193, %add3A_1194 : i32
          %swap3A_1196 = arith.constant 0 : i32
          %swap3A_1197 = arith.index_cast %swap3A_1196 : i32 to index
          %swap3A_1198 = arith.index_cast %add3A_1195 : i32 to index
          %swap3A_1199 = arith.index_cast %add3A_1174 : i32 to index
          %swap3A_1200 = tpu.vector_load %arg6[%swap3A_1197, %swap3A_1198, %swap3A_1199] {strides = array<i32>} : memref<4x16x1024xf32, #tpu.memory_space<vmem>>, vector<1x1x16xf32>,
          %swap3A_1201 = vector.shape_cast %swap3A_1200 : vector<1x1x16xf32> to vector<16xf32>
          %swap3A_1202 = vector.shape_cast %get3A_1180 : vector<16xf32> to vector<1x1x16xf32>
          tpu.vector_store %arg6[%swap3A_1197, %swap3A_1198, %swap3A_1199], %swap3A_1202 {add = true, strides = array<i32>} : memref<4x16x1024xf32, #tpu.memory_space<vmem>>, vector<1x1x16xf32>,
          %mul3A_1203 = arith.constant 4 : i32
          %mul3A_1204 = arith.muli %scan3A_433, %mul3A_1203 : i32
          %add3A_1205 = arith.constant 2 : i32
          %add3A_1206 = arith.addi %mul3A_1204, %add3A_1205 : i32
          %swap3A_1207 = arith.constant 0 : i32
          %swap3A_1208 = arith.index_cast %swap3A_1207 : i32 to index
          %swap3A_1209 = arith.index_cast %add3A_1206 : i32 to index
          %swap3A_1210 = arith.index_cast %add3A_1174 : i32 to index
          %swap3A_1211 = tpu.vector_load %arg6[%swap3A_1208, %swap3A_1209, %swap3A_1210] {strides = array<i32>} : memref<4x16x1024xf32, #tpu.memory_space<vmem>>, vector<1x1x16xf32>,
          %swap3A_1212 = vector.shape_cast %swap3A_1211 : vector<1x1x16xf32> to vector<16xf32>
          %swap3A_1213 = vector.shape_cast %get3A_1180 : vector<16xf32> to vector<1x1x16xf32>
          tpu.vector_store %arg6[%swap3A_1208, %swap3A_1209, %swap3A_1210], %swap3A_1213 {add = true, strides = array<i32>} : memref<4x16x1024xf32, #tpu.memory_space<vmem>>, vector<1x1x16xf32>,
          %mul3A_1214 = arith.constant 4 : i32
          %mul3A_1215 = arith.muli %scan3A_433, %mul3A_1214 : i32
          %add3A_1216 = arith.constant 3 : i32
          %add3A_1217 = arith.addi %mul3A_1215, %add3A_1216 : i32
          %swap3A_1218 = arith.constant 0 : i32
          %swap3A_1219 = arith.index_cast %swap3A_1218 : i32 to index
          %swap3A_1220 = arith.index_cast %add3A_1217 : i32 to index
          %swap3A_1221 = arith.index_cast %add3A_1174 : i32 to index
          %swap3A_1222 = tpu.vector_load %arg6[%swap3A_1219, %swap3A_1220, %swap3A_1221] {strides = array<i32>} : memref<4x16x1024xf32, #tpu.memory_space<vmem>>, vector<1x1x16xf32>,
          %swap3A_1223 = vector.shape_cast %swap3A_1222 : vector<1x1x16xf32> to vector<16xf32>
          %swap3A_1224 = vector.shape_cast %get3A_1180 : vector<16xf32> to vector<1x1x16xf32>
          tpu.vector_store %arg6[%swap3A_1219, %swap3A_1220, %swap3A_1221], %swap3A_1224 {add = true, strides = array<i32>} : memref<4x16x1024xf32, #tpu.memory_space<vmem>>, vector<1x1x16xf32>,
          %add3A_1225 = arith.constant 240 : i32
          %add3A_1226 = arith.addi %mul3A_446, %add3A_1225 : i32
          %get3A_1227 = arith.constant 0 : i32
          %get3A_1228 = arith.index_cast %get3A_1227 : i32 to index
          %get3A_1229 = arith.index_cast %scan3A_433 : i32 to index
          %get3A_1230 = arith.index_cast %add3A_1226 : i32 to index
          %get3A_1231 = tpu.vector_load %arg7[%get3A_1228, %get3A_1229, %get3A_1230] {strides = array<i32>} : memref<4x4x1024xf32, #tpu.memory_space<vmem>>, vector<1x1x16xf32>,
          %get3A_1232 = vector.shape_cast %get3A_1231 : vector<1x1x16xf32> to vector<16xf32>
          %mul3A_1233 = arith.constant 4 : i32
          %mul3A_1234 = arith.muli %scan3A_433, %mul3A_1233 : i32
          %add3A_1235 = arith.constant 0 : i32
          %add3A_1236 = arith.addi %mul3A_1234, %add3A_1235 : i32
          %swap3A_1237 = arith.constant 0 : i32
          %swap3A_1238 = arith.index_cast %swap3A_1237 : i32 to index
          %swap3A_1239 = arith.index_cast %add3A_1236 : i32 to index
          %swap3A_1240 = arith.index_cast %add3A_1226 : i32 to index
          %swap3A_1241 = tpu.vector_load %arg6[%swap3A_1238, %swap3A_1239, %swap3A_1240] {strides = array<i32>} : memref<4x16x1024xf32, #tpu.memory_space<vmem>>, vector<1x1x16xf32>,
          %swap3A_1242 = vector.shape_cast %swap3A_1241 : vector<1x1x16xf32> to vector<16xf32>
          %swap3A_1243 = vector.shape_cast %get3A_1232 : vector<16xf32> to vector<1x1x16xf32>
          tpu.vector_store %arg6[%swap3A_1238, %swap3A_1239, %swap3A_1240], %swap3A_1243 {add = true, strides = array<i32>} : memref<4x16x1024xf32, #tpu.memory_space<vmem>>, vector<1x1x16xf32>,
          %mul3A_1244 = arith.constant 4 : i32
          %mul3A_1245 = arith.muli %scan3A_433, %mul3A_1244 : i32
          %add3A_1246 = arith.constant 1 : i32
          %add3A_1247 = arith.addi %mul3A_1245, %add3A_1246 : i32
          %swap3A_1248 = arith.constant 0 : i32
          %swap3A_1249 = arith.index_cast %swap3A_1248 : i32 to index
          %swap3A_1250 = arith.index_cast %add3A_1247 : i32 to index
          %swap3A_1251 = arith.index_cast %add3A_1226 : i32 to index
          %swap3A_1252 = tpu.vector_load %arg6[%swap3A_1249, %swap3A_1250, %swap3A_1251] {strides = array<i32>} : memref<4x16x1024xf32, #tpu.memory_space<vmem>>, vector<1x1x16xf32>,
          %swap3A_1253 = vector.shape_cast %swap3A_1252 : vector<1x1x16xf32> to vector<16xf32>
          %swap3A_1254 = vector.shape_cast %get3A_1232 : vector<16xf32> to vector<1x1x16xf32>
          tpu.vector_store %arg6[%swap3A_1249, %swap3A_1250, %swap3A_1251], %swap3A_1254 {add = true, strides = array<i32>} : memref<4x16x1024xf32, #tpu.memory_space<vmem>>, vector<1x1x16xf32>,
          %mul3A_1255 = arith.constant 4 : i32
          %mul3A_1256 = arith.muli %scan3A_433, %mul3A_1255 : i32
          %add3A_1257 = arith.constant 2 : i32
          %add3A_1258 = arith.addi %mul3A_1256, %add3A_1257 : i32
          %swap3A_1259 = arith.constant 0 : i32
          %swap3A_1260 = arith.index_cast %swap3A_1259 : i32 to index
          %swap3A_1261 = arith.index_cast %add3A_1258 : i32 to index
          %swap3A_1262 = arith.index_cast %add3A_1226 : i32 to index
          %swap3A_1263 = tpu.vector_load %arg6[%swap3A_1260, %swap3A_1261, %swap3A_1262] {strides = array<i32>} : memref<4x16x1024xf32, #tpu.memory_space<vmem>>, vector<1x1x16xf32>,
          %swap3A_1264 = vector.shape_cast %swap3A_1263 : vector<1x1x16xf32> to vector<16xf32>
          %swap3A_1265 = vector.shape_cast %get3A_1232 : vector<16xf32> to vector<1x1x16xf32>
          tpu.vector_store %arg6[%swap3A_1260, %swap3A_1261, %swap3A_1262], %swap3A_1265 {add = true, strides = array<i32>} : memref<4x16x1024xf32, #tpu.memory_space<vmem>>, vector<1x1x16xf32>,
          %mul3A_1266 = arith.constant 4 : i32
          %mul3A_1267 = arith.muli %scan3A_433, %mul3A_1266 : i32
          %add3A_1268 = arith.constant 3 : i32
          %add3A_1269 = arith.addi %mul3A_1267, %add3A_1268 : i32
          %swap3A_1270 = arith.constant 0 : i32
          %swap3A_1271 = arith.index_cast %swap3A_1270 : i32 to index
          %swap3A_1272 = arith.index_cast %add3A_1269 : i32 to index
          %swap3A_1273 = arith.index_cast %add3A_1226 : i32 to index
          %swap3A_1274 = tpu.vector_load %arg6[%swap3A_1271, %swap3A_1272, %swap3A_1273] {strides = array<i32>} : memref<4x16x1024xf32, #tpu.memory_space<vmem>>, vector<1x1x16xf32>,
          %swap3A_1275 = vector.shape_cast %swap3A_1274 : vector<1x1x16xf32> to vector<16xf32>
          %swap3A_1276 = vector.shape_cast %get3A_1232 : vector<16xf32> to vector<1x1x16xf32>
          tpu.vector_store %arg6[%swap3A_1271, %swap3A_1272, %swap3A_1273], %swap3A_1276 {add = true, strides = array<i32>} : memref<4x16x1024xf32, #tpu.memory_space<vmem>>, vector<1x1x16xf32>,
          %scan3A_1277 = arith.constant 0 : i32
          scf.yield %scan3A_1277 : i32
        }
        %scan3A_441 = arith.constant 4 : i32
        %scan3A_442 = arith.constant 0 : i32
        scf.yield %scan3A_442 : i32
      }
      %scan3A_187 = arith.constant 4 : i32
      %mul3A_188 = arith.constant 16 : i32
      %mul3A_189 = arith.muli %add3A_143, %mul3A_188 : i32
      %add3A_190 = arith.addi %mul3A_2, %mul3A_189 : i32
      %dma_start3A_191 = arith.constant 0 : i32
      %dma_start3A_192 = arith.constant 0 : i32
      %dma_start3A_193 = arith.constant 0 : i32
      %dma_start3A_194 = arith.constant 0 : i32
      %dma_start3A_195 = tpu.memref_slice %arg6[%dma_start3A_191, %dma_start3A_193, %dma_start3A_194] : memref<4x16x1024xf32, #tpu.memory_space<vmem>> -> memref<1x16x1024xf32, #tpu.memory_space<vmem>>
      %dma_start3A_196 = tpu.memref_squeeze %dma_start3A_195 : memref<1x16x1024xf32, #tpu.memory_space<vmem>> -> memref<16x1024xf32, #tpu.memory_space<vmem>>
      %dma_start3A_197 = arith.constant 0 : i32
      %dma_start3A_198 = tpu.memref_slice %arg5[%add3A_190, %dma_start3A_197] : memref<32768x1024xf32, #tpu.memory_space<hbm>> -> memref<16x1024xf32, #tpu.memory_space<hbm>>
      %dma_start3A_199 = tpu.memref_slice %arg11[%dma_start3A_192] : memref<4x!tpu.dma_semaphore, #tpu.memory_space<semaphore_mem>> -> memref<1x!tpu.dma_semaphore, #tpu.memory_space<semaphore_mem>>
      %dma_start3A_200 = tpu.memref_squeeze %dma_start3A_199 : memref<1x!tpu.dma_semaphore, #tpu.memory_space<semaphore_mem>> -> memref<!tpu.dma_semaphore, #tpu.memory_space<semaphore_mem>>
      %dma_start3A_201 = arith.constant 0 : i32
      %dma_start3A_202 = tpu.memref_slice %arg5[%add3A_190, %dma_start3A_201] : memref<32768x1024xf32, #tpu.memory_space<hbm>> -> memref<16x1024xf32, #tpu.memory_space<hbm>>
      %dma_start3A_203 = arith.constant 0 : i32
      %dma_start3A_204 = arith.constant 0 : i32
      %dma_start3A_205 = tpu.memref_slice %arg6[%dma_start3A_191, %dma_start3A_203, %dma_start3A_204] : memref<4x16x1024xf32, #tpu.memory_space<vmem>> -> memref<1x16x1024xf32, #tpu.memory_space<vmem>>
      %dma_start3A_206 = tpu.memref_squeeze %dma_start3A_205 : memref<1x16x1024xf32, #tpu.memory_space<vmem>> -> memref<16x1024xf32, #tpu.memory_space<vmem>>
      tpu.enqueue_dma source(%dma_start3A_206 : memref<16x1024xf32, #tpu.memory_space<vmem>>) target(%dma_start3A_202 : memref<16x1024xf32, #tpu.memory_space<hbm>>) target_semaphore(%dma_start3A_200 : memref<!tpu.dma_semaphore, #tpu.memory_space<semaphore_mem>>)
      %add3A_207 = arith.constant 2 : i32
      %add3A_208 = arith.addi %add3A_143, %add3A_207 : i32
      %lt3A = arith.constant 64 : i32
      %lt3A_209 = arith.cmpi slt, %add3A_208, %lt3A : i32
      %convert_element_type3A = arith.extui %lt3A_209 : i1 to i32
      %cond3A = arith.constant 0 : i32
      %cond3A_210 = arith.cmpi ne, %convert_element_type3A, %cond3A : i32
      scf.if %cond3A_210 {
        %ge3A = arith.constant 4 : i32
        %ge3A_433 = arith.cmpi sge, %add3A_208, %ge3A : i32
        %convert_element_type3A_434 = arith.extui %ge3A_433 : i1 to i32
        %cond3A_435 = arith.constant 0 : i32
        %cond3A_436 = arith.cmpi ne, %convert_element_type3A_434, %cond3A_435 : i32
        scf.if %cond3A_436 {
          %dma_wait3A_470 = arith.constant 2 : i32
          %dma_wait3A_471 = arith.constant 2 : i32
          %dma_wait3A_472 = arith.constant 0 : i32
          %dma_wait3A_473 = arith.constant 0 : i32
          %dma_wait3A_474 = tpu.memref_slice %arg6[%dma_wait3A_470, %dma_wait3A_472, %dma_wait3A_473] : memref<4x16x1024xf32, #tpu.memory_space<vmem>> -> memref<1x16x1024xf32, #tpu.memory_space<vmem>>
          %dma_wait3A_475 = tpu.memref_squeeze %dma_wait3A_474 : memref<1x16x1024xf32, #tpu.memory_space<vmem>> -> memref<16x1024xf32, #tpu.memory_space<vmem>>
          %dma_wait3A_476 = arith.constant 0 : i32
          %dma_wait3A_477 = tpu.memref_slice %arg5[%mul3A_2, %dma_wait3A_476] : memref<32768x1024xf32, #tpu.memory_space<hbm>> -> memref<16x1024xf32, #tpu.memory_space<hbm>>
          %dma_wait3A_478 = tpu.memref_slice %arg11[%dma_wait3A_471] : memref<4x!tpu.dma_semaphore, #tpu.memory_space<semaphore_mem>> -> memref<1x!tpu.dma_semaphore, #tpu.memory_space<semaphore_mem>>
          %dma_wait3A_479 = tpu.memref_squeeze %dma_wait3A_478 : memref<1x!tpu.dma_semaphore, #tpu.memory_space<semaphore_mem>> -> memref<!tpu.dma_semaphore, #tpu.memory_space<semaphore_mem>>
          %dma_wait3A_480 = arith.constant 0 : i32
          %dma_wait3A_481 = tpu.memref_slice %arg5[%mul3A_2, %dma_wait3A_480] : memref<32768x1024xf32, #tpu.memory_space<hbm>> -> memref<16x1024xf32, #tpu.memory_space<hbm>>
          %dma_wait3A_482 = arith.constant 0 : i32
          %dma_wait3A_483 = arith.constant 0 : i32
          %dma_wait3A_484 = tpu.memref_slice %arg6[%dma_wait3A_470, %dma_wait3A_482, %dma_wait3A_483] : memref<4x16x1024xf32, #tpu.memory_space<vmem>> -> memref<1x16x1024xf32, #tpu.memory_space<vmem>>
          %dma_wait3A_485 = tpu.memref_squeeze %dma_wait3A_484 : memref<1x16x1024xf32, #tpu.memory_space<vmem>> -> memref<16x1024xf32, #tpu.memory_space<vmem>>
          tpu.wait_dma2 semaphore(%dma_wait3A_479 : memref<!tpu.dma_semaphore, #tpu.memory_space<semaphore_mem>>) src(%dma_wait3A_485 : memref<16x1024xf32, #tpu.memory_space<vmem>>) dst(%dma_wait3A_481 : memref<16x1024xf32, #tpu.memory_space<hbm>>)
        } else {
        }
        %mul3A_437 = arith.constant 16 : i32
        %mul3A_438 = arith.muli %add3A_208, %mul3A_437 : i32
        %add3A_439 = arith.addi %mul3A_2, %mul3A_438 : i32
        %dma_start3A_440 = arith.constant 2 : i32
        %dma_start3A_441 = arith.constant 2 : i32
        %dma_start3A_442 = arith.constant 0 : i32
        %dma_start3A_443 = arith.constant 0 : i32
        %dma_start3A_444 = tpu.memref_slice %arg6[%dma_start3A_440, %dma_start3A_442, %dma_start3A_443] : memref<4x16x1024xf32, #tpu.memory_space<vmem>> -> memref<1x16x1024xf32, #tpu.memory_space<vmem>>
        %dma_start3A_445 = tpu.memref_squeeze %dma_start3A_444 : memref<1x16x1024xf32, #tpu.memory_space<vmem>> -> memref<16x1024xf32, #tpu.memory_space<vmem>>
        %dma_start3A_446 = arith.constant 0 : i32
        %dma_start3A_447 = tpu.memref_slice %arg2[%add3A_439, %dma_start3A_446] : memref<32768x1024xf32, #tpu.memory_space<hbm>> -> memref<16x1024xf32, #tpu.memory_space<hbm>>
        %dma_start3A_448 = tpu.memref_slice %arg9[%dma_start3A_441] : memref<4x!tpu.dma_semaphore, #tpu.memory_space<semaphore_mem>> -> memref<1x!tpu.dma_semaphore, #tpu.memory_space<semaphore_mem>>
        %dma_start3A_449 = tpu.memref_squeeze %dma_start3A_448 : memref<1x!tpu.dma_semaphore, #tpu.memory_space<semaphore_mem>> -> memref<!tpu.dma_semaphore, #tpu.memory_space<semaphore_mem>>
        %dma_start3A_450 = arith.constant 0 : i32
        %dma_start3A_451 = arith.constant 0 : i32
        %dma_start3A_452 = tpu.memref_slice %arg6[%dma_start3A_440, %dma_start3A_450, %dma_start3A_451] : memref<4x16x1024xf32, #tpu.memory_space<vmem>> -> memref<1x16x1024xf32, #tpu.memory_space<vmem>>
        %dma_start3A_453 = tpu.memref_squeeze %dma_start3A_452 : memref<1x16x1024xf32, #tpu.memory_space<vmem>> -> memref<16x1024xf32, #tpu.memory_space<vmem>>
        %dma_start3A_454 = arith.constant 0 : i32
        %dma_start3A_455 = tpu.memref_slice %arg2[%add3A_439, %dma_start3A_454] : memref<32768x1024xf32, #tpu.memory_space<hbm>> -> memref<16x1024xf32, #tpu.memory_space<hbm>>
        tpu.enqueue_dma source(%dma_start3A_455 : memref<16x1024xf32, #tpu.memory_space<hbm>>) target(%dma_start3A_453 : memref<16x1024xf32, #tpu.memory_space<vmem>>) target_semaphore(%dma_start3A_449 : memref<!tpu.dma_semaphore, #tpu.memory_space<semaphore_mem>>)
        %dma_start3A_456 = arith.constant 2 : i32
        %dma_start3A_457 = arith.constant 2 : i32
        %dma_start3A_458 = arith.constant 0 : i32
        %dma_start3A_459 = arith.constant 0 : i32
        %dma_start3A_460 = tpu.memref_slice %arg7[%dma_start3A_456, %dma_start3A_458, %dma_start3A_459] : memref<4x4x1024xf32, #tpu.memory_space<vmem>> -> memref<1x4x1024xf32, #tpu.memory_space<vmem>>
        %dma_start3A_461 = tpu.memref_squeeze %dma_start3A_460 : memref<1x4x1024xf32, #tpu.memory_space<vmem>> -> memref<4x1024xf32, #tpu.memory_space<vmem>>
        %dma_start3A_462 = arith.constant 0 : i32
        %dma_start3A_463 = tpu.memref_slice %arg8[%add3A_208, %dma_start3A_462] : memref<64x4xi32, #tpu.memory_space<vmem>> -> memref<1x4xi32, #tpu.memory_space<vmem>>
        %dma_start3A_464 = tpu.memref_squeeze %dma_start3A_463 : memref<1x4xi32, #tpu.memory_space<vmem>> -> memref<4xi32, #tpu.memory_space<vmem>>
        %dma_start3A_465 = arith.constant 0 : i32
        %dma_start3A_466 = arith.constant 0 : i32
        %dma_start3A_467 = tpu.memref_slice %arg4[%dma_start3A_465, %dma_start3A_466] : memref<8193x1024xf32, #tpu.memory_space<hbm>> -> memref<8193x1024xf32, #tpu.memory_space<hbm>>
        %dma_start3A_468 = tpu.memref_slice %arg10[%dma_start3A_457] : memref<4x!tpu.dma_semaphore, #tpu.memory_space<semaphore_mem>> -> memref<1x!tpu.dma_semaphore, #tpu.memory_space<semaphore_mem>>
        %dma_start3A_469 = tpu.memref_squeeze %dma_start3A_468 : memref<1x!tpu.dma_semaphore, #tpu.memory_space<semaphore_mem>> -> memref<!tpu.dma_semaphore, #tpu.memory_space<semaphore_mem>>
        tpu.enqueue_indirect_dma source(%dma_start3A_467 : memref<8193x1024xf32, #tpu.memory_space<hbm>>) target(%dma_start3A_461 : memref<4x1024xf32, #tpu.memory_space<vmem>>) offsets(%dma_start3A_464 : memref<4xi32, #tpu.memory_space<vmem>>) semaphore(%dma_start3A_469 : memref<!tpu.dma_semaphore, #tpu.memory_space<semaphore_mem>>)
      } else {
      }
      %mul3A_211 = arith.constant 4 : i32
      %mul3A_212 = arith.muli %add3A_139, %mul3A_211 : i32
      %add3A_213 = arith.constant 1 : i32
      %add3A_214 = arith.addi %mul3A_212, %add3A_213 : i32
      %mul3A_215 = arith.constant 16 : i32
      %mul3A_216 = arith.muli %add3A_214, %mul3A_215 : i32
      %add3A_217 = arith.addi %mul3A_2, %mul3A_216 : i32
      %dma_wait3A_218 = arith.constant 1 : i32
      %dma_wait3A_219 = arith.constant 1 : i32
      %dma_wait3A_220 = arith.constant 0 : i32
      %dma_wait3A_221 = arith.constant 0 : i32
      %dma_wait3A_222 = tpu.memref_slice %arg6[%dma_wait3A_218, %dma_wait3A_220, %dma_wait3A_221] : memref<4x16x1024xf32, #tpu.memory_space<vmem>> -> memref<1x16x1024xf32, #tpu.memory_space<vmem>>
      %dma_wait3A_223 = tpu.memref_squeeze %dma_wait3A_222 : memref<1x16x1024xf32, #tpu.memory_space<vmem>> -> memref<16x1024xf32, #tpu.memory_space<vmem>>
      %dma_wait3A_224 = arith.constant 0 : i32
      %dma_wait3A_225 = tpu.memref_slice %arg2[%add3A_217, %dma_wait3A_224] : memref<32768x1024xf32, #tpu.memory_space<hbm>> -> memref<16x1024xf32, #tpu.memory_space<hbm>>
      %dma_wait3A_226 = tpu.memref_slice %arg9[%dma_wait3A_219] : memref<4x!tpu.dma_semaphore, #tpu.memory_space<semaphore_mem>> -> memref<1x!tpu.dma_semaphore, #tpu.memory_space<semaphore_mem>>
      %dma_wait3A_227 = tpu.memref_squeeze %dma_wait3A_226 : memref<1x!tpu.dma_semaphore, #tpu.memory_space<semaphore_mem>> -> memref<!tpu.dma_semaphore, #tpu.memory_space<semaphore_mem>>
      %dma_wait3A_228 = arith.constant 0 : i32
      %dma_wait3A_229 = arith.constant 0 : i32
      %dma_wait3A_230 = tpu.memref_slice %arg6[%dma_wait3A_218, %dma_wait3A_228, %dma_wait3A_229] : memref<4x16x1024xf32, #tpu.memory_space<vmem>> -> memref<1x16x1024xf32, #tpu.memory_space<vmem>>
      %dma_wait3A_231 = tpu.memref_squeeze %dma_wait3A_230 : memref<1x16x1024xf32, #tpu.memory_space<vmem>> -> memref<16x1024xf32, #tpu.memory_space<vmem>>
      %dma_wait3A_232 = arith.constant 0 : i32
      %dma_wait3A_233 = tpu.memref_slice %arg2[%add3A_217, %dma_wait3A_232] : memref<32768x1024xf32, #tpu.memory_space<hbm>> -> memref<16x1024xf32, #tpu.memory_space<hbm>>
      tpu.wait_dma2 semaphore(%dma_wait3A_227 : memref<!tpu.dma_semaphore, #tpu.memory_space<semaphore_mem>>) src(%dma_wait3A_233 : memref<16x1024xf32, #tpu.memory_space<hbm>>) dst(%dma_wait3A_231 : memref<16x1024xf32, #tpu.memory_space<vmem>>)
      %dma_wait3A_234 = arith.constant 1 : i32
      %dma_wait3A_235 = arith.constant 1 : i32
      %dma_wait3A_236 = arith.constant 0 : i32
      %dma_wait3A_237 = arith.constant 0 : i32
      %dma_wait3A_238 = tpu.memref_slice %arg7[%dma_wait3A_234, %dma_wait3A_236, %dma_wait3A_237] : memref<4x4x1024xf32, #tpu.memory_space<vmem>> -> memref<1x4x1024xf32, #tpu.memory_space<vmem>>
      %dma_wait3A_239 = tpu.memref_squeeze %dma_wait3A_238 : memref<1x4x1024xf32, #tpu.memory_space<vmem>> -> memref<4x1024xf32, #tpu.memory_space<vmem>>
      %dma_wait3A_240 = arith.constant 0 : i32
      %dma_wait3A_241 = arith.constant 0 : i32
      %dma_wait3A_242 = tpu.memref_slice %arg4[%dma_wait3A_240, %dma_wait3A_241] : memref<8193x1024xf32, #tpu.memory_space<hbm>> -> memref<4x1024xf32, #tpu.memory_space<hbm>>
      %dma_wait3A_243 = tpu.memref_slice %arg10[%dma_wait3A_235] : memref<4x!tpu.dma_semaphore, #tpu.memory_space<semaphore_mem>> -> memref<1x!tpu.dma_semaphore, #tpu.memory_space<semaphore_mem>>
      %dma_wait3A_244 = tpu.memref_squeeze %dma_wait3A_243 : memref<1x!tpu.dma_semaphore, #tpu.memory_space<semaphore_mem>> -> memref<!tpu.dma_semaphore, #tpu.memory_space<semaphore_mem>>
      %dma_wait3A_245 = arith.constant 0 : i32
      %dma_wait3A_246 = arith.constant 0 : i32
      %dma_wait3A_247 = tpu.memref_slice %arg7[%dma_wait3A_234, %dma_wait3A_245, %dma_wait3A_246] : memref<4x4x1024xf32, #tpu.memory_space<vmem>> -> memref<1x4x1024xf32, #tpu.memory_space<vmem>>
      %dma_wait3A_248 = tpu.memref_squeeze %dma_wait3A_247 : memref<1x4x1024xf32, #tpu.memory_space<vmem>> -> memref<4x1024xf32, #tpu.memory_space<vmem>>
      %dma_wait3A_249 = arith.constant 0 : i32
      %dma_wait3A_250 = arith.constant 0 : i32
      %dma_wait3A_251 = tpu.memref_slice %arg4[%dma_wait3A_249, %dma_wait3A_250] : memref<8193x1024xf32, #tpu.memory_space<hbm>> -> memref<4x1024xf32, #tpu.memory_space<hbm>>
      tpu.wait_dma2 semaphore(%dma_wait3A_244 : memref<!tpu.dma_semaphore, #tpu.memory_space<semaphore_mem>>) src(%dma_wait3A_251 : memref<4x1024xf32, #tpu.memory_space<hbm>>) dst(%dma_wait3A_248 : memref<4x1024xf32, #tpu.memory_space<vmem>>)
      %scan3A_252 = arith.constant 0 : i32
      %scan3A_253 = arith.constant 0 : i32
      %scan3A_254 = arith.constant 4 : i32
      %scan3A_255 = arith.addi %scan3A_253, %scan3A_254 : i32
      %scan3A_256 = arith.constant 1 : i32
      %scan3A_257 = scf.for %scan3A_433 = %scan3A_253 to %scan3A_255 step %scan3A_256 iter_args(%scan3A_434 = %scan3A_252) -> (i32)  : i32 {
        %scan3A_435 = arith.constant 0 : i32
        %scan3A_436 = arith.constant 0 : i32
        %scan3A_437 = arith.constant 4 : i32
        %scan3A_438 = arith.addi %scan3A_436, %scan3A_437 : i32
        %scan3A_439 = arith.constant 1 : i32
        %scan3A_440 = scf.for %scan3A_443 = %scan3A_436 to %scan3A_438 step %scan3A_439 iter_args(%scan3A_444 = %scan3A_435) -> (i32)  : i32 {
          %mul3A_445 = arith.constant 256 : i32
          %mul3A_446 = arith.muli %scan3A_443, %mul3A_445 : i32
          %add3A_447 = arith.constant 0 : i32
          %add3A_448 = arith.addi %mul3A_446, %add3A_447 : i32
          %get3A = arith.constant 1 : i32
          %get3A_449 = arith.index_cast %get3A : i32 to index
          %get3A_450 = arith.index_cast %scan3A_433 : i32 to index
          %get3A_451 = arith.index_cast %add3A_448 : i32 to index
          %get3A_452 = tpu.vector_load %arg7[%get3A_449, %get3A_450, %get3A_451] {strides = array<i32>} : memref<4x4x1024xf32, #tpu.memory_space<vmem>>, vector<1x1x16xf32>,
          %get3A_453 = vector.shape_cast %get3A_452 : vector<1x1x16xf32> to vector<16xf32>
          %mul3A_454 = arith.constant 4 : i32
          %mul3A_455 = arith.muli %scan3A_433, %mul3A_454 : i32
          %add3A_456 = arith.constant 0 : i32
          %add3A_457 = arith.addi %mul3A_455, %add3A_456 : i32
          %swap3A = arith.constant 1 : i32
          %swap3A_458 = arith.index_cast %swap3A : i32 to index
          %swap3A_459 = arith.index_cast %add3A_457 : i32 to index
          %swap3A_460 = arith.index_cast %add3A_448 : i32 to index
          %swap3A_461 = tpu.vector_load %arg6[%swap3A_458, %swap3A_459, %swap3A_460] {strides = array<i32>} : memref<4x16x1024xf32, #tpu.memory_space<vmem>>, vector<1x1x16xf32>,
          %swap3A_462 = vector.shape_cast %swap3A_461 : vector<1x1x16xf32> to vector<16xf32>
          %swap3A_463 = vector.shape_cast %get3A_453 : vector<16xf32> to vector<1x1x16xf32>
          tpu.vector_store %arg6[%swap3A_458, %swap3A_459, %swap3A_460], %swap3A_463 {add = true, strides = array<i32>} : memref<4x16x1024xf32, #tpu.memory_space<vmem>>, vector<1x1x16xf32>,
          %mul3A_464 = arith.constant 4 : i32
          %mul3A_465 = arith.muli %scan3A_433, %mul3A_464 : i32
          %add3A_466 = arith.constant 1 : i32
          %add3A_467 = arith.addi %mul3A_465, %add3A_466 : i32
          %swap3A_468 = arith.constant 1 : i32
          %swap3A_469 = arith.index_cast %swap3A_468 : i32 to index
          %swap3A_470 = arith.index_cast %add3A_467 : i32 to index
          %swap3A_471 = arith.index_cast %add3A_448 : i32 to index
          %swap3A_472 = tpu.vector_load %arg6[%swap3A_469, %swap3A_470, %swap3A_471] {strides = array<i32>} : memref<4x16x1024xf32, #tpu.memory_space<vmem>>, vector<1x1x16xf32>,
          %swap3A_473 = vector.shape_cast %swap3A_472 : vector<1x1x16xf32> to vector<16xf32>
          %swap3A_474 = vector.shape_cast %get3A_453 : vector<16xf32> to vector<1x1x16xf32>
          tpu.vector_store %arg6[%swap3A_469, %swap3A_470, %swap3A_471], %swap3A_474 {add = true, strides = array<i32>} : memref<4x16x1024xf32, #tpu.memory_space<vmem>>, vector<1x1x16xf32>,
          %mul3A_475 = arith.constant 4 : i32
          %mul3A_476 = arith.muli %scan3A_433, %mul3A_475 : i32
          %add3A_477 = arith.constant 2 : i32
          %add3A_478 = arith.addi %mul3A_476, %add3A_477 : i32
          %swap3A_479 = arith.constant 1 : i32
          %swap3A_480 = arith.index_cast %swap3A_479 : i32 to index
          %swap3A_481 = arith.index_cast %add3A_478 : i32 to index
          %swap3A_482 = arith.index_cast %add3A_448 : i32 to index
          %swap3A_483 = tpu.vector_load %arg6[%swap3A_480, %swap3A_481, %swap3A_482] {strides = array<i32>} : memref<4x16x1024xf32, #tpu.memory_space<vmem>>, vector<1x1x16xf32>,
          %swap3A_484 = vector.shape_cast %swap3A_483 : vector<1x1x16xf32> to vector<16xf32>
          %swap3A_485 = vector.shape_cast %get3A_453 : vector<16xf32> to vector<1x1x16xf32>
          tpu.vector_store %arg6[%swap3A_480, %swap3A_481, %swap3A_482], %swap3A_485 {add = true, strides = array<i32>} : memref<4x16x1024xf32, #tpu.memory_space<vmem>>, vector<1x1x16xf32>,
          %mul3A_486 = arith.constant 4 : i32
          %mul3A_487 = arith.muli %scan3A_433, %mul3A_486 : i32
          %add3A_488 = arith.constant 3 : i32
          %add3A_489 = arith.addi %mul3A_487, %add3A_488 : i32
          %swap3A_490 = arith.constant 1 : i32
          %swap3A_491 = arith.index_cast %swap3A_490 : i32 to index
          %swap3A_492 = arith.index_cast %add3A_489 : i32 to index
          %swap3A_493 = arith.index_cast %add3A_448 : i32 to index
          %swap3A_494 = tpu.vector_load %arg6[%swap3A_491, %swap3A_492, %swap3A_493] {strides = array<i32>} : memref<4x16x1024xf32, #tpu.memory_space<vmem>>, vector<1x1x16xf32>,
          %swap3A_495 = vector.shape_cast %swap3A_494 : vector<1x1x16xf32> to vector<16xf32>
          %swap3A_496 = vector.shape_cast %get3A_453 : vector<16xf32> to vector<1x1x16xf32>
          tpu.vector_store %arg6[%swap3A_491, %swap3A_492, %swap3A_493], %swap3A_496 {add = true, strides = array<i32>} : memref<4x16x1024xf32, #tpu.memory_space<vmem>>, vector<1x1x16xf32>,
          %add3A_497 = arith.constant 16 : i32
          %add3A_498 = arith.addi %mul3A_446, %add3A_497 : i32
          %get3A_499 = arith.constant 1 : i32
          %get3A_500 = arith.index_cast %get3A_499 : i32 to index
          %get3A_501 = arith.index_cast %scan3A_433 : i32 to index
          %get3A_502 = arith.index_cast %add3A_498 : i32 to index
          %get3A_503 = tpu.vector_load %arg7[%get3A_500, %get3A_501, %get3A_502] {strides = array<i32>} : memref<4x4x1024xf32, #tpu.memory_space<vmem>>, vector<1x1x16xf32>,
          %get3A_504 = vector.shape_cast %get3A_503 : vector<1x1x16xf32> to vector<16xf32>
          %mul3A_505 = arith.constant 4 : i32
          %mul3A_506 = arith.muli %scan3A_433, %mul3A_505 : i32
          %add3A_507 = arith.constant 0 : i32
          %add3A_508 = arith.addi %mul3A_506, %add3A_507 : i32
          %swap3A_509 = arith.constant 1 : i32
          %swap3A_510 = arith.index_cast %swap3A_509 : i32 to index
          %swap3A_511 = arith.index_cast %add3A_508 : i32 to index
          %swap3A_512 = arith.index_cast %add3A_498 : i32 to index
          %swap3A_513 = tpu.vector_load %arg6[%swap3A_510, %swap3A_511, %swap3A_512] {strides = array<i32>} : memref<4x16x1024xf32, #tpu.memory_space<vmem>>, vector<1x1x16xf32>,
          %swap3A_514 = vector.shape_cast %swap3A_513 : vector<1x1x16xf32> to vector<16xf32>
          %swap3A_515 = vector.shape_cast %get3A_504 : vector<16xf32> to vector<1x1x16xf32>
          tpu.vector_store %arg6[%swap3A_510, %swap3A_511, %swap3A_512], %swap3A_515 {add = true, strides = array<i32>} : memref<4x16x1024xf32, #tpu.memory_space<vmem>>, vector<1x1x16xf32>,
          %mul3A_516 = arith.constant 4 : i32
          %mul3A_517 = arith.muli %scan3A_433, %mul3A_516 : i32
          %add3A_518 = arith.constant 1 : i32
          %add3A_519 = arith.addi %mul3A_517, %add3A_518 : i32
          %swap3A_520 = arith.constant 1 : i32
          %swap3A_521 = arith.index_cast %swap3A_520 : i32 to index
          %swap3A_522 = arith.index_cast %add3A_519 : i32 to index
          %swap3A_523 = arith.index_cast %add3A_498 : i32 to index
          %swap3A_524 = tpu.vector_load %arg6[%swap3A_521, %swap3A_522, %swap3A_523] {strides = array<i32>} : memref<4x16x1024xf32, #tpu.memory_space<vmem>>, vector<1x1x16xf32>,
          %swap3A_525 = vector.shape_cast %swap3A_524 : vector<1x1x16xf32> to vector<16xf32>
          %swap3A_526 = vector.shape_cast %get3A_504 : vector<16xf32> to vector<1x1x16xf32>
          tpu.vector_store %arg6[%swap3A_521, %swap3A_522, %swap3A_523], %swap3A_526 {add = true, strides = array<i32>} : memref<4x16x1024xf32, #tpu.memory_space<vmem>>, vector<1x1x16xf32>,
          %mul3A_527 = arith.constant 4 : i32
          %mul3A_528 = arith.muli %scan3A_433, %mul3A_527 : i32
          %add3A_529 = arith.constant 2 : i32
          %add3A_530 = arith.addi %mul3A_528, %add3A_529 : i32
          %swap3A_531 = arith.constant 1 : i32
          %swap3A_532 = arith.index_cast %swap3A_531 : i32 to index
          %swap3A_533 = arith.index_cast %add3A_530 : i32 to index
          %swap3A_534 = arith.index_cast %add3A_498 : i32 to index
          %swap3A_535 = tpu.vector_load %arg6[%swap3A_532, %swap3A_533, %swap3A_534] {strides = array<i32>} : memref<4x16x1024xf32, #tpu.memory_space<vmem>>, vector<1x1x16xf32>,
          %swap3A_536 = vector.shape_cast %swap3A_535 : vector<1x1x16xf32> to vector<16xf32>
          %swap3A_537 = vector.shape_cast %get3A_504 : vector<16xf32> to vector<1x1x16xf32>
          tpu.vector_store %arg6[%swap3A_532, %swap3A_533, %swap3A_534], %swap3A_537 {add = true, strides = array<i32>} : memref<4x16x1024xf32, #tpu.memory_space<vmem>>, vector<1x1x16xf32>,
          %mul3A_538 = arith.constant 4 : i32
          %mul3A_539 = arith.muli %scan3A_433, %mul3A_538 : i32
          %add3A_540 = arith.constant 3 : i32
          %add3A_541 = arith.addi %mul3A_539, %add3A_540 : i32
          %swap3A_542 = arith.constant 1 : i32
          %swap3A_543 = arith.index_cast %swap3A_542 : i32 to index
          %swap3A_544 = arith.index_cast %add3A_541 : i32 to index
          %swap3A_545 = arith.index_cast %add3A_498 : i32 to index
          %swap3A_546 = tpu.vector_load %arg6[%swap3A_543, %swap3A_544, %swap3A_545] {strides = array<i32>} : memref<4x16x1024xf32, #tpu.memory_space<vmem>>, vector<1x1x16xf32>,
          %swap3A_547 = vector.shape_cast %swap3A_546 : vector<1x1x16xf32> to vector<16xf32>
          %swap3A_548 = vector.shape_cast %get3A_504 : vector<16xf32> to vector<1x1x16xf32>
          tpu.vector_store %arg6[%swap3A_543, %swap3A_544, %swap3A_545], %swap3A_548 {add = true, strides = array<i32>} : memref<4x16x1024xf32, #tpu.memory_space<vmem>>, vector<1x1x16xf32>,
          %add3A_549 = arith.constant 32 : i32
          %add3A_550 = arith.addi %mul3A_446, %add3A_549 : i32
          %get3A_551 = arith.constant 1 : i32
          %get3A_552 = arith.index_cast %get3A_551 : i32 to index
          %get3A_553 = arith.index_cast %scan3A_433 : i32 to index
          %get3A_554 = arith.index_cast %add3A_550 : i32 to index
          %get3A_555 = tpu.vector_load %arg7[%get3A_552, %get3A_553, %get3A_554] {strides = array<i32>} : memref<4x4x1024xf32, #tpu.memory_space<vmem>>, vector<1x1x16xf32>,
          %get3A_556 = vector.shape_cast %get3A_555 : vector<1x1x16xf32> to vector<16xf32>
          %mul3A_557 = arith.constant 4 : i32
          %mul3A_558 = arith.muli %scan3A_433, %mul3A_557 : i32
          %add3A_559 = arith.constant 0 : i32
          %add3A_560 = arith.addi %mul3A_558, %add3A_559 : i32
          %swap3A_561 = arith.constant 1 : i32
          %swap3A_562 = arith.index_cast %swap3A_561 : i32 to index
          %swap3A_563 = arith.index_cast %add3A_560 : i32 to index
          %swap3A_564 = arith.index_cast %add3A_550 : i32 to index
          %swap3A_565 = tpu.vector_load %arg6[%swap3A_562, %swap3A_563, %swap3A_564] {strides = array<i32>} : memref<4x16x1024xf32, #tpu.memory_space<vmem>>, vector<1x1x16xf32>,
          %swap3A_566 = vector.shape_cast %swap3A_565 : vector<1x1x16xf32> to vector<16xf32>
          %swap3A_567 = vector.shape_cast %get3A_556 : vector<16xf32> to vector<1x1x16xf32>
          tpu.vector_store %arg6[%swap3A_562, %swap3A_563, %swap3A_564], %swap3A_567 {add = true, strides = array<i32>} : memref<4x16x1024xf32, #tpu.memory_space<vmem>>, vector<1x1x16xf32>,
          %mul3A_568 = arith.constant 4 : i32
          %mul3A_569 = arith.muli %scan3A_433, %mul3A_568 : i32
          %add3A_570 = arith.constant 1 : i32
          %add3A_571 = arith.addi %mul3A_569, %add3A_570 : i32
          %swap3A_572 = arith.constant 1 : i32
          %swap3A_573 = arith.index_cast %swap3A_572 : i32 to index
          %swap3A_574 = arith.index_cast %add3A_571 : i32 to index
          %swap3A_575 = arith.index_cast %add3A_550 : i32 to index
          %swap3A_576 = tpu.vector_load %arg6[%swap3A_573, %swap3A_574, %swap3A_575] {strides = array<i32>} : memref<4x16x1024xf32, #tpu.memory_space<vmem>>, vector<1x1x16xf32>,
          %swap3A_577 = vector.shape_cast %swap3A_576 : vector<1x1x16xf32> to vector<16xf32>
          %swap3A_578 = vector.shape_cast %get3A_556 : vector<16xf32> to vector<1x1x16xf32>
          tpu.vector_store %arg6[%swap3A_573, %swap3A_574, %swap3A_575], %swap3A_578 {add = true, strides = array<i32>} : memref<4x16x1024xf32, #tpu.memory_space<vmem>>, vector<1x1x16xf32>,
          %mul3A_579 = arith.constant 4 : i32
          %mul3A_580 = arith.muli %scan3A_433, %mul3A_579 : i32
          %add3A_581 = arith.constant 2 : i32
          %add3A_582 = arith.addi %mul3A_580, %add3A_581 : i32
          %swap3A_583 = arith.constant 1 : i32
          %swap3A_584 = arith.index_cast %swap3A_583 : i32 to index
          %swap3A_585 = arith.index_cast %add3A_582 : i32 to index
          %swap3A_586 = arith.index_cast %add3A_550 : i32 to index
          %swap3A_587 = tpu.vector_load %arg6[%swap3A_584, %swap3A_585, %swap3A_586] {strides = array<i32>} : memref<4x16x1024xf32, #tpu.memory_space<vmem>>, vector<1x1x16xf32>,
          %swap3A_588 = vector.shape_cast %swap3A_587 : vector<1x1x16xf32> to vector<16xf32>
          %swap3A_589 = vector.shape_cast %get3A_556 : vector<16xf32> to vector<1x1x16xf32>
          tpu.vector_store %arg6[%swap3A_584, %swap3A_585, %swap3A_586], %swap3A_589 {add = true, strides = array<i32>} : memref<4x16x1024xf32, #tpu.memory_space<vmem>>, vector<1x1x16xf32>,
          %mul3A_590 = arith.constant 4 : i32
          %mul3A_591 = arith.muli %scan3A_433, %mul3A_590 : i32
          %add3A_592 = arith.constant 3 : i32
          %add3A_593 = arith.addi %mul3A_591, %add3A_592 : i32
          %swap3A_594 = arith.constant 1 : i32
          %swap3A_595 = arith.index_cast %swap3A_594 : i32 to index
          %swap3A_596 = arith.index_cast %add3A_593 : i32 to index
          %swap3A_597 = arith.index_cast %add3A_550 : i32 to index
          %swap3A_598 = tpu.vector_load %arg6[%swap3A_595, %swap3A_596, %swap3A_597] {strides = array<i32>} : memref<4x16x1024xf32, #tpu.memory_space<vmem>>, vector<1x1x16xf32>,
          %swap3A_599 = vector.shape_cast %swap3A_598 : vector<1x1x16xf32> to vector<16xf32>
          %swap3A_600 = vector.shape_cast %get3A_556 : vector<16xf32> to vector<1x1x16xf32>
          tpu.vector_store %arg6[%swap3A_595, %swap3A_596, %swap3A_597], %swap3A_600 {add = true, strides = array<i32>} : memref<4x16x1024xf32, #tpu.memory_space<vmem>>, vector<1x1x16xf32>,
          %add3A_601 = arith.constant 48 : i32
          %add3A_602 = arith.addi %mul3A_446, %add3A_601 : i32
          %get3A_603 = arith.constant 1 : i32
          %get3A_604 = arith.index_cast %get3A_603 : i32 to index
          %get3A_605 = arith.index_cast %scan3A_433 : i32 to index
          %get3A_606 = arith.index_cast %add3A_602 : i32 to index
          %get3A_607 = tpu.vector_load %arg7[%get3A_604, %get3A_605, %get3A_606] {strides = array<i32>} : memref<4x4x1024xf32, #tpu.memory_space<vmem>>, vector<1x1x16xf32>,
          %get3A_608 = vector.shape_cast %get3A_607 : vector<1x1x16xf32> to vector<16xf32>
          %mul3A_609 = arith.constant 4 : i32
          %mul3A_610 = arith.muli %scan3A_433, %mul3A_609 : i32
          %add3A_611 = arith.constant 0 : i32
          %add3A_612 = arith.addi %mul3A_610, %add3A_611 : i32
          %swap3A_613 = arith.constant 1 : i32
          %swap3A_614 = arith.index_cast %swap3A_613 : i32 to index
          %swap3A_615 = arith.index_cast %add3A_612 : i32 to index
          %swap3A_616 = arith.index_cast %add3A_602 : i32 to index
          %swap3A_617 = tpu.vector_load %arg6[%swap3A_614, %swap3A_615, %swap3A_616] {strides = array<i32>} : memref<4x16x1024xf32, #tpu.memory_space<vmem>>, vector<1x1x16xf32>,
          %swap3A_618 = vector.shape_cast %swap3A_617 : vector<1x1x16xf32> to vector<16xf32>
          %swap3A_619 = vector.shape_cast %get3A_608 : vector<16xf32> to vector<1x1x16xf32>
          tpu.vector_store %arg6[%swap3A_614, %swap3A_615, %swap3A_616], %swap3A_619 {add = true, strides = array<i32>} : memref<4x16x1024xf32, #tpu.memory_space<vmem>>, vector<1x1x16xf32>,
          %mul3A_620 = arith.constant 4 : i32
          %mul3A_621 = arith.muli %scan3A_433, %mul3A_620 : i32
          %add3A_622 = arith.constant 1 : i32
          %add3A_623 = arith.addi %mul3A_621, %add3A_622 : i32
          %swap3A_624 = arith.constant 1 : i32
          %swap3A_625 = arith.index_cast %swap3A_624 : i32 to index
          %swap3A_626 = arith.index_cast %add3A_623 : i32 to index
          %swap3A_627 = arith.index_cast %add3A_602 : i32 to index
          %swap3A_628 = tpu.vector_load %arg6[%swap3A_625, %swap3A_626, %swap3A_627] {strides = array<i32>} : memref<4x16x1024xf32, #tpu.memory_space<vmem>>, vector<1x1x16xf32>,
          %swap3A_629 = vector.shape_cast %swap3A_628 : vector<1x1x16xf32> to vector<16xf32>
          %swap3A_630 = vector.shape_cast %get3A_608 : vector<16xf32> to vector<1x1x16xf32>
          tpu.vector_store %arg6[%swap3A_625, %swap3A_626, %swap3A_627], %swap3A_630 {add = true, strides = array<i32>} : memref<4x16x1024xf32, #tpu.memory_space<vmem>>, vector<1x1x16xf32>,
          %mul3A_631 = arith.constant 4 : i32
          %mul3A_632 = arith.muli %scan3A_433, %mul3A_631 : i32
          %add3A_633 = arith.constant 2 : i32
          %add3A_634 = arith.addi %mul3A_632, %add3A_633 : i32
          %swap3A_635 = arith.constant 1 : i32
          %swap3A_636 = arith.index_cast %swap3A_635 : i32 to index
          %swap3A_637 = arith.index_cast %add3A_634 : i32 to index
          %swap3A_638 = arith.index_cast %add3A_602 : i32 to index
          %swap3A_639 = tpu.vector_load %arg6[%swap3A_636, %swap3A_637, %swap3A_638] {strides = array<i32>} : memref<4x16x1024xf32, #tpu.memory_space<vmem>>, vector<1x1x16xf32>,
          %swap3A_640 = vector.shape_cast %swap3A_639 : vector<1x1x16xf32> to vector<16xf32>
          %swap3A_641 = vector.shape_cast %get3A_608 : vector<16xf32> to vector<1x1x16xf32>
          tpu.vector_store %arg6[%swap3A_636, %swap3A_637, %swap3A_638], %swap3A_641 {add = true, strides = array<i32>} : memref<4x16x1024xf32, #tpu.memory_space<vmem>>, vector<1x1x16xf32>,
          %mul3A_642 = arith.constant 4 : i32
          %mul3A_643 = arith.muli %scan3A_433, %mul3A_642 : i32
          %add3A_644 = arith.constant 3 : i32
          %add3A_645 = arith.addi %mul3A_643, %add3A_644 : i32
          %swap3A_646 = arith.constant 1 : i32
          %swap3A_647 = arith.index_cast %swap3A_646 : i32 to index
          %swap3A_648 = arith.index_cast %add3A_645 : i32 to index
          %swap3A_649 = arith.index_cast %add3A_602 : i32 to index
          %swap3A_650 = tpu.vector_load %arg6[%swap3A_647, %swap3A_648, %swap3A_649] {strides = array<i32>} : memref<4x16x1024xf32, #tpu.memory_space<vmem>>, vector<1x1x16xf32>,
          %swap3A_651 = vector.shape_cast %swap3A_650 : vector<1x1x16xf32> to vector<16xf32>
          %swap3A_652 = vector.shape_cast %get3A_608 : vector<16xf32> to vector<1x1x16xf32>
          tpu.vector_store %arg6[%swap3A_647, %swap3A_648, %swap3A_649], %swap3A_652 {add = true, strides = array<i32>} : memref<4x16x1024xf32, #tpu.memory_space<vmem>>, vector<1x1x16xf32>,
          %add3A_653 = arith.constant 64 : i32
          %add3A_654 = arith.addi %mul3A_446, %add3A_653 : i32
          %get3A_655 = arith.constant 1 : i32
          %get3A_656 = arith.index_cast %get3A_655 : i32 to index
          %get3A_657 = arith.index_cast %scan3A_433 : i32 to index
          %get3A_658 = arith.index_cast %add3A_654 : i32 to index
          %get3A_659 = tpu.vector_load %arg7[%get3A_656, %get3A_657, %get3A_658] {strides = array<i32>} : memref<4x4x1024xf32, #tpu.memory_space<vmem>>, vector<1x1x16xf32>,
          %get3A_660 = vector.shape_cast %get3A_659 : vector<1x1x16xf32> to vector<16xf32>
          %mul3A_661 = arith.constant 4 : i32
          %mul3A_662 = arith.muli %scan3A_433, %mul3A_661 : i32
          %add3A_663 = arith.constant 0 : i32
          %add3A_664 = arith.addi %mul3A_662, %add3A_663 : i32
          %swap3A_665 = arith.constant 1 : i32
          %swap3A_666 = arith.index_cast %swap3A_665 : i32 to index
          %swap3A_667 = arith.index_cast %add3A_664 : i32 to index
          %swap3A_668 = arith.index_cast %add3A_654 : i32 to index
          %swap3A_669 = tpu.vector_load %arg6[%swap3A_666, %swap3A_667, %swap3A_668] {strides = array<i32>} : memref<4x16x1024xf32, #tpu.memory_space<vmem>>, vector<1x1x16xf32>,
          %swap3A_670 = vector.shape_cast %swap3A_669 : vector<1x1x16xf32> to vector<16xf32>
          %swap3A_671 = vector.shape_cast %get3A_660 : vector<16xf32> to vector<1x1x16xf32>
          tpu.vector_store %arg6[%swap3A_666, %swap3A_667, %swap3A_668], %swap3A_671 {add = true, strides = array<i32>} : memref<4x16x1024xf32, #tpu.memory_space<vmem>>, vector<1x1x16xf32>,
          %mul3A_672 = arith.constant 4 : i32
          %mul3A_673 = arith.muli %scan3A_433, %mul3A_672 : i32
          %add3A_674 = arith.constant 1 : i32
          %add3A_675 = arith.addi %mul3A_673, %add3A_674 : i32
          %swap3A_676 = arith.constant 1 : i32
          %swap3A_677 = arith.index_cast %swap3A_676 : i32 to index
          %swap3A_678 = arith.index_cast %add3A_675 : i32 to index
          %swap3A_679 = arith.index_cast %add3A_654 : i32 to index
          %swap3A_680 = tpu.vector_load %arg6[%swap3A_677, %swap3A_678, %swap3A_679] {strides = array<i32>} : memref<4x16x1024xf32, #tpu.memory_space<vmem>>, vector<1x1x16xf32>,
          %swap3A_681 = vector.shape_cast %swap3A_680 : vector<1x1x16xf32> to vector<16xf32>
          %swap3A_682 = vector.shape_cast %get3A_660 : vector<16xf32> to vector<1x1x16xf32>
          tpu.vector_store %arg6[%swap3A_677, %swap3A_678, %swap3A_679], %swap3A_682 {add = true, strides = array<i32>} : memref<4x16x1024xf32, #tpu.memory_space<vmem>>, vector<1x1x16xf32>,
          %mul3A_683 = arith.constant 4 : i32
          %mul3A_684 = arith.muli %scan3A_433, %mul3A_683 : i32
          %add3A_685 = arith.constant 2 : i32
          %add3A_686 = arith.addi %mul3A_684, %add3A_685 : i32
          %swap3A_687 = arith.constant 1 : i32
          %swap3A_688 = arith.index_cast %swap3A_687 : i32 to index
          %swap3A_689 = arith.index_cast %add3A_686 : i32 to index
          %swap3A_690 = arith.index_cast %add3A_654 : i32 to index
          %swap3A_691 = tpu.vector_load %arg6[%swap3A_688, %swap3A_689, %swap3A_690] {strides = array<i32>} : memref<4x16x1024xf32, #tpu.memory_space<vmem>>, vector<1x1x16xf32>,
          %swap3A_692 = vector.shape_cast %swap3A_691 : vector<1x1x16xf32> to vector<16xf32>
          %swap3A_693 = vector.shape_cast %get3A_660 : vector<16xf32> to vector<1x1x16xf32>
          tpu.vector_store %arg6[%swap3A_688, %swap3A_689, %swap3A_690], %swap3A_693 {add = true, strides = array<i32>} : memref<4x16x1024xf32, #tpu.memory_space<vmem>>, vector<1x1x16xf32>,
          %mul3A_694 = arith.constant 4 : i32
          %mul3A_695 = arith.muli %scan3A_433, %mul3A_694 : i32
          %add3A_696 = arith.constant 3 : i32
          %add3A_697 = arith.addi %mul3A_695, %add3A_696 : i32
          %swap3A_698 = arith.constant 1 : i32
          %swap3A_699 = arith.index_cast %swap3A_698 : i32 to index
          %swap3A_700 = arith.index_cast %add3A_697 : i32 to index
          %swap3A_701 = arith.index_cast %add3A_654 : i32 to index
          %swap3A_702 = tpu.vector_load %arg6[%swap3A_699, %swap3A_700, %swap3A_701] {strides = array<i32>} : memref<4x16x1024xf32, #tpu.memory_space<vmem>>, vector<1x1x16xf32>,
          %swap3A_703 = vector.shape_cast %swap3A_702 : vector<1x1x16xf32> to vector<16xf32>
          %swap3A_704 = vector.shape_cast %get3A_660 : vector<16xf32> to vector<1x1x16xf32>
          tpu.vector_store %arg6[%swap3A_699, %swap3A_700, %swap3A_701], %swap3A_704 {add = true, strides = array<i32>} : memref<4x16x1024xf32, #tpu.memory_space<vmem>>, vector<1x1x16xf32>,
          %add3A_705 = arith.constant 80 : i32
          %add3A_706 = arith.addi %mul3A_446, %add3A_705 : i32
          %get3A_707 = arith.constant 1 : i32
          %get3A_708 = arith.index_cast %get3A_707 : i32 to index
          %get3A_709 = arith.index_cast %scan3A_433 : i32 to index
          %get3A_710 = arith.index_cast %add3A_706 : i32 to index
          %get3A_711 = tpu.vector_load %arg7[%get3A_708, %get3A_709, %get3A_710] {strides = array<i32>} : memref<4x4x1024xf32, #tpu.memory_space<vmem>>, vector<1x1x16xf32>,
          %get3A_712 = vector.shape_cast %get3A_711 : vector<1x1x16xf32> to vector<16xf32>
          %mul3A_713 = arith.constant 4 : i32
          %mul3A_714 = arith.muli %scan3A_433, %mul3A_713 : i32
          %add3A_715 = arith.constant 0 : i32
          %add3A_716 = arith.addi %mul3A_714, %add3A_715 : i32
          %swap3A_717 = arith.constant 1 : i32
          %swap3A_718 = arith.index_cast %swap3A_717 : i32 to index
          %swap3A_719 = arith.index_cast %add3A_716 : i32 to index
          %swap3A_720 = arith.index_cast %add3A_706 : i32 to index
          %swap3A_721 = tpu.vector_load %arg6[%swap3A_718, %swap3A_719, %swap3A_720] {strides = array<i32>} : memref<4x16x1024xf32, #tpu.memory_space<vmem>>, vector<1x1x16xf32>,
          %swap3A_722 = vector.shape_cast %swap3A_721 : vector<1x1x16xf32> to vector<16xf32>
          %swap3A_723 = vector.shape_cast %get3A_712 : vector<16xf32> to vector<1x1x16xf32>
          tpu.vector_store %arg6[%swap3A_718, %swap3A_719, %swap3A_720], %swap3A_723 {add = true, strides = array<i32>} : memref<4x16x1024xf32, #tpu.memory_space<vmem>>, vector<1x1x16xf32>,
          %mul3A_724 = arith.constant 4 : i32
          %mul3A_725 = arith.muli %scan3A_433, %mul3A_724 : i32
          %add3A_726 = arith.constant 1 : i32
          %add3A_727 = arith.addi %mul3A_725, %add3A_726 : i32
          %swap3A_728 = arith.constant 1 : i32
          %swap3A_729 = arith.index_cast %swap3A_728 : i32 to index
          %swap3A_730 = arith.index_cast %add3A_727 : i32 to index
          %swap3A_731 = arith.index_cast %add3A_706 : i32 to index
          %swap3A_732 = tpu.vector_load %arg6[%swap3A_729, %swap3A_730, %swap3A_731] {strides = array<i32>} : memref<4x16x1024xf32, #tpu.memory_space<vmem>>, vector<1x1x16xf32>,
          %swap3A_733 = vector.shape_cast %swap3A_732 : vector<1x1x16xf32> to vector<16xf32>
          %swap3A_734 = vector.shape_cast %get3A_712 : vector<16xf32> to vector<1x1x16xf32>
          tpu.vector_store %arg6[%swap3A_729, %swap3A_730, %swap3A_731], %swap3A_734 {add = true, strides = array<i32>} : memref<4x16x1024xf32, #tpu.memory_space<vmem>>, vector<1x1x16xf32>,
          %mul3A_735 = arith.constant 4 : i32
          %mul3A_736 = arith.muli %scan3A_433, %mul3A_735 : i32
          %add3A_737 = arith.constant 2 : i32
          %add3A_738 = arith.addi %mul3A_736, %add3A_737 : i32
          %swap3A_739 = arith.constant 1 : i32
          %swap3A_740 = arith.index_cast %swap3A_739 : i32 to index
          %swap3A_741 = arith.index_cast %add3A_738 : i32 to index
          %swap3A_742 = arith.index_cast %add3A_706 : i32 to index
          %swap3A_743 = tpu.vector_load %arg6[%swap3A_740, %swap3A_741, %swap3A_742] {strides = array<i32>} : memref<4x16x1024xf32, #tpu.memory_space<vmem>>, vector<1x1x16xf32>,
          %swap3A_744 = vector.shape_cast %swap3A_743 : vector<1x1x16xf32> to vector<16xf32>
          %swap3A_745 = vector.shape_cast %get3A_712 : vector<16xf32> to vector<1x1x16xf32>
          tpu.vector_store %arg6[%swap3A_740, %swap3A_741, %swap3A_742], %swap3A_745 {add = true, strides = array<i32>} : memref<4x16x1024xf32, #tpu.memory_space<vmem>>, vector<1x1x16xf32>,
          %mul3A_746 = arith.constant 4 : i32
          %mul3A_747 = arith.muli %scan3A_433, %mul3A_746 : i32
          %add3A_748 = arith.constant 3 : i32
          %add3A_749 = arith.addi %mul3A_747, %add3A_748 : i32
          %swap3A_750 = arith.constant 1 : i32
          %swap3A_751 = arith.index_cast %swap3A_750 : i32 to index
          %swap3A_752 = arith.index_cast %add3A_749 : i32 to index
          %swap3A_753 = arith.index_cast %add3A_706 : i32 to index
          %swap3A_754 = tpu.vector_load %arg6[%swap3A_751, %swap3A_752, %swap3A_753] {strides = array<i32>} : memref<4x16x1024xf32, #tpu.memory_space<vmem>>, vector<1x1x16xf32>,
          %swap3A_755 = vector.shape_cast %swap3A_754 : vector<1x1x16xf32> to vector<16xf32>
          %swap3A_756 = vector.shape_cast %get3A_712 : vector<16xf32> to vector<1x1x16xf32>
          tpu.vector_store %arg6[%swap3A_751, %swap3A_752, %swap3A_753], %swap3A_756 {add = true, strides = array<i32>} : memref<4x16x1024xf32, #tpu.memory_space<vmem>>, vector<1x1x16xf32>,
          %add3A_757 = arith.constant 96 : i32
          %add3A_758 = arith.addi %mul3A_446, %add3A_757 : i32
          %get3A_759 = arith.constant 1 : i32
          %get3A_760 = arith.index_cast %get3A_759 : i32 to index
          %get3A_761 = arith.index_cast %scan3A_433 : i32 to index
          %get3A_762 = arith.index_cast %add3A_758 : i32 to index
          %get3A_763 = tpu.vector_load %arg7[%get3A_760, %get3A_761, %get3A_762] {strides = array<i32>} : memref<4x4x1024xf32, #tpu.memory_space<vmem>>, vector<1x1x16xf32>,
          %get3A_764 = vector.shape_cast %get3A_763 : vector<1x1x16xf32> to vector<16xf32>
          %mul3A_765 = arith.constant 4 : i32
          %mul3A_766 = arith.muli %scan3A_433, %mul3A_765 : i32
          %add3A_767 = arith.constant 0 : i32
          %add3A_768 = arith.addi %mul3A_766, %add3A_767 : i32
          %swap3A_769 = arith.constant 1 : i32
          %swap3A_770 = arith.index_cast %swap3A_769 : i32 to index
          %swap3A_771 = arith.index_cast %add3A_768 : i32 to index
          %swap3A_772 = arith.index_cast %add3A_758 : i32 to index
          %swap3A_773 = tpu.vector_load %arg6[%swap3A_770, %swap3A_771, %swap3A_772] {strides = array<i32>} : memref<4x16x1024xf32, #tpu.memory_space<vmem>>, vector<1x1x16xf32>,
          %swap3A_774 = vector.shape_cast %swap3A_773 : vector<1x1x16xf32> to vector<16xf32>
          %swap3A_775 = vector.shape_cast %get3A_764 : vector<16xf32> to vector<1x1x16xf32>
          tpu.vector_store %arg6[%swap3A_770, %swap3A_771, %swap3A_772], %swap3A_775 {add = true, strides = array<i32>} : memref<4x16x1024xf32, #tpu.memory_space<vmem>>, vector<1x1x16xf32>,
          %mul3A_776 = arith.constant 4 : i32
          %mul3A_777 = arith.muli %scan3A_433, %mul3A_776 : i32
          %add3A_778 = arith.constant 1 : i32
          %add3A_779 = arith.addi %mul3A_777, %add3A_778 : i32
          %swap3A_780 = arith.constant 1 : i32
          %swap3A_781 = arith.index_cast %swap3A_780 : i32 to index
          %swap3A_782 = arith.index_cast %add3A_779 : i32 to index
          %swap3A_783 = arith.index_cast %add3A_758 : i32 to index
          %swap3A_784 = tpu.vector_load %arg6[%swap3A_781, %swap3A_782, %swap3A_783] {strides = array<i32>} : memref<4x16x1024xf32, #tpu.memory_space<vmem>>, vector<1x1x16xf32>,
          %swap3A_785 = vector.shape_cast %swap3A_784 : vector<1x1x16xf32> to vector<16xf32>
          %swap3A_786 = vector.shape_cast %get3A_764 : vector<16xf32> to vector<1x1x16xf32>
          tpu.vector_store %arg6[%swap3A_781, %swap3A_782, %swap3A_783], %swap3A_786 {add = true, strides = array<i32>} : memref<4x16x1024xf32, #tpu.memory_space<vmem>>, vector<1x1x16xf32>,
          %mul3A_787 = arith.constant 4 : i32
          %mul3A_788 = arith.muli %scan3A_433, %mul3A_787 : i32
          %add3A_789 = arith.constant 2 : i32
          %add3A_790 = arith.addi %mul3A_788, %add3A_789 : i32
          %swap3A_791 = arith.constant 1 : i32
          %swap3A_792 = arith.index_cast %swap3A_791 : i32 to index
          %swap3A_793 = arith.index_cast %add3A_790 : i32 to index
          %swap3A_794 = arith.index_cast %add3A_758 : i32 to index
          %swap3A_795 = tpu.vector_load %arg6[%swap3A_792, %swap3A_793, %swap3A_794] {strides = array<i32>} : memref<4x16x1024xf32, #tpu.memory_space<vmem>>, vector<1x1x16xf32>,
          %swap3A_796 = vector.shape_cast %swap3A_795 : vector<1x1x16xf32> to vector<16xf32>
          %swap3A_797 = vector.shape_cast %get3A_764 : vector<16xf32> to vector<1x1x16xf32>
          tpu.vector_store %arg6[%swap3A_792, %swap3A_793, %swap3A_794], %swap3A_797 {add = true, strides = array<i32>} : memref<4x16x1024xf32, #tpu.memory_space<vmem>>, vector<1x1x16xf32>,
          %mul3A_798 = arith.constant 4 : i32
          %mul3A_799 = arith.muli %scan3A_433, %mul3A_798 : i32
          %add3A_800 = arith.constant 3 : i32
          %add3A_801 = arith.addi %mul3A_799, %add3A_800 : i32
          %swap3A_802 = arith.constant 1 : i32
          %swap3A_803 = arith.index_cast %swap3A_802 : i32 to index
          %swap3A_804 = arith.index_cast %add3A_801 : i32 to index
          %swap3A_805 = arith.index_cast %add3A_758 : i32 to index
          %swap3A_806 = tpu.vector_load %arg6[%swap3A_803, %swap3A_804, %swap3A_805] {strides = array<i32>} : memref<4x16x1024xf32, #tpu.memory_space<vmem>>, vector<1x1x16xf32>,
          %swap3A_807 = vector.shape_cast %swap3A_806 : vector<1x1x16xf32> to vector<16xf32>
          %swap3A_808 = vector.shape_cast %get3A_764 : vector<16xf32> to vector<1x1x16xf32>
          tpu.vector_store %arg6[%swap3A_803, %swap3A_804, %swap3A_805], %swap3A_808 {add = true, strides = array<i32>} : memref<4x16x1024xf32, #tpu.memory_space<vmem>>, vector<1x1x16xf32>,
          %add3A_809 = arith.constant 112 : i32
          %add3A_810 = arith.addi %mul3A_446, %add3A_809 : i32
          %get3A_811 = arith.constant 1 : i32
          %get3A_812 = arith.index_cast %get3A_811 : i32 to index
          %get3A_813 = arith.index_cast %scan3A_433 : i32 to index
          %get3A_814 = arith.index_cast %add3A_810 : i32 to index
          %get3A_815 = tpu.vector_load %arg7[%get3A_812, %get3A_813, %get3A_814] {strides = array<i32>} : memref<4x4x1024xf32, #tpu.memory_space<vmem>>, vector<1x1x16xf32>,
          %get3A_816 = vector.shape_cast %get3A_815 : vector<1x1x16xf32> to vector<16xf32>
          %mul3A_817 = arith.constant 4 : i32
          %mul3A_818 = arith.muli %scan3A_433, %mul3A_817 : i32
          %add3A_819 = arith.constant 0 : i32
          %add3A_820 = arith.addi %mul3A_818, %add3A_819 : i32
          %swap3A_821 = arith.constant 1 : i32
          %swap3A_822 = arith.index_cast %swap3A_821 : i32 to index
          %swap3A_823 = arith.index_cast %add3A_820 : i32 to index
          %swap3A_824 = arith.index_cast %add3A_810 : i32 to index
          %swap3A_825 = tpu.vector_load %arg6[%swap3A_822, %swap3A_823, %swap3A_824] {strides = array<i32>} : memref<4x16x1024xf32, #tpu.memory_space<vmem>>, vector<1x1x16xf32>,
          %swap3A_826 = vector.shape_cast %swap3A_825 : vector<1x1x16xf32> to vector<16xf32>
          %swap3A_827 = vector.shape_cast %get3A_816 : vector<16xf32> to vector<1x1x16xf32>
          tpu.vector_store %arg6[%swap3A_822, %swap3A_823, %swap3A_824], %swap3A_827 {add = true, strides = array<i32>} : memref<4x16x1024xf32, #tpu.memory_space<vmem>>, vector<1x1x16xf32>,
          %mul3A_828 = arith.constant 4 : i32
          %mul3A_829 = arith.muli %scan3A_433, %mul3A_828 : i32
          %add3A_830 = arith.constant 1 : i32
          %add3A_831 = arith.addi %mul3A_829, %add3A_830 : i32
          %swap3A_832 = arith.constant 1 : i32
          %swap3A_833 = arith.index_cast %swap3A_832 : i32 to index
          %swap3A_834 = arith.index_cast %add3A_831 : i32 to index
          %swap3A_835 = arith.index_cast %add3A_810 : i32 to index
          %swap3A_836 = tpu.vector_load %arg6[%swap3A_833, %swap3A_834, %swap3A_835] {strides = array<i32>} : memref<4x16x1024xf32, #tpu.memory_space<vmem>>, vector<1x1x16xf32>,
          %swap3A_837 = vector.shape_cast %swap3A_836 : vector<1x1x16xf32> to vector<16xf32>
          %swap3A_838 = vector.shape_cast %get3A_816 : vector<16xf32> to vector<1x1x16xf32>
          tpu.vector_store %arg6[%swap3A_833, %swap3A_834, %swap3A_835], %swap3A_838 {add = true, strides = array<i32>} : memref<4x16x1024xf32, #tpu.memory_space<vmem>>, vector<1x1x16xf32>,
          %mul3A_839 = arith.constant 4 : i32
          %mul3A_840 = arith.muli %scan3A_433, %mul3A_839 : i32
          %add3A_841 = arith.constant 2 : i32
          %add3A_842 = arith.addi %mul3A_840, %add3A_841 : i32
          %swap3A_843 = arith.constant 1 : i32
          %swap3A_844 = arith.index_cast %swap3A_843 : i32 to index
          %swap3A_845 = arith.index_cast %add3A_842 : i32 to index
          %swap3A_846 = arith.index_cast %add3A_810 : i32 to index
          %swap3A_847 = tpu.vector_load %arg6[%swap3A_844, %swap3A_845, %swap3A_846] {strides = array<i32>} : memref<4x16x1024xf32, #tpu.memory_space<vmem>>, vector<1x1x16xf32>,
          %swap3A_848 = vector.shape_cast %swap3A_847 : vector<1x1x16xf32> to vector<16xf32>
          %swap3A_849 = vector.shape_cast %get3A_816 : vector<16xf32> to vector<1x1x16xf32>
          tpu.vector_store %arg6[%swap3A_844, %swap3A_845, %swap3A_846], %swap3A_849 {add = true, strides = array<i32>} : memref<4x16x1024xf32, #tpu.memory_space<vmem>>, vector<1x1x16xf32>,
          %mul3A_850 = arith.constant 4 : i32
          %mul3A_851 = arith.muli %scan3A_433, %mul3A_850 : i32
          %add3A_852 = arith.constant 3 : i32
          %add3A_853 = arith.addi %mul3A_851, %add3A_852 : i32
          %swap3A_854 = arith.constant 1 : i32
          %swap3A_855 = arith.index_cast %swap3A_854 : i32 to index
          %swap3A_856 = arith.index_cast %add3A_853 : i32 to index
          %swap3A_857 = arith.index_cast %add3A_810 : i32 to index
          %swap3A_858 = tpu.vector_load %arg6[%swap3A_855, %swap3A_856, %swap3A_857] {strides = array<i32>} : memref<4x16x1024xf32, #tpu.memory_space<vmem>>, vector<1x1x16xf32>,
          %swap3A_859 = vector.shape_cast %swap3A_858 : vector<1x1x16xf32> to vector<16xf32>
          %swap3A_860 = vector.shape_cast %get3A_816 : vector<16xf32> to vector<1x1x16xf32>
          tpu.vector_store %arg6[%swap3A_855, %swap3A_856, %swap3A_857], %swap3A_860 {add = true, strides = array<i32>} : memref<4x16x1024xf32, #tpu.memory_space<vmem>>, vector<1x1x16xf32>,
          %add3A_861 = arith.constant 128 : i32
          %add3A_862 = arith.addi %mul3A_446, %add3A_861 : i32
          %get3A_863 = arith.constant 1 : i32
          %get3A_864 = arith.index_cast %get3A_863 : i32 to index
          %get3A_865 = arith.index_cast %scan3A_433 : i32 to index
          %get3A_866 = arith.index_cast %add3A_862 : i32 to index
          %get3A_867 = tpu.vector_load %arg7[%get3A_864, %get3A_865, %get3A_866] {strides = array<i32>} : memref<4x4x1024xf32, #tpu.memory_space<vmem>>, vector<1x1x16xf32>,
          %get3A_868 = vector.shape_cast %get3A_867 : vector<1x1x16xf32> to vector<16xf32>
          %mul3A_869 = arith.constant 4 : i32
          %mul3A_870 = arith.muli %scan3A_433, %mul3A_869 : i32
          %add3A_871 = arith.constant 0 : i32
          %add3A_872 = arith.addi %mul3A_870, %add3A_871 : i32
          %swap3A_873 = arith.constant 1 : i32
          %swap3A_874 = arith.index_cast %swap3A_873 : i32 to index
          %swap3A_875 = arith.index_cast %add3A_872 : i32 to index
          %swap3A_876 = arith.index_cast %add3A_862 : i32 to index
          %swap3A_877 = tpu.vector_load %arg6[%swap3A_874, %swap3A_875, %swap3A_876] {strides = array<i32>} : memref<4x16x1024xf32, #tpu.memory_space<vmem>>, vector<1x1x16xf32>,
          %swap3A_878 = vector.shape_cast %swap3A_877 : vector<1x1x16xf32> to vector<16xf32>
          %swap3A_879 = vector.shape_cast %get3A_868 : vector<16xf32> to vector<1x1x16xf32>
          tpu.vector_store %arg6[%swap3A_874, %swap3A_875, %swap3A_876], %swap3A_879 {add = true, strides = array<i32>} : memref<4x16x1024xf32, #tpu.memory_space<vmem>>, vector<1x1x16xf32>,
          %mul3A_880 = arith.constant 4 : i32
          %mul3A_881 = arith.muli %scan3A_433, %mul3A_880 : i32
          %add3A_882 = arith.constant 1 : i32
          %add3A_883 = arith.addi %mul3A_881, %add3A_882 : i32
          %swap3A_884 = arith.constant 1 : i32
          %swap3A_885 = arith.index_cast %swap3A_884 : i32 to index
          %swap3A_886 = arith.index_cast %add3A_883 : i32 to index
          %swap3A_887 = arith.index_cast %add3A_862 : i32 to index
          %swap3A_888 = tpu.vector_load %arg6[%swap3A_885, %swap3A_886, %swap3A_887] {strides = array<i32>} : memref<4x16x1024xf32, #tpu.memory_space<vmem>>, vector<1x1x16xf32>,
          %swap3A_889 = vector.shape_cast %swap3A_888 : vector<1x1x16xf32> to vector<16xf32>
          %swap3A_890 = vector.shape_cast %get3A_868 : vector<16xf32> to vector<1x1x16xf32>
          tpu.vector_store %arg6[%swap3A_885, %swap3A_886, %swap3A_887], %swap3A_890 {add = true, strides = array<i32>} : memref<4x16x1024xf32, #tpu.memory_space<vmem>>, vector<1x1x16xf32>,
          %mul3A_891 = arith.constant 4 : i32
          %mul3A_892 = arith.muli %scan3A_433, %mul3A_891 : i32
          %add3A_893 = arith.constant 2 : i32
          %add3A_894 = arith.addi %mul3A_892, %add3A_893 : i32
          %swap3A_895 = arith.constant 1 : i32
          %swap3A_896 = arith.index_cast %swap3A_895 : i32 to index
          %swap3A_897 = arith.index_cast %add3A_894 : i32 to index
          %swap3A_898 = arith.index_cast %add3A_862 : i32 to index
          %swap3A_899 = tpu.vector_load %arg6[%swap3A_896, %swap3A_897, %swap3A_898] {strides = array<i32>} : memref<4x16x1024xf32, #tpu.memory_space<vmem>>, vector<1x1x16xf32>,
          %swap3A_900 = vector.shape_cast %swap3A_899 : vector<1x1x16xf32> to vector<16xf32>
          %swap3A_901 = vector.shape_cast %get3A_868 : vector<16xf32> to vector<1x1x16xf32>
          tpu.vector_store %arg6[%swap3A_896, %swap3A_897, %swap3A_898], %swap3A_901 {add = true, strides = array<i32>} : memref<4x16x1024xf32, #tpu.memory_space<vmem>>, vector<1x1x16xf32>,
          %mul3A_902 = arith.constant 4 : i32
          %mul3A_903 = arith.muli %scan3A_433, %mul3A_902 : i32
          %add3A_904 = arith.constant 3 : i32
          %add3A_905 = arith.addi %mul3A_903, %add3A_904 : i32
          %swap3A_906 = arith.constant 1 : i32
          %swap3A_907 = arith.index_cast %swap3A_906 : i32 to index
          %swap3A_908 = arith.index_cast %add3A_905 : i32 to index
          %swap3A_909 = arith.index_cast %add3A_862 : i32 to index
          %swap3A_910 = tpu.vector_load %arg6[%swap3A_907, %swap3A_908, %swap3A_909] {strides = array<i32>} : memref<4x16x1024xf32, #tpu.memory_space<vmem>>, vector<1x1x16xf32>,
          %swap3A_911 = vector.shape_cast %swap3A_910 : vector<1x1x16xf32> to vector<16xf32>
          %swap3A_912 = vector.shape_cast %get3A_868 : vector<16xf32> to vector<1x1x16xf32>
          tpu.vector_store %arg6[%swap3A_907, %swap3A_908, %swap3A_909], %swap3A_912 {add = true, strides = array<i32>} : memref<4x16x1024xf32, #tpu.memory_space<vmem>>, vector<1x1x16xf32>,
          %add3A_913 = arith.constant 144 : i32
          %add3A_914 = arith.addi %mul3A_446, %add3A_913 : i32
          %get3A_915 = arith.constant 1 : i32
          %get3A_916 = arith.index_cast %get3A_915 : i32 to index
          %get3A_917 = arith.index_cast %scan3A_433 : i32 to index
          %get3A_918 = arith.index_cast %add3A_914 : i32 to index
          %get3A_919 = tpu.vector_load %arg7[%get3A_916, %get3A_917, %get3A_918] {strides = array<i32>} : memref<4x4x1024xf32, #tpu.memory_space<vmem>>, vector<1x1x16xf32>,
          %get3A_920 = vector.shape_cast %get3A_919 : vector<1x1x16xf32> to vector<16xf32>
          %mul3A_921 = arith.constant 4 : i32
          %mul3A_922 = arith.muli %scan3A_433, %mul3A_921 : i32
          %add3A_923 = arith.constant 0 : i32
          %add3A_924 = arith.addi %mul3A_922, %add3A_923 : i32
          %swap3A_925 = arith.constant 1 : i32
          %swap3A_926 = arith.index_cast %swap3A_925 : i32 to index
          %swap3A_927 = arith.index_cast %add3A_924 : i32 to index
          %swap3A_928 = arith.index_cast %add3A_914 : i32 to index
          %swap3A_929 = tpu.vector_load %arg6[%swap3A_926, %swap3A_927, %swap3A_928] {strides = array<i32>} : memref<4x16x1024xf32, #tpu.memory_space<vmem>>, vector<1x1x16xf32>,
          %swap3A_930 = vector.shape_cast %swap3A_929 : vector<1x1x16xf32> to vector<16xf32>
          %swap3A_931 = vector.shape_cast %get3A_920 : vector<16xf32> to vector<1x1x16xf32>
          tpu.vector_store %arg6[%swap3A_926, %swap3A_927, %swap3A_928], %swap3A_931 {add = true, strides = array<i32>} : memref<4x16x1024xf32, #tpu.memory_space<vmem>>, vector<1x1x16xf32>,
          %mul3A_932 = arith.constant 4 : i32
          %mul3A_933 = arith.muli %scan3A_433, %mul3A_932 : i32
          %add3A_934 = arith.constant 1 : i32
          %add3A_935 = arith.addi %mul3A_933, %add3A_934 : i32
          %swap3A_936 = arith.constant 1 : i32
          %swap3A_937 = arith.index_cast %swap3A_936 : i32 to index
          %swap3A_938 = arith.index_cast %add3A_935 : i32 to index
          %swap3A_939 = arith.index_cast %add3A_914 : i32 to index
          %swap3A_940 = tpu.vector_load %arg6[%swap3A_937, %swap3A_938, %swap3A_939] {strides = array<i32>} : memref<4x16x1024xf32, #tpu.memory_space<vmem>>, vector<1x1x16xf32>,
          %swap3A_941 = vector.shape_cast %swap3A_940 : vector<1x1x16xf32> to vector<16xf32>
          %swap3A_942 = vector.shape_cast %get3A_920 : vector<16xf32> to vector<1x1x16xf32>
          tpu.vector_store %arg6[%swap3A_937, %swap3A_938, %swap3A_939], %swap3A_942 {add = true, strides = array<i32>} : memref<4x16x1024xf32, #tpu.memory_space<vmem>>, vector<1x1x16xf32>,
          %mul3A_943 = arith.constant 4 : i32
          %mul3A_944 = arith.muli %scan3A_433, %mul3A_943 : i32
          %add3A_945 = arith.constant 2 : i32
          %add3A_946 = arith.addi %mul3A_944, %add3A_945 : i32
          %swap3A_947 = arith.constant 1 : i32
          %swap3A_948 = arith.index_cast %swap3A_947 : i32 to index
          %swap3A_949 = arith.index_cast %add3A_946 : i32 to index
          %swap3A_950 = arith.index_cast %add3A_914 : i32 to index
          %swap3A_951 = tpu.vector_load %arg6[%swap3A_948, %swap3A_949, %swap3A_950] {strides = array<i32>} : memref<4x16x1024xf32, #tpu.memory_space<vmem>>, vector<1x1x16xf32>,
          %swap3A_952 = vector.shape_cast %swap3A_951 : vector<1x1x16xf32> to vector<16xf32>
          %swap3A_953 = vector.shape_cast %get3A_920 : vector<16xf32> to vector<1x1x16xf32>
          tpu.vector_store %arg6[%swap3A_948, %swap3A_949, %swap3A_950], %swap3A_953 {add = true, strides = array<i32>} : memref<4x16x1024xf32, #tpu.memory_space<vmem>>, vector<1x1x16xf32>,
          %mul3A_954 = arith.constant 4 : i32
          %mul3A_955 = arith.muli %scan3A_433, %mul3A_954 : i32
          %add3A_956 = arith.constant 3 : i32
          %add3A_957 = arith.addi %mul3A_955, %add3A_956 : i32
          %swap3A_958 = arith.constant 1 : i32
          %swap3A_959 = arith.index_cast %swap3A_958 : i32 to index
          %swap3A_960 = arith.index_cast %add3A_957 : i32 to index
          %swap3A_961 = arith.index_cast %add3A_914 : i32 to index
          %swap3A_962 = tpu.vector_load %arg6[%swap3A_959, %swap3A_960, %swap3A_961] {strides = array<i32>} : memref<4x16x1024xf32, #tpu.memory_space<vmem>>, vector<1x1x16xf32>,
          %swap3A_963 = vector.shape_cast %swap3A_962 : vector<1x1x16xf32> to vector<16xf32>
          %swap3A_964 = vector.shape_cast %get3A_920 : vector<16xf32> to vector<1x1x16xf32>
          tpu.vector_store %arg6[%swap3A_959, %swap3A_960, %swap3A_961], %swap3A_964 {add = true, strides = array<i32>} : memref<4x16x1024xf32, #tpu.memory_space<vmem>>, vector<1x1x16xf32>,
          %add3A_965 = arith.constant 160 : i32
          %add3A_966 = arith.addi %mul3A_446, %add3A_965 : i32
          %get3A_967 = arith.constant 1 : i32
          %get3A_968 = arith.index_cast %get3A_967 : i32 to index
          %get3A_969 = arith.index_cast %scan3A_433 : i32 to index
          %get3A_970 = arith.index_cast %add3A_966 : i32 to index
          %get3A_971 = tpu.vector_load %arg7[%get3A_968, %get3A_969, %get3A_970] {strides = array<i32>} : memref<4x4x1024xf32, #tpu.memory_space<vmem>>, vector<1x1x16xf32>,
          %get3A_972 = vector.shape_cast %get3A_971 : vector<1x1x16xf32> to vector<16xf32>
          %mul3A_973 = arith.constant 4 : i32
          %mul3A_974 = arith.muli %scan3A_433, %mul3A_973 : i32
          %add3A_975 = arith.constant 0 : i32
          %add3A_976 = arith.addi %mul3A_974, %add3A_975 : i32
          %swap3A_977 = arith.constant 1 : i32
          %swap3A_978 = arith.index_cast %swap3A_977 : i32 to index
          %swap3A_979 = arith.index_cast %add3A_976 : i32 to index
          %swap3A_980 = arith.index_cast %add3A_966 : i32 to index
          %swap3A_981 = tpu.vector_load %arg6[%swap3A_978, %swap3A_979, %swap3A_980] {strides = array<i32>} : memref<4x16x1024xf32, #tpu.memory_space<vmem>>, vector<1x1x16xf32>,
          %swap3A_982 = vector.shape_cast %swap3A_981 : vector<1x1x16xf32> to vector<16xf32>
          %swap3A_983 = vector.shape_cast %get3A_972 : vector<16xf32> to vector<1x1x16xf32>
          tpu.vector_store %arg6[%swap3A_978, %swap3A_979, %swap3A_980], %swap3A_983 {add = true, strides = array<i32>} : memref<4x16x1024xf32, #tpu.memory_space<vmem>>, vector<1x1x16xf32>,
          %mul3A_984 = arith.constant 4 : i32
          %mul3A_985 = arith.muli %scan3A_433, %mul3A_984 : i32
          %add3A_986 = arith.constant 1 : i32
          %add3A_987 = arith.addi %mul3A_985, %add3A_986 : i32
          %swap3A_988 = arith.constant 1 : i32
          %swap3A_989 = arith.index_cast %swap3A_988 : i32 to index
          %swap3A_990 = arith.index_cast %add3A_987 : i32 to index
          %swap3A_991 = arith.index_cast %add3A_966 : i32 to index
          %swap3A_992 = tpu.vector_load %arg6[%swap3A_989, %swap3A_990, %swap3A_991] {strides = array<i32>} : memref<4x16x1024xf32, #tpu.memory_space<vmem>>, vector<1x1x16xf32>,
          %swap3A_993 = vector.shape_cast %swap3A_992 : vector<1x1x16xf32> to vector<16xf32>
          %swap3A_994 = vector.shape_cast %get3A_972 : vector<16xf32> to vector<1x1x16xf32>
          tpu.vector_store %arg6[%swap3A_989, %swap3A_990, %swap3A_991], %swap3A_994 {add = true, strides = array<i32>} : memref<4x16x1024xf32, #tpu.memory_space<vmem>>, vector<1x1x16xf32>,
          %mul3A_995 = arith.constant 4 : i32
          %mul3A_996 = arith.muli %scan3A_433, %mul3A_995 : i32
          %add3A_997 = arith.constant 2 : i32
          %add3A_998 = arith.addi %mul3A_996, %add3A_997 : i32
          %swap3A_999 = arith.constant 1 : i32
          %swap3A_1000 = arith.index_cast %swap3A_999 : i32 to index
          %swap3A_1001 = arith.index_cast %add3A_998 : i32 to index
          %swap3A_1002 = arith.index_cast %add3A_966 : i32 to index
          %swap3A_1003 = tpu.vector_load %arg6[%swap3A_1000, %swap3A_1001, %swap3A_1002] {strides = array<i32>} : memref<4x16x1024xf32, #tpu.memory_space<vmem>>, vector<1x1x16xf32>,
          %swap3A_1004 = vector.shape_cast %swap3A_1003 : vector<1x1x16xf32> to vector<16xf32>
          %swap3A_1005 = vector.shape_cast %get3A_972 : vector<16xf32> to vector<1x1x16xf32>
          tpu.vector_store %arg6[%swap3A_1000, %swap3A_1001, %swap3A_1002], %swap3A_1005 {add = true, strides = array<i32>} : memref<4x16x1024xf32, #tpu.memory_space<vmem>>, vector<1x1x16xf32>,
          %mul3A_1006 = arith.constant 4 : i32
          %mul3A_1007 = arith.muli %scan3A_433, %mul3A_1006 : i32
          %add3A_1008 = arith.constant 3 : i32
          %add3A_1009 = arith.addi %mul3A_1007, %add3A_1008 : i32
          %swap3A_1010 = arith.constant 1 : i32
          %swap3A_1011 = arith.index_cast %swap3A_1010 : i32 to index
          %swap3A_1012 = arith.index_cast %add3A_1009 : i32 to index
          %swap3A_1013 = arith.index_cast %add3A_966 : i32 to index
          %swap3A_1014 = tpu.vector_load %arg6[%swap3A_1011, %swap3A_1012, %swap3A_1013] {strides = array<i32>} : memref<4x16x1024xf32, #tpu.memory_space<vmem>>, vector<1x1x16xf32>,
          %swap3A_1015 = vector.shape_cast %swap3A_1014 : vector<1x1x16xf32> to vector<16xf32>
          %swap3A_1016 = vector.shape_cast %get3A_972 : vector<16xf32> to vector<1x1x16xf32>
          tpu.vector_store %arg6[%swap3A_1011, %swap3A_1012, %swap3A_1013], %swap3A_1016 {add = true, strides = array<i32>} : memref<4x16x1024xf32, #tpu.memory_space<vmem>>, vector<1x1x16xf32>,
          %add3A_1017 = arith.constant 176 : i32
          %add3A_1018 = arith.addi %mul3A_446, %add3A_1017 : i32
          %get3A_1019 = arith.constant 1 : i32
          %get3A_1020 = arith.index_cast %get3A_1019 : i32 to index
          %get3A_1021 = arith.index_cast %scan3A_433 : i32 to index
          %get3A_1022 = arith.index_cast %add3A_1018 : i32 to index
          %get3A_1023 = tpu.vector_load %arg7[%get3A_1020, %get3A_1021, %get3A_1022] {strides = array<i32>} : memref<4x4x1024xf32, #tpu.memory_space<vmem>>, vector<1x1x16xf32>,
          %get3A_1024 = vector.shape_cast %get3A_1023 : vector<1x1x16xf32> to vector<16xf32>
          %mul3A_1025 = arith.constant 4 : i32
          %mul3A_1026 = arith.muli %scan3A_433, %mul3A_1025 : i32
          %add3A_1027 = arith.constant 0 : i32
          %add3A_1028 = arith.addi %mul3A_1026, %add3A_1027 : i32
          %swap3A_1029 = arith.constant 1 : i32
          %swap3A_1030 = arith.index_cast %swap3A_1029 : i32 to index
          %swap3A_1031 = arith.index_cast %add3A_1028 : i32 to index
          %swap3A_1032 = arith.index_cast %add3A_1018 : i32 to index
          %swap3A_1033 = tpu.vector_load %arg6[%swap3A_1030, %swap3A_1031, %swap3A_1032] {strides = array<i32>} : memref<4x16x1024xf32, #tpu.memory_space<vmem>>, vector<1x1x16xf32>,
          %swap3A_1034 = vector.shape_cast %swap3A_1033 : vector<1x1x16xf32> to vector<16xf32>
          %swap3A_1035 = vector.shape_cast %get3A_1024 : vector<16xf32> to vector<1x1x16xf32>
          tpu.vector_store %arg6[%swap3A_1030, %swap3A_1031, %swap3A_1032], %swap3A_1035 {add = true, strides = array<i32>} : memref<4x16x1024xf32, #tpu.memory_space<vmem>>, vector<1x1x16xf32>,
          %mul3A_1036 = arith.constant 4 : i32
          %mul3A_1037 = arith.muli %scan3A_433, %mul3A_1036 : i32
          %add3A_1038 = arith.constant 1 : i32
          %add3A_1039 = arith.addi %mul3A_1037, %add3A_1038 : i32
          %swap3A_1040 = arith.constant 1 : i32
          %swap3A_1041 = arith.index_cast %swap3A_1040 : i32 to index
          %swap3A_1042 = arith.index_cast %add3A_1039 : i32 to index
          %swap3A_1043 = arith.index_cast %add3A_1018 : i32 to index
          %swap3A_1044 = tpu.vector_load %arg6[%swap3A_1041, %swap3A_1042, %swap3A_1043] {strides = array<i32>} : memref<4x16x1024xf32, #tpu.memory_space<vmem>>, vector<1x1x16xf32>,
          %swap3A_1045 = vector.shape_cast %swap3A_1044 : vector<1x1x16xf32> to vector<16xf32>
          %swap3A_1046 = vector.shape_cast %get3A_1024 : vector<16xf32> to vector<1x1x16xf32>
          tpu.vector_store %arg6[%swap3A_1041, %swap3A_1042, %swap3A_1043], %swap3A_1046 {add = true, strides = array<i32>} : memref<4x16x1024xf32, #tpu.memory_space<vmem>>, vector<1x1x16xf32>,
          %mul3A_1047 = arith.constant 4 : i32
          %mul3A_1048 = arith.muli %scan3A_433, %mul3A_1047 : i32
          %add3A_1049 = arith.constant 2 : i32
          %add3A_1050 = arith.addi %mul3A_1048, %add3A_1049 : i32
          %swap3A_1051 = arith.constant 1 : i32
          %swap3A_1052 = arith.index_cast %swap3A_1051 : i32 to index
          %swap3A_1053 = arith.index_cast %add3A_1050 : i32 to index
          %swap3A_1054 = arith.index_cast %add3A_1018 : i32 to index
          %swap3A_1055 = tpu.vector_load %arg6[%swap3A_1052, %swap3A_1053, %swap3A_1054] {strides = array<i32>} : memref<4x16x1024xf32, #tpu.memory_space<vmem>>, vector<1x1x16xf32>,
          %swap3A_1056 = vector.shape_cast %swap3A_1055 : vector<1x1x16xf32> to vector<16xf32>
          %swap3A_1057 = vector.shape_cast %get3A_1024 : vector<16xf32> to vector<1x1x16xf32>
          tpu.vector_store %arg6[%swap3A_1052, %swap3A_1053, %swap3A_1054], %swap3A_1057 {add = true, strides = array<i32>} : memref<4x16x1024xf32, #tpu.memory_space<vmem>>, vector<1x1x16xf32>,
          %mul3A_1058 = arith.constant 4 : i32
          %mul3A_1059 = arith.muli %scan3A_433, %mul3A_1058 : i32
          %add3A_1060 = arith.constant 3 : i32
          %add3A_1061 = arith.addi %mul3A_1059, %add3A_1060 : i32
          %swap3A_1062 = arith.constant 1 : i32
          %swap3A_1063 = arith.index_cast %swap3A_1062 : i32 to index
          %swap3A_1064 = arith.index_cast %add3A_1061 : i32 to index
          %swap3A_1065 = arith.index_cast %add3A_1018 : i32 to index
          %swap3A_1066 = tpu.vector_load %arg6[%swap3A_1063, %swap3A_1064, %swap3A_1065] {strides = array<i32>} : memref<4x16x1024xf32, #tpu.memory_space<vmem>>, vector<1x1x16xf32>,
          %swap3A_1067 = vector.shape_cast %swap3A_1066 : vector<1x1x16xf32> to vector<16xf32>
          %swap3A_1068 = vector.shape_cast %get3A_1024 : vector<16xf32> to vector<1x1x16xf32>
          tpu.vector_store %arg6[%swap3A_1063, %swap3A_1064, %swap3A_1065], %swap3A_1068 {add = true, strides = array<i32>} : memref<4x16x1024xf32, #tpu.memory_space<vmem>>, vector<1x1x16xf32>,
          %add3A_1069 = arith.constant 192 : i32
          %add3A_1070 = arith.addi %mul3A_446, %add3A_1069 : i32
          %get3A_1071 = arith.constant 1 : i32
          %get3A_1072 = arith.index_cast %get3A_1071 : i32 to index
          %get3A_1073 = arith.index_cast %scan3A_433 : i32 to index
          %get3A_1074 = arith.index_cast %add3A_1070 : i32 to index
          %get3A_1075 = tpu.vector_load %arg7[%get3A_1072, %get3A_1073, %get3A_1074] {strides = array<i32>} : memref<4x4x1024xf32, #tpu.memory_space<vmem>>, vector<1x1x16xf32>,
          %get3A_1076 = vector.shape_cast %get3A_1075 : vector<1x1x16xf32> to vector<16xf32>
          %mul3A_1077 = arith.constant 4 : i32
          %mul3A_1078 = arith.muli %scan3A_433, %mul3A_1077 : i32
          %add3A_1079 = arith.constant 0 : i32
          %add3A_1080 = arith.addi %mul3A_1078, %add3A_1079 : i32
          %swap3A_1081 = arith.constant 1 : i32
          %swap3A_1082 = arith.index_cast %swap3A_1081 : i32 to index
          %swap3A_1083 = arith.index_cast %add3A_1080 : i32 to index
          %swap3A_1084 = arith.index_cast %add3A_1070 : i32 to index
          %swap3A_1085 = tpu.vector_load %arg6[%swap3A_1082, %swap3A_1083, %swap3A_1084] {strides = array<i32>} : memref<4x16x1024xf32, #tpu.memory_space<vmem>>, vector<1x1x16xf32>,
          %swap3A_1086 = vector.shape_cast %swap3A_1085 : vector<1x1x16xf32> to vector<16xf32>
          %swap3A_1087 = vector.shape_cast %get3A_1076 : vector<16xf32> to vector<1x1x16xf32>
          tpu.vector_store %arg6[%swap3A_1082, %swap3A_1083, %swap3A_1084], %swap3A_1087 {add = true, strides = array<i32>} : memref<4x16x1024xf32, #tpu.memory_space<vmem>>, vector<1x1x16xf32>,
          %mul3A_1088 = arith.constant 4 : i32
          %mul3A_1089 = arith.muli %scan3A_433, %mul3A_1088 : i32
          %add3A_1090 = arith.constant 1 : i32
          %add3A_1091 = arith.addi %mul3A_1089, %add3A_1090 : i32
          %swap3A_1092 = arith.constant 1 : i32
          %swap3A_1093 = arith.index_cast %swap3A_1092 : i32 to index
          %swap3A_1094 = arith.index_cast %add3A_1091 : i32 to index
          %swap3A_1095 = arith.index_cast %add3A_1070 : i32 to index
          %swap3A_1096 = tpu.vector_load %arg6[%swap3A_1093, %swap3A_1094, %swap3A_1095] {strides = array<i32>} : memref<4x16x1024xf32, #tpu.memory_space<vmem>>, vector<1x1x16xf32>,
          %swap3A_1097 = vector.shape_cast %swap3A_1096 : vector<1x1x16xf32> to vector<16xf32>
          %swap3A_1098 = vector.shape_cast %get3A_1076 : vector<16xf32> to vector<1x1x16xf32>
          tpu.vector_store %arg6[%swap3A_1093, %swap3A_1094, %swap3A_1095], %swap3A_1098 {add = true, strides = array<i32>} : memref<4x16x1024xf32, #tpu.memory_space<vmem>>, vector<1x1x16xf32>,
          %mul3A_1099 = arith.constant 4 : i32
          %mul3A_1100 = arith.muli %scan3A_433, %mul3A_1099 : i32
          %add3A_1101 = arith.constant 2 : i32
          %add3A_1102 = arith.addi %mul3A_1100, %add3A_1101 : i32
          %swap3A_1103 = arith.constant 1 : i32
          %swap3A_1104 = arith.index_cast %swap3A_1103 : i32 to index
          %swap3A_1105 = arith.index_cast %add3A_1102 : i32 to index
          %swap3A_1106 = arith.index_cast %add3A_1070 : i32 to index
          %swap3A_1107 = tpu.vector_load %arg6[%swap3A_1104, %swap3A_1105, %swap3A_1106] {strides = array<i32>} : memref<4x16x1024xf32, #tpu.memory_space<vmem>>, vector<1x1x16xf32>,
          %swap3A_1108 = vector.shape_cast %swap3A_1107 : vector<1x1x16xf32> to vector<16xf32>
          %swap3A_1109 = vector.shape_cast %get3A_1076 : vector<16xf32> to vector<1x1x16xf32>
          tpu.vector_store %arg6[%swap3A_1104, %swap3A_1105, %swap3A_1106], %swap3A_1109 {add = true, strides = array<i32>} : memref<4x16x1024xf32, #tpu.memory_space<vmem>>, vector<1x1x16xf32>,
          %mul3A_1110 = arith.constant 4 : i32
          %mul3A_1111 = arith.muli %scan3A_433, %mul3A_1110 : i32
          %add3A_1112 = arith.constant 3 : i32
          %add3A_1113 = arith.addi %mul3A_1111, %add3A_1112 : i32
          %swap3A_1114 = arith.constant 1 : i32
          %swap3A_1115 = arith.index_cast %swap3A_1114 : i32 to index
          %swap3A_1116 = arith.index_cast %add3A_1113 : i32 to index
          %swap3A_1117 = arith.index_cast %add3A_1070 : i32 to index
          %swap3A_1118 = tpu.vector_load %arg6[%swap3A_1115, %swap3A_1116, %swap3A_1117] {strides = array<i32>} : memref<4x16x1024xf32, #tpu.memory_space<vmem>>, vector<1x1x16xf32>,
          %swap3A_1119 = vector.shape_cast %swap3A_1118 : vector<1x1x16xf32> to vector<16xf32>
          %swap3A_1120 = vector.shape_cast %get3A_1076 : vector<16xf32> to vector<1x1x16xf32>
          tpu.vector_store %arg6[%swap3A_1115, %swap3A_1116, %swap3A_1117], %swap3A_1120 {add = true, strides = array<i32>} : memref<4x16x1024xf32, #tpu.memory_space<vmem>>, vector<1x1x16xf32>,
          %add3A_1121 = arith.constant 208 : i32
          %add3A_1122 = arith.addi %mul3A_446, %add3A_1121 : i32
          %get3A_1123 = arith.constant 1 : i32
          %get3A_1124 = arith.index_cast %get3A_1123 : i32 to index
          %get3A_1125 = arith.index_cast %scan3A_433 : i32 to index
          %get3A_1126 = arith.index_cast %add3A_1122 : i32 to index
          %get3A_1127 = tpu.vector_load %arg7[%get3A_1124, %get3A_1125, %get3A_1126] {strides = array<i32>} : memref<4x4x1024xf32, #tpu.memory_space<vmem>>, vector<1x1x16xf32>,
          %get3A_1128 = vector.shape_cast %get3A_1127 : vector<1x1x16xf32> to vector<16xf32>
          %mul3A_1129 = arith.constant 4 : i32
          %mul3A_1130 = arith.muli %scan3A_433, %mul3A_1129 : i32
          %add3A_1131 = arith.constant 0 : i32
          %add3A_1132 = arith.addi %mul3A_1130, %add3A_1131 : i32
          %swap3A_1133 = arith.constant 1 : i32
          %swap3A_1134 = arith.index_cast %swap3A_1133 : i32 to index
          %swap3A_1135 = arith.index_cast %add3A_1132 : i32 to index
          %swap3A_1136 = arith.index_cast %add3A_1122 : i32 to index
          %swap3A_1137 = tpu.vector_load %arg6[%swap3A_1134, %swap3A_1135, %swap3A_1136] {strides = array<i32>} : memref<4x16x1024xf32, #tpu.memory_space<vmem>>, vector<1x1x16xf32>,
          %swap3A_1138 = vector.shape_cast %swap3A_1137 : vector<1x1x16xf32> to vector<16xf32>
          %swap3A_1139 = vector.shape_cast %get3A_1128 : vector<16xf32> to vector<1x1x16xf32>
          tpu.vector_store %arg6[%swap3A_1134, %swap3A_1135, %swap3A_1136], %swap3A_1139 {add = true, strides = array<i32>} : memref<4x16x1024xf32, #tpu.memory_space<vmem>>, vector<1x1x16xf32>,
          %mul3A_1140 = arith.constant 4 : i32
          %mul3A_1141 = arith.muli %scan3A_433, %mul3A_1140 : i32
          %add3A_1142 = arith.constant 1 : i32
          %add3A_1143 = arith.addi %mul3A_1141, %add3A_1142 : i32
          %swap3A_1144 = arith.constant 1 : i32
          %swap3A_1145 = arith.index_cast %swap3A_1144 : i32 to index
          %swap3A_1146 = arith.index_cast %add3A_1143 : i32 to index
          %swap3A_1147 = arith.index_cast %add3A_1122 : i32 to index
          %swap3A_1148 = tpu.vector_load %arg6[%swap3A_1145, %swap3A_1146, %swap3A_1147] {strides = array<i32>} : memref<4x16x1024xf32, #tpu.memory_space<vmem>>, vector<1x1x16xf32>,
          %swap3A_1149 = vector.shape_cast %swap3A_1148 : vector<1x1x16xf32> to vector<16xf32>
          %swap3A_1150 = vector.shape_cast %get3A_1128 : vector<16xf32> to vector<1x1x16xf32>
          tpu.vector_store %arg6[%swap3A_1145, %swap3A_1146, %swap3A_1147], %swap3A_1150 {add = true, strides = array<i32>} : memref<4x16x1024xf32, #tpu.memory_space<vmem>>, vector<1x1x16xf32>,
          %mul3A_1151 = arith.constant 4 : i32
          %mul3A_1152 = arith.muli %scan3A_433, %mul3A_1151 : i32
          %add3A_1153 = arith.constant 2 : i32
          %add3A_1154 = arith.addi %mul3A_1152, %add3A_1153 : i32
          %swap3A_1155 = arith.constant 1 : i32
          %swap3A_1156 = arith.index_cast %swap3A_1155 : i32 to index
          %swap3A_1157 = arith.index_cast %add3A_1154 : i32 to index
          %swap3A_1158 = arith.index_cast %add3A_1122 : i32 to index
          %swap3A_1159 = tpu.vector_load %arg6[%swap3A_1156, %swap3A_1157, %swap3A_1158] {strides = array<i32>} : memref<4x16x1024xf32, #tpu.memory_space<vmem>>, vector<1x1x16xf32>,
          %swap3A_1160 = vector.shape_cast %swap3A_1159 : vector<1x1x16xf32> to vector<16xf32>
          %swap3A_1161 = vector.shape_cast %get3A_1128 : vector<16xf32> to vector<1x1x16xf32>
          tpu.vector_store %arg6[%swap3A_1156, %swap3A_1157, %swap3A_1158], %swap3A_1161 {add = true, strides = array<i32>} : memref<4x16x1024xf32, #tpu.memory_space<vmem>>, vector<1x1x16xf32>,
          %mul3A_1162 = arith.constant 4 : i32
          %mul3A_1163 = arith.muli %scan3A_433, %mul3A_1162 : i32
          %add3A_1164 = arith.constant 3 : i32
          %add3A_1165 = arith.addi %mul3A_1163, %add3A_1164 : i32
          %swap3A_1166 = arith.constant 1 : i32
          %swap3A_1167 = arith.index_cast %swap3A_1166 : i32 to index
          %swap3A_1168 = arith.index_cast %add3A_1165 : i32 to index
          %swap3A_1169 = arith.index_cast %add3A_1122 : i32 to index
          %swap3A_1170 = tpu.vector_load %arg6[%swap3A_1167, %swap3A_1168, %swap3A_1169] {strides = array<i32>} : memref<4x16x1024xf32, #tpu.memory_space<vmem>>, vector<1x1x16xf32>,
          %swap3A_1171 = vector.shape_cast %swap3A_1170 : vector<1x1x16xf32> to vector<16xf32>
          %swap3A_1172 = vector.shape_cast %get3A_1128 : vector<16xf32> to vector<1x1x16xf32>
          tpu.vector_store %arg6[%swap3A_1167, %swap3A_1168, %swap3A_1169], %swap3A_1172 {add = true, strides = array<i32>} : memref<4x16x1024xf32, #tpu.memory_space<vmem>>, vector<1x1x16xf32>,
          %add3A_1173 = arith.constant 224 : i32
          %add3A_1174 = arith.addi %mul3A_446, %add3A_1173 : i32
          %get3A_1175 = arith.constant 1 : i32
          %get3A_1176 = arith.index_cast %get3A_1175 : i32 to index
          %get3A_1177 = arith.index_cast %scan3A_433 : i32 to index
          %get3A_1178 = arith.index_cast %add3A_1174 : i32 to index
          %get3A_1179 = tpu.vector_load %arg7[%get3A_1176, %get3A_1177, %get3A_1178] {strides = array<i32>} : memref<4x4x1024xf32, #tpu.memory_space<vmem>>, vector<1x1x16xf32>,
          %get3A_1180 = vector.shape_cast %get3A_1179 : vector<1x1x16xf32> to vector<16xf32>
          %mul3A_1181 = arith.constant 4 : i32
          %mul3A_1182 = arith.muli %scan3A_433, %mul3A_1181 : i32
          %add3A_1183 = arith.constant 0 : i32
          %add3A_1184 = arith.addi %mul3A_1182, %add3A_1183 : i32
          %swap3A_1185 = arith.constant 1 : i32
          %swap3A_1186 = arith.index_cast %swap3A_1185 : i32 to index
          %swap3A_1187 = arith.index_cast %add3A_1184 : i32 to index
          %swap3A_1188 = arith.index_cast %add3A_1174 : i32 to index
          %swap3A_1189 = tpu.vector_load %arg6[%swap3A_1186, %swap3A_1187, %swap3A_1188] {strides = array<i32>} : memref<4x16x1024xf32, #tpu.memory_space<vmem>>, vector<1x1x16xf32>,
          %swap3A_1190 = vector.shape_cast %swap3A_1189 : vector<1x1x16xf32> to vector<16xf32>
          %swap3A_1191 = vector.shape_cast %get3A_1180 : vector<16xf32> to vector<1x1x16xf32>
          tpu.vector_store %arg6[%swap3A_1186, %swap3A_1187, %swap3A_1188], %swap3A_1191 {add = true, strides = array<i32>} : memref<4x16x1024xf32, #tpu.memory_space<vmem>>, vector<1x1x16xf32>,
          %mul3A_1192 = arith.constant 4 : i32
          %mul3A_1193 = arith.muli %scan3A_433, %mul3A_1192 : i32
          %add3A_1194 = arith.constant 1 : i32
          %add3A_1195 = arith.addi %mul3A_1193, %add3A_1194 : i32
          %swap3A_1196 = arith.constant 1 : i32
          %swap3A_1197 = arith.index_cast %swap3A_1196 : i32 to index
          %swap3A_1198 = arith.index_cast %add3A_1195 : i32 to index
          %swap3A_1199 = arith.index_cast %add3A_1174 : i32 to index
          %swap3A_1200 = tpu.vector_load %arg6[%swap3A_1197, %swap3A_1198, %swap3A_1199] {strides = array<i32>} : memref<4x16x1024xf32, #tpu.memory_space<vmem>>, vector<1x1x16xf32>,
          %swap3A_1201 = vector.shape_cast %swap3A_1200 : vector<1x1x16xf32> to vector<16xf32>
          %swap3A_1202 = vector.shape_cast %get3A_1180 : vector<16xf32> to vector<1x1x16xf32>
          tpu.vector_store %arg6[%swap3A_1197, %swap3A_1198, %swap3A_1199], %swap3A_1202 {add = true, strides = array<i32>} : memref<4x16x1024xf32, #tpu.memory_space<vmem>>, vector<1x1x16xf32>,
          %mul3A_1203 = arith.constant 4 : i32
          %mul3A_1204 = arith.muli %scan3A_433, %mul3A_1203 : i32
          %add3A_1205 = arith.constant 2 : i32
          %add3A_1206 = arith.addi %mul3A_1204, %add3A_1205 : i32
          %swap3A_1207 = arith.constant 1 : i32
          %swap3A_1208 = arith.index_cast %swap3A_1207 : i32 to index
          %swap3A_1209 = arith.index_cast %add3A_1206 : i32 to index
          %swap3A_1210 = arith.index_cast %add3A_1174 : i32 to index
          %swap3A_1211 = tpu.vector_load %arg6[%swap3A_1208, %swap3A_1209, %swap3A_1210] {strides = array<i32>} : memref<4x16x1024xf32, #tpu.memory_space<vmem>>, vector<1x1x16xf32>,
          %swap3A_1212 = vector.shape_cast %swap3A_1211 : vector<1x1x16xf32> to vector<16xf32>
          %swap3A_1213 = vector.shape_cast %get3A_1180 : vector<16xf32> to vector<1x1x16xf32>
          tpu.vector_store %arg6[%swap3A_1208, %swap3A_1209, %swap3A_1210], %swap3A_1213 {add = true, strides = array<i32>} : memref<4x16x1024xf32, #tpu.memory_space<vmem>>, vector<1x1x16xf32>,
          %mul3A_1214 = arith.constant 4 : i32
          %mul3A_1215 = arith.muli %scan3A_433, %mul3A_1214 : i32
          %add3A_1216 = arith.constant 3 : i32
          %add3A_1217 = arith.addi %mul3A_1215, %add3A_1216 : i32
          %swap3A_1218 = arith.constant 1 : i32
          %swap3A_1219 = arith.index_cast %swap3A_1218 : i32 to index
          %swap3A_1220 = arith.index_cast %add3A_1217 : i32 to index
          %swap3A_1221 = arith.index_cast %add3A_1174 : i32 to index
          %swap3A_1222 = tpu.vector_load %arg6[%swap3A_1219, %swap3A_1220, %swap3A_1221] {strides = array<i32>} : memref<4x16x1024xf32, #tpu.memory_space<vmem>>, vector<1x1x16xf32>,
          %swap3A_1223 = vector.shape_cast %swap3A_1222 : vector<1x1x16xf32> to vector<16xf32>
          %swap3A_1224 = vector.shape_cast %get3A_1180 : vector<16xf32> to vector<1x1x16xf32>
          tpu.vector_store %arg6[%swap3A_1219, %swap3A_1220, %swap3A_1221], %swap3A_1224 {add = true, strides = array<i32>} : memref<4x16x1024xf32, #tpu.memory_space<vmem>>, vector<1x1x16xf32>,
          %add3A_1225 = arith.constant 240 : i32
          %add3A_1226 = arith.addi %mul3A_446, %add3A_1225 : i32
          %get3A_1227 = arith.constant 1 : i32
          %get3A_1228 = arith.index_cast %get3A_1227 : i32 to index
          %get3A_1229 = arith.index_cast %scan3A_433 : i32 to index
          %get3A_1230 = arith.index_cast %add3A_1226 : i32 to index
          %get3A_1231 = tpu.vector_load %arg7[%get3A_1228, %get3A_1229, %get3A_1230] {strides = array<i32>} : memref<4x4x1024xf32, #tpu.memory_space<vmem>>, vector<1x1x16xf32>,
          %get3A_1232 = vector.shape_cast %get3A_1231 : vector<1x1x16xf32> to vector<16xf32>
          %mul3A_1233 = arith.constant 4 : i32
          %mul3A_1234 = arith.muli %scan3A_433, %mul3A_1233 : i32
          %add3A_1235 = arith.constant 0 : i32
          %add3A_1236 = arith.addi %mul3A_1234, %add3A_1235 : i32
          %swap3A_1237 = arith.constant 1 : i32
          %swap3A_1238 = arith.index_cast %swap3A_1237 : i32 to index
          %swap3A_1239 = arith.index_cast %add3A_1236 : i32 to index
          %swap3A_1240 = arith.index_cast %add3A_1226 : i32 to index
          %swap3A_1241 = tpu.vector_load %arg6[%swap3A_1238, %swap3A_1239, %swap3A_1240] {strides = array<i32>} : memref<4x16x1024xf32, #tpu.memory_space<vmem>>, vector<1x1x16xf32>,
          %swap3A_1242 = vector.shape_cast %swap3A_1241 : vector<1x1x16xf32> to vector<16xf32>
          %swap3A_1243 = vector.shape_cast %get3A_1232 : vector<16xf32> to vector<1x1x16xf32>
          tpu.vector_store %arg6[%swap3A_1238, %swap3A_1239, %swap3A_1240], %swap3A_1243 {add = true, strides = array<i32>} : memref<4x16x1024xf32, #tpu.memory_space<vmem>>, vector<1x1x16xf32>,
          %mul3A_1244 = arith.constant 4 : i32
          %mul3A_1245 = arith.muli %scan3A_433, %mul3A_1244 : i32
          %add3A_1246 = arith.constant 1 : i32
          %add3A_1247 = arith.addi %mul3A_1245, %add3A_1246 : i32
          %swap3A_1248 = arith.constant 1 : i32
          %swap3A_1249 = arith.index_cast %swap3A_1248 : i32 to index
          %swap3A_1250 = arith.index_cast %add3A_1247 : i32 to index
          %swap3A_1251 = arith.index_cast %add3A_1226 : i32 to index
          %swap3A_1252 = tpu.vector_load %arg6[%swap3A_1249, %swap3A_1250, %swap3A_1251] {strides = array<i32>} : memref<4x16x1024xf32, #tpu.memory_space<vmem>>, vector<1x1x16xf32>,
          %swap3A_1253 = vector.shape_cast %swap3A_1252 : vector<1x1x16xf32> to vector<16xf32>
          %swap3A_1254 = vector.shape_cast %get3A_1232 : vector<16xf32> to vector<1x1x16xf32>
          tpu.vector_store %arg6[%swap3A_1249, %swap3A_1250, %swap3A_1251], %swap3A_1254 {add = true, strides = array<i32>} : memref<4x16x1024xf32, #tpu.memory_space<vmem>>, vector<1x1x16xf32>,
          %mul3A_1255 = arith.constant 4 : i32
          %mul3A_1256 = arith.muli %scan3A_433, %mul3A_1255 : i32
          %add3A_1257 = arith.constant 2 : i32
          %add3A_1258 = arith.addi %mul3A_1256, %add3A_1257 : i32
          %swap3A_1259 = arith.constant 1 : i32
          %swap3A_1260 = arith.index_cast %swap3A_1259 : i32 to index
          %swap3A_1261 = arith.index_cast %add3A_1258 : i32 to index
          %swap3A_1262 = arith.index_cast %add3A_1226 : i32 to index
          %swap3A_1263 = tpu.vector_load %arg6[%swap3A_1260, %swap3A_1261, %swap3A_1262] {strides = array<i32>} : memref<4x16x1024xf32, #tpu.memory_space<vmem>>, vector<1x1x16xf32>,
          %swap3A_1264 = vector.shape_cast %swap3A_1263 : vector<1x1x16xf32> to vector<16xf32>
          %swap3A_1265 = vector.shape_cast %get3A_1232 : vector<16xf32> to vector<1x1x16xf32>
          tpu.vector_store %arg6[%swap3A_1260, %swap3A_1261, %swap3A_1262], %swap3A_1265 {add = true, strides = array<i32>} : memref<4x16x1024xf32, #tpu.memory_space<vmem>>, vector<1x1x16xf32>,
          %mul3A_1266 = arith.constant 4 : i32
          %mul3A_1267 = arith.muli %scan3A_433, %mul3A_1266 : i32
          %add3A_1268 = arith.constant 3 : i32
          %add3A_1269 = arith.addi %mul3A_1267, %add3A_1268 : i32
          %swap3A_1270 = arith.constant 1 : i32
          %swap3A_1271 = arith.index_cast %swap3A_1270 : i32 to index
          %swap3A_1272 = arith.index_cast %add3A_1269 : i32 to index
          %swap3A_1273 = arith.index_cast %add3A_1226 : i32 to index
          %swap3A_1274 = tpu.vector_load %arg6[%swap3A_1271, %swap3A_1272, %swap3A_1273] {strides = array<i32>} : memref<4x16x1024xf32, #tpu.memory_space<vmem>>, vector<1x1x16xf32>,
          %swap3A_1275 = vector.shape_cast %swap3A_1274 : vector<1x1x16xf32> to vector<16xf32>
          %swap3A_1276 = vector.shape_cast %get3A_1232 : vector<16xf32> to vector<1x1x16xf32>
          tpu.vector_store %arg6[%swap3A_1271, %swap3A_1272, %swap3A_1273], %swap3A_1276 {add = true, strides = array<i32>} : memref<4x16x1024xf32, #tpu.memory_space<vmem>>, vector<1x1x16xf32>,
          %scan3A_1277 = arith.constant 0 : i32
          scf.yield %scan3A_1277 : i32
        }
        %scan3A_441 = arith.constant 4 : i32
        %scan3A_442 = arith.constant 0 : i32
        scf.yield %scan3A_442 : i32
      }
      %scan3A_258 = arith.constant 4 : i32
      %mul3A_259 = arith.constant 16 : i32
      %mul3A_260 = arith.muli %add3A_214, %mul3A_259 : i32
      %add3A_261 = arith.addi %mul3A_2, %mul3A_260 : i32
      %dma_start3A_262 = arith.constant 1 : i32
      %dma_start3A_263 = arith.constant 1 : i32
      %dma_start3A_264 = arith.constant 0 : i32
      %dma_start3A_265 = arith.constant 0 : i32
      %dma_start3A_266 = tpu.memref_slice %arg6[%dma_start3A_262, %dma_start3A_264, %dma_start3A_265] : memref<4x16x1024xf32, #tpu.memory_space<vmem>> -> memref<1x16x1024xf32, #tpu.memory_space<vmem>>
      %dma_start3A_267 = tpu.memref_squeeze %dma_start3A_266 : memref<1x16x1024xf32, #tpu.memory_space<vmem>> -> memref<16x1024xf32, #tpu.memory_space<vmem>>
      %dma_start3A_268 = arith.constant 0 : i32
      %dma_start3A_269 = tpu.memref_slice %arg5[%add3A_261, %dma_start3A_268] : memref<32768x1024xf32, #tpu.memory_space<hbm>> -> memref<16x1024xf32, #tpu.memory_space<hbm>>
      %dma_start3A_270 = tpu.memref_slice %arg11[%dma_start3A_263] : memref<4x!tpu.dma_semaphore, #tpu.memory_space<semaphore_mem>> -> memref<1x!tpu.dma_semaphore, #tpu.memory_space<semaphore_mem>>
      %dma_start3A_271 = tpu.memref_squeeze %dma_start3A_270 : memref<1x!tpu.dma_semaphore, #tpu.memory_space<semaphore_mem>> -> memref<!tpu.dma_semaphore, #tpu.memory_space<semaphore_mem>>
      %dma_start3A_272 = arith.constant 0 : i32
      %dma_start3A_273 = tpu.memref_slice %arg5[%add3A_261, %dma_start3A_272] : memref<32768x1024xf32, #tpu.memory_space<hbm>> -> memref<16x1024xf32, #tpu.memory_space<hbm>>
      %dma_start3A_274 = arith.constant 0 : i32
      %dma_start3A_275 = arith.constant 0 : i32
      %dma_start3A_276 = tpu.memref_slice %arg6[%dma_start3A_262, %dma_start3A_274, %dma_start3A_275] : memref<4x16x1024xf32, #tpu.memory_space<vmem>> -> memref<1x16x1024xf32, #tpu.memory_space<vmem>>
      %dma_start3A_277 = tpu.memref_squeeze %dma_start3A_276 : memref<1x16x1024xf32, #tpu.memory_space<vmem>> -> memref<16x1024xf32, #tpu.memory_space<vmem>>
      tpu.enqueue_dma source(%dma_start3A_277 : memref<16x1024xf32, #tpu.memory_space<vmem>>) target(%dma_start3A_273 : memref<16x1024xf32, #tpu.memory_space<hbm>>) target_semaphore(%dma_start3A_271 : memref<!tpu.dma_semaphore, #tpu.memory_space<semaphore_mem>>)
      %add3A_278 = arith.constant 2 : i32
      %add3A_279 = arith.addi %add3A_214, %add3A_278 : i32
      %lt3A_280 = arith.constant 64 : i32
      %lt3A_281 = arith.cmpi slt, %add3A_279, %lt3A_280 : i32
      %convert_element_type3A_282 = arith.extui %lt3A_281 : i1 to i32
      %cond3A_283 = arith.constant 0 : i32
      %cond3A_284 = arith.cmpi ne, %convert_element_type3A_282, %cond3A_283 : i32
      scf.if %cond3A_284 {
        %ge3A = arith.constant 4 : i32
        %ge3A_433 = arith.cmpi sge, %add3A_279, %ge3A : i32
        %convert_element_type3A_434 = arith.extui %ge3A_433 : i1 to i32
        %cond3A_435 = arith.constant 0 : i32
        %cond3A_436 = arith.cmpi ne, %convert_element_type3A_434, %cond3A_435 : i32
        scf.if %cond3A_436 {
          %dma_wait3A_470 = arith.constant 3 : i32
          %dma_wait3A_471 = arith.constant 3 : i32
          %dma_wait3A_472 = arith.constant 0 : i32
          %dma_wait3A_473 = arith.constant 0 : i32
          %dma_wait3A_474 = tpu.memref_slice %arg6[%dma_wait3A_470, %dma_wait3A_472, %dma_wait3A_473] : memref<4x16x1024xf32, #tpu.memory_space<vmem>> -> memref<1x16x1024xf32, #tpu.memory_space<vmem>>
          %dma_wait3A_475 = tpu.memref_squeeze %dma_wait3A_474 : memref<1x16x1024xf32, #tpu.memory_space<vmem>> -> memref<16x1024xf32, #tpu.memory_space<vmem>>
          %dma_wait3A_476 = arith.constant 0 : i32
          %dma_wait3A_477 = tpu.memref_slice %arg5[%mul3A_2, %dma_wait3A_476] : memref<32768x1024xf32, #tpu.memory_space<hbm>> -> memref<16x1024xf32, #tpu.memory_space<hbm>>
          %dma_wait3A_478 = tpu.memref_slice %arg11[%dma_wait3A_471] : memref<4x!tpu.dma_semaphore, #tpu.memory_space<semaphore_mem>> -> memref<1x!tpu.dma_semaphore, #tpu.memory_space<semaphore_mem>>
          %dma_wait3A_479 = tpu.memref_squeeze %dma_wait3A_478 : memref<1x!tpu.dma_semaphore, #tpu.memory_space<semaphore_mem>> -> memref<!tpu.dma_semaphore, #tpu.memory_space<semaphore_mem>>
          %dma_wait3A_480 = arith.constant 0 : i32
          %dma_wait3A_481 = tpu.memref_slice %arg5[%mul3A_2, %dma_wait3A_480] : memref<32768x1024xf32, #tpu.memory_space<hbm>> -> memref<16x1024xf32, #tpu.memory_space<hbm>>
          %dma_wait3A_482 = arith.constant 0 : i32
          %dma_wait3A_483 = arith.constant 0 : i32
          %dma_wait3A_484 = tpu.memref_slice %arg6[%dma_wait3A_470, %dma_wait3A_482, %dma_wait3A_483] : memref<4x16x1024xf32, #tpu.memory_space<vmem>> -> memref<1x16x1024xf32, #tpu.memory_space<vmem>>
          %dma_wait3A_485 = tpu.memref_squeeze %dma_wait3A_484 : memref<1x16x1024xf32, #tpu.memory_space<vmem>> -> memref<16x1024xf32, #tpu.memory_space<vmem>>
          tpu.wait_dma2 semaphore(%dma_wait3A_479 : memref<!tpu.dma_semaphore, #tpu.memory_space<semaphore_mem>>) src(%dma_wait3A_485 : memref<16x1024xf32, #tpu.memory_space<vmem>>) dst(%dma_wait3A_481 : memref<16x1024xf32, #tpu.memory_space<hbm>>)
        } else {
        }
        %mul3A_437 = arith.constant 16 : i32
        %mul3A_438 = arith.muli %add3A_279, %mul3A_437 : i32
        %add3A_439 = arith.addi %mul3A_2, %mul3A_438 : i32
        %dma_start3A_440 = arith.constant 3 : i32
        %dma_start3A_441 = arith.constant 3 : i32
        %dma_start3A_442 = arith.constant 0 : i32
        %dma_start3A_443 = arith.constant 0 : i32
        %dma_start3A_444 = tpu.memref_slice %arg6[%dma_start3A_440, %dma_start3A_442, %dma_start3A_443] : memref<4x16x1024xf32, #tpu.memory_space<vmem>> -> memref<1x16x1024xf32, #tpu.memory_space<vmem>>
        %dma_start3A_445 = tpu.memref_squeeze %dma_start3A_444 : memref<1x16x1024xf32, #tpu.memory_space<vmem>> -> memref<16x1024xf32, #tpu.memory_space<vmem>>
        %dma_start3A_446 = arith.constant 0 : i32
        %dma_start3A_447 = tpu.memref_slice %arg2[%add3A_439, %dma_start3A_446] : memref<32768x1024xf32, #tpu.memory_space<hbm>> -> memref<16x1024xf32, #tpu.memory_space<hbm>>
        %dma_start3A_448 = tpu.memref_slice %arg9[%dma_start3A_441] : memref<4x!tpu.dma_semaphore, #tpu.memory_space<semaphore_mem>> -> memref<1x!tpu.dma_semaphore, #tpu.memory_space<semaphore_mem>>
        %dma_start3A_449 = tpu.memref_squeeze %dma_start3A_448 : memref<1x!tpu.dma_semaphore, #tpu.memory_space<semaphore_mem>> -> memref<!tpu.dma_semaphore, #tpu.memory_space<semaphore_mem>>
        %dma_start3A_450 = arith.constant 0 : i32
        %dma_start3A_451 = arith.constant 0 : i32
        %dma_start3A_452 = tpu.memref_slice %arg6[%dma_start3A_440, %dma_start3A_450, %dma_start3A_451] : memref<4x16x1024xf32, #tpu.memory_space<vmem>> -> memref<1x16x1024xf32, #tpu.memory_space<vmem>>
        %dma_start3A_453 = tpu.memref_squeeze %dma_start3A_452 : memref<1x16x1024xf32, #tpu.memory_space<vmem>> -> memref<16x1024xf32, #tpu.memory_space<vmem>>
        %dma_start3A_454 = arith.constant 0 : i32
        %dma_start3A_455 = tpu.memref_slice %arg2[%add3A_439, %dma_start3A_454] : memref<32768x1024xf32, #tpu.memory_space<hbm>> -> memref<16x1024xf32, #tpu.memory_space<hbm>>
        tpu.enqueue_dma source(%dma_start3A_455 : memref<16x1024xf32, #tpu.memory_space<hbm>>) target(%dma_start3A_453 : memref<16x1024xf32, #tpu.memory_space<vmem>>) target_semaphore(%dma_start3A_449 : memref<!tpu.dma_semaphore, #tpu.memory_space<semaphore_mem>>)
        %dma_start3A_456 = arith.constant 3 : i32
        %dma_start3A_457 = arith.constant 3 : i32
        %dma_start3A_458 = arith.constant 0 : i32
        %dma_start3A_459 = arith.constant 0 : i32
        %dma_start3A_460 = tpu.memref_slice %arg7[%dma_start3A_456, %dma_start3A_458, %dma_start3A_459] : memref<4x4x1024xf32, #tpu.memory_space<vmem>> -> memref<1x4x1024xf32, #tpu.memory_space<vmem>>
        %dma_start3A_461 = tpu.memref_squeeze %dma_start3A_460 : memref<1x4x1024xf32, #tpu.memory_space<vmem>> -> memref<4x1024xf32, #tpu.memory_space<vmem>>
        %dma_start3A_462 = arith.constant 0 : i32
        %dma_start3A_463 = tpu.memref_slice %arg8[%add3A_279, %dma_start3A_462] : memref<64x4xi32, #tpu.memory_space<vmem>> -> memref<1x4xi32, #tpu.memory_space<vmem>>
        %dma_start3A_464 = tpu.memref_squeeze %dma_start3A_463 : memref<1x4xi32, #tpu.memory_space<vmem>> -> memref<4xi32, #tpu.memory_space<vmem>>
        %dma_start3A_465 = arith.constant 0 : i32
        %dma_start3A_466 = arith.constant 0 : i32
        %dma_start3A_467 = tpu.memref_slice %arg4[%dma_start3A_465, %dma_start3A_466] : memref<8193x1024xf32, #tpu.memory_space<hbm>> -> memref<8193x1024xf32, #tpu.memory_space<hbm>>
        %dma_start3A_468 = tpu.memref_slice %arg10[%dma_start3A_457] : memref<4x!tpu.dma_semaphore, #tpu.memory_space<semaphore_mem>> -> memref<1x!tpu.dma_semaphore, #tpu.memory_space<semaphore_mem>>
        %dma_start3A_469 = tpu.memref_squeeze %dma_start3A_468 : memref<1x!tpu.dma_semaphore, #tpu.memory_space<semaphore_mem>> -> memref<!tpu.dma_semaphore, #tpu.memory_space<semaphore_mem>>
        tpu.enqueue_indirect_dma source(%dma_start3A_467 : memref<8193x1024xf32, #tpu.memory_space<hbm>>) target(%dma_start3A_461 : memref<4x1024xf32, #tpu.memory_space<vmem>>) offsets(%dma_start3A_464 : memref<4xi32, #tpu.memory_space<vmem>>) semaphore(%dma_start3A_469 : memref<!tpu.dma_semaphore, #tpu.memory_space<semaphore_mem>>)
      } else {
      }
      %mul3A_285 = arith.constant 4 : i32
      %mul3A_286 = arith.muli %add3A_139, %mul3A_285 : i32
      %add3A_287 = arith.constant 2 : i32
      %add3A_288 = arith.addi %mul3A_286, %add3A_287 : i32
      %mul3A_289 = arith.constant 16 : i32
      %mul3A_290 = arith.muli %add3A_288, %mul3A_289 : i32
      %add3A_291 = arith.addi %mul3A_2, %mul3A_290 : i32
      %dma_wait3A_292 = arith.constant 2 : i32
      %dma_wait3A_293 = arith.constant 2 : i32
      %dma_wait3A_294 = arith.constant 0 : i32
      %dma_wait3A_295 = arith.constant 0 : i32
      %dma_wait3A_296 = tpu.memref_slice %arg6[%dma_wait3A_292, %dma_wait3A_294, %dma_wait3A_295] : memref<4x16x1024xf32, #tpu.memory_space<vmem>> -> memref<1x16x1024xf32, #tpu.memory_space<vmem>>
      %dma_wait3A_297 = tpu.memref_squeeze %dma_wait3A_296 : memref<1x16x1024xf32, #tpu.memory_space<vmem>> -> memref<16x1024xf32, #tpu.memory_space<vmem>>
      %dma_wait3A_298 = arith.constant 0 : i32
      %dma_wait3A_299 = tpu.memref_slice %arg2[%add3A_291, %dma_wait3A_298] : memref<32768x1024xf32, #tpu.memory_space<hbm>> -> memref<16x1024xf32, #tpu.memory_space<hbm>>
      %dma_wait3A_300 = tpu.memref_slice %arg9[%dma_wait3A_293] : memref<4x!tpu.dma_semaphore, #tpu.memory_space<semaphore_mem>> -> memref<1x!tpu.dma_semaphore, #tpu.memory_space<semaphore_mem>>
      %dma_wait3A_301 = tpu.memref_squeeze %dma_wait3A_300 : memref<1x!tpu.dma_semaphore, #tpu.memory_space<semaphore_mem>> -> memref<!tpu.dma_semaphore, #tpu.memory_space<semaphore_mem>>
      %dma_wait3A_302 = arith.constant 0 : i32
      %dma_wait3A_303 = arith.constant 0 : i32
      %dma_wait3A_304 = tpu.memref_slice %arg6[%dma_wait3A_292, %dma_wait3A_302, %dma_wait3A_303] : memref<4x16x1024xf32, #tpu.memory_space<vmem>> -> memref<1x16x1024xf32, #tpu.memory_space<vmem>>
      %dma_wait3A_305 = tpu.memref_squeeze %dma_wait3A_304 : memref<1x16x1024xf32, #tpu.memory_space<vmem>> -> memref<16x1024xf32, #tpu.memory_space<vmem>>
      %dma_wait3A_306 = arith.constant 0 : i32
      %dma_wait3A_307 = tpu.memref_slice %arg2[%add3A_291, %dma_wait3A_306] : memref<32768x1024xf32, #tpu.memory_space<hbm>> -> memref<16x1024xf32, #tpu.memory_space<hbm>>
      tpu.wait_dma2 semaphore(%dma_wait3A_301 : memref<!tpu.dma_semaphore, #tpu.memory_space<semaphore_mem>>) src(%dma_wait3A_307 : memref<16x1024xf32, #tpu.memory_space<hbm>>) dst(%dma_wait3A_305 : memref<16x1024xf32, #tpu.memory_space<vmem>>)
      %dma_wait3A_308 = arith.constant 2 : i32
      %dma_wait3A_309 = arith.constant 2 : i32
      %dma_wait3A_310 = arith.constant 0 : i32
      %dma_wait3A_311 = arith.constant 0 : i32
      %dma_wait3A_312 = tpu.memref_slice %arg7[%dma_wait3A_308, %dma_wait3A_310, %dma_wait3A_311] : memref<4x4x1024xf32, #tpu.memory_space<vmem>> -> memref<1x4x1024xf32, #tpu.memory_space<vmem>>
      %dma_wait3A_313 = tpu.memref_squeeze %dma_wait3A_312 : memref<1x4x1024xf32, #tpu.memory_space<vmem>> -> memref<4x1024xf32, #tpu.memory_space<vmem>>
      %dma_wait3A_314 = arith.constant 0 : i32
      %dma_wait3A_315 = arith.constant 0 : i32
      %dma_wait3A_316 = tpu.memref_slice %arg4[%dma_wait3A_314, %dma_wait3A_315] : memref<8193x1024xf32, #tpu.memory_space<hbm>> -> memref<4x1024xf32, #tpu.memory_space<hbm>>
      %dma_wait3A_317 = tpu.memref_slice %arg10[%dma_wait3A_309] : memref<4x!tpu.dma_semaphore, #tpu.memory_space<semaphore_mem>> -> memref<1x!tpu.dma_semaphore, #tpu.memory_space<semaphore_mem>>
      %dma_wait3A_318 = tpu.memref_squeeze %dma_wait3A_317 : memref<1x!tpu.dma_semaphore, #tpu.memory_space<semaphore_mem>> -> memref<!tpu.dma_semaphore, #tpu.memory_space<semaphore_mem>>
      %dma_wait3A_319 = arith.constant 0 : i32
      %dma_wait3A_320 = arith.constant 0 : i32
      %dma_wait3A_321 = tpu.memref_slice %arg7[%dma_wait3A_308, %dma_wait3A_319, %dma_wait3A_320] : memref<4x4x1024xf32, #tpu.memory_space<vmem>> -> memref<1x4x1024xf32, #tpu.memory_space<vmem>>
      %dma_wait3A_322 = tpu.memref_squeeze %dma_wait3A_321 : memref<1x4x1024xf32, #tpu.memory_space<vmem>> -> memref<4x1024xf32, #tpu.memory_space<vmem>>
      %dma_wait3A_323 = arith.constant 0 : i32
      %dma_wait3A_324 = arith.constant 0 : i32
      %dma_wait3A_325 = tpu.memref_slice %arg4[%dma_wait3A_323, %dma_wait3A_324] : memref<8193x1024xf32, #tpu.memory_space<hbm>> -> memref<4x1024xf32, #tpu.memory_space<hbm>>
      tpu.wait_dma2 semaphore(%dma_wait3A_318 : memref<!tpu.dma_semaphore, #tpu.memory_space<semaphore_mem>>) src(%dma_wait3A_325 : memref<4x1024xf32, #tpu.memory_space<hbm>>) dst(%dma_wait3A_322 : memref<4x1024xf32, #tpu.memory_space<vmem>>)
      %scan3A_326 = arith.constant 0 : i32
      %scan3A_327 = arith.constant 0 : i32
      %scan3A_328 = arith.constant 4 : i32
      %scan3A_329 = arith.addi %scan3A_327, %scan3A_328 : i32
      %scan3A_330 = arith.constant 1 : i32
      %scan3A_331 = scf.for %scan3A_433 = %scan3A_327 to %scan3A_329 step %scan3A_330 iter_args(%scan3A_434 = %scan3A_326) -> (i32)  : i32 {
        %scan3A_435 = arith.constant 0 : i32
        %scan3A_436 = arith.constant 0 : i32
        %scan3A_437 = arith.constant 4 : i32
        %scan3A_438 = arith.addi %scan3A_436, %scan3A_437 : i32
        %scan3A_439 = arith.constant 1 : i32
        %scan3A_440 = scf.for %scan3A_443 = %scan3A_436 to %scan3A_438 step %scan3A_439 iter_args(%scan3A_444 = %scan3A_435) -> (i32)  : i32 {
          %mul3A_445 = arith.constant 256 : i32
          %mul3A_446 = arith.muli %scan3A_443, %mul3A_445 : i32
          %add3A_447 = arith.constant 0 : i32
          %add3A_448 = arith.addi %mul3A_446, %add3A_447 : i32
          %get3A = arith.constant 2 : i32
          %get3A_449 = arith.index_cast %get3A : i32 to index
          %get3A_450 = arith.index_cast %scan3A_433 : i32 to index
          %get3A_451 = arith.index_cast %add3A_448 : i32 to index
          %get3A_452 = tpu.vector_load %arg7[%get3A_449, %get3A_450, %get3A_451] {strides = array<i32>} : memref<4x4x1024xf32, #tpu.memory_space<vmem>>, vector<1x1x16xf32>,
          %get3A_453 = vector.shape_cast %get3A_452 : vector<1x1x16xf32> to vector<16xf32>
          %mul3A_454 = arith.constant 4 : i32
          %mul3A_455 = arith.muli %scan3A_433, %mul3A_454 : i32
          %add3A_456 = arith.constant 0 : i32
          %add3A_457 = arith.addi %mul3A_455, %add3A_456 : i32
          %swap3A = arith.constant 2 : i32
          %swap3A_458 = arith.index_cast %swap3A : i32 to index
          %swap3A_459 = arith.index_cast %add3A_457 : i32 to index
          %swap3A_460 = arith.index_cast %add3A_448 : i32 to index
          %swap3A_461 = tpu.vector_load %arg6[%swap3A_458, %swap3A_459, %swap3A_460] {strides = array<i32>} : memref<4x16x1024xf32, #tpu.memory_space<vmem>>, vector<1x1x16xf32>,
          %swap3A_462 = vector.shape_cast %swap3A_461 : vector<1x1x16xf32> to vector<16xf32>
          %swap3A_463 = vector.shape_cast %get3A_453 : vector<16xf32> to vector<1x1x16xf32>
          tpu.vector_store %arg6[%swap3A_458, %swap3A_459, %swap3A_460], %swap3A_463 {add = true, strides = array<i32>} : memref<4x16x1024xf32, #tpu.memory_space<vmem>>, vector<1x1x16xf32>,
          %mul3A_464 = arith.constant 4 : i32
          %mul3A_465 = arith.muli %scan3A_433, %mul3A_464 : i32
          %add3A_466 = arith.constant 1 : i32
          %add3A_467 = arith.addi %mul3A_465, %add3A_466 : i32
          %swap3A_468 = arith.constant 2 : i32
          %swap3A_469 = arith.index_cast %swap3A_468 : i32 to index
          %swap3A_470 = arith.index_cast %add3A_467 : i32 to index
          %swap3A_471 = arith.index_cast %add3A_448 : i32 to index
          %swap3A_472 = tpu.vector_load %arg6[%swap3A_469, %swap3A_470, %swap3A_471] {strides = array<i32>} : memref<4x16x1024xf32, #tpu.memory_space<vmem>>, vector<1x1x16xf32>,
          %swap3A_473 = vector.shape_cast %swap3A_472 : vector<1x1x16xf32> to vector<16xf32>
          %swap3A_474 = vector.shape_cast %get3A_453 : vector<16xf32> to vector<1x1x16xf32>
          tpu.vector_store %arg6[%swap3A_469, %swap3A_470, %swap3A_471], %swap3A_474 {add = true, strides = array<i32>} : memref<4x16x1024xf32, #tpu.memory_space<vmem>>, vector<1x1x16xf32>,
          %mul3A_475 = arith.constant 4 : i32
          %mul3A_476 = arith.muli %scan3A_433, %mul3A_475 : i32
          %add3A_477 = arith.constant 2 : i32
          %add3A_478 = arith.addi %mul3A_476, %add3A_477 : i32
          %swap3A_479 = arith.constant 2 : i32
          %swap3A_480 = arith.index_cast %swap3A_479 : i32 to index
          %swap3A_481 = arith.index_cast %add3A_478 : i32 to index
          %swap3A_482 = arith.index_cast %add3A_448 : i32 to index
          %swap3A_483 = tpu.vector_load %arg6[%swap3A_480, %swap3A_481, %swap3A_482] {strides = array<i32>} : memref<4x16x1024xf32, #tpu.memory_space<vmem>>, vector<1x1x16xf32>,
          %swap3A_484 = vector.shape_cast %swap3A_483 : vector<1x1x16xf32> to vector<16xf32>
          %swap3A_485 = vector.shape_cast %get3A_453 : vector<16xf32> to vector<1x1x16xf32>
          tpu.vector_store %arg6[%swap3A_480, %swap3A_481, %swap3A_482], %swap3A_485 {add = true, strides = array<i32>} : memref<4x16x1024xf32, #tpu.memory_space<vmem>>, vector<1x1x16xf32>,
          %mul3A_486 = arith.constant 4 : i32
          %mul3A_487 = arith.muli %scan3A_433, %mul3A_486 : i32
          %add3A_488 = arith.constant 3 : i32
          %add3A_489 = arith.addi %mul3A_487, %add3A_488 : i32
          %swap3A_490 = arith.constant 2 : i32
          %swap3A_491 = arith.index_cast %swap3A_490 : i32 to index
          %swap3A_492 = arith.index_cast %add3A_489 : i32 to index
          %swap3A_493 = arith.index_cast %add3A_448 : i32 to index
          %swap3A_494 = tpu.vector_load %arg6[%swap3A_491, %swap3A_492, %swap3A_493] {strides = array<i32>} : memref<4x16x1024xf32, #tpu.memory_space<vmem>>, vector<1x1x16xf32>,
          %swap3A_495 = vector.shape_cast %swap3A_494 : vector<1x1x16xf32> to vector<16xf32>
          %swap3A_496 = vector.shape_cast %get3A_453 : vector<16xf32> to vector<1x1x16xf32>
          tpu.vector_store %arg6[%swap3A_491, %swap3A_492, %swap3A_493], %swap3A_496 {add = true, strides = array<i32>} : memref<4x16x1024xf32, #tpu.memory_space<vmem>>, vector<1x1x16xf32>,
          %add3A_497 = arith.constant 16 : i32
          %add3A_498 = arith.addi %mul3A_446, %add3A_497 : i32
          %get3A_499 = arith.constant 2 : i32
          %get3A_500 = arith.index_cast %get3A_499 : i32 to index
          %get3A_501 = arith.index_cast %scan3A_433 : i32 to index
          %get3A_502 = arith.index_cast %add3A_498 : i32 to index
          %get3A_503 = tpu.vector_load %arg7[%get3A_500, %get3A_501, %get3A_502] {strides = array<i32>} : memref<4x4x1024xf32, #tpu.memory_space<vmem>>, vector<1x1x16xf32>,
          %get3A_504 = vector.shape_cast %get3A_503 : vector<1x1x16xf32> to vector<16xf32>
          %mul3A_505 = arith.constant 4 : i32
          %mul3A_506 = arith.muli %scan3A_433, %mul3A_505 : i32
          %add3A_507 = arith.constant 0 : i32
          %add3A_508 = arith.addi %mul3A_506, %add3A_507 : i32
          %swap3A_509 = arith.constant 2 : i32
          %swap3A_510 = arith.index_cast %swap3A_509 : i32 to index
          %swap3A_511 = arith.index_cast %add3A_508 : i32 to index
          %swap3A_512 = arith.index_cast %add3A_498 : i32 to index
          %swap3A_513 = tpu.vector_load %arg6[%swap3A_510, %swap3A_511, %swap3A_512] {strides = array<i32>} : memref<4x16x1024xf32, #tpu.memory_space<vmem>>, vector<1x1x16xf32>,
          %swap3A_514 = vector.shape_cast %swap3A_513 : vector<1x1x16xf32> to vector<16xf32>
          %swap3A_515 = vector.shape_cast %get3A_504 : vector<16xf32> to vector<1x1x16xf32>
          tpu.vector_store %arg6[%swap3A_510, %swap3A_511, %swap3A_512], %swap3A_515 {add = true, strides = array<i32>} : memref<4x16x1024xf32, #tpu.memory_space<vmem>>, vector<1x1x16xf32>,
          %mul3A_516 = arith.constant 4 : i32
          %mul3A_517 = arith.muli %scan3A_433, %mul3A_516 : i32
          %add3A_518 = arith.constant 1 : i32
          %add3A_519 = arith.addi %mul3A_517, %add3A_518 : i32
          %swap3A_520 = arith.constant 2 : i32
          %swap3A_521 = arith.index_cast %swap3A_520 : i32 to index
          %swap3A_522 = arith.index_cast %add3A_519 : i32 to index
          %swap3A_523 = arith.index_cast %add3A_498 : i32 to index
          %swap3A_524 = tpu.vector_load %arg6[%swap3A_521, %swap3A_522, %swap3A_523] {strides = array<i32>} : memref<4x16x1024xf32, #tpu.memory_space<vmem>>, vector<1x1x16xf32>,
          %swap3A_525 = vector.shape_cast %swap3A_524 : vector<1x1x16xf32> to vector<16xf32>
          %swap3A_526 = vector.shape_cast %get3A_504 : vector<16xf32> to vector<1x1x16xf32>
          tpu.vector_store %arg6[%swap3A_521, %swap3A_522, %swap3A_523], %swap3A_526 {add = true, strides = array<i32>} : memref<4x16x1024xf32, #tpu.memory_space<vmem>>, vector<1x1x16xf32>,
          %mul3A_527 = arith.constant 4 : i32
          %mul3A_528 = arith.muli %scan3A_433, %mul3A_527 : i32
          %add3A_529 = arith.constant 2 : i32
          %add3A_530 = arith.addi %mul3A_528, %add3A_529 : i32
          %swap3A_531 = arith.constant 2 : i32
          %swap3A_532 = arith.index_cast %swap3A_531 : i32 to index
          %swap3A_533 = arith.index_cast %add3A_530 : i32 to index
          %swap3A_534 = arith.index_cast %add3A_498 : i32 to index
          %swap3A_535 = tpu.vector_load %arg6[%swap3A_532, %swap3A_533, %swap3A_534] {strides = array<i32>} : memref<4x16x1024xf32, #tpu.memory_space<vmem>>, vector<1x1x16xf32>,
          %swap3A_536 = vector.shape_cast %swap3A_535 : vector<1x1x16xf32> to vector<16xf32>
          %swap3A_537 = vector.shape_cast %get3A_504 : vector<16xf32> to vector<1x1x16xf32>
          tpu.vector_store %arg6[%swap3A_532, %swap3A_533, %swap3A_534], %swap3A_537 {add = true, strides = array<i32>} : memref<4x16x1024xf32, #tpu.memory_space<vmem>>, vector<1x1x16xf32>,
          %mul3A_538 = arith.constant 4 : i32
          %mul3A_539 = arith.muli %scan3A_433, %mul3A_538 : i32
          %add3A_540 = arith.constant 3 : i32
          %add3A_541 = arith.addi %mul3A_539, %add3A_540 : i32
          %swap3A_542 = arith.constant 2 : i32
          %swap3A_543 = arith.index_cast %swap3A_542 : i32 to index
          %swap3A_544 = arith.index_cast %add3A_541 : i32 to index
          %swap3A_545 = arith.index_cast %add3A_498 : i32 to index
          %swap3A_546 = tpu.vector_load %arg6[%swap3A_543, %swap3A_544, %swap3A_545] {strides = array<i32>} : memref<4x16x1024xf32, #tpu.memory_space<vmem>>, vector<1x1x16xf32>,
          %swap3A_547 = vector.shape_cast %swap3A_546 : vector<1x1x16xf32> to vector<16xf32>
          %swap3A_548 = vector.shape_cast %get3A_504 : vector<16xf32> to vector<1x1x16xf32>
          tpu.vector_store %arg6[%swap3A_543, %swap3A_544, %swap3A_545], %swap3A_548 {add = true, strides = array<i32>} : memref<4x16x1024xf32, #tpu.memory_space<vmem>>, vector<1x1x16xf32>,
          %add3A_549 = arith.constant 32 : i32
          %add3A_550 = arith.addi %mul3A_446, %add3A_549 : i32
          %get3A_551 = arith.constant 2 : i32
          %get3A_552 = arith.index_cast %get3A_551 : i32 to index
          %get3A_553 = arith.index_cast %scan3A_433 : i32 to index
          %get3A_554 = arith.index_cast %add3A_550 : i32 to index
          %get3A_555 = tpu.vector_load %arg7[%get3A_552, %get3A_553, %get3A_554] {strides = array<i32>} : memref<4x4x1024xf32, #tpu.memory_space<vmem>>, vector<1x1x16xf32>,
          %get3A_556 = vector.shape_cast %get3A_555 : vector<1x1x16xf32> to vector<16xf32>
          %mul3A_557 = arith.constant 4 : i32
          %mul3A_558 = arith.muli %scan3A_433, %mul3A_557 : i32
          %add3A_559 = arith.constant 0 : i32
          %add3A_560 = arith.addi %mul3A_558, %add3A_559 : i32
          %swap3A_561 = arith.constant 2 : i32
          %swap3A_562 = arith.index_cast %swap3A_561 : i32 to index
          %swap3A_563 = arith.index_cast %add3A_560 : i32 to index
          %swap3A_564 = arith.index_cast %add3A_550 : i32 to index
          %swap3A_565 = tpu.vector_load %arg6[%swap3A_562, %swap3A_563, %swap3A_564] {strides = array<i32>} : memref<4x16x1024xf32, #tpu.memory_space<vmem>>, vector<1x1x16xf32>,
          %swap3A_566 = vector.shape_cast %swap3A_565 : vector<1x1x16xf32> to vector<16xf32>
          %swap3A_567 = vector.shape_cast %get3A_556 : vector<16xf32> to vector<1x1x16xf32>
          tpu.vector_store %arg6[%swap3A_562, %swap3A_563, %swap3A_564], %swap3A_567 {add = true, strides = array<i32>} : memref<4x16x1024xf32, #tpu.memory_space<vmem>>, vector<1x1x16xf32>,
          %mul3A_568 = arith.constant 4 : i32
          %mul3A_569 = arith.muli %scan3A_433, %mul3A_568 : i32
          %add3A_570 = arith.constant 1 : i32
          %add3A_571 = arith.addi %mul3A_569, %add3A_570 : i32
          %swap3A_572 = arith.constant 2 : i32
          %swap3A_573 = arith.index_cast %swap3A_572 : i32 to index
          %swap3A_574 = arith.index_cast %add3A_571 : i32 to index
          %swap3A_575 = arith.index_cast %add3A_550 : i32 to index
          %swap3A_576 = tpu.vector_load %arg6[%swap3A_573, %swap3A_574, %swap3A_575] {strides = array<i32>} : memref<4x16x1024xf32, #tpu.memory_space<vmem>>, vector<1x1x16xf32>,
          %swap3A_577 = vector.shape_cast %swap3A_576 : vector<1x1x16xf32> to vector<16xf32>
          %swap3A_578 = vector.shape_cast %get3A_556 : vector<16xf32> to vector<1x1x16xf32>
          tpu.vector_store %arg6[%swap3A_573, %swap3A_574, %swap3A_575], %swap3A_578 {add = true, strides = array<i32>} : memref<4x16x1024xf32, #tpu.memory_space<vmem>>, vector<1x1x16xf32>,
          %mul3A_579 = arith.constant 4 : i32
          %mul3A_580 = arith.muli %scan3A_433, %mul3A_579 : i32
          %add3A_581 = arith.constant 2 : i32
          %add3A_582 = arith.addi %mul3A_580, %add3A_581 : i32
          %swap3A_583 = arith.constant 2 : i32
          %swap3A_584 = arith.index_cast %swap3A_583 : i32 to index
          %swap3A_585 = arith.index_cast %add3A_582 : i32 to index
          %swap3A_586 = arith.index_cast %add3A_550 : i32 to index
          %swap3A_587 = tpu.vector_load %arg6[%swap3A_584, %swap3A_585, %swap3A_586] {strides = array<i32>} : memref<4x16x1024xf32, #tpu.memory_space<vmem>>, vector<1x1x16xf32>,
          %swap3A_588 = vector.shape_cast %swap3A_587 : vector<1x1x16xf32> to vector<16xf32>
          %swap3A_589 = vector.shape_cast %get3A_556 : vector<16xf32> to vector<1x1x16xf32>
          tpu.vector_store %arg6[%swap3A_584, %swap3A_585, %swap3A_586], %swap3A_589 {add = true, strides = array<i32>} : memref<4x16x1024xf32, #tpu.memory_space<vmem>>, vector<1x1x16xf32>,
          %mul3A_590 = arith.constant 4 : i32
          %mul3A_591 = arith.muli %scan3A_433, %mul3A_590 : i32
          %add3A_592 = arith.constant 3 : i32
          %add3A_593 = arith.addi %mul3A_591, %add3A_592 : i32
          %swap3A_594 = arith.constant 2 : i32
          %swap3A_595 = arith.index_cast %swap3A_594 : i32 to index
          %swap3A_596 = arith.index_cast %add3A_593 : i32 to index
          %swap3A_597 = arith.index_cast %add3A_550 : i32 to index
          %swap3A_598 = tpu.vector_load %arg6[%swap3A_595, %swap3A_596, %swap3A_597] {strides = array<i32>} : memref<4x16x1024xf32, #tpu.memory_space<vmem>>, vector<1x1x16xf32>,
          %swap3A_599 = vector.shape_cast %swap3A_598 : vector<1x1x16xf32> to vector<16xf32>
          %swap3A_600 = vector.shape_cast %get3A_556 : vector<16xf32> to vector<1x1x16xf32>
          tpu.vector_store %arg6[%swap3A_595, %swap3A_596, %swap3A_597], %swap3A_600 {add = true, strides = array<i32>} : memref<4x16x1024xf32, #tpu.memory_space<vmem>>, vector<1x1x16xf32>,
          %add3A_601 = arith.constant 48 : i32
          %add3A_602 = arith.addi %mul3A_446, %add3A_601 : i32
          %get3A_603 = arith.constant 2 : i32
          %get3A_604 = arith.index_cast %get3A_603 : i32 to index
          %get3A_605 = arith.index_cast %scan3A_433 : i32 to index
          %get3A_606 = arith.index_cast %add3A_602 : i32 to index
          %get3A_607 = tpu.vector_load %arg7[%get3A_604, %get3A_605, %get3A_606] {strides = array<i32>} : memref<4x4x1024xf32, #tpu.memory_space<vmem>>, vector<1x1x16xf32>,
          %get3A_608 = vector.shape_cast %get3A_607 : vector<1x1x16xf32> to vector<16xf32>
          %mul3A_609 = arith.constant 4 : i32
          %mul3A_610 = arith.muli %scan3A_433, %mul3A_609 : i32
          %add3A_611 = arith.constant 0 : i32
          %add3A_612 = arith.addi %mul3A_610, %add3A_611 : i32
          %swap3A_613 = arith.constant 2 : i32
          %swap3A_614 = arith.index_cast %swap3A_613 : i32 to index
          %swap3A_615 = arith.index_cast %add3A_612 : i32 to index
          %swap3A_616 = arith.index_cast %add3A_602 : i32 to index
          %swap3A_617 = tpu.vector_load %arg6[%swap3A_614, %swap3A_615, %swap3A_616] {strides = array<i32>} : memref<4x16x1024xf32, #tpu.memory_space<vmem>>, vector<1x1x16xf32>,
          %swap3A_618 = vector.shape_cast %swap3A_617 : vector<1x1x16xf32> to vector<16xf32>
          %swap3A_619 = vector.shape_cast %get3A_608 : vector<16xf32> to vector<1x1x16xf32>
          tpu.vector_store %arg6[%swap3A_614, %swap3A_615, %swap3A_616], %swap3A_619 {add = true, strides = array<i32>} : memref<4x16x1024xf32, #tpu.memory_space<vmem>>, vector<1x1x16xf32>,
          %mul3A_620 = arith.constant 4 : i32
          %mul3A_621 = arith.muli %scan3A_433, %mul3A_620 : i32
          %add3A_622 = arith.constant 1 : i32
          %add3A_623 = arith.addi %mul3A_621, %add3A_622 : i32
          %swap3A_624 = arith.constant 2 : i32
          %swap3A_625 = arith.index_cast %swap3A_624 : i32 to index
          %swap3A_626 = arith.index_cast %add3A_623 : i32 to index
          %swap3A_627 = arith.index_cast %add3A_602 : i32 to index
          %swap3A_628 = tpu.vector_load %arg6[%swap3A_625, %swap3A_626, %swap3A_627] {strides = array<i32>} : memref<4x16x1024xf32, #tpu.memory_space<vmem>>, vector<1x1x16xf32>,
          %swap3A_629 = vector.shape_cast %swap3A_628 : vector<1x1x16xf32> to vector<16xf32>
          %swap3A_630 = vector.shape_cast %get3A_608 : vector<16xf32> to vector<1x1x16xf32>
          tpu.vector_store %arg6[%swap3A_625, %swap3A_626, %swap3A_627], %swap3A_630 {add = true, strides = array<i32>} : memref<4x16x1024xf32, #tpu.memory_space<vmem>>, vector<1x1x16xf32>,
          %mul3A_631 = arith.constant 4 : i32
          %mul3A_632 = arith.muli %scan3A_433, %mul3A_631 : i32
          %add3A_633 = arith.constant 2 : i32
          %add3A_634 = arith.addi %mul3A_632, %add3A_633 : i32
          %swap3A_635 = arith.constant 2 : i32
          %swap3A_636 = arith.index_cast %swap3A_635 : i32 to index
          %swap3A_637 = arith.index_cast %add3A_634 : i32 to index
          %swap3A_638 = arith.index_cast %add3A_602 : i32 to index
          %swap3A_639 = tpu.vector_load %arg6[%swap3A_636, %swap3A_637, %swap3A_638] {strides = array<i32>} : memref<4x16x1024xf32, #tpu.memory_space<vmem>>, vector<1x1x16xf32>,
          %swap3A_640 = vector.shape_cast %swap3A_639 : vector<1x1x16xf32> to vector<16xf32>
          %swap3A_641 = vector.shape_cast %get3A_608 : vector<16xf32> to vector<1x1x16xf32>
          tpu.vector_store %arg6[%swap3A_636, %swap3A_637, %swap3A_638], %swap3A_641 {add = true, strides = array<i32>} : memref<4x16x1024xf32, #tpu.memory_space<vmem>>, vector<1x1x16xf32>,
          %mul3A_642 = arith.constant 4 : i32
          %mul3A_643 = arith.muli %scan3A_433, %mul3A_642 : i32
          %add3A_644 = arith.constant 3 : i32
          %add3A_645 = arith.addi %mul3A_643, %add3A_644 : i32
          %swap3A_646 = arith.constant 2 : i32
          %swap3A_647 = arith.index_cast %swap3A_646 : i32 to index
          %swap3A_648 = arith.index_cast %add3A_645 : i32 to index
          %swap3A_649 = arith.index_cast %add3A_602 : i32 to index
          %swap3A_650 = tpu.vector_load %arg6[%swap3A_647, %swap3A_648, %swap3A_649] {strides = array<i32>} : memref<4x16x1024xf32, #tpu.memory_space<vmem>>, vector<1x1x16xf32>,
          %swap3A_651 = vector.shape_cast %swap3A_650 : vector<1x1x16xf32> to vector<16xf32>
          %swap3A_652 = vector.shape_cast %get3A_608 : vector<16xf32> to vector<1x1x16xf32>
          tpu.vector_store %arg6[%swap3A_647, %swap3A_648, %swap3A_649], %swap3A_652 {add = true, strides = array<i32>} : memref<4x16x1024xf32, #tpu.memory_space<vmem>>, vector<1x1x16xf32>,
          %add3A_653 = arith.constant 64 : i32
          %add3A_654 = arith.addi %mul3A_446, %add3A_653 : i32
          %get3A_655 = arith.constant 2 : i32
          %get3A_656 = arith.index_cast %get3A_655 : i32 to index
          %get3A_657 = arith.index_cast %scan3A_433 : i32 to index
          %get3A_658 = arith.index_cast %add3A_654 : i32 to index
          %get3A_659 = tpu.vector_load %arg7[%get3A_656, %get3A_657, %get3A_658] {strides = array<i32>} : memref<4x4x1024xf32, #tpu.memory_space<vmem>>, vector<1x1x16xf32>,
          %get3A_660 = vector.shape_cast %get3A_659 : vector<1x1x16xf32> to vector<16xf32>
          %mul3A_661 = arith.constant 4 : i32
          %mul3A_662 = arith.muli %scan3A_433, %mul3A_661 : i32
          %add3A_663 = arith.constant 0 : i32
          %add3A_664 = arith.addi %mul3A_662, %add3A_663 : i32
          %swap3A_665 = arith.constant 2 : i32
          %swap3A_666 = arith.index_cast %swap3A_665 : i32 to index
          %swap3A_667 = arith.index_cast %add3A_664 : i32 to index
          %swap3A_668 = arith.index_cast %add3A_654 : i32 to index
          %swap3A_669 = tpu.vector_load %arg6[%swap3A_666, %swap3A_667, %swap3A_668] {strides = array<i32>} : memref<4x16x1024xf32, #tpu.memory_space<vmem>>, vector<1x1x16xf32>,
          %swap3A_670 = vector.shape_cast %swap3A_669 : vector<1x1x16xf32> to vector<16xf32>
          %swap3A_671 = vector.shape_cast %get3A_660 : vector<16xf32> to vector<1x1x16xf32>
          tpu.vector_store %arg6[%swap3A_666, %swap3A_667, %swap3A_668], %swap3A_671 {add = true, strides = array<i32>} : memref<4x16x1024xf32, #tpu.memory_space<vmem>>, vector<1x1x16xf32>,
          %mul3A_672 = arith.constant 4 : i32
          %mul3A_673 = arith.muli %scan3A_433, %mul3A_672 : i32
          %add3A_674 = arith.constant 1 : i32
          %add3A_675 = arith.addi %mul3A_673, %add3A_674 : i32
          %swap3A_676 = arith.constant 2 : i32
          %swap3A_677 = arith.index_cast %swap3A_676 : i32 to index
          %swap3A_678 = arith.index_cast %add3A_675 : i32 to index
          %swap3A_679 = arith.index_cast %add3A_654 : i32 to index
          %swap3A_680 = tpu.vector_load %arg6[%swap3A_677, %swap3A_678, %swap3A_679] {strides = array<i32>} : memref<4x16x1024xf32, #tpu.memory_space<vmem>>, vector<1x1x16xf32>,
          %swap3A_681 = vector.shape_cast %swap3A_680 : vector<1x1x16xf32> to vector<16xf32>
          %swap3A_682 = vector.shape_cast %get3A_660 : vector<16xf32> to vector<1x1x16xf32>
          tpu.vector_store %arg6[%swap3A_677, %swap3A_678, %swap3A_679], %swap3A_682 {add = true, strides = array<i32>} : memref<4x16x1024xf32, #tpu.memory_space<vmem>>, vector<1x1x16xf32>,
          %mul3A_683 = arith.constant 4 : i32
          %mul3A_684 = arith.muli %scan3A_433, %mul3A_683 : i32
          %add3A_685 = arith.constant 2 : i32
          %add3A_686 = arith.addi %mul3A_684, %add3A_685 : i32
          %swap3A_687 = arith.constant 2 : i32
          %swap3A_688 = arith.index_cast %swap3A_687 : i32 to index
          %swap3A_689 = arith.index_cast %add3A_686 : i32 to index
          %swap3A_690 = arith.index_cast %add3A_654 : i32 to index
          %swap3A_691 = tpu.vector_load %arg6[%swap3A_688, %swap3A_689, %swap3A_690] {strides = array<i32>} : memref<4x16x1024xf32, #tpu.memory_space<vmem>>, vector<1x1x16xf32>,
          %swap3A_692 = vector.shape_cast %swap3A_691 : vector<1x1x16xf32> to vector<16xf32>
          %swap3A_693 = vector.shape_cast %get3A_660 : vector<16xf32> to vector<1x1x16xf32>
          tpu.vector_store %arg6[%swap3A_688, %swap3A_689, %swap3A_690], %swap3A_693 {add = true, strides = array<i32>} : memref<4x16x1024xf32, #tpu.memory_space<vmem>>, vector<1x1x16xf32>,
          %mul3A_694 = arith.constant 4 : i32
          %mul3A_695 = arith.muli %scan3A_433, %mul3A_694 : i32
          %add3A_696 = arith.constant 3 : i32
          %add3A_697 = arith.addi %mul3A_695, %add3A_696 : i32
          %swap3A_698 = arith.constant 2 : i32
          %swap3A_699 = arith.index_cast %swap3A_698 : i32 to index
          %swap3A_700 = arith.index_cast %add3A_697 : i32 to index
          %swap3A_701 = arith.index_cast %add3A_654 : i32 to index
          %swap3A_702 = tpu.vector_load %arg6[%swap3A_699, %swap3A_700, %swap3A_701] {strides = array<i32>} : memref<4x16x1024xf32, #tpu.memory_space<vmem>>, vector<1x1x16xf32>,
          %swap3A_703 = vector.shape_cast %swap3A_702 : vector<1x1x16xf32> to vector<16xf32>
          %swap3A_704 = vector.shape_cast %get3A_660 : vector<16xf32> to vector<1x1x16xf32>
          tpu.vector_store %arg6[%swap3A_699, %swap3A_700, %swap3A_701], %swap3A_704 {add = true, strides = array<i32>} : memref<4x16x1024xf32, #tpu.memory_space<vmem>>, vector<1x1x16xf32>,
          %add3A_705 = arith.constant 80 : i32
          %add3A_706 = arith.addi %mul3A_446, %add3A_705 : i32
          %get3A_707 = arith.constant 2 : i32
          %get3A_708 = arith.index_cast %get3A_707 : i32 to index
          %get3A_709 = arith.index_cast %scan3A_433 : i32 to index
          %get3A_710 = arith.index_cast %add3A_706 : i32 to index
          %get3A_711 = tpu.vector_load %arg7[%get3A_708, %get3A_709, %get3A_710] {strides = array<i32>} : memref<4x4x1024xf32, #tpu.memory_space<vmem>>, vector<1x1x16xf32>,
          %get3A_712 = vector.shape_cast %get3A_711 : vector<1x1x16xf32> to vector<16xf32>
          %mul3A_713 = arith.constant 4 : i32
          %mul3A_714 = arith.muli %scan3A_433, %mul3A_713 : i32
          %add3A_715 = arith.constant 0 : i32
          %add3A_716 = arith.addi %mul3A_714, %add3A_715 : i32
          %swap3A_717 = arith.constant 2 : i32
          %swap3A_718 = arith.index_cast %swap3A_717 : i32 to index
          %swap3A_719 = arith.index_cast %add3A_716 : i32 to index
          %swap3A_720 = arith.index_cast %add3A_706 : i32 to index
          %swap3A_721 = tpu.vector_load %arg6[%swap3A_718, %swap3A_719, %swap3A_720] {strides = array<i32>} : memref<4x16x1024xf32, #tpu.memory_space<vmem>>, vector<1x1x16xf32>,
          %swap3A_722 = vector.shape_cast %swap3A_721 : vector<1x1x16xf32> to vector<16xf32>
          %swap3A_723 = vector.shape_cast %get3A_712 : vector<16xf32> to vector<1x1x16xf32>
          tpu.vector_store %arg6[%swap3A_718, %swap3A_719, %swap3A_720], %swap3A_723 {add = true, strides = array<i32>} : memref<4x16x1024xf32, #tpu.memory_space<vmem>>, vector<1x1x16xf32>,
          %mul3A_724 = arith.constant 4 : i32
          %mul3A_725 = arith.muli %scan3A_433, %mul3A_724 : i32
          %add3A_726 = arith.constant 1 : i32
          %add3A_727 = arith.addi %mul3A_725, %add3A_726 : i32
          %swap3A_728 = arith.constant 2 : i32
          %swap3A_729 = arith.index_cast %swap3A_728 : i32 to index
          %swap3A_730 = arith.index_cast %add3A_727 : i32 to index
          %swap3A_731 = arith.index_cast %add3A_706 : i32 to index
          %swap3A_732 = tpu.vector_load %arg6[%swap3A_729, %swap3A_730, %swap3A_731] {strides = array<i32>} : memref<4x16x1024xf32, #tpu.memory_space<vmem>>, vector<1x1x16xf32>,
          %swap3A_733 = vector.shape_cast %swap3A_732 : vector<1x1x16xf32> to vector<16xf32>
          %swap3A_734 = vector.shape_cast %get3A_712 : vector<16xf32> to vector<1x1x16xf32>
          tpu.vector_store %arg6[%swap3A_729, %swap3A_730, %swap3A_731], %swap3A_734 {add = true, strides = array<i32>} : memref<4x16x1024xf32, #tpu.memory_space<vmem>>, vector<1x1x16xf32>,
          %mul3A_735 = arith.constant 4 : i32
          %mul3A_736 = arith.muli %scan3A_433, %mul3A_735 : i32
          %add3A_737 = arith.constant 2 : i32
          %add3A_738 = arith.addi %mul3A_736, %add3A_737 : i32
          %swap3A_739 = arith.constant 2 : i32
          %swap3A_740 = arith.index_cast %swap3A_739 : i32 to index
          %swap3A_741 = arith.index_cast %add3A_738 : i32 to index
          %swap3A_742 = arith.index_cast %add3A_706 : i32 to index
          %swap3A_743 = tpu.vector_load %arg6[%swap3A_740, %swap3A_741, %swap3A_742] {strides = array<i32>} : memref<4x16x1024xf32, #tpu.memory_space<vmem>>, vector<1x1x16xf32>,
          %swap3A_744 = vector.shape_cast %swap3A_743 : vector<1x1x16xf32> to vector<16xf32>
          %swap3A_745 = vector.shape_cast %get3A_712 : vector<16xf32> to vector<1x1x16xf32>
          tpu.vector_store %arg6[%swap3A_740, %swap3A_741, %swap3A_742], %swap3A_745 {add = true, strides = array<i32>} : memref<4x16x1024xf32, #tpu.memory_space<vmem>>, vector<1x1x16xf32>,
          %mul3A_746 = arith.constant 4 : i32
          %mul3A_747 = arith.muli %scan3A_433, %mul3A_746 : i32
          %add3A_748 = arith.constant 3 : i32
          %add3A_749 = arith.addi %mul3A_747, %add3A_748 : i32
          %swap3A_750 = arith.constant 2 : i32
          %swap3A_751 = arith.index_cast %swap3A_750 : i32 to index
          %swap3A_752 = arith.index_cast %add3A_749 : i32 to index
          %swap3A_753 = arith.index_cast %add3A_706 : i32 to index
          %swap3A_754 = tpu.vector_load %arg6[%swap3A_751, %swap3A_752, %swap3A_753] {strides = array<i32>} : memref<4x16x1024xf32, #tpu.memory_space<vmem>>, vector<1x1x16xf32>,
          %swap3A_755 = vector.shape_cast %swap3A_754 : vector<1x1x16xf32> to vector<16xf32>
          %swap3A_756 = vector.shape_cast %get3A_712 : vector<16xf32> to vector<1x1x16xf32>
          tpu.vector_store %arg6[%swap3A_751, %swap3A_752, %swap3A_753], %swap3A_756 {add = true, strides = array<i32>} : memref<4x16x1024xf32, #tpu.memory_space<vmem>>, vector<1x1x16xf32>,
          %add3A_757 = arith.constant 96 : i32
          %add3A_758 = arith.addi %mul3A_446, %add3A_757 : i32
          %get3A_759 = arith.constant 2 : i32
          %get3A_760 = arith.index_cast %get3A_759 : i32 to index
          %get3A_761 = arith.index_cast %scan3A_433 : i32 to index
          %get3A_762 = arith.index_cast %add3A_758 : i32 to index
          %get3A_763 = tpu.vector_load %arg7[%get3A_760, %get3A_761, %get3A_762] {strides = array<i32>} : memref<4x4x1024xf32, #tpu.memory_space<vmem>>, vector<1x1x16xf32>,
          %get3A_764 = vector.shape_cast %get3A_763 : vector<1x1x16xf32> to vector<16xf32>
          %mul3A_765 = arith.constant 4 : i32
          %mul3A_766 = arith.muli %scan3A_433, %mul3A_765 : i32
          %add3A_767 = arith.constant 0 : i32
          %add3A_768 = arith.addi %mul3A_766, %add3A_767 : i32
          %swap3A_769 = arith.constant 2 : i32
          %swap3A_770 = arith.index_cast %swap3A_769 : i32 to index
          %swap3A_771 = arith.index_cast %add3A_768 : i32 to index
          %swap3A_772 = arith.index_cast %add3A_758 : i32 to index
          %swap3A_773 = tpu.vector_load %arg6[%swap3A_770, %swap3A_771, %swap3A_772] {strides = array<i32>} : memref<4x16x1024xf32, #tpu.memory_space<vmem>>, vector<1x1x16xf32>,
          %swap3A_774 = vector.shape_cast %swap3A_773 : vector<1x1x16xf32> to vector<16xf32>
          %swap3A_775 = vector.shape_cast %get3A_764 : vector<16xf32> to vector<1x1x16xf32>
          tpu.vector_store %arg6[%swap3A_770, %swap3A_771, %swap3A_772], %swap3A_775 {add = true, strides = array<i32>} : memref<4x16x1024xf32, #tpu.memory_space<vmem>>, vector<1x1x16xf32>,
          %mul3A_776 = arith.constant 4 : i32
          %mul3A_777 = arith.muli %scan3A_433, %mul3A_776 : i32
          %add3A_778 = arith.constant 1 : i32
          %add3A_779 = arith.addi %mul3A_777, %add3A_778 : i32
          %swap3A_780 = arith.constant 2 : i32
          %swap3A_781 = arith.index_cast %swap3A_780 : i32 to index
          %swap3A_782 = arith.index_cast %add3A_779 : i32 to index
          %swap3A_783 = arith.index_cast %add3A_758 : i32 to index
          %swap3A_784 = tpu.vector_load %arg6[%swap3A_781, %swap3A_782, %swap3A_783] {strides = array<i32>} : memref<4x16x1024xf32, #tpu.memory_space<vmem>>, vector<1x1x16xf32>,
          %swap3A_785 = vector.shape_cast %swap3A_784 : vector<1x1x16xf32> to vector<16xf32>
          %swap3A_786 = vector.shape_cast %get3A_764 : vector<16xf32> to vector<1x1x16xf32>
          tpu.vector_store %arg6[%swap3A_781, %swap3A_782, %swap3A_783], %swap3A_786 {add = true, strides = array<i32>} : memref<4x16x1024xf32, #tpu.memory_space<vmem>>, vector<1x1x16xf32>,
          %mul3A_787 = arith.constant 4 : i32
          %mul3A_788 = arith.muli %scan3A_433, %mul3A_787 : i32
          %add3A_789 = arith.constant 2 : i32
          %add3A_790 = arith.addi %mul3A_788, %add3A_789 : i32
          %swap3A_791 = arith.constant 2 : i32
          %swap3A_792 = arith.index_cast %swap3A_791 : i32 to index
          %swap3A_793 = arith.index_cast %add3A_790 : i32 to index
          %swap3A_794 = arith.index_cast %add3A_758 : i32 to index
          %swap3A_795 = tpu.vector_load %arg6[%swap3A_792, %swap3A_793, %swap3A_794] {strides = array<i32>} : memref<4x16x1024xf32, #tpu.memory_space<vmem>>, vector<1x1x16xf32>,
          %swap3A_796 = vector.shape_cast %swap3A_795 : vector<1x1x16xf32> to vector<16xf32>
          %swap3A_797 = vector.shape_cast %get3A_764 : vector<16xf32> to vector<1x1x16xf32>
          tpu.vector_store %arg6[%swap3A_792, %swap3A_793, %swap3A_794], %swap3A_797 {add = true, strides = array<i32>} : memref<4x16x1024xf32, #tpu.memory_space<vmem>>, vector<1x1x16xf32>,
          %mul3A_798 = arith.constant 4 : i32
          %mul3A_799 = arith.muli %scan3A_433, %mul3A_798 : i32
          %add3A_800 = arith.constant 3 : i32
          %add3A_801 = arith.addi %mul3A_799, %add3A_800 : i32
          %swap3A_802 = arith.constant 2 : i32
          %swap3A_803 = arith.index_cast %swap3A_802 : i32 to index
          %swap3A_804 = arith.index_cast %add3A_801 : i32 to index
          %swap3A_805 = arith.index_cast %add3A_758 : i32 to index
          %swap3A_806 = tpu.vector_load %arg6[%swap3A_803, %swap3A_804, %swap3A_805] {strides = array<i32>} : memref<4x16x1024xf32, #tpu.memory_space<vmem>>, vector<1x1x16xf32>,
          %swap3A_807 = vector.shape_cast %swap3A_806 : vector<1x1x16xf32> to vector<16xf32>
          %swap3A_808 = vector.shape_cast %get3A_764 : vector<16xf32> to vector<1x1x16xf32>
          tpu.vector_store %arg6[%swap3A_803, %swap3A_804, %swap3A_805], %swap3A_808 {add = true, strides = array<i32>} : memref<4x16x1024xf32, #tpu.memory_space<vmem>>, vector<1x1x16xf32>,
          %add3A_809 = arith.constant 112 : i32
          %add3A_810 = arith.addi %mul3A_446, %add3A_809 : i32
          %get3A_811 = arith.constant 2 : i32
          %get3A_812 = arith.index_cast %get3A_811 : i32 to index
          %get3A_813 = arith.index_cast %scan3A_433 : i32 to index
          %get3A_814 = arith.index_cast %add3A_810 : i32 to index
          %get3A_815 = tpu.vector_load %arg7[%get3A_812, %get3A_813, %get3A_814] {strides = array<i32>} : memref<4x4x1024xf32, #tpu.memory_space<vmem>>, vector<1x1x16xf32>,
          %get3A_816 = vector.shape_cast %get3A_815 : vector<1x1x16xf32> to vector<16xf32>
          %mul3A_817 = arith.constant 4 : i32
          %mul3A_818 = arith.muli %scan3A_433, %mul3A_817 : i32
          %add3A_819 = arith.constant 0 : i32
          %add3A_820 = arith.addi %mul3A_818, %add3A_819 : i32
          %swap3A_821 = arith.constant 2 : i32
          %swap3A_822 = arith.index_cast %swap3A_821 : i32 to index
          %swap3A_823 = arith.index_cast %add3A_820 : i32 to index
          %swap3A_824 = arith.index_cast %add3A_810 : i32 to index
          %swap3A_825 = tpu.vector_load %arg6[%swap3A_822, %swap3A_823, %swap3A_824] {strides = array<i32>} : memref<4x16x1024xf32, #tpu.memory_space<vmem>>, vector<1x1x16xf32>,
          %swap3A_826 = vector.shape_cast %swap3A_825 : vector<1x1x16xf32> to vector<16xf32>
          %swap3A_827 = vector.shape_cast %get3A_816 : vector<16xf32> to vector<1x1x16xf32>
          tpu.vector_store %arg6[%swap3A_822, %swap3A_823, %swap3A_824], %swap3A_827 {add = true, strides = array<i32>} : memref<4x16x1024xf32, #tpu.memory_space<vmem>>, vector<1x1x16xf32>,
          %mul3A_828 = arith.constant 4 : i32
          %mul3A_829 = arith.muli %scan3A_433, %mul3A_828 : i32
          %add3A_830 = arith.constant 1 : i32
          %add3A_831 = arith.addi %mul3A_829, %add3A_830 : i32
          %swap3A_832 = arith.constant 2 : i32
          %swap3A_833 = arith.index_cast %swap3A_832 : i32 to index
          %swap3A_834 = arith.index_cast %add3A_831 : i32 to index
          %swap3A_835 = arith.index_cast %add3A_810 : i32 to index
          %swap3A_836 = tpu.vector_load %arg6[%swap3A_833, %swap3A_834, %swap3A_835] {strides = array<i32>} : memref<4x16x1024xf32, #tpu.memory_space<vmem>>, vector<1x1x16xf32>,
          %swap3A_837 = vector.shape_cast %swap3A_836 : vector<1x1x16xf32> to vector<16xf32>
          %swap3A_838 = vector.shape_cast %get3A_816 : vector<16xf32> to vector<1x1x16xf32>
          tpu.vector_store %arg6[%swap3A_833, %swap3A_834, %swap3A_835], %swap3A_838 {add = true, strides = array<i32>} : memref<4x16x1024xf32, #tpu.memory_space<vmem>>, vector<1x1x16xf32>,
          %mul3A_839 = arith.constant 4 : i32
          %mul3A_840 = arith.muli %scan3A_433, %mul3A_839 : i32
          %add3A_841 = arith.constant 2 : i32
          %add3A_842 = arith.addi %mul3A_840, %add3A_841 : i32
          %swap3A_843 = arith.constant 2 : i32
          %swap3A_844 = arith.index_cast %swap3A_843 : i32 to index
          %swap3A_845 = arith.index_cast %add3A_842 : i32 to index
          %swap3A_846 = arith.index_cast %add3A_810 : i32 to index
          %swap3A_847 = tpu.vector_load %arg6[%swap3A_844, %swap3A_845, %swap3A_846] {strides = array<i32>} : memref<4x16x1024xf32, #tpu.memory_space<vmem>>, vector<1x1x16xf32>,
          %swap3A_848 = vector.shape_cast %swap3A_847 : vector<1x1x16xf32> to vector<16xf32>
          %swap3A_849 = vector.shape_cast %get3A_816 : vector<16xf32> to vector<1x1x16xf32>
          tpu.vector_store %arg6[%swap3A_844, %swap3A_845, %swap3A_846], %swap3A_849 {add = true, strides = array<i32>} : memref<4x16x1024xf32, #tpu.memory_space<vmem>>, vector<1x1x16xf32>,
          %mul3A_850 = arith.constant 4 : i32
          %mul3A_851 = arith.muli %scan3A_433, %mul3A_850 : i32
          %add3A_852 = arith.constant 3 : i32
          %add3A_853 = arith.addi %mul3A_851, %add3A_852 : i32
          %swap3A_854 = arith.constant 2 : i32
          %swap3A_855 = arith.index_cast %swap3A_854 : i32 to index
          %swap3A_856 = arith.index_cast %add3A_853 : i32 to index
          %swap3A_857 = arith.index_cast %add3A_810 : i32 to index
          %swap3A_858 = tpu.vector_load %arg6[%swap3A_855, %swap3A_856, %swap3A_857] {strides = array<i32>} : memref<4x16x1024xf32, #tpu.memory_space<vmem>>, vector<1x1x16xf32>,
          %swap3A_859 = vector.shape_cast %swap3A_858 : vector<1x1x16xf32> to vector<16xf32>
          %swap3A_860 = vector.shape_cast %get3A_816 : vector<16xf32> to vector<1x1x16xf32>
          tpu.vector_store %arg6[%swap3A_855, %swap3A_856, %swap3A_857], %swap3A_860 {add = true, strides = array<i32>} : memref<4x16x1024xf32, #tpu.memory_space<vmem>>, vector<1x1x16xf32>,
          %add3A_861 = arith.constant 128 : i32
          %add3A_862 = arith.addi %mul3A_446, %add3A_861 : i32
          %get3A_863 = arith.constant 2 : i32
          %get3A_864 = arith.index_cast %get3A_863 : i32 to index
          %get3A_865 = arith.index_cast %scan3A_433 : i32 to index
          %get3A_866 = arith.index_cast %add3A_862 : i32 to index
          %get3A_867 = tpu.vector_load %arg7[%get3A_864, %get3A_865, %get3A_866] {strides = array<i32>} : memref<4x4x1024xf32, #tpu.memory_space<vmem>>, vector<1x1x16xf32>,
          %get3A_868 = vector.shape_cast %get3A_867 : vector<1x1x16xf32> to vector<16xf32>
          %mul3A_869 = arith.constant 4 : i32
          %mul3A_870 = arith.muli %scan3A_433, %mul3A_869 : i32
          %add3A_871 = arith.constant 0 : i32
          %add3A_872 = arith.addi %mul3A_870, %add3A_871 : i32
          %swap3A_873 = arith.constant 2 : i32
          %swap3A_874 = arith.index_cast %swap3A_873 : i32 to index
          %swap3A_875 = arith.index_cast %add3A_872 : i32 to index
          %swap3A_876 = arith.index_cast %add3A_862 : i32 to index
          %swap3A_877 = tpu.vector_load %arg6[%swap3A_874, %swap3A_875, %swap3A_876] {strides = array<i32>} : memref<4x16x1024xf32, #tpu.memory_space<vmem>>, vector<1x1x16xf32>,
          %swap3A_878 = vector.shape_cast %swap3A_877 : vector<1x1x16xf32> to vector<16xf32>
          %swap3A_879 = vector.shape_cast %get3A_868 : vector<16xf32> to vector<1x1x16xf32>
          tpu.vector_store %arg6[%swap3A_874, %swap3A_875, %swap3A_876], %swap3A_879 {add = true, strides = array<i32>} : memref<4x16x1024xf32, #tpu.memory_space<vmem>>, vector<1x1x16xf32>,
          %mul3A_880 = arith.constant 4 : i32
          %mul3A_881 = arith.muli %scan3A_433, %mul3A_880 : i32
          %add3A_882 = arith.constant 1 : i32
          %add3A_883 = arith.addi %mul3A_881, %add3A_882 : i32
          %swap3A_884 = arith.constant 2 : i32
          %swap3A_885 = arith.index_cast %swap3A_884 : i32 to index
          %swap3A_886 = arith.index_cast %add3A_883 : i32 to index
          %swap3A_887 = arith.index_cast %add3A_862 : i32 to index
          %swap3A_888 = tpu.vector_load %arg6[%swap3A_885, %swap3A_886, %swap3A_887] {strides = array<i32>} : memref<4x16x1024xf32, #tpu.memory_space<vmem>>, vector<1x1x16xf32>,
          %swap3A_889 = vector.shape_cast %swap3A_888 : vector<1x1x16xf32> to vector<16xf32>
          %swap3A_890 = vector.shape_cast %get3A_868 : vector<16xf32> to vector<1x1x16xf32>
          tpu.vector_store %arg6[%swap3A_885, %swap3A_886, %swap3A_887], %swap3A_890 {add = true, strides = array<i32>} : memref<4x16x1024xf32, #tpu.memory_space<vmem>>, vector<1x1x16xf32>,
          %mul3A_891 = arith.constant 4 : i32
          %mul3A_892 = arith.muli %scan3A_433, %mul3A_891 : i32
          %add3A_893 = arith.constant 2 : i32
          %add3A_894 = arith.addi %mul3A_892, %add3A_893 : i32
          %swap3A_895 = arith.constant 2 : i32
          %swap3A_896 = arith.index_cast %swap3A_895 : i32 to index
          %swap3A_897 = arith.index_cast %add3A_894 : i32 to index
          %swap3A_898 = arith.index_cast %add3A_862 : i32 to index
          %swap3A_899 = tpu.vector_load %arg6[%swap3A_896, %swap3A_897, %swap3A_898] {strides = array<i32>} : memref<4x16x1024xf32, #tpu.memory_space<vmem>>, vector<1x1x16xf32>,
          %swap3A_900 = vector.shape_cast %swap3A_899 : vector<1x1x16xf32> to vector<16xf32>
          %swap3A_901 = vector.shape_cast %get3A_868 : vector<16xf32> to vector<1x1x16xf32>
          tpu.vector_store %arg6[%swap3A_896, %swap3A_897, %swap3A_898], %swap3A_901 {add = true, strides = array<i32>} : memref<4x16x1024xf32, #tpu.memory_space<vmem>>, vector<1x1x16xf32>,
          %mul3A_902 = arith.constant 4 : i32
          %mul3A_903 = arith.muli %scan3A_433, %mul3A_902 : i32
          %add3A_904 = arith.constant 3 : i32
          %add3A_905 = arith.addi %mul3A_903, %add3A_904 : i32
          %swap3A_906 = arith.constant 2 : i32
          %swap3A_907 = arith.index_cast %swap3A_906 : i32 to index
          %swap3A_908 = arith.index_cast %add3A_905 : i32 to index
          %swap3A_909 = arith.index_cast %add3A_862 : i32 to index
          %swap3A_910 = tpu.vector_load %arg6[%swap3A_907, %swap3A_908, %swap3A_909] {strides = array<i32>} : memref<4x16x1024xf32, #tpu.memory_space<vmem>>, vector<1x1x16xf32>,
          %swap3A_911 = vector.shape_cast %swap3A_910 : vector<1x1x16xf32> to vector<16xf32>
          %swap3A_912 = vector.shape_cast %get3A_868 : vector<16xf32> to vector<1x1x16xf32>
          tpu.vector_store %arg6[%swap3A_907, %swap3A_908, %swap3A_909], %swap3A_912 {add = true, strides = array<i32>} : memref<4x16x1024xf32, #tpu.memory_space<vmem>>, vector<1x1x16xf32>,
          %add3A_913 = arith.constant 144 : i32
          %add3A_914 = arith.addi %mul3A_446, %add3A_913 : i32
          %get3A_915 = arith.constant 2 : i32
          %get3A_916 = arith.index_cast %get3A_915 : i32 to index
          %get3A_917 = arith.index_cast %scan3A_433 : i32 to index
          %get3A_918 = arith.index_cast %add3A_914 : i32 to index
          %get3A_919 = tpu.vector_load %arg7[%get3A_916, %get3A_917, %get3A_918] {strides = array<i32>} : memref<4x4x1024xf32, #tpu.memory_space<vmem>>, vector<1x1x16xf32>,
          %get3A_920 = vector.shape_cast %get3A_919 : vector<1x1x16xf32> to vector<16xf32>
          %mul3A_921 = arith.constant 4 : i32
          %mul3A_922 = arith.muli %scan3A_433, %mul3A_921 : i32
          %add3A_923 = arith.constant 0 : i32
          %add3A_924 = arith.addi %mul3A_922, %add3A_923 : i32
          %swap3A_925 = arith.constant 2 : i32
          %swap3A_926 = arith.index_cast %swap3A_925 : i32 to index
          %swap3A_927 = arith.index_cast %add3A_924 : i32 to index
          %swap3A_928 = arith.index_cast %add3A_914 : i32 to index
          %swap3A_929 = tpu.vector_load %arg6[%swap3A_926, %swap3A_927, %swap3A_928] {strides = array<i32>} : memref<4x16x1024xf32, #tpu.memory_space<vmem>>, vector<1x1x16xf32>,
          %swap3A_930 = vector.shape_cast %swap3A_929 : vector<1x1x16xf32> to vector<16xf32>
          %swap3A_931 = vector.shape_cast %get3A_920 : vector<16xf32> to vector<1x1x16xf32>
          tpu.vector_store %arg6[%swap3A_926, %swap3A_927, %swap3A_928], %swap3A_931 {add = true, strides = array<i32>} : memref<4x16x1024xf32, #tpu.memory_space<vmem>>, vector<1x1x16xf32>,
          %mul3A_932 = arith.constant 4 : i32
          %mul3A_933 = arith.muli %scan3A_433, %mul3A_932 : i32
          %add3A_934 = arith.constant 1 : i32
          %add3A_935 = arith.addi %mul3A_933, %add3A_934 : i32
          %swap3A_936 = arith.constant 2 : i32
          %swap3A_937 = arith.index_cast %swap3A_936 : i32 to index
          %swap3A_938 = arith.index_cast %add3A_935 : i32 to index
          %swap3A_939 = arith.index_cast %add3A_914 : i32 to index
          %swap3A_940 = tpu.vector_load %arg6[%swap3A_937, %swap3A_938, %swap3A_939] {strides = array<i32>} : memref<4x16x1024xf32, #tpu.memory_space<vmem>>, vector<1x1x16xf32>,
          %swap3A_941 = vector.shape_cast %swap3A_940 : vector<1x1x16xf32> to vector<16xf32>
          %swap3A_942 = vector.shape_cast %get3A_920 : vector<16xf32> to vector<1x1x16xf32>
          tpu.vector_store %arg6[%swap3A_937, %swap3A_938, %swap3A_939], %swap3A_942 {add = true, strides = array<i32>} : memref<4x16x1024xf32, #tpu.memory_space<vmem>>, vector<1x1x16xf32>,
          %mul3A_943 = arith.constant 4 : i32
          %mul3A_944 = arith.muli %scan3A_433, %mul3A_943 : i32
          %add3A_945 = arith.constant 2 : i32
          %add3A_946 = arith.addi %mul3A_944, %add3A_945 : i32
          %swap3A_947 = arith.constant 2 : i32
          %swap3A_948 = arith.index_cast %swap3A_947 : i32 to index
          %swap3A_949 = arith.index_cast %add3A_946 : i32 to index
          %swap3A_950 = arith.index_cast %add3A_914 : i32 to index
          %swap3A_951 = tpu.vector_load %arg6[%swap3A_948, %swap3A_949, %swap3A_950] {strides = array<i32>} : memref<4x16x1024xf32, #tpu.memory_space<vmem>>, vector<1x1x16xf32>,
          %swap3A_952 = vector.shape_cast %swap3A_951 : vector<1x1x16xf32> to vector<16xf32>
          %swap3A_953 = vector.shape_cast %get3A_920 : vector<16xf32> to vector<1x1x16xf32>
          tpu.vector_store %arg6[%swap3A_948, %swap3A_949, %swap3A_950], %swap3A_953 {add = true, strides = array<i32>} : memref<4x16x1024xf32, #tpu.memory_space<vmem>>, vector<1x1x16xf32>,
          %mul3A_954 = arith.constant 4 : i32
          %mul3A_955 = arith.muli %scan3A_433, %mul3A_954 : i32
          %add3A_956 = arith.constant 3 : i32
          %add3A_957 = arith.addi %mul3A_955, %add3A_956 : i32
          %swap3A_958 = arith.constant 2 : i32
          %swap3A_959 = arith.index_cast %swap3A_958 : i32 to index
          %swap3A_960 = arith.index_cast %add3A_957 : i32 to index
          %swap3A_961 = arith.index_cast %add3A_914 : i32 to index
          %swap3A_962 = tpu.vector_load %arg6[%swap3A_959, %swap3A_960, %swap3A_961] {strides = array<i32>} : memref<4x16x1024xf32, #tpu.memory_space<vmem>>, vector<1x1x16xf32>,
          %swap3A_963 = vector.shape_cast %swap3A_962 : vector<1x1x16xf32> to vector<16xf32>
          %swap3A_964 = vector.shape_cast %get3A_920 : vector<16xf32> to vector<1x1x16xf32>
          tpu.vector_store %arg6[%swap3A_959, %swap3A_960, %swap3A_961], %swap3A_964 {add = true, strides = array<i32>} : memref<4x16x1024xf32, #tpu.memory_space<vmem>>, vector<1x1x16xf32>,
          %add3A_965 = arith.constant 160 : i32
          %add3A_966 = arith.addi %mul3A_446, %add3A_965 : i32
          %get3A_967 = arith.constant 2 : i32
          %get3A_968 = arith.index_cast %get3A_967 : i32 to index
          %get3A_969 = arith.index_cast %scan3A_433 : i32 to index
          %get3A_970 = arith.index_cast %add3A_966 : i32 to index
          %get3A_971 = tpu.vector_load %arg7[%get3A_968, %get3A_969, %get3A_970] {strides = array<i32>} : memref<4x4x1024xf32, #tpu.memory_space<vmem>>, vector<1x1x16xf32>,
          %get3A_972 = vector.shape_cast %get3A_971 : vector<1x1x16xf32> to vector<16xf32>
          %mul3A_973 = arith.constant 4 : i32
          %mul3A_974 = arith.muli %scan3A_433, %mul3A_973 : i32
          %add3A_975 = arith.constant 0 : i32
          %add3A_976 = arith.addi %mul3A_974, %add3A_975 : i32
          %swap3A_977 = arith.constant 2 : i32
          %swap3A_978 = arith.index_cast %swap3A_977 : i32 to index
          %swap3A_979 = arith.index_cast %add3A_976 : i32 to index
          %swap3A_980 = arith.index_cast %add3A_966 : i32 to index
          %swap3A_981 = tpu.vector_load %arg6[%swap3A_978, %swap3A_979, %swap3A_980] {strides = array<i32>} : memref<4x16x1024xf32, #tpu.memory_space<vmem>>, vector<1x1x16xf32>,
          %swap3A_982 = vector.shape_cast %swap3A_981 : vector<1x1x16xf32> to vector<16xf32>
          %swap3A_983 = vector.shape_cast %get3A_972 : vector<16xf32> to vector<1x1x16xf32>
          tpu.vector_store %arg6[%swap3A_978, %swap3A_979, %swap3A_980], %swap3A_983 {add = true, strides = array<i32>} : memref<4x16x1024xf32, #tpu.memory_space<vmem>>, vector<1x1x16xf32>,
          %mul3A_984 = arith.constant 4 : i32
          %mul3A_985 = arith.muli %scan3A_433, %mul3A_984 : i32
          %add3A_986 = arith.constant 1 : i32
          %add3A_987 = arith.addi %mul3A_985, %add3A_986 : i32
          %swap3A_988 = arith.constant 2 : i32
          %swap3A_989 = arith.index_cast %swap3A_988 : i32 to index
          %swap3A_990 = arith.index_cast %add3A_987 : i32 to index
          %swap3A_991 = arith.index_cast %add3A_966 : i32 to index
          %swap3A_992 = tpu.vector_load %arg6[%swap3A_989, %swap3A_990, %swap3A_991] {strides = array<i32>} : memref<4x16x1024xf32, #tpu.memory_space<vmem>>, vector<1x1x16xf32>,
          %swap3A_993 = vector.shape_cast %swap3A_992 : vector<1x1x16xf32> to vector<16xf32>
          %swap3A_994 = vector.shape_cast %get3A_972 : vector<16xf32> to vector<1x1x16xf32>
          tpu.vector_store %arg6[%swap3A_989, %swap3A_990, %swap3A_991], %swap3A_994 {add = true, strides = array<i32>} : memref<4x16x1024xf32, #tpu.memory_space<vmem>>, vector<1x1x16xf32>,
          %mul3A_995 = arith.constant 4 : i32
          %mul3A_996 = arith.muli %scan3A_433, %mul3A_995 : i32
          %add3A_997 = arith.constant 2 : i32
          %add3A_998 = arith.addi %mul3A_996, %add3A_997 : i32
          %swap3A_999 = arith.constant 2 : i32
          %swap3A_1000 = arith.index_cast %swap3A_999 : i32 to index
          %swap3A_1001 = arith.index_cast %add3A_998 : i32 to index
          %swap3A_1002 = arith.index_cast %add3A_966 : i32 to index
          %swap3A_1003 = tpu.vector_load %arg6[%swap3A_1000, %swap3A_1001, %swap3A_1002] {strides = array<i32>} : memref<4x16x1024xf32, #tpu.memory_space<vmem>>, vector<1x1x16xf32>,
          %swap3A_1004 = vector.shape_cast %swap3A_1003 : vector<1x1x16xf32> to vector<16xf32>
          %swap3A_1005 = vector.shape_cast %get3A_972 : vector<16xf32> to vector<1x1x16xf32>
          tpu.vector_store %arg6[%swap3A_1000, %swap3A_1001, %swap3A_1002], %swap3A_1005 {add = true, strides = array<i32>} : memref<4x16x1024xf32, #tpu.memory_space<vmem>>, vector<1x1x16xf32>,
          %mul3A_1006 = arith.constant 4 : i32
          %mul3A_1007 = arith.muli %scan3A_433, %mul3A_1006 : i32
          %add3A_1008 = arith.constant 3 : i32
          %add3A_1009 = arith.addi %mul3A_1007, %add3A_1008 : i32
          %swap3A_1010 = arith.constant 2 : i32
          %swap3A_1011 = arith.index_cast %swap3A_1010 : i32 to index
          %swap3A_1012 = arith.index_cast %add3A_1009 : i32 to index
          %swap3A_1013 = arith.index_cast %add3A_966 : i32 to index
          %swap3A_1014 = tpu.vector_load %arg6[%swap3A_1011, %swap3A_1012, %swap3A_1013] {strides = array<i32>} : memref<4x16x1024xf32, #tpu.memory_space<vmem>>, vector<1x1x16xf32>,
          %swap3A_1015 = vector.shape_cast %swap3A_1014 : vector<1x1x16xf32> to vector<16xf32>
          %swap3A_1016 = vector.shape_cast %get3A_972 : vector<16xf32> to vector<1x1x16xf32>
          tpu.vector_store %arg6[%swap3A_1011, %swap3A_1012, %swap3A_1013], %swap3A_1016 {add = true, strides = array<i32>} : memref<4x16x1024xf32, #tpu.memory_space<vmem>>, vector<1x1x16xf32>,
          %add3A_1017 = arith.constant 176 : i32
          %add3A_1018 = arith.addi %mul3A_446, %add3A_1017 : i32
          %get3A_1019 = arith.constant 2 : i32
          %get3A_1020 = arith.index_cast %get3A_1019 : i32 to index
          %get3A_1021 = arith.index_cast %scan3A_433 : i32 to index
          %get3A_1022 = arith.index_cast %add3A_1018 : i32 to index
          %get3A_1023 = tpu.vector_load %arg7[%get3A_1020, %get3A_1021, %get3A_1022] {strides = array<i32>} : memref<4x4x1024xf32, #tpu.memory_space<vmem>>, vector<1x1x16xf32>,
          %get3A_1024 = vector.shape_cast %get3A_1023 : vector<1x1x16xf32> to vector<16xf32>
          %mul3A_1025 = arith.constant 4 : i32
          %mul3A_1026 = arith.muli %scan3A_433, %mul3A_1025 : i32
          %add3A_1027 = arith.constant 0 : i32
          %add3A_1028 = arith.addi %mul3A_1026, %add3A_1027 : i32
          %swap3A_1029 = arith.constant 2 : i32
          %swap3A_1030 = arith.index_cast %swap3A_1029 : i32 to index
          %swap3A_1031 = arith.index_cast %add3A_1028 : i32 to index
          %swap3A_1032 = arith.index_cast %add3A_1018 : i32 to index
          %swap3A_1033 = tpu.vector_load %arg6[%swap3A_1030, %swap3A_1031, %swap3A_1032] {strides = array<i32>} : memref<4x16x1024xf32, #tpu.memory_space<vmem>>, vector<1x1x16xf32>,
          %swap3A_1034 = vector.shape_cast %swap3A_1033 : vector<1x1x16xf32> to vector<16xf32>
          %swap3A_1035 = vector.shape_cast %get3A_1024 : vector<16xf32> to vector<1x1x16xf32>
          tpu.vector_store %arg6[%swap3A_1030, %swap3A_1031, %swap3A_1032], %swap3A_1035 {add = true, strides = array<i32>} : memref<4x16x1024xf32, #tpu.memory_space<vmem>>, vector<1x1x16xf32>,
          %mul3A_1036 = arith.constant 4 : i32
          %mul3A_1037 = arith.muli %scan3A_433, %mul3A_1036 : i32
          %add3A_1038 = arith.constant 1 : i32
          %add3A_1039 = arith.addi %mul3A_1037, %add3A_1038 : i32
          %swap3A_1040 = arith.constant 2 : i32
          %swap3A_1041 = arith.index_cast %swap3A_1040 : i32 to index
          %swap3A_1042 = arith.index_cast %add3A_1039 : i32 to index
          %swap3A_1043 = arith.index_cast %add3A_1018 : i32 to index
          %swap3A_1044 = tpu.vector_load %arg6[%swap3A_1041, %swap3A_1042, %swap3A_1043] {strides = array<i32>} : memref<4x16x1024xf32, #tpu.memory_space<vmem>>, vector<1x1x16xf32>,
          %swap3A_1045 = vector.shape_cast %swap3A_1044 : vector<1x1x16xf32> to vector<16xf32>
          %swap3A_1046 = vector.shape_cast %get3A_1024 : vector<16xf32> to vector<1x1x16xf32>
          tpu.vector_store %arg6[%swap3A_1041, %swap3A_1042, %swap3A_1043], %swap3A_1046 {add = true, strides = array<i32>} : memref<4x16x1024xf32, #tpu.memory_space<vmem>>, vector<1x1x16xf32>,
          %mul3A_1047 = arith.constant 4 : i32
          %mul3A_1048 = arith.muli %scan3A_433, %mul3A_1047 : i32
          %add3A_1049 = arith.constant 2 : i32
          %add3A_1050 = arith.addi %mul3A_1048, %add3A_1049 : i32
          %swap3A_1051 = arith.constant 2 : i32
          %swap3A_1052 = arith.index_cast %swap3A_1051 : i32 to index
          %swap3A_1053 = arith.index_cast %add3A_1050 : i32 to index
          %swap3A_1054 = arith.index_cast %add3A_1018 : i32 to index
          %swap3A_1055 = tpu.vector_load %arg6[%swap3A_1052, %swap3A_1053, %swap3A_1054] {strides = array<i32>} : memref<4x16x1024xf32, #tpu.memory_space<vmem>>, vector<1x1x16xf32>,
          %swap3A_1056 = vector.shape_cast %swap3A_1055 : vector<1x1x16xf32> to vector<16xf32>
          %swap3A_1057 = vector.shape_cast %get3A_1024 : vector<16xf32> to vector<1x1x16xf32>
          tpu.vector_store %arg6[%swap3A_1052, %swap3A_1053, %swap3A_1054], %swap3A_1057 {add = true, strides = array<i32>} : memref<4x16x1024xf32, #tpu.memory_space<vmem>>, vector<1x1x16xf32>,
          %mul3A_1058 = arith.constant 4 : i32
          %mul3A_1059 = arith.muli %scan3A_433, %mul3A_1058 : i32
          %add3A_1060 = arith.constant 3 : i32
          %add3A_1061 = arith.addi %mul3A_1059, %add3A_1060 : i32
          %swap3A_1062 = arith.constant 2 : i32
          %swap3A_1063 = arith.index_cast %swap3A_1062 : i32 to index
          %swap3A_1064 = arith.index_cast %add3A_1061 : i32 to index
          %swap3A_1065 = arith.index_cast %add3A_1018 : i32 to index
          %swap3A_1066 = tpu.vector_load %arg6[%swap3A_1063, %swap3A_1064, %swap3A_1065] {strides = array<i32>} : memref<4x16x1024xf32, #tpu.memory_space<vmem>>, vector<1x1x16xf32>,
          %swap3A_1067 = vector.shape_cast %swap3A_1066 : vector<1x1x16xf32> to vector<16xf32>
          %swap3A_1068 = vector.shape_cast %get3A_1024 : vector<16xf32> to vector<1x1x16xf32>
          tpu.vector_store %arg6[%swap3A_1063, %swap3A_1064, %swap3A_1065], %swap3A_1068 {add = true, strides = array<i32>} : memref<4x16x1024xf32, #tpu.memory_space<vmem>>, vector<1x1x16xf32>,
          %add3A_1069 = arith.constant 192 : i32
          %add3A_1070 = arith.addi %mul3A_446, %add3A_1069 : i32
          %get3A_1071 = arith.constant 2 : i32
          %get3A_1072 = arith.index_cast %get3A_1071 : i32 to index
          %get3A_1073 = arith.index_cast %scan3A_433 : i32 to index
          %get3A_1074 = arith.index_cast %add3A_1070 : i32 to index
          %get3A_1075 = tpu.vector_load %arg7[%get3A_1072, %get3A_1073, %get3A_1074] {strides = array<i32>} : memref<4x4x1024xf32, #tpu.memory_space<vmem>>, vector<1x1x16xf32>,
          %get3A_1076 = vector.shape_cast %get3A_1075 : vector<1x1x16xf32> to vector<16xf32>
          %mul3A_1077 = arith.constant 4 : i32
          %mul3A_1078 = arith.muli %scan3A_433, %mul3A_1077 : i32
          %add3A_1079 = arith.constant 0 : i32
          %add3A_1080 = arith.addi %mul3A_1078, %add3A_1079 : i32
          %swap3A_1081 = arith.constant 2 : i32
          %swap3A_1082 = arith.index_cast %swap3A_1081 : i32 to index
          %swap3A_1083 = arith.index_cast %add3A_1080 : i32 to index
          %swap3A_1084 = arith.index_cast %add3A_1070 : i32 to index
          %swap3A_1085 = tpu.vector_load %arg6[%swap3A_1082, %swap3A_1083, %swap3A_1084] {strides = array<i32>} : memref<4x16x1024xf32, #tpu.memory_space<vmem>>, vector<1x1x16xf32>,
          %swap3A_1086 = vector.shape_cast %swap3A_1085 : vector<1x1x16xf32> to vector<16xf32>
          %swap3A_1087 = vector.shape_cast %get3A_1076 : vector<16xf32> to vector<1x1x16xf32>
          tpu.vector_store %arg6[%swap3A_1082, %swap3A_1083, %swap3A_1084], %swap3A_1087 {add = true, strides = array<i32>} : memref<4x16x1024xf32, #tpu.memory_space<vmem>>, vector<1x1x16xf32>,
          %mul3A_1088 = arith.constant 4 : i32
          %mul3A_1089 = arith.muli %scan3A_433, %mul3A_1088 : i32
          %add3A_1090 = arith.constant 1 : i32
          %add3A_1091 = arith.addi %mul3A_1089, %add3A_1090 : i32
          %swap3A_1092 = arith.constant 2 : i32
          %swap3A_1093 = arith.index_cast %swap3A_1092 : i32 to index
          %swap3A_1094 = arith.index_cast %add3A_1091 : i32 to index
          %swap3A_1095 = arith.index_cast %add3A_1070 : i32 to index
          %swap3A_1096 = tpu.vector_load %arg6[%swap3A_1093, %swap3A_1094, %swap3A_1095] {strides = array<i32>} : memref<4x16x1024xf32, #tpu.memory_space<vmem>>, vector<1x1x16xf32>,
          %swap3A_1097 = vector.shape_cast %swap3A_1096 : vector<1x1x16xf32> to vector<16xf32>
          %swap3A_1098 = vector.shape_cast %get3A_1076 : vector<16xf32> to vector<1x1x16xf32>
          tpu.vector_store %arg6[%swap3A_1093, %swap3A_1094, %swap3A_1095], %swap3A_1098 {add = true, strides = array<i32>} : memref<4x16x1024xf32, #tpu.memory_space<vmem>>, vector<1x1x16xf32>,
          %mul3A_1099 = arith.constant 4 : i32
          %mul3A_1100 = arith.muli %scan3A_433, %mul3A_1099 : i32
          %add3A_1101 = arith.constant 2 : i32
          %add3A_1102 = arith.addi %mul3A_1100, %add3A_1101 : i32
          %swap3A_1103 = arith.constant 2 : i32
          %swap3A_1104 = arith.index_cast %swap3A_1103 : i32 to index
          %swap3A_1105 = arith.index_cast %add3A_1102 : i32 to index
          %swap3A_1106 = arith.index_cast %add3A_1070 : i32 to index
          %swap3A_1107 = tpu.vector_load %arg6[%swap3A_1104, %swap3A_1105, %swap3A_1106] {strides = array<i32>} : memref<4x16x1024xf32, #tpu.memory_space<vmem>>, vector<1x1x16xf32>,
          %swap3A_1108 = vector.shape_cast %swap3A_1107 : vector<1x1x16xf32> to vector<16xf32>
          %swap3A_1109 = vector.shape_cast %get3A_1076 : vector<16xf32> to vector<1x1x16xf32>
          tpu.vector_store %arg6[%swap3A_1104, %swap3A_1105, %swap3A_1106], %swap3A_1109 {add = true, strides = array<i32>} : memref<4x16x1024xf32, #tpu.memory_space<vmem>>, vector<1x1x16xf32>,
          %mul3A_1110 = arith.constant 4 : i32
          %mul3A_1111 = arith.muli %scan3A_433, %mul3A_1110 : i32
          %add3A_1112 = arith.constant 3 : i32
          %add3A_1113 = arith.addi %mul3A_1111, %add3A_1112 : i32
          %swap3A_1114 = arith.constant 2 : i32
          %swap3A_1115 = arith.index_cast %swap3A_1114 : i32 to index
          %swap3A_1116 = arith.index_cast %add3A_1113 : i32 to index
          %swap3A_1117 = arith.index_cast %add3A_1070 : i32 to index
          %swap3A_1118 = tpu.vector_load %arg6[%swap3A_1115, %swap3A_1116, %swap3A_1117] {strides = array<i32>} : memref<4x16x1024xf32, #tpu.memory_space<vmem>>, vector<1x1x16xf32>,
          %swap3A_1119 = vector.shape_cast %swap3A_1118 : vector<1x1x16xf32> to vector<16xf32>
          %swap3A_1120 = vector.shape_cast %get3A_1076 : vector<16xf32> to vector<1x1x16xf32>
          tpu.vector_store %arg6[%swap3A_1115, %swap3A_1116, %swap3A_1117], %swap3A_1120 {add = true, strides = array<i32>} : memref<4x16x1024xf32, #tpu.memory_space<vmem>>, vector<1x1x16xf32>,
          %add3A_1121 = arith.constant 208 : i32
          %add3A_1122 = arith.addi %mul3A_446, %add3A_1121 : i32
          %get3A_1123 = arith.constant 2 : i32
          %get3A_1124 = arith.index_cast %get3A_1123 : i32 to index
          %get3A_1125 = arith.index_cast %scan3A_433 : i32 to index
          %get3A_1126 = arith.index_cast %add3A_1122 : i32 to index
          %get3A_1127 = tpu.vector_load %arg7[%get3A_1124, %get3A_1125, %get3A_1126] {strides = array<i32>} : memref<4x4x1024xf32, #tpu.memory_space<vmem>>, vector<1x1x16xf32>,
          %get3A_1128 = vector.shape_cast %get3A_1127 : vector<1x1x16xf32> to vector<16xf32>
          %mul3A_1129 = arith.constant 4 : i32
          %mul3A_1130 = arith.muli %scan3A_433, %mul3A_1129 : i32
          %add3A_1131 = arith.constant 0 : i32
          %add3A_1132 = arith.addi %mul3A_1130, %add3A_1131 : i32
          %swap3A_1133 = arith.constant 2 : i32
          %swap3A_1134 = arith.index_cast %swap3A_1133 : i32 to index
          %swap3A_1135 = arith.index_cast %add3A_1132 : i32 to index
          %swap3A_1136 = arith.index_cast %add3A_1122 : i32 to index
          %swap3A_1137 = tpu.vector_load %arg6[%swap3A_1134, %swap3A_1135, %swap3A_1136] {strides = array<i32>} : memref<4x16x1024xf32, #tpu.memory_space<vmem>>, vector<1x1x16xf32>,
          %swap3A_1138 = vector.shape_cast %swap3A_1137 : vector<1x1x16xf32> to vector<16xf32>
          %swap3A_1139 = vector.shape_cast %get3A_1128 : vector<16xf32> to vector<1x1x16xf32>
          tpu.vector_store %arg6[%swap3A_1134, %swap3A_1135, %swap3A_1136], %swap3A_1139 {add = true, strides = array<i32>} : memref<4x16x1024xf32, #tpu.memory_space<vmem>>, vector<1x1x16xf32>,
          %mul3A_1140 = arith.constant 4 : i32
          %mul3A_1141 = arith.muli %scan3A_433, %mul3A_1140 : i32
          %add3A_1142 = arith.constant 1 : i32
          %add3A_1143 = arith.addi %mul3A_1141, %add3A_1142 : i32
          %swap3A_1144 = arith.constant 2 : i32
          %swap3A_1145 = arith.index_cast %swap3A_1144 : i32 to index
          %swap3A_1146 = arith.index_cast %add3A_1143 : i32 to index
          %swap3A_1147 = arith.index_cast %add3A_1122 : i32 to index
          %swap3A_1148 = tpu.vector_load %arg6[%swap3A_1145, %swap3A_1146, %swap3A_1147] {strides = array<i32>} : memref<4x16x1024xf32, #tpu.memory_space<vmem>>, vector<1x1x16xf32>,
          %swap3A_1149 = vector.shape_cast %swap3A_1148 : vector<1x1x16xf32> to vector<16xf32>
          %swap3A_1150 = vector.shape_cast %get3A_1128 : vector<16xf32> to vector<1x1x16xf32>
          tpu.vector_store %arg6[%swap3A_1145, %swap3A_1146, %swap3A_1147], %swap3A_1150 {add = true, strides = array<i32>} : memref<4x16x1024xf32, #tpu.memory_space<vmem>>, vector<1x1x16xf32>,
          %mul3A_1151 = arith.constant 4 : i32
          %mul3A_1152 = arith.muli %scan3A_433, %mul3A_1151 : i32
          %add3A_1153 = arith.constant 2 : i32
          %add3A_1154 = arith.addi %mul3A_1152, %add3A_1153 : i32
          %swap3A_1155 = arith.constant 2 : i32
          %swap3A_1156 = arith.index_cast %swap3A_1155 : i32 to index
          %swap3A_1157 = arith.index_cast %add3A_1154 : i32 to index
          %swap3A_1158 = arith.index_cast %add3A_1122 : i32 to index
          %swap3A_1159 = tpu.vector_load %arg6[%swap3A_1156, %swap3A_1157, %swap3A_1158] {strides = array<i32>} : memref<4x16x1024xf32, #tpu.memory_space<vmem>>, vector<1x1x16xf32>,
          %swap3A_1160 = vector.shape_cast %swap3A_1159 : vector<1x1x16xf32> to vector<16xf32>
          %swap3A_1161 = vector.shape_cast %get3A_1128 : vector<16xf32> to vector<1x1x16xf32>
          tpu.vector_store %arg6[%swap3A_1156, %swap3A_1157, %swap3A_1158], %swap3A_1161 {add = true, strides = array<i32>} : memref<4x16x1024xf32, #tpu.memory_space<vmem>>, vector<1x1x16xf32>,
          %mul3A_1162 = arith.constant 4 : i32
          %mul3A_1163 = arith.muli %scan3A_433, %mul3A_1162 : i32
          %add3A_1164 = arith.constant 3 : i32
          %add3A_1165 = arith.addi %mul3A_1163, %add3A_1164 : i32
          %swap3A_1166 = arith.constant 2 : i32
          %swap3A_1167 = arith.index_cast %swap3A_1166 : i32 to index
          %swap3A_1168 = arith.index_cast %add3A_1165 : i32 to index
          %swap3A_1169 = arith.index_cast %add3A_1122 : i32 to index
          %swap3A_1170 = tpu.vector_load %arg6[%swap3A_1167, %swap3A_1168, %swap3A_1169] {strides = array<i32>} : memref<4x16x1024xf32, #tpu.memory_space<vmem>>, vector<1x1x16xf32>,
          %swap3A_1171 = vector.shape_cast %swap3A_1170 : vector<1x1x16xf32> to vector<16xf32>
          %swap3A_1172 = vector.shape_cast %get3A_1128 : vector<16xf32> to vector<1x1x16xf32>
          tpu.vector_store %arg6[%swap3A_1167, %swap3A_1168, %swap3A_1169], %swap3A_1172 {add = true, strides = array<i32>} : memref<4x16x1024xf32, #tpu.memory_space<vmem>>, vector<1x1x16xf32>,
          %add3A_1173 = arith.constant 224 : i32
          %add3A_1174 = arith.addi %mul3A_446, %add3A_1173 : i32
          %get3A_1175 = arith.constant 2 : i32
          %get3A_1176 = arith.index_cast %get3A_1175 : i32 to index
          %get3A_1177 = arith.index_cast %scan3A_433 : i32 to index
          %get3A_1178 = arith.index_cast %add3A_1174 : i32 to index
          %get3A_1179 = tpu.vector_load %arg7[%get3A_1176, %get3A_1177, %get3A_1178] {strides = array<i32>} : memref<4x4x1024xf32, #tpu.memory_space<vmem>>, vector<1x1x16xf32>,
          %get3A_1180 = vector.shape_cast %get3A_1179 : vector<1x1x16xf32> to vector<16xf32>
          %mul3A_1181 = arith.constant 4 : i32
          %mul3A_1182 = arith.muli %scan3A_433, %mul3A_1181 : i32
          %add3A_1183 = arith.constant 0 : i32
          %add3A_1184 = arith.addi %mul3A_1182, %add3A_1183 : i32
          %swap3A_1185 = arith.constant 2 : i32
          %swap3A_1186 = arith.index_cast %swap3A_1185 : i32 to index
          %swap3A_1187 = arith.index_cast %add3A_1184 : i32 to index
          %swap3A_1188 = arith.index_cast %add3A_1174 : i32 to index
          %swap3A_1189 = tpu.vector_load %arg6[%swap3A_1186, %swap3A_1187, %swap3A_1188] {strides = array<i32>} : memref<4x16x1024xf32, #tpu.memory_space<vmem>>, vector<1x1x16xf32>,
          %swap3A_1190 = vector.shape_cast %swap3A_1189 : vector<1x1x16xf32> to vector<16xf32>
          %swap3A_1191 = vector.shape_cast %get3A_1180 : vector<16xf32> to vector<1x1x16xf32>
          tpu.vector_store %arg6[%swap3A_1186, %swap3A_1187, %swap3A_1188], %swap3A_1191 {add = true, strides = array<i32>} : memref<4x16x1024xf32, #tpu.memory_space<vmem>>, vector<1x1x16xf32>,
          %mul3A_1192 = arith.constant 4 : i32
          %mul3A_1193 = arith.muli %scan3A_433, %mul3A_1192 : i32
          %add3A_1194 = arith.constant 1 : i32
          %add3A_1195 = arith.addi %mul3A_1193, %add3A_1194 : i32
          %swap3A_1196 = arith.constant 2 : i32
          %swap3A_1197 = arith.index_cast %swap3A_1196 : i32 to index
          %swap3A_1198 = arith.index_cast %add3A_1195 : i32 to index
          %swap3A_1199 = arith.index_cast %add3A_1174 : i32 to index
          %swap3A_1200 = tpu.vector_load %arg6[%swap3A_1197, %swap3A_1198, %swap3A_1199] {strides = array<i32>} : memref<4x16x1024xf32, #tpu.memory_space<vmem>>, vector<1x1x16xf32>,
          %swap3A_1201 = vector.shape_cast %swap3A_1200 : vector<1x1x16xf32> to vector<16xf32>
          %swap3A_1202 = vector.shape_cast %get3A_1180 : vector<16xf32> to vector<1x1x16xf32>
          tpu.vector_store %arg6[%swap3A_1197, %swap3A_1198, %swap3A_1199], %swap3A_1202 {add = true, strides = array<i32>} : memref<4x16x1024xf32, #tpu.memory_space<vmem>>, vector<1x1x16xf32>,
          %mul3A_1203 = arith.constant 4 : i32
          %mul3A_1204 = arith.muli %scan3A_433, %mul3A_1203 : i32
          %add3A_1205 = arith.constant 2 : i32
          %add3A_1206 = arith.addi %mul3A_1204, %add3A_1205 : i32
          %swap3A_1207 = arith.constant 2 : i32
          %swap3A_1208 = arith.index_cast %swap3A_1207 : i32 to index
          %swap3A_1209 = arith.index_cast %add3A_1206 : i32 to index
          %swap3A_1210 = arith.index_cast %add3A_1174 : i32 to index
          %swap3A_1211 = tpu.vector_load %arg6[%swap3A_1208, %swap3A_1209, %swap3A_1210] {strides = array<i32>} : memref<4x16x1024xf32, #tpu.memory_space<vmem>>, vector<1x1x16xf32>,
          %swap3A_1212 = vector.shape_cast %swap3A_1211 : vector<1x1x16xf32> to vector<16xf32>
          %swap3A_1213 = vector.shape_cast %get3A_1180 : vector<16xf32> to vector<1x1x16xf32>
          tpu.vector_store %arg6[%swap3A_1208, %swap3A_1209, %swap3A_1210], %swap3A_1213 {add = true, strides = array<i32>} : memref<4x16x1024xf32, #tpu.memory_space<vmem>>, vector<1x1x16xf32>,
          %mul3A_1214 = arith.constant 4 : i32
          %mul3A_1215 = arith.muli %scan3A_433, %mul3A_1214 : i32
          %add3A_1216 = arith.constant 3 : i32
          %add3A_1217 = arith.addi %mul3A_1215, %add3A_1216 : i32
          %swap3A_1218 = arith.constant 2 : i32
          %swap3A_1219 = arith.index_cast %swap3A_1218 : i32 to index
          %swap3A_1220 = arith.index_cast %add3A_1217 : i32 to index
          %swap3A_1221 = arith.index_cast %add3A_1174 : i32 to index
          %swap3A_1222 = tpu.vector_load %arg6[%swap3A_1219, %swap3A_1220, %swap3A_1221] {strides = array<i32>} : memref<4x16x1024xf32, #tpu.memory_space<vmem>>, vector<1x1x16xf32>,
          %swap3A_1223 = vector.shape_cast %swap3A_1222 : vector<1x1x16xf32> to vector<16xf32>
          %swap3A_1224 = vector.shape_cast %get3A_1180 : vector<16xf32> to vector<1x1x16xf32>
          tpu.vector_store %arg6[%swap3A_1219, %swap3A_1220, %swap3A_1221], %swap3A_1224 {add = true, strides = array<i32>} : memref<4x16x1024xf32, #tpu.memory_space<vmem>>, vector<1x1x16xf32>,
          %add3A_1225 = arith.constant 240 : i32
          %add3A_1226 = arith.addi %mul3A_446, %add3A_1225 : i32
          %get3A_1227 = arith.constant 2 : i32
          %get3A_1228 = arith.index_cast %get3A_1227 : i32 to index
          %get3A_1229 = arith.index_cast %scan3A_433 : i32 to index
          %get3A_1230 = arith.index_cast %add3A_1226 : i32 to index
          %get3A_1231 = tpu.vector_load %arg7[%get3A_1228, %get3A_1229, %get3A_1230] {strides = array<i32>} : memref<4x4x1024xf32, #tpu.memory_space<vmem>>, vector<1x1x16xf32>,
          %get3A_1232 = vector.shape_cast %get3A_1231 : vector<1x1x16xf32> to vector<16xf32>
          %mul3A_1233 = arith.constant 4 : i32
          %mul3A_1234 = arith.muli %scan3A_433, %mul3A_1233 : i32
          %add3A_1235 = arith.constant 0 : i32
          %add3A_1236 = arith.addi %mul3A_1234, %add3A_1235 : i32
          %swap3A_1237 = arith.constant 2 : i32
          %swap3A_1238 = arith.index_cast %swap3A_1237 : i32 to index
          %swap3A_1239 = arith.index_cast %add3A_1236 : i32 to index
          %swap3A_1240 = arith.index_cast %add3A_1226 : i32 to index
          %swap3A_1241 = tpu.vector_load %arg6[%swap3A_1238, %swap3A_1239, %swap3A_1240] {strides = array<i32>} : memref<4x16x1024xf32, #tpu.memory_space<vmem>>, vector<1x1x16xf32>,
          %swap3A_1242 = vector.shape_cast %swap3A_1241 : vector<1x1x16xf32> to vector<16xf32>
          %swap3A_1243 = vector.shape_cast %get3A_1232 : vector<16xf32> to vector<1x1x16xf32>
          tpu.vector_store %arg6[%swap3A_1238, %swap3A_1239, %swap3A_1240], %swap3A_1243 {add = true, strides = array<i32>} : memref<4x16x1024xf32, #tpu.memory_space<vmem>>, vector<1x1x16xf32>,
          %mul3A_1244 = arith.constant 4 : i32
          %mul3A_1245 = arith.muli %scan3A_433, %mul3A_1244 : i32
          %add3A_1246 = arith.constant 1 : i32
          %add3A_1247 = arith.addi %mul3A_1245, %add3A_1246 : i32
          %swap3A_1248 = arith.constant 2 : i32
          %swap3A_1249 = arith.index_cast %swap3A_1248 : i32 to index
          %swap3A_1250 = arith.index_cast %add3A_1247 : i32 to index
          %swap3A_1251 = arith.index_cast %add3A_1226 : i32 to index
          %swap3A_1252 = tpu.vector_load %arg6[%swap3A_1249, %swap3A_1250, %swap3A_1251] {strides = array<i32>} : memref<4x16x1024xf32, #tpu.memory_space<vmem>>, vector<1x1x16xf32>,
          %swap3A_1253 = vector.shape_cast %swap3A_1252 : vector<1x1x16xf32> to vector<16xf32>
          %swap3A_1254 = vector.shape_cast %get3A_1232 : vector<16xf32> to vector<1x1x16xf32>
          tpu.vector_store %arg6[%swap3A_1249, %swap3A_1250, %swap3A_1251], %swap3A_1254 {add = true, strides = array<i32>} : memref<4x16x1024xf32, #tpu.memory_space<vmem>>, vector<1x1x16xf32>,
          %mul3A_1255 = arith.constant 4 : i32
          %mul3A_1256 = arith.muli %scan3A_433, %mul3A_1255 : i32
          %add3A_1257 = arith.constant 2 : i32
          %add3A_1258 = arith.addi %mul3A_1256, %add3A_1257 : i32
          %swap3A_1259 = arith.constant 2 : i32
          %swap3A_1260 = arith.index_cast %swap3A_1259 : i32 to index
          %swap3A_1261 = arith.index_cast %add3A_1258 : i32 to index
          %swap3A_1262 = arith.index_cast %add3A_1226 : i32 to index
          %swap3A_1263 = tpu.vector_load %arg6[%swap3A_1260, %swap3A_1261, %swap3A_1262] {strides = array<i32>} : memref<4x16x1024xf32, #tpu.memory_space<vmem>>, vector<1x1x16xf32>,
          %swap3A_1264 = vector.shape_cast %swap3A_1263 : vector<1x1x16xf32> to vector<16xf32>
          %swap3A_1265 = vector.shape_cast %get3A_1232 : vector<16xf32> to vector<1x1x16xf32>
          tpu.vector_store %arg6[%swap3A_1260, %swap3A_1261, %swap3A_1262], %swap3A_1265 {add = true, strides = array<i32>} : memref<4x16x1024xf32, #tpu.memory_space<vmem>>, vector<1x1x16xf32>,
          %mul3A_1266 = arith.constant 4 : i32
          %mul3A_1267 = arith.muli %scan3A_433, %mul3A_1266 : i32
          %add3A_1268 = arith.constant 3 : i32
          %add3A_1269 = arith.addi %mul3A_1267, %add3A_1268 : i32
          %swap3A_1270 = arith.constant 2 : i32
          %swap3A_1271 = arith.index_cast %swap3A_1270 : i32 to index
          %swap3A_1272 = arith.index_cast %add3A_1269 : i32 to index
          %swap3A_1273 = arith.index_cast %add3A_1226 : i32 to index
          %swap3A_1274 = tpu.vector_load %arg6[%swap3A_1271, %swap3A_1272, %swap3A_1273] {strides = array<i32>} : memref<4x16x1024xf32, #tpu.memory_space<vmem>>, vector<1x1x16xf32>,
          %swap3A_1275 = vector.shape_cast %swap3A_1274 : vector<1x1x16xf32> to vector<16xf32>
          %swap3A_1276 = vector.shape_cast %get3A_1232 : vector<16xf32> to vector<1x1x16xf32>
          tpu.vector_store %arg6[%swap3A_1271, %swap3A_1272, %swap3A_1273], %swap3A_1276 {add = true, strides = array<i32>} : memref<4x16x1024xf32, #tpu.memory_space<vmem>>, vector<1x1x16xf32>,
          %scan3A_1277 = arith.constant 0 : i32
          scf.yield %scan3A_1277 : i32
        }
        %scan3A_441 = arith.constant 4 : i32
        %scan3A_442 = arith.constant 0 : i32
        scf.yield %scan3A_442 : i32
      }
      %scan3A_332 = arith.constant 4 : i32
      %mul3A_333 = arith.constant 16 : i32
      %mul3A_334 = arith.muli %add3A_288, %mul3A_333 : i32
      %add3A_335 = arith.addi %mul3A_2, %mul3A_334 : i32
      %dma_start3A_336 = arith.constant 2 : i32
      %dma_start3A_337 = arith.constant 2 : i32
      %dma_start3A_338 = arith.constant 0 : i32
      %dma_start3A_339 = arith.constant 0 : i32
      %dma_start3A_340 = tpu.memref_slice %arg6[%dma_start3A_336, %dma_start3A_338, %dma_start3A_339] : memref<4x16x1024xf32, #tpu.memory_space<vmem>> -> memref<1x16x1024xf32, #tpu.memory_space<vmem>>
      %dma_start3A_341 = tpu.memref_squeeze %dma_start3A_340 : memref<1x16x1024xf32, #tpu.memory_space<vmem>> -> memref<16x1024xf32, #tpu.memory_space<vmem>>
      %dma_start3A_342 = arith.constant 0 : i32
      %dma_start3A_343 = tpu.memref_slice %arg5[%add3A_335, %dma_start3A_342] : memref<32768x1024xf32, #tpu.memory_space<hbm>> -> memref<16x1024xf32, #tpu.memory_space<hbm>>
      %dma_start3A_344 = tpu.memref_slice %arg11[%dma_start3A_337] : memref<4x!tpu.dma_semaphore, #tpu.memory_space<semaphore_mem>> -> memref<1x!tpu.dma_semaphore, #tpu.memory_space<semaphore_mem>>
      %dma_start3A_345 = tpu.memref_squeeze %dma_start3A_344 : memref<1x!tpu.dma_semaphore, #tpu.memory_space<semaphore_mem>> -> memref<!tpu.dma_semaphore, #tpu.memory_space<semaphore_mem>>
      %dma_start3A_346 = arith.constant 0 : i32
      %dma_start3A_347 = tpu.memref_slice %arg5[%add3A_335, %dma_start3A_346] : memref<32768x1024xf32, #tpu.memory_space<hbm>> -> memref<16x1024xf32, #tpu.memory_space<hbm>>
      %dma_start3A_348 = arith.constant 0 : i32
      %dma_start3A_349 = arith.constant 0 : i32
      %dma_start3A_350 = tpu.memref_slice %arg6[%dma_start3A_336, %dma_start3A_348, %dma_start3A_349] : memref<4x16x1024xf32, #tpu.memory_space<vmem>> -> memref<1x16x1024xf32, #tpu.memory_space<vmem>>
      %dma_start3A_351 = tpu.memref_squeeze %dma_start3A_350 : memref<1x16x1024xf32, #tpu.memory_space<vmem>> -> memref<16x1024xf32, #tpu.memory_space<vmem>>
      tpu.enqueue_dma source(%dma_start3A_351 : memref<16x1024xf32, #tpu.memory_space<vmem>>) target(%dma_start3A_347 : memref<16x1024xf32, #tpu.memory_space<hbm>>) target_semaphore(%dma_start3A_345 : memref<!tpu.dma_semaphore, #tpu.memory_space<semaphore_mem>>)
      %add3A_352 = arith.constant 2 : i32
      %add3A_353 = arith.addi %add3A_288, %add3A_352 : i32
      %lt3A_354 = arith.constant 64 : i32
      %lt3A_355 = arith.cmpi slt, %add3A_353, %lt3A_354 : i32
      %convert_element_type3A_356 = arith.extui %lt3A_355 : i1 to i32
      %cond3A_357 = arith.constant 0 : i32
      %cond3A_358 = arith.cmpi ne, %convert_element_type3A_356, %cond3A_357 : i32
      scf.if %cond3A_358 {
        %ge3A = arith.constant 4 : i32
        %ge3A_433 = arith.cmpi sge, %add3A_353, %ge3A : i32
        %convert_element_type3A_434 = arith.extui %ge3A_433 : i1 to i32
        %cond3A_435 = arith.constant 0 : i32
        %cond3A_436 = arith.cmpi ne, %convert_element_type3A_434, %cond3A_435 : i32
        scf.if %cond3A_436 {
          %dma_wait3A_470 = arith.constant 0 : i32
          %dma_wait3A_471 = arith.constant 0 : i32
          %dma_wait3A_472 = arith.constant 0 : i32
          %dma_wait3A_473 = arith.constant 0 : i32
          %dma_wait3A_474 = tpu.memref_slice %arg6[%dma_wait3A_470, %dma_wait3A_472, %dma_wait3A_473] : memref<4x16x1024xf32, #tpu.memory_space<vmem>> -> memref<1x16x1024xf32, #tpu.memory_space<vmem>>
          %dma_wait3A_475 = tpu.memref_squeeze %dma_wait3A_474 : memref<1x16x1024xf32, #tpu.memory_space<vmem>> -> memref<16x1024xf32, #tpu.memory_space<vmem>>
          %dma_wait3A_476 = arith.constant 0 : i32
          %dma_wait3A_477 = tpu.memref_slice %arg5[%mul3A_2, %dma_wait3A_476] : memref<32768x1024xf32, #tpu.memory_space<hbm>> -> memref<16x1024xf32, #tpu.memory_space<hbm>>
          %dma_wait3A_478 = tpu.memref_slice %arg11[%dma_wait3A_471] : memref<4x!tpu.dma_semaphore, #tpu.memory_space<semaphore_mem>> -> memref<1x!tpu.dma_semaphore, #tpu.memory_space<semaphore_mem>>
          %dma_wait3A_479 = tpu.memref_squeeze %dma_wait3A_478 : memref<1x!tpu.dma_semaphore, #tpu.memory_space<semaphore_mem>> -> memref<!tpu.dma_semaphore, #tpu.memory_space<semaphore_mem>>
          %dma_wait3A_480 = arith.constant 0 : i32
          %dma_wait3A_481 = tpu.memref_slice %arg5[%mul3A_2, %dma_wait3A_480] : memref<32768x1024xf32, #tpu.memory_space<hbm>> -> memref<16x1024xf32, #tpu.memory_space<hbm>>
          %dma_wait3A_482 = arith.constant 0 : i32
          %dma_wait3A_483 = arith.constant 0 : i32
          %dma_wait3A_484 = tpu.memref_slice %arg6[%dma_wait3A_470, %dma_wait3A_482, %dma_wait3A_483] : memref<4x16x1024xf32, #tpu.memory_space<vmem>> -> memref<1x16x1024xf32, #tpu.memory_space<vmem>>
          %dma_wait3A_485 = tpu.memref_squeeze %dma_wait3A_484 : memref<1x16x1024xf32, #tpu.memory_space<vmem>> -> memref<16x1024xf32, #tpu.memory_space<vmem>>
          tpu.wait_dma2 semaphore(%dma_wait3A_479 : memref<!tpu.dma_semaphore, #tpu.memory_space<semaphore_mem>>) src(%dma_wait3A_485 : memref<16x1024xf32, #tpu.memory_space<vmem>>) dst(%dma_wait3A_481 : memref<16x1024xf32, #tpu.memory_space<hbm>>)
        } else {
        }
        %mul3A_437 = arith.constant 16 : i32
        %mul3A_438 = arith.muli %add3A_353, %mul3A_437 : i32
        %add3A_439 = arith.addi %mul3A_2, %mul3A_438 : i32
        %dma_start3A_440 = arith.constant 0 : i32
        %dma_start3A_441 = arith.constant 0 : i32
        %dma_start3A_442 = arith.constant 0 : i32
        %dma_start3A_443 = arith.constant 0 : i32
        %dma_start3A_444 = tpu.memref_slice %arg6[%dma_start3A_440, %dma_start3A_442, %dma_start3A_443] : memref<4x16x1024xf32, #tpu.memory_space<vmem>> -> memref<1x16x1024xf32, #tpu.memory_space<vmem>>
        %dma_start3A_445 = tpu.memref_squeeze %dma_start3A_444 : memref<1x16x1024xf32, #tpu.memory_space<vmem>> -> memref<16x1024xf32, #tpu.memory_space<vmem>>
        %dma_start3A_446 = arith.constant 0 : i32
        %dma_start3A_447 = tpu.memref_slice %arg2[%add3A_439, %dma_start3A_446] : memref<32768x1024xf32, #tpu.memory_space<hbm>> -> memref<16x1024xf32, #tpu.memory_space<hbm>>
        %dma_start3A_448 = tpu.memref_slice %arg9[%dma_start3A_441] : memref<4x!tpu.dma_semaphore, #tpu.memory_space<semaphore_mem>> -> memref<1x!tpu.dma_semaphore, #tpu.memory_space<semaphore_mem>>
        %dma_start3A_449 = tpu.memref_squeeze %dma_start3A_448 : memref<1x!tpu.dma_semaphore, #tpu.memory_space<semaphore_mem>> -> memref<!tpu.dma_semaphore, #tpu.memory_space<semaphore_mem>>
        %dma_start3A_450 = arith.constant 0 : i32
        %dma_start3A_451 = arith.constant 0 : i32
        %dma_start3A_452 = tpu.memref_slice %arg6[%dma_start3A_440, %dma_start3A_450, %dma_start3A_451] : memref<4x16x1024xf32, #tpu.memory_space<vmem>> -> memref<1x16x1024xf32, #tpu.memory_space<vmem>>
        %dma_start3A_453 = tpu.memref_squeeze %dma_start3A_452 : memref<1x16x1024xf32, #tpu.memory_space<vmem>> -> memref<16x1024xf32, #tpu.memory_space<vmem>>
        %dma_start3A_454 = arith.constant 0 : i32
        %dma_start3A_455 = tpu.memref_slice %arg2[%add3A_439, %dma_start3A_454] : memref<32768x1024xf32, #tpu.memory_space<hbm>> -> memref<16x1024xf32, #tpu.memory_space<hbm>>
        tpu.enqueue_dma source(%dma_start3A_455 : memref<16x1024xf32, #tpu.memory_space<hbm>>) target(%dma_start3A_453 : memref<16x1024xf32, #tpu.memory_space<vmem>>) target_semaphore(%dma_start3A_449 : memref<!tpu.dma_semaphore, #tpu.memory_space<semaphore_mem>>)
        %dma_start3A_456 = arith.constant 0 : i32
        %dma_start3A_457 = arith.constant 0 : i32
        %dma_start3A_458 = arith.constant 0 : i32
        %dma_start3A_459 = arith.constant 0 : i32
        %dma_start3A_460 = tpu.memref_slice %arg7[%dma_start3A_456, %dma_start3A_458, %dma_start3A_459] : memref<4x4x1024xf32, #tpu.memory_space<vmem>> -> memref<1x4x1024xf32, #tpu.memory_space<vmem>>
        %dma_start3A_461 = tpu.memref_squeeze %dma_start3A_460 : memref<1x4x1024xf32, #tpu.memory_space<vmem>> -> memref<4x1024xf32, #tpu.memory_space<vmem>>
        %dma_start3A_462 = arith.constant 0 : i32
        %dma_start3A_463 = tpu.memref_slice %arg8[%add3A_353, %dma_start3A_462] : memref<64x4xi32, #tpu.memory_space<vmem>> -> memref<1x4xi32, #tpu.memory_space<vmem>>
        %dma_start3A_464 = tpu.memref_squeeze %dma_start3A_463 : memref<1x4xi32, #tpu.memory_space<vmem>> -> memref<4xi32, #tpu.memory_space<vmem>>
        %dma_start3A_465 = arith.constant 0 : i32
        %dma_start3A_466 = arith.constant 0 : i32
        %dma_start3A_467 = tpu.memref_slice %arg4[%dma_start3A_465, %dma_start3A_466] : memref<8193x1024xf32, #tpu.memory_space<hbm>> -> memref<8193x1024xf32, #tpu.memory_space<hbm>>
        %dma_start3A_468 = tpu.memref_slice %arg10[%dma_start3A_457] : memref<4x!tpu.dma_semaphore, #tpu.memory_space<semaphore_mem>> -> memref<1x!tpu.dma_semaphore, #tpu.memory_space<semaphore_mem>>
        %dma_start3A_469 = tpu.memref_squeeze %dma_start3A_468 : memref<1x!tpu.dma_semaphore, #tpu.memory_space<semaphore_mem>> -> memref<!tpu.dma_semaphore, #tpu.memory_space<semaphore_mem>>
        tpu.enqueue_indirect_dma source(%dma_start3A_467 : memref<8193x1024xf32, #tpu.memory_space<hbm>>) target(%dma_start3A_461 : memref<4x1024xf32, #tpu.memory_space<vmem>>) offsets(%dma_start3A_464 : memref<4xi32, #tpu.memory_space<vmem>>) semaphore(%dma_start3A_469 : memref<!tpu.dma_semaphore, #tpu.memory_space<semaphore_mem>>)
      } else {
      }
      %mul3A_359 = arith.constant 4 : i32
      %mul3A_360 = arith.muli %add3A_139, %mul3A_359 : i32
      %add3A_361 = arith.constant 3 : i32
      %add3A_362 = arith.addi %mul3A_360, %add3A_361 : i32
      %mul3A_363 = arith.constant 16 : i32
      %mul3A_364 = arith.muli %add3A_362, %mul3A_363 : i32
      %add3A_365 = arith.addi %mul3A_2, %mul3A_364 : i32
      %dma_wait3A_366 = arith.constant 3 : i32
      %dma_wait3A_367 = arith.constant 3 : i32
      %dma_wait3A_368 = arith.constant 0 : i32
      %dma_wait3A_369 = arith.constant 0 : i32
      %dma_wait3A_370 = tpu.memref_slice %arg6[%dma_wait3A_366, %dma_wait3A_368, %dma_wait3A_369] : memref<4x16x1024xf32, #tpu.memory_space<vmem>> -> memref<1x16x1024xf32, #tpu.memory_space<vmem>>
      %dma_wait3A_371 = tpu.memref_squeeze %dma_wait3A_370 : memref<1x16x1024xf32, #tpu.memory_space<vmem>> -> memref<16x1024xf32, #tpu.memory_space<vmem>>
      %dma_wait3A_372 = arith.constant 0 : i32
      %dma_wait3A_373 = tpu.memref_slice %arg2[%add3A_365, %dma_wait3A_372] : memref<32768x1024xf32, #tpu.memory_space<hbm>> -> memref<16x1024xf32, #tpu.memory_space<hbm>>
      %dma_wait3A_374 = tpu.memref_slice %arg9[%dma_wait3A_367] : memref<4x!tpu.dma_semaphore, #tpu.memory_space<semaphore_mem>> -> memref<1x!tpu.dma_semaphore, #tpu.memory_space<semaphore_mem>>
      %dma_wait3A_375 = tpu.memref_squeeze %dma_wait3A_374 : memref<1x!tpu.dma_semaphore, #tpu.memory_space<semaphore_mem>> -> memref<!tpu.dma_semaphore, #tpu.memory_space<semaphore_mem>>
      %dma_wait3A_376 = arith.constant 0 : i32
      %dma_wait3A_377 = arith.constant 0 : i32
      %dma_wait3A_378 = tpu.memref_slice %arg6[%dma_wait3A_366, %dma_wait3A_376, %dma_wait3A_377] : memref<4x16x1024xf32, #tpu.memory_space<vmem>> -> memref<1x16x1024xf32, #tpu.memory_space<vmem>>
      %dma_wait3A_379 = tpu.memref_squeeze %dma_wait3A_378 : memref<1x16x1024xf32, #tpu.memory_space<vmem>> -> memref<16x1024xf32, #tpu.memory_space<vmem>>
      %dma_wait3A_380 = arith.constant 0 : i32
      %dma_wait3A_381 = tpu.memref_slice %arg2[%add3A_365, %dma_wait3A_380] : memref<32768x1024xf32, #tpu.memory_space<hbm>> -> memref<16x1024xf32, #tpu.memory_space<hbm>>
      tpu.wait_dma2 semaphore(%dma_wait3A_375 : memref<!tpu.dma_semaphore, #tpu.memory_space<semaphore_mem>>) src(%dma_wait3A_381 : memref<16x1024xf32, #tpu.memory_space<hbm>>) dst(%dma_wait3A_379 : memref<16x1024xf32, #tpu.memory_space<vmem>>)
      %dma_wait3A_382 = arith.constant 3 : i32
      %dma_wait3A_383 = arith.constant 3 : i32
      %dma_wait3A_384 = arith.constant 0 : i32
      %dma_wait3A_385 = arith.constant 0 : i32
      %dma_wait3A_386 = tpu.memref_slice %arg7[%dma_wait3A_382, %dma_wait3A_384, %dma_wait3A_385] : memref<4x4x1024xf32, #tpu.memory_space<vmem>> -> memref<1x4x1024xf32, #tpu.memory_space<vmem>>
      %dma_wait3A_387 = tpu.memref_squeeze %dma_wait3A_386 : memref<1x4x1024xf32, #tpu.memory_space<vmem>> -> memref<4x1024xf32, #tpu.memory_space<vmem>>
      %dma_wait3A_388 = arith.constant 0 : i32
      %dma_wait3A_389 = arith.constant 0 : i32
      %dma_wait3A_390 = tpu.memref_slice %arg4[%dma_wait3A_388, %dma_wait3A_389] : memref<8193x1024xf32, #tpu.memory_space<hbm>> -> memref<4x1024xf32, #tpu.memory_space<hbm>>
      %dma_wait3A_391 = tpu.memref_slice %arg10[%dma_wait3A_383] : memref<4x!tpu.dma_semaphore, #tpu.memory_space<semaphore_mem>> -> memref<1x!tpu.dma_semaphore, #tpu.memory_space<semaphore_mem>>
      %dma_wait3A_392 = tpu.memref_squeeze %dma_wait3A_391 : memref<1x!tpu.dma_semaphore, #tpu.memory_space<semaphore_mem>> -> memref<!tpu.dma_semaphore, #tpu.memory_space<semaphore_mem>>
      %dma_wait3A_393 = arith.constant 0 : i32
      %dma_wait3A_394 = arith.constant 0 : i32
      %dma_wait3A_395 = tpu.memref_slice %arg7[%dma_wait3A_382, %dma_wait3A_393, %dma_wait3A_394] : memref<4x4x1024xf32, #tpu.memory_space<vmem>> -> memref<1x4x1024xf32, #tpu.memory_space<vmem>>
      %dma_wait3A_396 = tpu.memref_squeeze %dma_wait3A_395 : memref<1x4x1024xf32, #tpu.memory_space<vmem>> -> memref<4x1024xf32, #tpu.memory_space<vmem>>
      %dma_wait3A_397 = arith.constant 0 : i32
      %dma_wait3A_398 = arith.constant 0 : i32
      %dma_wait3A_399 = tpu.memref_slice %arg4[%dma_wait3A_397, %dma_wait3A_398] : memref<8193x1024xf32, #tpu.memory_space<hbm>> -> memref<4x1024xf32, #tpu.memory_space<hbm>>
      tpu.wait_dma2 semaphore(%dma_wait3A_392 : memref<!tpu.dma_semaphore, #tpu.memory_space<semaphore_mem>>) src(%dma_wait3A_399 : memref<4x1024xf32, #tpu.memory_space<hbm>>) dst(%dma_wait3A_396 : memref<4x1024xf32, #tpu.memory_space<vmem>>)
      %scan3A_400 = arith.constant 0 : i32
      %scan3A_401 = arith.constant 0 : i32
      %scan3A_402 = arith.constant 4 : i32
      %scan3A_403 = arith.addi %scan3A_401, %scan3A_402 : i32
      %scan3A_404 = arith.constant 1 : i32
      %scan3A_405 = scf.for %scan3A_433 = %scan3A_401 to %scan3A_403 step %scan3A_404 iter_args(%scan3A_434 = %scan3A_400) -> (i32)  : i32 {
        %scan3A_435 = arith.constant 0 : i32
        %scan3A_436 = arith.constant 0 : i32
        %scan3A_437 = arith.constant 4 : i32
        %scan3A_438 = arith.addi %scan3A_436, %scan3A_437 : i32
        %scan3A_439 = arith.constant 1 : i32
        %scan3A_440 = scf.for %scan3A_443 = %scan3A_436 to %scan3A_438 step %scan3A_439 iter_args(%scan3A_444 = %scan3A_435) -> (i32)  : i32 {
          %mul3A_445 = arith.constant 256 : i32
          %mul3A_446 = arith.muli %scan3A_443, %mul3A_445 : i32
          %add3A_447 = arith.constant 0 : i32
          %add3A_448 = arith.addi %mul3A_446, %add3A_447 : i32
          %get3A = arith.constant 3 : i32
          %get3A_449 = arith.index_cast %get3A : i32 to index
          %get3A_450 = arith.index_cast %scan3A_433 : i32 to index
          %get3A_451 = arith.index_cast %add3A_448 : i32 to index
          %get3A_452 = tpu.vector_load %arg7[%get3A_449, %get3A_450, %get3A_451] {strides = array<i32>} : memref<4x4x1024xf32, #tpu.memory_space<vmem>>, vector<1x1x16xf32>,
          %get3A_453 = vector.shape_cast %get3A_452 : vector<1x1x16xf32> to vector<16xf32>
          %mul3A_454 = arith.constant 4 : i32
          %mul3A_455 = arith.muli %scan3A_433, %mul3A_454 : i32
          %add3A_456 = arith.constant 0 : i32
          %add3A_457 = arith.addi %mul3A_455, %add3A_456 : i32
          %swap3A = arith.constant 3 : i32
          %swap3A_458 = arith.index_cast %swap3A : i32 to index
          %swap3A_459 = arith.index_cast %add3A_457 : i32 to index
          %swap3A_460 = arith.index_cast %add3A_448 : i32 to index
          %swap3A_461 = tpu.vector_load %arg6[%swap3A_458, %swap3A_459, %swap3A_460] {strides = array<i32>} : memref<4x16x1024xf32, #tpu.memory_space<vmem>>, vector<1x1x16xf32>,
          %swap3A_462 = vector.shape_cast %swap3A_461 : vector<1x1x16xf32> to vector<16xf32>
          %swap3A_463 = vector.shape_cast %get3A_453 : vector<16xf32> to vector<1x1x16xf32>
          tpu.vector_store %arg6[%swap3A_458, %swap3A_459, %swap3A_460], %swap3A_463 {add = true, strides = array<i32>} : memref<4x16x1024xf32, #tpu.memory_space<vmem>>, vector<1x1x16xf32>,
          %mul3A_464 = arith.constant 4 : i32
          %mul3A_465 = arith.muli %scan3A_433, %mul3A_464 : i32
          %add3A_466 = arith.constant 1 : i32
          %add3A_467 = arith.addi %mul3A_465, %add3A_466 : i32
          %swap3A_468 = arith.constant 3 : i32
          %swap3A_469 = arith.index_cast %swap3A_468 : i32 to index
          %swap3A_470 = arith.index_cast %add3A_467 : i32 to index
          %swap3A_471 = arith.index_cast %add3A_448 : i32 to index
          %swap3A_472 = tpu.vector_load %arg6[%swap3A_469, %swap3A_470, %swap3A_471] {strides = array<i32>} : memref<4x16x1024xf32, #tpu.memory_space<vmem>>, vector<1x1x16xf32>,
          %swap3A_473 = vector.shape_cast %swap3A_472 : vector<1x1x16xf32> to vector<16xf32>
          %swap3A_474 = vector.shape_cast %get3A_453 : vector<16xf32> to vector<1x1x16xf32>
          tpu.vector_store %arg6[%swap3A_469, %swap3A_470, %swap3A_471], %swap3A_474 {add = true, strides = array<i32>} : memref<4x16x1024xf32, #tpu.memory_space<vmem>>, vector<1x1x16xf32>,
          %mul3A_475 = arith.constant 4 : i32
          %mul3A_476 = arith.muli %scan3A_433, %mul3A_475 : i32
          %add3A_477 = arith.constant 2 : i32
          %add3A_478 = arith.addi %mul3A_476, %add3A_477 : i32
          %swap3A_479 = arith.constant 3 : i32
          %swap3A_480 = arith.index_cast %swap3A_479 : i32 to index
          %swap3A_481 = arith.index_cast %add3A_478 : i32 to index
          %swap3A_482 = arith.index_cast %add3A_448 : i32 to index
          %swap3A_483 = tpu.vector_load %arg6[%swap3A_480, %swap3A_481, %swap3A_482] {strides = array<i32>} : memref<4x16x1024xf32, #tpu.memory_space<vmem>>, vector<1x1x16xf32>,
          %swap3A_484 = vector.shape_cast %swap3A_483 : vector<1x1x16xf32> to vector<16xf32>
          %swap3A_485 = vector.shape_cast %get3A_453 : vector<16xf32> to vector<1x1x16xf32>
          tpu.vector_store %arg6[%swap3A_480, %swap3A_481, %swap3A_482], %swap3A_485 {add = true, strides = array<i32>} : memref<4x16x1024xf32, #tpu.memory_space<vmem>>, vector<1x1x16xf32>,
          %mul3A_486 = arith.constant 4 : i32
          %mul3A_487 = arith.muli %scan3A_433, %mul3A_486 : i32
          %add3A_488 = arith.constant 3 : i32
          %add3A_489 = arith.addi %mul3A_487, %add3A_488 : i32
          %swap3A_490 = arith.constant 3 : i32
          %swap3A_491 = arith.index_cast %swap3A_490 : i32 to index
          %swap3A_492 = arith.index_cast %add3A_489 : i32 to index
          %swap3A_493 = arith.index_cast %add3A_448 : i32 to index
          %swap3A_494 = tpu.vector_load %arg6[%swap3A_491, %swap3A_492, %swap3A_493] {strides = array<i32>} : memref<4x16x1024xf32, #tpu.memory_space<vmem>>, vector<1x1x16xf32>,
          %swap3A_495 = vector.shape_cast %swap3A_494 : vector<1x1x16xf32> to vector<16xf32>
          %swap3A_496 = vector.shape_cast %get3A_453 : vector<16xf32> to vector<1x1x16xf32>
          tpu.vector_store %arg6[%swap3A_491, %swap3A_492, %swap3A_493], %swap3A_496 {add = true, strides = array<i32>} : memref<4x16x1024xf32, #tpu.memory_space<vmem>>, vector<1x1x16xf32>,
          %add3A_497 = arith.constant 16 : i32
          %add3A_498 = arith.addi %mul3A_446, %add3A_497 : i32
          %get3A_499 = arith.constant 3 : i32
          %get3A_500 = arith.index_cast %get3A_499 : i32 to index
          %get3A_501 = arith.index_cast %scan3A_433 : i32 to index
          %get3A_502 = arith.index_cast %add3A_498 : i32 to index
          %get3A_503 = tpu.vector_load %arg7[%get3A_500, %get3A_501, %get3A_502] {strides = array<i32>} : memref<4x4x1024xf32, #tpu.memory_space<vmem>>, vector<1x1x16xf32>,
          %get3A_504 = vector.shape_cast %get3A_503 : vector<1x1x16xf32> to vector<16xf32>
          %mul3A_505 = arith.constant 4 : i32
          %mul3A_506 = arith.muli %scan3A_433, %mul3A_505 : i32
          %add3A_507 = arith.constant 0 : i32
          %add3A_508 = arith.addi %mul3A_506, %add3A_507 : i32
          %swap3A_509 = arith.constant 3 : i32
          %swap3A_510 = arith.index_cast %swap3A_509 : i32 to index
          %swap3A_511 = arith.index_cast %add3A_508 : i32 to index
          %swap3A_512 = arith.index_cast %add3A_498 : i32 to index
          %swap3A_513 = tpu.vector_load %arg6[%swap3A_510, %swap3A_511, %swap3A_512] {strides = array<i32>} : memref<4x16x1024xf32, #tpu.memory_space<vmem>>, vector<1x1x16xf32>,
          %swap3A_514 = vector.shape_cast %swap3A_513 : vector<1x1x16xf32> to vector<16xf32>
          %swap3A_515 = vector.shape_cast %get3A_504 : vector<16xf32> to vector<1x1x16xf32>
          tpu.vector_store %arg6[%swap3A_510, %swap3A_511, %swap3A_512], %swap3A_515 {add = true, strides = array<i32>} : memref<4x16x1024xf32, #tpu.memory_space<vmem>>, vector<1x1x16xf32>,
          %mul3A_516 = arith.constant 4 : i32
          %mul3A_517 = arith.muli %scan3A_433, %mul3A_516 : i32
          %add3A_518 = arith.constant 1 : i32
          %add3A_519 = arith.addi %mul3A_517, %add3A_518 : i32
          %swap3A_520 = arith.constant 3 : i32
          %swap3A_521 = arith.index_cast %swap3A_520 : i32 to index
          %swap3A_522 = arith.index_cast %add3A_519 : i32 to index
          %swap3A_523 = arith.index_cast %add3A_498 : i32 to index
          %swap3A_524 = tpu.vector_load %arg6[%swap3A_521, %swap3A_522, %swap3A_523] {strides = array<i32>} : memref<4x16x1024xf32, #tpu.memory_space<vmem>>, vector<1x1x16xf32>,
          %swap3A_525 = vector.shape_cast %swap3A_524 : vector<1x1x16xf32> to vector<16xf32>
          %swap3A_526 = vector.shape_cast %get3A_504 : vector<16xf32> to vector<1x1x16xf32>
          tpu.vector_store %arg6[%swap3A_521, %swap3A_522, %swap3A_523], %swap3A_526 {add = true, strides = array<i32>} : memref<4x16x1024xf32, #tpu.memory_space<vmem>>, vector<1x1x16xf32>,
          %mul3A_527 = arith.constant 4 : i32
          %mul3A_528 = arith.muli %scan3A_433, %mul3A_527 : i32
          %add3A_529 = arith.constant 2 : i32
          %add3A_530 = arith.addi %mul3A_528, %add3A_529 : i32
          %swap3A_531 = arith.constant 3 : i32
          %swap3A_532 = arith.index_cast %swap3A_531 : i32 to index
          %swap3A_533 = arith.index_cast %add3A_530 : i32 to index
          %swap3A_534 = arith.index_cast %add3A_498 : i32 to index
          %swap3A_535 = tpu.vector_load %arg6[%swap3A_532, %swap3A_533, %swap3A_534] {strides = array<i32>} : memref<4x16x1024xf32, #tpu.memory_space<vmem>>, vector<1x1x16xf32>,
          %swap3A_536 = vector.shape_cast %swap3A_535 : vector<1x1x16xf32> to vector<16xf32>
          %swap3A_537 = vector.shape_cast %get3A_504 : vector<16xf32> to vector<1x1x16xf32>
          tpu.vector_store %arg6[%swap3A_532, %swap3A_533, %swap3A_534], %swap3A_537 {add = true, strides = array<i32>} : memref<4x16x1024xf32, #tpu.memory_space<vmem>>, vector<1x1x16xf32>,
          %mul3A_538 = arith.constant 4 : i32
          %mul3A_539 = arith.muli %scan3A_433, %mul3A_538 : i32
          %add3A_540 = arith.constant 3 : i32
          %add3A_541 = arith.addi %mul3A_539, %add3A_540 : i32
          %swap3A_542 = arith.constant 3 : i32
          %swap3A_543 = arith.index_cast %swap3A_542 : i32 to index
          %swap3A_544 = arith.index_cast %add3A_541 : i32 to index
          %swap3A_545 = arith.index_cast %add3A_498 : i32 to index
          %swap3A_546 = tpu.vector_load %arg6[%swap3A_543, %swap3A_544, %swap3A_545] {strides = array<i32>} : memref<4x16x1024xf32, #tpu.memory_space<vmem>>, vector<1x1x16xf32>,
          %swap3A_547 = vector.shape_cast %swap3A_546 : vector<1x1x16xf32> to vector<16xf32>
          %swap3A_548 = vector.shape_cast %get3A_504 : vector<16xf32> to vector<1x1x16xf32>
          tpu.vector_store %arg6[%swap3A_543, %swap3A_544, %swap3A_545], %swap3A_548 {add = true, strides = array<i32>} : memref<4x16x1024xf32, #tpu.memory_space<vmem>>, vector<1x1x16xf32>,
          %add3A_549 = arith.constant 32 : i32
          %add3A_550 = arith.addi %mul3A_446, %add3A_549 : i32
          %get3A_551 = arith.constant 3 : i32
          %get3A_552 = arith.index_cast %get3A_551 : i32 to index
          %get3A_553 = arith.index_cast %scan3A_433 : i32 to index
          %get3A_554 = arith.index_cast %add3A_550 : i32 to index
          %get3A_555 = tpu.vector_load %arg7[%get3A_552, %get3A_553, %get3A_554] {strides = array<i32>} : memref<4x4x1024xf32, #tpu.memory_space<vmem>>, vector<1x1x16xf32>,
          %get3A_556 = vector.shape_cast %get3A_555 : vector<1x1x16xf32> to vector<16xf32>
          %mul3A_557 = arith.constant 4 : i32
          %mul3A_558 = arith.muli %scan3A_433, %mul3A_557 : i32
          %add3A_559 = arith.constant 0 : i32
          %add3A_560 = arith.addi %mul3A_558, %add3A_559 : i32
          %swap3A_561 = arith.constant 3 : i32
          %swap3A_562 = arith.index_cast %swap3A_561 : i32 to index
          %swap3A_563 = arith.index_cast %add3A_560 : i32 to index
          %swap3A_564 = arith.index_cast %add3A_550 : i32 to index
          %swap3A_565 = tpu.vector_load %arg6[%swap3A_562, %swap3A_563, %swap3A_564] {strides = array<i32>} : memref<4x16x1024xf32, #tpu.memory_space<vmem>>, vector<1x1x16xf32>,
          %swap3A_566 = vector.shape_cast %swap3A_565 : vector<1x1x16xf32> to vector<16xf32>
          %swap3A_567 = vector.shape_cast %get3A_556 : vector<16xf32> to vector<1x1x16xf32>
          tpu.vector_store %arg6[%swap3A_562, %swap3A_563, %swap3A_564], %swap3A_567 {add = true, strides = array<i32>} : memref<4x16x1024xf32, #tpu.memory_space<vmem>>, vector<1x1x16xf32>,
          %mul3A_568 = arith.constant 4 : i32
          %mul3A_569 = arith.muli %scan3A_433, %mul3A_568 : i32
          %add3A_570 = arith.constant 1 : i32
          %add3A_571 = arith.addi %mul3A_569, %add3A_570 : i32
          %swap3A_572 = arith.constant 3 : i32
          %swap3A_573 = arith.index_cast %swap3A_572 : i32 to index
          %swap3A_574 = arith.index_cast %add3A_571 : i32 to index
          %swap3A_575 = arith.index_cast %add3A_550 : i32 to index
          %swap3A_576 = tpu.vector_load %arg6[%swap3A_573, %swap3A_574, %swap3A_575] {strides = array<i32>} : memref<4x16x1024xf32, #tpu.memory_space<vmem>>, vector<1x1x16xf32>,
          %swap3A_577 = vector.shape_cast %swap3A_576 : vector<1x1x16xf32> to vector<16xf32>
          %swap3A_578 = vector.shape_cast %get3A_556 : vector<16xf32> to vector<1x1x16xf32>
          tpu.vector_store %arg6[%swap3A_573, %swap3A_574, %swap3A_575], %swap3A_578 {add = true, strides = array<i32>} : memref<4x16x1024xf32, #tpu.memory_space<vmem>>, vector<1x1x16xf32>,
          %mul3A_579 = arith.constant 4 : i32
          %mul3A_580 = arith.muli %scan3A_433, %mul3A_579 : i32
          %add3A_581 = arith.constant 2 : i32
          %add3A_582 = arith.addi %mul3A_580, %add3A_581 : i32
          %swap3A_583 = arith.constant 3 : i32
          %swap3A_584 = arith.index_cast %swap3A_583 : i32 to index
          %swap3A_585 = arith.index_cast %add3A_582 : i32 to index
          %swap3A_586 = arith.index_cast %add3A_550 : i32 to index
          %swap3A_587 = tpu.vector_load %arg6[%swap3A_584, %swap3A_585, %swap3A_586] {strides = array<i32>} : memref<4x16x1024xf32, #tpu.memory_space<vmem>>, vector<1x1x16xf32>,
          %swap3A_588 = vector.shape_cast %swap3A_587 : vector<1x1x16xf32> to vector<16xf32>
          %swap3A_589 = vector.shape_cast %get3A_556 : vector<16xf32> to vector<1x1x16xf32>
          tpu.vector_store %arg6[%swap3A_584, %swap3A_585, %swap3A_586], %swap3A_589 {add = true, strides = array<i32>} : memref<4x16x1024xf32, #tpu.memory_space<vmem>>, vector<1x1x16xf32>,
          %mul3A_590 = arith.constant 4 : i32
          %mul3A_591 = arith.muli %scan3A_433, %mul3A_590 : i32
          %add3A_592 = arith.constant 3 : i32
          %add3A_593 = arith.addi %mul3A_591, %add3A_592 : i32
          %swap3A_594 = arith.constant 3 : i32
          %swap3A_595 = arith.index_cast %swap3A_594 : i32 to index
          %swap3A_596 = arith.index_cast %add3A_593 : i32 to index
          %swap3A_597 = arith.index_cast %add3A_550 : i32 to index
          %swap3A_598 = tpu.vector_load %arg6[%swap3A_595, %swap3A_596, %swap3A_597] {strides = array<i32>} : memref<4x16x1024xf32, #tpu.memory_space<vmem>>, vector<1x1x16xf32>,
          %swap3A_599 = vector.shape_cast %swap3A_598 : vector<1x1x16xf32> to vector<16xf32>
          %swap3A_600 = vector.shape_cast %get3A_556 : vector<16xf32> to vector<1x1x16xf32>
          tpu.vector_store %arg6[%swap3A_595, %swap3A_596, %swap3A_597], %swap3A_600 {add = true, strides = array<i32>} : memref<4x16x1024xf32, #tpu.memory_space<vmem>>, vector<1x1x16xf32>,
          %add3A_601 = arith.constant 48 : i32
          %add3A_602 = arith.addi %mul3A_446, %add3A_601 : i32
          %get3A_603 = arith.constant 3 : i32
          %get3A_604 = arith.index_cast %get3A_603 : i32 to index
          %get3A_605 = arith.index_cast %scan3A_433 : i32 to index
          %get3A_606 = arith.index_cast %add3A_602 : i32 to index
          %get3A_607 = tpu.vector_load %arg7[%get3A_604, %get3A_605, %get3A_606] {strides = array<i32>} : memref<4x4x1024xf32, #tpu.memory_space<vmem>>, vector<1x1x16xf32>,
          %get3A_608 = vector.shape_cast %get3A_607 : vector<1x1x16xf32> to vector<16xf32>
          %mul3A_609 = arith.constant 4 : i32
          %mul3A_610 = arith.muli %scan3A_433, %mul3A_609 : i32
          %add3A_611 = arith.constant 0 : i32
          %add3A_612 = arith.addi %mul3A_610, %add3A_611 : i32
          %swap3A_613 = arith.constant 3 : i32
          %swap3A_614 = arith.index_cast %swap3A_613 : i32 to index
          %swap3A_615 = arith.index_cast %add3A_612 : i32 to index
          %swap3A_616 = arith.index_cast %add3A_602 : i32 to index
          %swap3A_617 = tpu.vector_load %arg6[%swap3A_614, %swap3A_615, %swap3A_616] {strides = array<i32>} : memref<4x16x1024xf32, #tpu.memory_space<vmem>>, vector<1x1x16xf32>,
          %swap3A_618 = vector.shape_cast %swap3A_617 : vector<1x1x16xf32> to vector<16xf32>
          %swap3A_619 = vector.shape_cast %get3A_608 : vector<16xf32> to vector<1x1x16xf32>
          tpu.vector_store %arg6[%swap3A_614, %swap3A_615, %swap3A_616], %swap3A_619 {add = true, strides = array<i32>} : memref<4x16x1024xf32, #tpu.memory_space<vmem>>, vector<1x1x16xf32>,
          %mul3A_620 = arith.constant 4 : i32
          %mul3A_621 = arith.muli %scan3A_433, %mul3A_620 : i32
          %add3A_622 = arith.constant 1 : i32
          %add3A_623 = arith.addi %mul3A_621, %add3A_622 : i32
          %swap3A_624 = arith.constant 3 : i32
          %swap3A_625 = arith.index_cast %swap3A_624 : i32 to index
          %swap3A_626 = arith.index_cast %add3A_623 : i32 to index
          %swap3A_627 = arith.index_cast %add3A_602 : i32 to index
          %swap3A_628 = tpu.vector_load %arg6[%swap3A_625, %swap3A_626, %swap3A_627] {strides = array<i32>} : memref<4x16x1024xf32, #tpu.memory_space<vmem>>, vector<1x1x16xf32>,
          %swap3A_629 = vector.shape_cast %swap3A_628 : vector<1x1x16xf32> to vector<16xf32>
          %swap3A_630 = vector.shape_cast %get3A_608 : vector<16xf32> to vector<1x1x16xf32>
          tpu.vector_store %arg6[%swap3A_625, %swap3A_626, %swap3A_627], %swap3A_630 {add = true, strides = array<i32>} : memref<4x16x1024xf32, #tpu.memory_space<vmem>>, vector<1x1x16xf32>,
          %mul3A_631 = arith.constant 4 : i32
          %mul3A_632 = arith.muli %scan3A_433, %mul3A_631 : i32
          %add3A_633 = arith.constant 2 : i32
          %add3A_634 = arith.addi %mul3A_632, %add3A_633 : i32
          %swap3A_635 = arith.constant 3 : i32
          %swap3A_636 = arith.index_cast %swap3A_635 : i32 to index
          %swap3A_637 = arith.index_cast %add3A_634 : i32 to index
          %swap3A_638 = arith.index_cast %add3A_602 : i32 to index
          %swap3A_639 = tpu.vector_load %arg6[%swap3A_636, %swap3A_637, %swap3A_638] {strides = array<i32>} : memref<4x16x1024xf32, #tpu.memory_space<vmem>>, vector<1x1x16xf32>,
          %swap3A_640 = vector.shape_cast %swap3A_639 : vector<1x1x16xf32> to vector<16xf32>
          %swap3A_641 = vector.shape_cast %get3A_608 : vector<16xf32> to vector<1x1x16xf32>
          tpu.vector_store %arg6[%swap3A_636, %swap3A_637, %swap3A_638], %swap3A_641 {add = true, strides = array<i32>} : memref<4x16x1024xf32, #tpu.memory_space<vmem>>, vector<1x1x16xf32>,
          %mul3A_642 = arith.constant 4 : i32
          %mul3A_643 = arith.muli %scan3A_433, %mul3A_642 : i32
          %add3A_644 = arith.constant 3 : i32
          %add3A_645 = arith.addi %mul3A_643, %add3A_644 : i32
          %swap3A_646 = arith.constant 3 : i32
          %swap3A_647 = arith.index_cast %swap3A_646 : i32 to index
          %swap3A_648 = arith.index_cast %add3A_645 : i32 to index
          %swap3A_649 = arith.index_cast %add3A_602 : i32 to index
          %swap3A_650 = tpu.vector_load %arg6[%swap3A_647, %swap3A_648, %swap3A_649] {strides = array<i32>} : memref<4x16x1024xf32, #tpu.memory_space<vmem>>, vector<1x1x16xf32>,
          %swap3A_651 = vector.shape_cast %swap3A_650 : vector<1x1x16xf32> to vector<16xf32>
          %swap3A_652 = vector.shape_cast %get3A_608 : vector<16xf32> to vector<1x1x16xf32>
          tpu.vector_store %arg6[%swap3A_647, %swap3A_648, %swap3A_649], %swap3A_652 {add = true, strides = array<i32>} : memref<4x16x1024xf32, #tpu.memory_space<vmem>>, vector<1x1x16xf32>,
          %add3A_653 = arith.constant 64 : i32
          %add3A_654 = arith.addi %mul3A_446, %add3A_653 : i32
          %get3A_655 = arith.constant 3 : i32
          %get3A_656 = arith.index_cast %get3A_655 : i32 to index
          %get3A_657 = arith.index_cast %scan3A_433 : i32 to index
          %get3A_658 = arith.index_cast %add3A_654 : i32 to index
          %get3A_659 = tpu.vector_load %arg7[%get3A_656, %get3A_657, %get3A_658] {strides = array<i32>} : memref<4x4x1024xf32, #tpu.memory_space<vmem>>, vector<1x1x16xf32>,
          %get3A_660 = vector.shape_cast %get3A_659 : vector<1x1x16xf32> to vector<16xf32>
          %mul3A_661 = arith.constant 4 : i32
          %mul3A_662 = arith.muli %scan3A_433, %mul3A_661 : i32
          %add3A_663 = arith.constant 0 : i32
          %add3A_664 = arith.addi %mul3A_662, %add3A_663 : i32
          %swap3A_665 = arith.constant 3 : i32
          %swap3A_666 = arith.index_cast %swap3A_665 : i32 to index
          %swap3A_667 = arith.index_cast %add3A_664 : i32 to index
          %swap3A_668 = arith.index_cast %add3A_654 : i32 to index
          %swap3A_669 = tpu.vector_load %arg6[%swap3A_666, %swap3A_667, %swap3A_668] {strides = array<i32>} : memref<4x16x1024xf32, #tpu.memory_space<vmem>>, vector<1x1x16xf32>,
          %swap3A_670 = vector.shape_cast %swap3A_669 : vector<1x1x16xf32> to vector<16xf32>
          %swap3A_671 = vector.shape_cast %get3A_660 : vector<16xf32> to vector<1x1x16xf32>
          tpu.vector_store %arg6[%swap3A_666, %swap3A_667, %swap3A_668], %swap3A_671 {add = true, strides = array<i32>} : memref<4x16x1024xf32, #tpu.memory_space<vmem>>, vector<1x1x16xf32>,
          %mul3A_672 = arith.constant 4 : i32
          %mul3A_673 = arith.muli %scan3A_433, %mul3A_672 : i32
          %add3A_674 = arith.constant 1 : i32
          %add3A_675 = arith.addi %mul3A_673, %add3A_674 : i32
          %swap3A_676 = arith.constant 3 : i32
          %swap3A_677 = arith.index_cast %swap3A_676 : i32 to index
          %swap3A_678 = arith.index_cast %add3A_675 : i32 to index
          %swap3A_679 = arith.index_cast %add3A_654 : i32 to index
          %swap3A_680 = tpu.vector_load %arg6[%swap3A_677, %swap3A_678, %swap3A_679] {strides = array<i32>} : memref<4x16x1024xf32, #tpu.memory_space<vmem>>, vector<1x1x16xf32>,
          %swap3A_681 = vector.shape_cast %swap3A_680 : vector<1x1x16xf32> to vector<16xf32>
          %swap3A_682 = vector.shape_cast %get3A_660 : vector<16xf32> to vector<1x1x16xf32>
          tpu.vector_store %arg6[%swap3A_677, %swap3A_678, %swap3A_679], %swap3A_682 {add = true, strides = array<i32>} : memref<4x16x1024xf32, #tpu.memory_space<vmem>>, vector<1x1x16xf32>,
          %mul3A_683 = arith.constant 4 : i32
          %mul3A_684 = arith.muli %scan3A_433, %mul3A_683 : i32
          %add3A_685 = arith.constant 2 : i32
          %add3A_686 = arith.addi %mul3A_684, %add3A_685 : i32
          %swap3A_687 = arith.constant 3 : i32
          %swap3A_688 = arith.index_cast %swap3A_687 : i32 to index
          %swap3A_689 = arith.index_cast %add3A_686 : i32 to index
          %swap3A_690 = arith.index_cast %add3A_654 : i32 to index
          %swap3A_691 = tpu.vector_load %arg6[%swap3A_688, %swap3A_689, %swap3A_690] {strides = array<i32>} : memref<4x16x1024xf32, #tpu.memory_space<vmem>>, vector<1x1x16xf32>,
          %swap3A_692 = vector.shape_cast %swap3A_691 : vector<1x1x16xf32> to vector<16xf32>
          %swap3A_693 = vector.shape_cast %get3A_660 : vector<16xf32> to vector<1x1x16xf32>
          tpu.vector_store %arg6[%swap3A_688, %swap3A_689, %swap3A_690], %swap3A_693 {add = true, strides = array<i32>} : memref<4x16x1024xf32, #tpu.memory_space<vmem>>, vector<1x1x16xf32>,
          %mul3A_694 = arith.constant 4 : i32
          %mul3A_695 = arith.muli %scan3A_433, %mul3A_694 : i32
          %add3A_696 = arith.constant 3 : i32
          %add3A_697 = arith.addi %mul3A_695, %add3A_696 : i32
          %swap3A_698 = arith.constant 3 : i32
          %swap3A_699 = arith.index_cast %swap3A_698 : i32 to index
          %swap3A_700 = arith.index_cast %add3A_697 : i32 to index
          %swap3A_701 = arith.index_cast %add3A_654 : i32 to index
          %swap3A_702 = tpu.vector_load %arg6[%swap3A_699, %swap3A_700, %swap3A_701] {strides = array<i32>} : memref<4x16x1024xf32, #tpu.memory_space<vmem>>, vector<1x1x16xf32>,
          %swap3A_703 = vector.shape_cast %swap3A_702 : vector<1x1x16xf32> to vector<16xf32>
          %swap3A_704 = vector.shape_cast %get3A_660 : vector<16xf32> to vector<1x1x16xf32>
          tpu.vector_store %arg6[%swap3A_699, %swap3A_700, %swap3A_701], %swap3A_704 {add = true, strides = array<i32>} : memref<4x16x1024xf32, #tpu.memory_space<vmem>>, vector<1x1x16xf32>,
          %add3A_705 = arith.constant 80 : i32
          %add3A_706 = arith.addi %mul3A_446, %add3A_705 : i32
          %get3A_707 = arith.constant 3 : i32
          %get3A_708 = arith.index_cast %get3A_707 : i32 to index
          %get3A_709 = arith.index_cast %scan3A_433 : i32 to index
          %get3A_710 = arith.index_cast %add3A_706 : i32 to index
          %get3A_711 = tpu.vector_load %arg7[%get3A_708, %get3A_709, %get3A_710] {strides = array<i32>} : memref<4x4x1024xf32, #tpu.memory_space<vmem>>, vector<1x1x16xf32>,
          %get3A_712 = vector.shape_cast %get3A_711 : vector<1x1x16xf32> to vector<16xf32>
          %mul3A_713 = arith.constant 4 : i32
          %mul3A_714 = arith.muli %scan3A_433, %mul3A_713 : i32
          %add3A_715 = arith.constant 0 : i32
          %add3A_716 = arith.addi %mul3A_714, %add3A_715 : i32
          %swap3A_717 = arith.constant 3 : i32
          %swap3A_718 = arith.index_cast %swap3A_717 : i32 to index
          %swap3A_719 = arith.index_cast %add3A_716 : i32 to index
          %swap3A_720 = arith.index_cast %add3A_706 : i32 to index
          %swap3A_721 = tpu.vector_load %arg6[%swap3A_718, %swap3A_719, %swap3A_720] {strides = array<i32>} : memref<4x16x1024xf32, #tpu.memory_space<vmem>>, vector<1x1x16xf32>,
          %swap3A_722 = vector.shape_cast %swap3A_721 : vector<1x1x16xf32> to vector<16xf32>
          %swap3A_723 = vector.shape_cast %get3A_712 : vector<16xf32> to vector<1x1x16xf32>
          tpu.vector_store %arg6[%swap3A_718, %swap3A_719, %swap3A_720], %swap3A_723 {add = true, strides = array<i32>} : memref<4x16x1024xf32, #tpu.memory_space<vmem>>, vector<1x1x16xf32>,
          %mul3A_724 = arith.constant 4 : i32
          %mul3A_725 = arith.muli %scan3A_433, %mul3A_724 : i32
          %add3A_726 = arith.constant 1 : i32
          %add3A_727 = arith.addi %mul3A_725, %add3A_726 : i32
          %swap3A_728 = arith.constant 3 : i32
          %swap3A_729 = arith.index_cast %swap3A_728 : i32 to index
          %swap3A_730 = arith.index_cast %add3A_727 : i32 to index
          %swap3A_731 = arith.index_cast %add3A_706 : i32 to index
          %swap3A_732 = tpu.vector_load %arg6[%swap3A_729, %swap3A_730, %swap3A_731] {strides = array<i32>} : memref<4x16x1024xf32, #tpu.memory_space<vmem>>, vector<1x1x16xf32>,
          %swap3A_733 = vector.shape_cast %swap3A_732 : vector<1x1x16xf32> to vector<16xf32>
          %swap3A_734 = vector.shape_cast %get3A_712 : vector<16xf32> to vector<1x1x16xf32>
          tpu.vector_store %arg6[%swap3A_729, %swap3A_730, %swap3A_731], %swap3A_734 {add = true, strides = array<i32>} : memref<4x16x1024xf32, #tpu.memory_space<vmem>>, vector<1x1x16xf32>,
          %mul3A_735 = arith.constant 4 : i32
          %mul3A_736 = arith.muli %scan3A_433, %mul3A_735 : i32
          %add3A_737 = arith.constant 2 : i32
          %add3A_738 = arith.addi %mul3A_736, %add3A_737 : i32
          %swap3A_739 = arith.constant 3 : i32
          %swap3A_740 = arith.index_cast %swap3A_739 : i32 to index
          %swap3A_741 = arith.index_cast %add3A_738 : i32 to index
          %swap3A_742 = arith.index_cast %add3A_706 : i32 to index
          %swap3A_743 = tpu.vector_load %arg6[%swap3A_740, %swap3A_741, %swap3A_742] {strides = array<i32>} : memref<4x16x1024xf32, #tpu.memory_space<vmem>>, vector<1x1x16xf32>,
          %swap3A_744 = vector.shape_cast %swap3A_743 : vector<1x1x16xf32> to vector<16xf32>
          %swap3A_745 = vector.shape_cast %get3A_712 : vector<16xf32> to vector<1x1x16xf32>
          tpu.vector_store %arg6[%swap3A_740, %swap3A_741, %swap3A_742], %swap3A_745 {add = true, strides = array<i32>} : memref<4x16x1024xf32, #tpu.memory_space<vmem>>, vector<1x1x16xf32>,
          %mul3A_746 = arith.constant 4 : i32
          %mul3A_747 = arith.muli %scan3A_433, %mul3A_746 : i32
          %add3A_748 = arith.constant 3 : i32
          %add3A_749 = arith.addi %mul3A_747, %add3A_748 : i32
          %swap3A_750 = arith.constant 3 : i32
          %swap3A_751 = arith.index_cast %swap3A_750 : i32 to index
          %swap3A_752 = arith.index_cast %add3A_749 : i32 to index
          %swap3A_753 = arith.index_cast %add3A_706 : i32 to index
          %swap3A_754 = tpu.vector_load %arg6[%swap3A_751, %swap3A_752, %swap3A_753] {strides = array<i32>} : memref<4x16x1024xf32, #tpu.memory_space<vmem>>, vector<1x1x16xf32>,
          %swap3A_755 = vector.shape_cast %swap3A_754 : vector<1x1x16xf32> to vector<16xf32>
          %swap3A_756 = vector.shape_cast %get3A_712 : vector<16xf32> to vector<1x1x16xf32>
          tpu.vector_store %arg6[%swap3A_751, %swap3A_752, %swap3A_753], %swap3A_756 {add = true, strides = array<i32>} : memref<4x16x1024xf32, #tpu.memory_space<vmem>>, vector<1x1x16xf32>,
          %add3A_757 = arith.constant 96 : i32
          %add3A_758 = arith.addi %mul3A_446, %add3A_757 : i32
          %get3A_759 = arith.constant 3 : i32
          %get3A_760 = arith.index_cast %get3A_759 : i32 to index
          %get3A_761 = arith.index_cast %scan3A_433 : i32 to index
          %get3A_762 = arith.index_cast %add3A_758 : i32 to index
          %get3A_763 = tpu.vector_load %arg7[%get3A_760, %get3A_761, %get3A_762] {strides = array<i32>} : memref<4x4x1024xf32, #tpu.memory_space<vmem>>, vector<1x1x16xf32>,
          %get3A_764 = vector.shape_cast %get3A_763 : vector<1x1x16xf32> to vector<16xf32>
          %mul3A_765 = arith.constant 4 : i32
          %mul3A_766 = arith.muli %scan3A_433, %mul3A_765 : i32
          %add3A_767 = arith.constant 0 : i32
          %add3A_768 = arith.addi %mul3A_766, %add3A_767 : i32
          %swap3A_769 = arith.constant 3 : i32
          %swap3A_770 = arith.index_cast %swap3A_769 : i32 to index
          %swap3A_771 = arith.index_cast %add3A_768 : i32 to index
          %swap3A_772 = arith.index_cast %add3A_758 : i32 to index
          %swap3A_773 = tpu.vector_load %arg6[%swap3A_770, %swap3A_771, %swap3A_772] {strides = array<i32>} : memref<4x16x1024xf32, #tpu.memory_space<vmem>>, vector<1x1x16xf32>,
          %swap3A_774 = vector.shape_cast %swap3A_773 : vector<1x1x16xf32> to vector<16xf32>
          %swap3A_775 = vector.shape_cast %get3A_764 : vector<16xf32> to vector<1x1x16xf32>
          tpu.vector_store %arg6[%swap3A_770, %swap3A_771, %swap3A_772], %swap3A_775 {add = true, strides = array<i32>} : memref<4x16x1024xf32, #tpu.memory_space<vmem>>, vector<1x1x16xf32>,
          %mul3A_776 = arith.constant 4 : i32
          %mul3A_777 = arith.muli %scan3A_433, %mul3A_776 : i32
          %add3A_778 = arith.constant 1 : i32
          %add3A_779 = arith.addi %mul3A_777, %add3A_778 : i32
          %swap3A_780 = arith.constant 3 : i32
          %swap3A_781 = arith.index_cast %swap3A_780 : i32 to index
          %swap3A_782 = arith.index_cast %add3A_779 : i32 to index
          %swap3A_783 = arith.index_cast %add3A_758 : i32 to index
          %swap3A_784 = tpu.vector_load %arg6[%swap3A_781, %swap3A_782, %swap3A_783] {strides = array<i32>} : memref<4x16x1024xf32, #tpu.memory_space<vmem>>, vector<1x1x16xf32>,
          %swap3A_785 = vector.shape_cast %swap3A_784 : vector<1x1x16xf32> to vector<16xf32>
          %swap3A_786 = vector.shape_cast %get3A_764 : vector<16xf32> to vector<1x1x16xf32>
          tpu.vector_store %arg6[%swap3A_781, %swap3A_782, %swap3A_783], %swap3A_786 {add = true, strides = array<i32>} : memref<4x16x1024xf32, #tpu.memory_space<vmem>>, vector<1x1x16xf32>,
          %mul3A_787 = arith.constant 4 : i32
          %mul3A_788 = arith.muli %scan3A_433, %mul3A_787 : i32
          %add3A_789 = arith.constant 2 : i32
          %add3A_790 = arith.addi %mul3A_788, %add3A_789 : i32
          %swap3A_791 = arith.constant 3 : i32
          %swap3A_792 = arith.index_cast %swap3A_791 : i32 to index
          %swap3A_793 = arith.index_cast %add3A_790 : i32 to index
          %swap3A_794 = arith.index_cast %add3A_758 : i32 to index
          %swap3A_795 = tpu.vector_load %arg6[%swap3A_792, %swap3A_793, %swap3A_794] {strides = array<i32>} : memref<4x16x1024xf32, #tpu.memory_space<vmem>>, vector<1x1x16xf32>,
          %swap3A_796 = vector.shape_cast %swap3A_795 : vector<1x1x16xf32> to vector<16xf32>
          %swap3A_797 = vector.shape_cast %get3A_764 : vector<16xf32> to vector<1x1x16xf32>
          tpu.vector_store %arg6[%swap3A_792, %swap3A_793, %swap3A_794], %swap3A_797 {add = true, strides = array<i32>} : memref<4x16x1024xf32, #tpu.memory_space<vmem>>, vector<1x1x16xf32>,
          %mul3A_798 = arith.constant 4 : i32
          %mul3A_799 = arith.muli %scan3A_433, %mul3A_798 : i32
          %add3A_800 = arith.constant 3 : i32
          %add3A_801 = arith.addi %mul3A_799, %add3A_800 : i32
          %swap3A_802 = arith.constant 3 : i32
          %swap3A_803 = arith.index_cast %swap3A_802 : i32 to index
          %swap3A_804 = arith.index_cast %add3A_801 : i32 to index
          %swap3A_805 = arith.index_cast %add3A_758 : i32 to index
          %swap3A_806 = tpu.vector_load %arg6[%swap3A_803, %swap3A_804, %swap3A_805] {strides = array<i32>} : memref<4x16x1024xf32, #tpu.memory_space<vmem>>, vector<1x1x16xf32>,
          %swap3A_807 = vector.shape_cast %swap3A_806 : vector<1x1x16xf32> to vector<16xf32>
          %swap3A_808 = vector.shape_cast %get3A_764 : vector<16xf32> to vector<1x1x16xf32>
          tpu.vector_store %arg6[%swap3A_803, %swap3A_804, %swap3A_805], %swap3A_808 {add = true, strides = array<i32>} : memref<4x16x1024xf32, #tpu.memory_space<vmem>>, vector<1x1x16xf32>,
          %add3A_809 = arith.constant 112 : i32
          %add3A_810 = arith.addi %mul3A_446, %add3A_809 : i32
          %get3A_811 = arith.constant 3 : i32
          %get3A_812 = arith.index_cast %get3A_811 : i32 to index
          %get3A_813 = arith.index_cast %scan3A_433 : i32 to index
          %get3A_814 = arith.index_cast %add3A_810 : i32 to index
          %get3A_815 = tpu.vector_load %arg7[%get3A_812, %get3A_813, %get3A_814] {strides = array<i32>} : memref<4x4x1024xf32, #tpu.memory_space<vmem>>, vector<1x1x16xf32>,
          %get3A_816 = vector.shape_cast %get3A_815 : vector<1x1x16xf32> to vector<16xf32>
          %mul3A_817 = arith.constant 4 : i32
          %mul3A_818 = arith.muli %scan3A_433, %mul3A_817 : i32
          %add3A_819 = arith.constant 0 : i32
          %add3A_820 = arith.addi %mul3A_818, %add3A_819 : i32
          %swap3A_821 = arith.constant 3 : i32
          %swap3A_822 = arith.index_cast %swap3A_821 : i32 to index
          %swap3A_823 = arith.index_cast %add3A_820 : i32 to index
          %swap3A_824 = arith.index_cast %add3A_810 : i32 to index
          %swap3A_825 = tpu.vector_load %arg6[%swap3A_822, %swap3A_823, %swap3A_824] {strides = array<i32>} : memref<4x16x1024xf32, #tpu.memory_space<vmem>>, vector<1x1x16xf32>,
          %swap3A_826 = vector.shape_cast %swap3A_825 : vector<1x1x16xf32> to vector<16xf32>
          %swap3A_827 = vector.shape_cast %get3A_816 : vector<16xf32> to vector<1x1x16xf32>
          tpu.vector_store %arg6[%swap3A_822, %swap3A_823, %swap3A_824], %swap3A_827 {add = true, strides = array<i32>} : memref<4x16x1024xf32, #tpu.memory_space<vmem>>, vector<1x1x16xf32>,
          %mul3A_828 = arith.constant 4 : i32
          %mul3A_829 = arith.muli %scan3A_433, %mul3A_828 : i32
          %add3A_830 = arith.constant 1 : i32
          %add3A_831 = arith.addi %mul3A_829, %add3A_830 : i32
          %swap3A_832 = arith.constant 3 : i32
          %swap3A_833 = arith.index_cast %swap3A_832 : i32 to index
          %swap3A_834 = arith.index_cast %add3A_831 : i32 to index
          %swap3A_835 = arith.index_cast %add3A_810 : i32 to index
          %swap3A_836 = tpu.vector_load %arg6[%swap3A_833, %swap3A_834, %swap3A_835] {strides = array<i32>} : memref<4x16x1024xf32, #tpu.memory_space<vmem>>, vector<1x1x16xf32>,
          %swap3A_837 = vector.shape_cast %swap3A_836 : vector<1x1x16xf32> to vector<16xf32>
          %swap3A_838 = vector.shape_cast %get3A_816 : vector<16xf32> to vector<1x1x16xf32>
          tpu.vector_store %arg6[%swap3A_833, %swap3A_834, %swap3A_835], %swap3A_838 {add = true, strides = array<i32>} : memref<4x16x1024xf32, #tpu.memory_space<vmem>>, vector<1x1x16xf32>,
          %mul3A_839 = arith.constant 4 : i32
          %mul3A_840 = arith.muli %scan3A_433, %mul3A_839 : i32
          %add3A_841 = arith.constant 2 : i32
          %add3A_842 = arith.addi %mul3A_840, %add3A_841 : i32
          %swap3A_843 = arith.constant 3 : i32
          %swap3A_844 = arith.index_cast %swap3A_843 : i32 to index
          %swap3A_845 = arith.index_cast %add3A_842 : i32 to index
          %swap3A_846 = arith.index_cast %add3A_810 : i32 to index
          %swap3A_847 = tpu.vector_load %arg6[%swap3A_844, %swap3A_845, %swap3A_846] {strides = array<i32>} : memref<4x16x1024xf32, #tpu.memory_space<vmem>>, vector<1x1x16xf32>,
          %swap3A_848 = vector.shape_cast %swap3A_847 : vector<1x1x16xf32> to vector<16xf32>
          %swap3A_849 = vector.shape_cast %get3A_816 : vector<16xf32> to vector<1x1x16xf32>
          tpu.vector_store %arg6[%swap3A_844, %swap3A_845, %swap3A_846], %swap3A_849 {add = true, strides = array<i32>} : memref<4x16x1024xf32, #tpu.memory_space<vmem>>, vector<1x1x16xf32>,
          %mul3A_850 = arith.constant 4 : i32
          %mul3A_851 = arith.muli %scan3A_433, %mul3A_850 : i32
          %add3A_852 = arith.constant 3 : i32
          %add3A_853 = arith.addi %mul3A_851, %add3A_852 : i32
          %swap3A_854 = arith.constant 3 : i32
          %swap3A_855 = arith.index_cast %swap3A_854 : i32 to index
          %swap3A_856 = arith.index_cast %add3A_853 : i32 to index
          %swap3A_857 = arith.index_cast %add3A_810 : i32 to index
          %swap3A_858 = tpu.vector_load %arg6[%swap3A_855, %swap3A_856, %swap3A_857] {strides = array<i32>} : memref<4x16x1024xf32, #tpu.memory_space<vmem>>, vector<1x1x16xf32>,
          %swap3A_859 = vector.shape_cast %swap3A_858 : vector<1x1x16xf32> to vector<16xf32>
          %swap3A_860 = vector.shape_cast %get3A_816 : vector<16xf32> to vector<1x1x16xf32>
          tpu.vector_store %arg6[%swap3A_855, %swap3A_856, %swap3A_857], %swap3A_860 {add = true, strides = array<i32>} : memref<4x16x1024xf32, #tpu.memory_space<vmem>>, vector<1x1x16xf32>,
          %add3A_861 = arith.constant 128 : i32
          %add3A_862 = arith.addi %mul3A_446, %add3A_861 : i32
          %get3A_863 = arith.constant 3 : i32
          %get3A_864 = arith.index_cast %get3A_863 : i32 to index
          %get3A_865 = arith.index_cast %scan3A_433 : i32 to index
          %get3A_866 = arith.index_cast %add3A_862 : i32 to index
          %get3A_867 = tpu.vector_load %arg7[%get3A_864, %get3A_865, %get3A_866] {strides = array<i32>} : memref<4x4x1024xf32, #tpu.memory_space<vmem>>, vector<1x1x16xf32>,
          %get3A_868 = vector.shape_cast %get3A_867 : vector<1x1x16xf32> to vector<16xf32>
          %mul3A_869 = arith.constant 4 : i32
          %mul3A_870 = arith.muli %scan3A_433, %mul3A_869 : i32
          %add3A_871 = arith.constant 0 : i32
          %add3A_872 = arith.addi %mul3A_870, %add3A_871 : i32
          %swap3A_873 = arith.constant 3 : i32
          %swap3A_874 = arith.index_cast %swap3A_873 : i32 to index
          %swap3A_875 = arith.index_cast %add3A_872 : i32 to index
          %swap3A_876 = arith.index_cast %add3A_862 : i32 to index
          %swap3A_877 = tpu.vector_load %arg6[%swap3A_874, %swap3A_875, %swap3A_876] {strides = array<i32>} : memref<4x16x1024xf32, #tpu.memory_space<vmem>>, vector<1x1x16xf32>,
          %swap3A_878 = vector.shape_cast %swap3A_877 : vector<1x1x16xf32> to vector<16xf32>
          %swap3A_879 = vector.shape_cast %get3A_868 : vector<16xf32> to vector<1x1x16xf32>
          tpu.vector_store %arg6[%swap3A_874, %swap3A_875, %swap3A_876], %swap3A_879 {add = true, strides = array<i32>} : memref<4x16x1024xf32, #tpu.memory_space<vmem>>, vector<1x1x16xf32>,
          %mul3A_880 = arith.constant 4 : i32
          %mul3A_881 = arith.muli %scan3A_433, %mul3A_880 : i32
          %add3A_882 = arith.constant 1 : i32
          %add3A_883 = arith.addi %mul3A_881, %add3A_882 : i32
          %swap3A_884 = arith.constant 3 : i32
          %swap3A_885 = arith.index_cast %swap3A_884 : i32 to index
          %swap3A_886 = arith.index_cast %add3A_883 : i32 to index
          %swap3A_887 = arith.index_cast %add3A_862 : i32 to index
          %swap3A_888 = tpu.vector_load %arg6[%swap3A_885, %swap3A_886, %swap3A_887] {strides = array<i32>} : memref<4x16x1024xf32, #tpu.memory_space<vmem>>, vector<1x1x16xf32>,
          %swap3A_889 = vector.shape_cast %swap3A_888 : vector<1x1x16xf32> to vector<16xf32>
          %swap3A_890 = vector.shape_cast %get3A_868 : vector<16xf32> to vector<1x1x16xf32>
          tpu.vector_store %arg6[%swap3A_885, %swap3A_886, %swap3A_887], %swap3A_890 {add = true, strides = array<i32>} : memref<4x16x1024xf32, #tpu.memory_space<vmem>>, vector<1x1x16xf32>,
          %mul3A_891 = arith.constant 4 : i32
          %mul3A_892 = arith.muli %scan3A_433, %mul3A_891 : i32
          %add3A_893 = arith.constant 2 : i32
          %add3A_894 = arith.addi %mul3A_892, %add3A_893 : i32
          %swap3A_895 = arith.constant 3 : i32
          %swap3A_896 = arith.index_cast %swap3A_895 : i32 to index
          %swap3A_897 = arith.index_cast %add3A_894 : i32 to index
          %swap3A_898 = arith.index_cast %add3A_862 : i32 to index
          %swap3A_899 = tpu.vector_load %arg6[%swap3A_896, %swap3A_897, %swap3A_898] {strides = array<i32>} : memref<4x16x1024xf32, #tpu.memory_space<vmem>>, vector<1x1x16xf32>,
          %swap3A_900 = vector.shape_cast %swap3A_899 : vector<1x1x16xf32> to vector<16xf32>
          %swap3A_901 = vector.shape_cast %get3A_868 : vector<16xf32> to vector<1x1x16xf32>
          tpu.vector_store %arg6[%swap3A_896, %swap3A_897, %swap3A_898], %swap3A_901 {add = true, strides = array<i32>} : memref<4x16x1024xf32, #tpu.memory_space<vmem>>, vector<1x1x16xf32>,
          %mul3A_902 = arith.constant 4 : i32
          %mul3A_903 = arith.muli %scan3A_433, %mul3A_902 : i32
          %add3A_904 = arith.constant 3 : i32
          %add3A_905 = arith.addi %mul3A_903, %add3A_904 : i32
          %swap3A_906 = arith.constant 3 : i32
          %swap3A_907 = arith.index_cast %swap3A_906 : i32 to index
          %swap3A_908 = arith.index_cast %add3A_905 : i32 to index
          %swap3A_909 = arith.index_cast %add3A_862 : i32 to index
          %swap3A_910 = tpu.vector_load %arg6[%swap3A_907, %swap3A_908, %swap3A_909] {strides = array<i32>} : memref<4x16x1024xf32, #tpu.memory_space<vmem>>, vector<1x1x16xf32>,
          %swap3A_911 = vector.shape_cast %swap3A_910 : vector<1x1x16xf32> to vector<16xf32>
          %swap3A_912 = vector.shape_cast %get3A_868 : vector<16xf32> to vector<1x1x16xf32>
          tpu.vector_store %arg6[%swap3A_907, %swap3A_908, %swap3A_909], %swap3A_912 {add = true, strides = array<i32>} : memref<4x16x1024xf32, #tpu.memory_space<vmem>>, vector<1x1x16xf32>,
          %add3A_913 = arith.constant 144 : i32
          %add3A_914 = arith.addi %mul3A_446, %add3A_913 : i32
          %get3A_915 = arith.constant 3 : i32
          %get3A_916 = arith.index_cast %get3A_915 : i32 to index
          %get3A_917 = arith.index_cast %scan3A_433 : i32 to index
          %get3A_918 = arith.index_cast %add3A_914 : i32 to index
          %get3A_919 = tpu.vector_load %arg7[%get3A_916, %get3A_917, %get3A_918] {strides = array<i32>} : memref<4x4x1024xf32, #tpu.memory_space<vmem>>, vector<1x1x16xf32>,
          %get3A_920 = vector.shape_cast %get3A_919 : vector<1x1x16xf32> to vector<16xf32>
          %mul3A_921 = arith.constant 4 : i32
          %mul3A_922 = arith.muli %scan3A_433, %mul3A_921 : i32
          %add3A_923 = arith.constant 0 : i32
          %add3A_924 = arith.addi %mul3A_922, %add3A_923 : i32
          %swap3A_925 = arith.constant 3 : i32
          %swap3A_926 = arith.index_cast %swap3A_925 : i32 to index
          %swap3A_927 = arith.index_cast %add3A_924 : i32 to index
          %swap3A_928 = arith.index_cast %add3A_914 : i32 to index
          %swap3A_929 = tpu.vector_load %arg6[%swap3A_926, %swap3A_927, %swap3A_928] {strides = array<i32>} : memref<4x16x1024xf32, #tpu.memory_space<vmem>>, vector<1x1x16xf32>,
          %swap3A_930 = vector.shape_cast %swap3A_929 : vector<1x1x16xf32> to vector<16xf32>
          %swap3A_931 = vector.shape_cast %get3A_920 : vector<16xf32> to vector<1x1x16xf32>
          tpu.vector_store %arg6[%swap3A_926, %swap3A_927, %swap3A_928], %swap3A_931 {add = true, strides = array<i32>} : memref<4x16x1024xf32, #tpu.memory_space<vmem>>, vector<1x1x16xf32>,
          %mul3A_932 = arith.constant 4 : i32
          %mul3A_933 = arith.muli %scan3A_433, %mul3A_932 : i32
          %add3A_934 = arith.constant 1 : i32
          %add3A_935 = arith.addi %mul3A_933, %add3A_934 : i32
          %swap3A_936 = arith.constant 3 : i32
          %swap3A_937 = arith.index_cast %swap3A_936 : i32 to index
          %swap3A_938 = arith.index_cast %add3A_935 : i32 to index
          %swap3A_939 = arith.index_cast %add3A_914 : i32 to index
          %swap3A_940 = tpu.vector_load %arg6[%swap3A_937, %swap3A_938, %swap3A_939] {strides = array<i32>} : memref<4x16x1024xf32, #tpu.memory_space<vmem>>, vector<1x1x16xf32>,
          %swap3A_941 = vector.shape_cast %swap3A_940 : vector<1x1x16xf32> to vector<16xf32>
          %swap3A_942 = vector.shape_cast %get3A_920 : vector<16xf32> to vector<1x1x16xf32>
          tpu.vector_store %arg6[%swap3A_937, %swap3A_938, %swap3A_939], %swap3A_942 {add = true, strides = array<i32>} : memref<4x16x1024xf32, #tpu.memory_space<vmem>>, vector<1x1x16xf32>,
          %mul3A_943 = arith.constant 4 : i32
          %mul3A_944 = arith.muli %scan3A_433, %mul3A_943 : i32
          %add3A_945 = arith.constant 2 : i32
          %add3A_946 = arith.addi %mul3A_944, %add3A_945 : i32
          %swap3A_947 = arith.constant 3 : i32
          %swap3A_948 = arith.index_cast %swap3A_947 : i32 to index
          %swap3A_949 = arith.index_cast %add3A_946 : i32 to index
          %swap3A_950 = arith.index_cast %add3A_914 : i32 to index
          %swap3A_951 = tpu.vector_load %arg6[%swap3A_948, %swap3A_949, %swap3A_950] {strides = array<i32>} : memref<4x16x1024xf32, #tpu.memory_space<vmem>>, vector<1x1x16xf32>,
          %swap3A_952 = vector.shape_cast %swap3A_951 : vector<1x1x16xf32> to vector<16xf32>
          %swap3A_953 = vector.shape_cast %get3A_920 : vector<16xf32> to vector<1x1x16xf32>
          tpu.vector_store %arg6[%swap3A_948, %swap3A_949, %swap3A_950], %swap3A_953 {add = true, strides = array<i32>} : memref<4x16x1024xf32, #tpu.memory_space<vmem>>, vector<1x1x16xf32>,
          %mul3A_954 = arith.constant 4 : i32
          %mul3A_955 = arith.muli %scan3A_433, %mul3A_954 : i32
          %add3A_956 = arith.constant 3 : i32
          %add3A_957 = arith.addi %mul3A_955, %add3A_956 : i32
          %swap3A_958 = arith.constant 3 : i32
          %swap3A_959 = arith.index_cast %swap3A_958 : i32 to index
          %swap3A_960 = arith.index_cast %add3A_957 : i32 to index
          %swap3A_961 = arith.index_cast %add3A_914 : i32 to index
          %swap3A_962 = tpu.vector_load %arg6[%swap3A_959, %swap3A_960, %swap3A_961] {strides = array<i32>} : memref<4x16x1024xf32, #tpu.memory_space<vmem>>, vector<1x1x16xf32>,
          %swap3A_963 = vector.shape_cast %swap3A_962 : vector<1x1x16xf32> to vector<16xf32>
          %swap3A_964 = vector.shape_cast %get3A_920 : vector<16xf32> to vector<1x1x16xf32>
          tpu.vector_store %arg6[%swap3A_959, %swap3A_960, %swap3A_961], %swap3A_964 {add = true, strides = array<i32>} : memref<4x16x1024xf32, #tpu.memory_space<vmem>>, vector<1x1x16xf32>,
          %add3A_965 = arith.constant 160 : i32
          %add3A_966 = arith.addi %mul3A_446, %add3A_965 : i32
          %get3A_967 = arith.constant 3 : i32
          %get3A_968 = arith.index_cast %get3A_967 : i32 to index
          %get3A_969 = arith.index_cast %scan3A_433 : i32 to index
          %get3A_970 = arith.index_cast %add3A_966 : i32 to index
          %get3A_971 = tpu.vector_load %arg7[%get3A_968, %get3A_969, %get3A_970] {strides = array<i32>} : memref<4x4x1024xf32, #tpu.memory_space<vmem>>, vector<1x1x16xf32>,
          %get3A_972 = vector.shape_cast %get3A_971 : vector<1x1x16xf32> to vector<16xf32>
          %mul3A_973 = arith.constant 4 : i32
          %mul3A_974 = arith.muli %scan3A_433, %mul3A_973 : i32
          %add3A_975 = arith.constant 0 : i32
          %add3A_976 = arith.addi %mul3A_974, %add3A_975 : i32
          %swap3A_977 = arith.constant 3 : i32
          %swap3A_978 = arith.index_cast %swap3A_977 : i32 to index
          %swap3A_979 = arith.index_cast %add3A_976 : i32 to index
          %swap3A_980 = arith.index_cast %add3A_966 : i32 to index
          %swap3A_981 = tpu.vector_load %arg6[%swap3A_978, %swap3A_979, %swap3A_980] {strides = array<i32>} : memref<4x16x1024xf32, #tpu.memory_space<vmem>>, vector<1x1x16xf32>,
          %swap3A_982 = vector.shape_cast %swap3A_981 : vector<1x1x16xf32> to vector<16xf32>
          %swap3A_983 = vector.shape_cast %get3A_972 : vector<16xf32> to vector<1x1x16xf32>
          tpu.vector_store %arg6[%swap3A_978, %swap3A_979, %swap3A_980], %swap3A_983 {add = true, strides = array<i32>} : memref<4x16x1024xf32, #tpu.memory_space<vmem>>, vector<1x1x16xf32>,
          %mul3A_984 = arith.constant 4 : i32
          %mul3A_985 = arith.muli %scan3A_433, %mul3A_984 : i32
          %add3A_986 = arith.constant 1 : i32
          %add3A_987 = arith.addi %mul3A_985, %add3A_986 : i32
          %swap3A_988 = arith.constant 3 : i32
          %swap3A_989 = arith.index_cast %swap3A_988 : i32 to index
          %swap3A_990 = arith.index_cast %add3A_987 : i32 to index
          %swap3A_991 = arith.index_cast %add3A_966 : i32 to index
          %swap3A_992 = tpu.vector_load %arg6[%swap3A_989, %swap3A_990, %swap3A_991] {strides = array<i32>} : memref<4x16x1024xf32, #tpu.memory_space<vmem>>, vector<1x1x16xf32>,
          %swap3A_993 = vector.shape_cast %swap3A_992 : vector<1x1x16xf32> to vector<16xf32>
          %swap3A_994 = vector.shape_cast %get3A_972 : vector<16xf32> to vector<1x1x16xf32>
          tpu.vector_store %arg6[%swap3A_989, %swap3A_990, %swap3A_991], %swap3A_994 {add = true, strides = array<i32>} : memref<4x16x1024xf32, #tpu.memory_space<vmem>>, vector<1x1x16xf32>,
          %mul3A_995 = arith.constant 4 : i32
          %mul3A_996 = arith.muli %scan3A_433, %mul3A_995 : i32
          %add3A_997 = arith.constant 2 : i32
          %add3A_998 = arith.addi %mul3A_996, %add3A_997 : i32
          %swap3A_999 = arith.constant 3 : i32
          %swap3A_1000 = arith.index_cast %swap3A_999 : i32 to index
          %swap3A_1001 = arith.index_cast %add3A_998 : i32 to index
          %swap3A_1002 = arith.index_cast %add3A_966 : i32 to index
          %swap3A_1003 = tpu.vector_load %arg6[%swap3A_1000, %swap3A_1001, %swap3A_1002] {strides = array<i32>} : memref<4x16x1024xf32, #tpu.memory_space<vmem>>, vector<1x1x16xf32>,
          %swap3A_1004 = vector.shape_cast %swap3A_1003 : vector<1x1x16xf32> to vector<16xf32>
          %swap3A_1005 = vector.shape_cast %get3A_972 : vector<16xf32> to vector<1x1x16xf32>
          tpu.vector_store %arg6[%swap3A_1000, %swap3A_1001, %swap3A_1002], %swap3A_1005 {add = true, strides = array<i32>} : memref<4x16x1024xf32, #tpu.memory_space<vmem>>, vector<1x1x16xf32>,
          %mul3A_1006 = arith.constant 4 : i32
          %mul3A_1007 = arith.muli %scan3A_433, %mul3A_1006 : i32
          %add3A_1008 = arith.constant 3 : i32
          %add3A_1009 = arith.addi %mul3A_1007, %add3A_1008 : i32
          %swap3A_1010 = arith.constant 3 : i32
          %swap3A_1011 = arith.index_cast %swap3A_1010 : i32 to index
          %swap3A_1012 = arith.index_cast %add3A_1009 : i32 to index
          %swap3A_1013 = arith.index_cast %add3A_966 : i32 to index
          %swap3A_1014 = tpu.vector_load %arg6[%swap3A_1011, %swap3A_1012, %swap3A_1013] {strides = array<i32>} : memref<4x16x1024xf32, #tpu.memory_space<vmem>>, vector<1x1x16xf32>,
          %swap3A_1015 = vector.shape_cast %swap3A_1014 : vector<1x1x16xf32> to vector<16xf32>
          %swap3A_1016 = vector.shape_cast %get3A_972 : vector<16xf32> to vector<1x1x16xf32>
          tpu.vector_store %arg6[%swap3A_1011, %swap3A_1012, %swap3A_1013], %swap3A_1016 {add = true, strides = array<i32>} : memref<4x16x1024xf32, #tpu.memory_space<vmem>>, vector<1x1x16xf32>,
          %add3A_1017 = arith.constant 176 : i32
          %add3A_1018 = arith.addi %mul3A_446, %add3A_1017 : i32
          %get3A_1019 = arith.constant 3 : i32
          %get3A_1020 = arith.index_cast %get3A_1019 : i32 to index
          %get3A_1021 = arith.index_cast %scan3A_433 : i32 to index
          %get3A_1022 = arith.index_cast %add3A_1018 : i32 to index
          %get3A_1023 = tpu.vector_load %arg7[%get3A_1020, %get3A_1021, %get3A_1022] {strides = array<i32>} : memref<4x4x1024xf32, #tpu.memory_space<vmem>>, vector<1x1x16xf32>,
          %get3A_1024 = vector.shape_cast %get3A_1023 : vector<1x1x16xf32> to vector<16xf32>
          %mul3A_1025 = arith.constant 4 : i32
          %mul3A_1026 = arith.muli %scan3A_433, %mul3A_1025 : i32
          %add3A_1027 = arith.constant 0 : i32
          %add3A_1028 = arith.addi %mul3A_1026, %add3A_1027 : i32
          %swap3A_1029 = arith.constant 3 : i32
          %swap3A_1030 = arith.index_cast %swap3A_1029 : i32 to index
          %swap3A_1031 = arith.index_cast %add3A_1028 : i32 to index
          %swap3A_1032 = arith.index_cast %add3A_1018 : i32 to index
          %swap3A_1033 = tpu.vector_load %arg6[%swap3A_1030, %swap3A_1031, %swap3A_1032] {strides = array<i32>} : memref<4x16x1024xf32, #tpu.memory_space<vmem>>, vector<1x1x16xf32>,
          %swap3A_1034 = vector.shape_cast %swap3A_1033 : vector<1x1x16xf32> to vector<16xf32>
          %swap3A_1035 = vector.shape_cast %get3A_1024 : vector<16xf32> to vector<1x1x16xf32>
          tpu.vector_store %arg6[%swap3A_1030, %swap3A_1031, %swap3A_1032], %swap3A_1035 {add = true, strides = array<i32>} : memref<4x16x1024xf32, #tpu.memory_space<vmem>>, vector<1x1x16xf32>,
          %mul3A_1036 = arith.constant 4 : i32
          %mul3A_1037 = arith.muli %scan3A_433, %mul3A_1036 : i32
          %add3A_1038 = arith.constant 1 : i32
          %add3A_1039 = arith.addi %mul3A_1037, %add3A_1038 : i32
          %swap3A_1040 = arith.constant 3 : i32
          %swap3A_1041 = arith.index_cast %swap3A_1040 : i32 to index
          %swap3A_1042 = arith.index_cast %add3A_1039 : i32 to index
          %swap3A_1043 = arith.index_cast %add3A_1018 : i32 to index
          %swap3A_1044 = tpu.vector_load %arg6[%swap3A_1041, %swap3A_1042, %swap3A_1043] {strides = array<i32>} : memref<4x16x1024xf32, #tpu.memory_space<vmem>>, vector<1x1x16xf32>,
          %swap3A_1045 = vector.shape_cast %swap3A_1044 : vector<1x1x16xf32> to vector<16xf32>
          %swap3A_1046 = vector.shape_cast %get3A_1024 : vector<16xf32> to vector<1x1x16xf32>
          tpu.vector_store %arg6[%swap3A_1041, %swap3A_1042, %swap3A_1043], %swap3A_1046 {add = true, strides = array<i32>} : memref<4x16x1024xf32, #tpu.memory_space<vmem>>, vector<1x1x16xf32>,
          %mul3A_1047 = arith.constant 4 : i32
          %mul3A_1048 = arith.muli %scan3A_433, %mul3A_1047 : i32
          %add3A_1049 = arith.constant 2 : i32
          %add3A_1050 = arith.addi %mul3A_1048, %add3A_1049 : i32
          %swap3A_1051 = arith.constant 3 : i32
          %swap3A_1052 = arith.index_cast %swap3A_1051 : i32 to index
          %swap3A_1053 = arith.index_cast %add3A_1050 : i32 to index
          %swap3A_1054 = arith.index_cast %add3A_1018 : i32 to index
          %swap3A_1055 = tpu.vector_load %arg6[%swap3A_1052, %swap3A_1053, %swap3A_1054] {strides = array<i32>} : memref<4x16x1024xf32, #tpu.memory_space<vmem>>, vector<1x1x16xf32>,
          %swap3A_1056 = vector.shape_cast %swap3A_1055 : vector<1x1x16xf32> to vector<16xf32>
          %swap3A_1057 = vector.shape_cast %get3A_1024 : vector<16xf32> to vector<1x1x16xf32>
          tpu.vector_store %arg6[%swap3A_1052, %swap3A_1053, %swap3A_1054], %swap3A_1057 {add = true, strides = array<i32>} : memref<4x16x1024xf32, #tpu.memory_space<vmem>>, vector<1x1x16xf32>,
          %mul3A_1058 = arith.constant 4 : i32
          %mul3A_1059 = arith.muli %scan3A_433, %mul3A_1058 : i32
          %add3A_1060 = arith.constant 3 : i32
          %add3A_1061 = arith.addi %mul3A_1059, %add3A_1060 : i32
          %swap3A_1062 = arith.constant 3 : i32
          %swap3A_1063 = arith.index_cast %swap3A_1062 : i32 to index
          %swap3A_1064 = arith.index_cast %add3A_1061 : i32 to index
          %swap3A_1065 = arith.index_cast %add3A_1018 : i32 to index
          %swap3A_1066 = tpu.vector_load %arg6[%swap3A_1063, %swap3A_1064, %swap3A_1065] {strides = array<i32>} : memref<4x16x1024xf32, #tpu.memory_space<vmem>>, vector<1x1x16xf32>,
          %swap3A_1067 = vector.shape_cast %swap3A_1066 : vector<1x1x16xf32> to vector<16xf32>
          %swap3A_1068 = vector.shape_cast %get3A_1024 : vector<16xf32> to vector<1x1x16xf32>
          tpu.vector_store %arg6[%swap3A_1063, %swap3A_1064, %swap3A_1065], %swap3A_1068 {add = true, strides = array<i32>} : memref<4x16x1024xf32, #tpu.memory_space<vmem>>, vector<1x1x16xf32>,
          %add3A_1069 = arith.constant 192 : i32
          %add3A_1070 = arith.addi %mul3A_446, %add3A_1069 : i32
          %get3A_1071 = arith.constant 3 : i32
          %get3A_1072 = arith.index_cast %get3A_1071 : i32 to index
          %get3A_1073 = arith.index_cast %scan3A_433 : i32 to index
          %get3A_1074 = arith.index_cast %add3A_1070 : i32 to index
          %get3A_1075 = tpu.vector_load %arg7[%get3A_1072, %get3A_1073, %get3A_1074] {strides = array<i32>} : memref<4x4x1024xf32, #tpu.memory_space<vmem>>, vector<1x1x16xf32>,
          %get3A_1076 = vector.shape_cast %get3A_1075 : vector<1x1x16xf32> to vector<16xf32>
          %mul3A_1077 = arith.constant 4 : i32
          %mul3A_1078 = arith.muli %scan3A_433, %mul3A_1077 : i32
          %add3A_1079 = arith.constant 0 : i32
          %add3A_1080 = arith.addi %mul3A_1078, %add3A_1079 : i32
          %swap3A_1081 = arith.constant 3 : i32
          %swap3A_1082 = arith.index_cast %swap3A_1081 : i32 to index
          %swap3A_1083 = arith.index_cast %add3A_1080 : i32 to index
          %swap3A_1084 = arith.index_cast %add3A_1070 : i32 to index
          %swap3A_1085 = tpu.vector_load %arg6[%swap3A_1082, %swap3A_1083, %swap3A_1084] {strides = array<i32>} : memref<4x16x1024xf32, #tpu.memory_space<vmem>>, vector<1x1x16xf32>,
          %swap3A_1086 = vector.shape_cast %swap3A_1085 : vector<1x1x16xf32> to vector<16xf32>
          %swap3A_1087 = vector.shape_cast %get3A_1076 : vector<16xf32> to vector<1x1x16xf32>
          tpu.vector_store %arg6[%swap3A_1082, %swap3A_1083, %swap3A_1084], %swap3A_1087 {add = true, strides = array<i32>} : memref<4x16x1024xf32, #tpu.memory_space<vmem>>, vector<1x1x16xf32>,
          %mul3A_1088 = arith.constant 4 : i32
          %mul3A_1089 = arith.muli %scan3A_433, %mul3A_1088 : i32
          %add3A_1090 = arith.constant 1 : i32
          %add3A_1091 = arith.addi %mul3A_1089, %add3A_1090 : i32
          %swap3A_1092 = arith.constant 3 : i32
          %swap3A_1093 = arith.index_cast %swap3A_1092 : i32 to index
          %swap3A_1094 = arith.index_cast %add3A_1091 : i32 to index
          %swap3A_1095 = arith.index_cast %add3A_1070 : i32 to index
          %swap3A_1096 = tpu.vector_load %arg6[%swap3A_1093, %swap3A_1094, %swap3A_1095] {strides = array<i32>} : memref<4x16x1024xf32, #tpu.memory_space<vmem>>, vector<1x1x16xf32>,
          %swap3A_1097 = vector.shape_cast %swap3A_1096 : vector<1x1x16xf32> to vector<16xf32>
          %swap3A_1098 = vector.shape_cast %get3A_1076 : vector<16xf32> to vector<1x1x16xf32>
          tpu.vector_store %arg6[%swap3A_1093, %swap3A_1094, %swap3A_1095], %swap3A_1098 {add = true, strides = array<i32>} : memref<4x16x1024xf32, #tpu.memory_space<vmem>>, vector<1x1x16xf32>,
          %mul3A_1099 = arith.constant 4 : i32
          %mul3A_1100 = arith.muli %scan3A_433, %mul3A_1099 : i32
          %add3A_1101 = arith.constant 2 : i32
          %add3A_1102 = arith.addi %mul3A_1100, %add3A_1101 : i32
          %swap3A_1103 = arith.constant 3 : i32
          %swap3A_1104 = arith.index_cast %swap3A_1103 : i32 to index
          %swap3A_1105 = arith.index_cast %add3A_1102 : i32 to index
          %swap3A_1106 = arith.index_cast %add3A_1070 : i32 to index
          %swap3A_1107 = tpu.vector_load %arg6[%swap3A_1104, %swap3A_1105, %swap3A_1106] {strides = array<i32>} : memref<4x16x1024xf32, #tpu.memory_space<vmem>>, vector<1x1x16xf32>,
          %swap3A_1108 = vector.shape_cast %swap3A_1107 : vector<1x1x16xf32> to vector<16xf32>
          %swap3A_1109 = vector.shape_cast %get3A_1076 : vector<16xf32> to vector<1x1x16xf32>
          tpu.vector_store %arg6[%swap3A_1104, %swap3A_1105, %swap3A_1106], %swap3A_1109 {add = true, strides = array<i32>} : memref<4x16x1024xf32, #tpu.memory_space<vmem>>, vector<1x1x16xf32>,
          %mul3A_1110 = arith.constant 4 : i32
          %mul3A_1111 = arith.muli %scan3A_433, %mul3A_1110 : i32
          %add3A_1112 = arith.constant 3 : i32
          %add3A_1113 = arith.addi %mul3A_1111, %add3A_1112 : i32
          %swap3A_1114 = arith.constant 3 : i32
          %swap3A_1115 = arith.index_cast %swap3A_1114 : i32 to index
          %swap3A_1116 = arith.index_cast %add3A_1113 : i32 to index
          %swap3A_1117 = arith.index_cast %add3A_1070 : i32 to index
          %swap3A_1118 = tpu.vector_load %arg6[%swap3A_1115, %swap3A_1116, %swap3A_1117] {strides = array<i32>} : memref<4x16x1024xf32, #tpu.memory_space<vmem>>, vector<1x1x16xf32>,
          %swap3A_1119 = vector.shape_cast %swap3A_1118 : vector<1x1x16xf32> to vector<16xf32>
          %swap3A_1120 = vector.shape_cast %get3A_1076 : vector<16xf32> to vector<1x1x16xf32>
          tpu.vector_store %arg6[%swap3A_1115, %swap3A_1116, %swap3A_1117], %swap3A_1120 {add = true, strides = array<i32>} : memref<4x16x1024xf32, #tpu.memory_space<vmem>>, vector<1x1x16xf32>,
          %add3A_1121 = arith.constant 208 : i32
          %add3A_1122 = arith.addi %mul3A_446, %add3A_1121 : i32
          %get3A_1123 = arith.constant 3 : i32
          %get3A_1124 = arith.index_cast %get3A_1123 : i32 to index
          %get3A_1125 = arith.index_cast %scan3A_433 : i32 to index
          %get3A_1126 = arith.index_cast %add3A_1122 : i32 to index
          %get3A_1127 = tpu.vector_load %arg7[%get3A_1124, %get3A_1125, %get3A_1126] {strides = array<i32>} : memref<4x4x1024xf32, #tpu.memory_space<vmem>>, vector<1x1x16xf32>,
          %get3A_1128 = vector.shape_cast %get3A_1127 : vector<1x1x16xf32> to vector<16xf32>
          %mul3A_1129 = arith.constant 4 : i32
          %mul3A_1130 = arith.muli %scan3A_433, %mul3A_1129 : i32
          %add3A_1131 = arith.constant 0 : i32
          %add3A_1132 = arith.addi %mul3A_1130, %add3A_1131 : i32
          %swap3A_1133 = arith.constant 3 : i32
          %swap3A_1134 = arith.index_cast %swap3A_1133 : i32 to index
          %swap3A_1135 = arith.index_cast %add3A_1132 : i32 to index
          %swap3A_1136 = arith.index_cast %add3A_1122 : i32 to index
          %swap3A_1137 = tpu.vector_load %arg6[%swap3A_1134, %swap3A_1135, %swap3A_1136] {strides = array<i32>} : memref<4x16x1024xf32, #tpu.memory_space<vmem>>, vector<1x1x16xf32>,
          %swap3A_1138 = vector.shape_cast %swap3A_1137 : vector<1x1x16xf32> to vector<16xf32>
          %swap3A_1139 = vector.shape_cast %get3A_1128 : vector<16xf32> to vector<1x1x16xf32>
          tpu.vector_store %arg6[%swap3A_1134, %swap3A_1135, %swap3A_1136], %swap3A_1139 {add = true, strides = array<i32>} : memref<4x16x1024xf32, #tpu.memory_space<vmem>>, vector<1x1x16xf32>,
          %mul3A_1140 = arith.constant 4 : i32
          %mul3A_1141 = arith.muli %scan3A_433, %mul3A_1140 : i32
          %add3A_1142 = arith.constant 1 : i32
          %add3A_1143 = arith.addi %mul3A_1141, %add3A_1142 : i32
          %swap3A_1144 = arith.constant 3 : i32
          %swap3A_1145 = arith.index_cast %swap3A_1144 : i32 to index
          %swap3A_1146 = arith.index_cast %add3A_1143 : i32 to index
          %swap3A_1147 = arith.index_cast %add3A_1122 : i32 to index
          %swap3A_1148 = tpu.vector_load %arg6[%swap3A_1145, %swap3A_1146, %swap3A_1147] {strides = array<i32>} : memref<4x16x1024xf32, #tpu.memory_space<vmem>>, vector<1x1x16xf32>,
          %swap3A_1149 = vector.shape_cast %swap3A_1148 : vector<1x1x16xf32> to vector<16xf32>
          %swap3A_1150 = vector.shape_cast %get3A_1128 : vector<16xf32> to vector<1x1x16xf32>
          tpu.vector_store %arg6[%swap3A_1145, %swap3A_1146, %swap3A_1147], %swap3A_1150 {add = true, strides = array<i32>} : memref<4x16x1024xf32, #tpu.memory_space<vmem>>, vector<1x1x16xf32>,
          %mul3A_1151 = arith.constant 4 : i32
          %mul3A_1152 = arith.muli %scan3A_433, %mul3A_1151 : i32
          %add3A_1153 = arith.constant 2 : i32
          %add3A_1154 = arith.addi %mul3A_1152, %add3A_1153 : i32
          %swap3A_1155 = arith.constant 3 : i32
          %swap3A_1156 = arith.index_cast %swap3A_1155 : i32 to index
          %swap3A_1157 = arith.index_cast %add3A_1154 : i32 to index
          %swap3A_1158 = arith.index_cast %add3A_1122 : i32 to index
          %swap3A_1159 = tpu.vector_load %arg6[%swap3A_1156, %swap3A_1157, %swap3A_1158] {strides = array<i32>} : memref<4x16x1024xf32, #tpu.memory_space<vmem>>, vector<1x1x16xf32>,
          %swap3A_1160 = vector.shape_cast %swap3A_1159 : vector<1x1x16xf32> to vector<16xf32>
          %swap3A_1161 = vector.shape_cast %get3A_1128 : vector<16xf32> to vector<1x1x16xf32>
          tpu.vector_store %arg6[%swap3A_1156, %swap3A_1157, %swap3A_1158], %swap3A_1161 {add = true, strides = array<i32>} : memref<4x16x1024xf32, #tpu.memory_space<vmem>>, vector<1x1x16xf32>,
          %mul3A_1162 = arith.constant 4 : i32
          %mul3A_1163 = arith.muli %scan3A_433, %mul3A_1162 : i32
          %add3A_1164 = arith.constant 3 : i32
          %add3A_1165 = arith.addi %mul3A_1163, %add3A_1164 : i32
          %swap3A_1166 = arith.constant 3 : i32
          %swap3A_1167 = arith.index_cast %swap3A_1166 : i32 to index
          %swap3A_1168 = arith.index_cast %add3A_1165 : i32 to index
          %swap3A_1169 = arith.index_cast %add3A_1122 : i32 to index
          %swap3A_1170 = tpu.vector_load %arg6[%swap3A_1167, %swap3A_1168, %swap3A_1169] {strides = array<i32>} : memref<4x16x1024xf32, #tpu.memory_space<vmem>>, vector<1x1x16xf32>,
          %swap3A_1171 = vector.shape_cast %swap3A_1170 : vector<1x1x16xf32> to vector<16xf32>
          %swap3A_1172 = vector.shape_cast %get3A_1128 : vector<16xf32> to vector<1x1x16xf32>
          tpu.vector_store %arg6[%swap3A_1167, %swap3A_1168, %swap3A_1169], %swap3A_1172 {add = true, strides = array<i32>} : memref<4x16x1024xf32, #tpu.memory_space<vmem>>, vector<1x1x16xf32>,
          %add3A_1173 = arith.constant 224 : i32
          %add3A_1174 = arith.addi %mul3A_446, %add3A_1173 : i32
          %get3A_1175 = arith.constant 3 : i32
          %get3A_1176 = arith.index_cast %get3A_1175 : i32 to index
          %get3A_1177 = arith.index_cast %scan3A_433 : i32 to index
          %get3A_1178 = arith.index_cast %add3A_1174 : i32 to index
          %get3A_1179 = tpu.vector_load %arg7[%get3A_1176, %get3A_1177, %get3A_1178] {strides = array<i32>} : memref<4x4x1024xf32, #tpu.memory_space<vmem>>, vector<1x1x16xf32>,
          %get3A_1180 = vector.shape_cast %get3A_1179 : vector<1x1x16xf32> to vector<16xf32>
          %mul3A_1181 = arith.constant 4 : i32
          %mul3A_1182 = arith.muli %scan3A_433, %mul3A_1181 : i32
          %add3A_1183 = arith.constant 0 : i32
          %add3A_1184 = arith.addi %mul3A_1182, %add3A_1183 : i32
          %swap3A_1185 = arith.constant 3 : i32
          %swap3A_1186 = arith.index_cast %swap3A_1185 : i32 to index
          %swap3A_1187 = arith.index_cast %add3A_1184 : i32 to index
          %swap3A_1188 = arith.index_cast %add3A_1174 : i32 to index
          %swap3A_1189 = tpu.vector_load %arg6[%swap3A_1186, %swap3A_1187, %swap3A_1188] {strides = array<i32>} : memref<4x16x1024xf32, #tpu.memory_space<vmem>>, vector<1x1x16xf32>,
          %swap3A_1190 = vector.shape_cast %swap3A_1189 : vector<1x1x16xf32> to vector<16xf32>
          %swap3A_1191 = vector.shape_cast %get3A_1180 : vector<16xf32> to vector<1x1x16xf32>
          tpu.vector_store %arg6[%swap3A_1186, %swap3A_1187, %swap3A_1188], %swap3A_1191 {add = true, strides = array<i32>} : memref<4x16x1024xf32, #tpu.memory_space<vmem>>, vector<1x1x16xf32>,
          %mul3A_1192 = arith.constant 4 : i32
          %mul3A_1193 = arith.muli %scan3A_433, %mul3A_1192 : i32
          %add3A_1194 = arith.constant 1 : i32
          %add3A_1195 = arith.addi %mul3A_1193, %add3A_1194 : i32
          %swap3A_1196 = arith.constant 3 : i32
          %swap3A_1197 = arith.index_cast %swap3A_1196 : i32 to index
          %swap3A_1198 = arith.index_cast %add3A_1195 : i32 to index
          %swap3A_1199 = arith.index_cast %add3A_1174 : i32 to index
          %swap3A_1200 = tpu.vector_load %arg6[%swap3A_1197, %swap3A_1198, %swap3A_1199] {strides = array<i32>} : memref<4x16x1024xf32, #tpu.memory_space<vmem>>, vector<1x1x16xf32>,
          %swap3A_1201 = vector.shape_cast %swap3A_1200 : vector<1x1x16xf32> to vector<16xf32>
          %swap3A_1202 = vector.shape_cast %get3A_1180 : vector<16xf32> to vector<1x1x16xf32>
          tpu.vector_store %arg6[%swap3A_1197, %swap3A_1198, %swap3A_1199], %swap3A_1202 {add = true, strides = array<i32>} : memref<4x16x1024xf32, #tpu.memory_space<vmem>>, vector<1x1x16xf32>,
          %mul3A_1203 = arith.constant 4 : i32
          %mul3A_1204 = arith.muli %scan3A_433, %mul3A_1203 : i32
          %add3A_1205 = arith.constant 2 : i32
          %add3A_1206 = arith.addi %mul3A_1204, %add3A_1205 : i32
          %swap3A_1207 = arith.constant 3 : i32
          %swap3A_1208 = arith.index_cast %swap3A_1207 : i32 to index
          %swap3A_1209 = arith.index_cast %add3A_1206 : i32 to index
          %swap3A_1210 = arith.index_cast %add3A_1174 : i32 to index
          %swap3A_1211 = tpu.vector_load %arg6[%swap3A_1208, %swap3A_1209, %swap3A_1210] {strides = array<i32>} : memref<4x16x1024xf32, #tpu.memory_space<vmem>>, vector<1x1x16xf32>,
          %swap3A_1212 = vector.shape_cast %swap3A_1211 : vector<1x1x16xf32> to vector<16xf32>
          %swap3A_1213 = vector.shape_cast %get3A_1180 : vector<16xf32> to vector<1x1x16xf32>
          tpu.vector_store %arg6[%swap3A_1208, %swap3A_1209, %swap3A_1210], %swap3A_1213 {add = true, strides = array<i32>} : memref<4x16x1024xf32, #tpu.memory_space<vmem>>, vector<1x1x16xf32>,
          %mul3A_1214 = arith.constant 4 : i32
          %mul3A_1215 = arith.muli %scan3A_433, %mul3A_1214 : i32
          %add3A_1216 = arith.constant 3 : i32
          %add3A_1217 = arith.addi %mul3A_1215, %add3A_1216 : i32
          %swap3A_1218 = arith.constant 3 : i32
          %swap3A_1219 = arith.index_cast %swap3A_1218 : i32 to index
          %swap3A_1220 = arith.index_cast %add3A_1217 : i32 to index
          %swap3A_1221 = arith.index_cast %add3A_1174 : i32 to index
          %swap3A_1222 = tpu.vector_load %arg6[%swap3A_1219, %swap3A_1220, %swap3A_1221] {strides = array<i32>} : memref<4x16x1024xf32, #tpu.memory_space<vmem>>, vector<1x1x16xf32>,
          %swap3A_1223 = vector.shape_cast %swap3A_1222 : vector<1x1x16xf32> to vector<16xf32>
          %swap3A_1224 = vector.shape_cast %get3A_1180 : vector<16xf32> to vector<1x1x16xf32>
          tpu.vector_store %arg6[%swap3A_1219, %swap3A_1220, %swap3A_1221], %swap3A_1224 {add = true, strides = array<i32>} : memref<4x16x1024xf32, #tpu.memory_space<vmem>>, vector<1x1x16xf32>,
          %add3A_1225 = arith.constant 240 : i32
          %add3A_1226 = arith.addi %mul3A_446, %add3A_1225 : i32
          %get3A_1227 = arith.constant 3 : i32
          %get3A_1228 = arith.index_cast %get3A_1227 : i32 to index
          %get3A_1229 = arith.index_cast %scan3A_433 : i32 to index
          %get3A_1230 = arith.index_cast %add3A_1226 : i32 to index
          %get3A_1231 = tpu.vector_load %arg7[%get3A_1228, %get3A_1229, %get3A_1230] {strides = array<i32>} : memref<4x4x1024xf32, #tpu.memory_space<vmem>>, vector<1x1x16xf32>,
          %get3A_1232 = vector.shape_cast %get3A_1231 : vector<1x1x16xf32> to vector<16xf32>
          %mul3A_1233 = arith.constant 4 : i32
          %mul3A_1234 = arith.muli %scan3A_433, %mul3A_1233 : i32
          %add3A_1235 = arith.constant 0 : i32
          %add3A_1236 = arith.addi %mul3A_1234, %add3A_1235 : i32
          %swap3A_1237 = arith.constant 3 : i32
          %swap3A_1238 = arith.index_cast %swap3A_1237 : i32 to index
          %swap3A_1239 = arith.index_cast %add3A_1236 : i32 to index
          %swap3A_1240 = arith.index_cast %add3A_1226 : i32 to index
          %swap3A_1241 = tpu.vector_load %arg6[%swap3A_1238, %swap3A_1239, %swap3A_1240] {strides = array<i32>} : memref<4x16x1024xf32, #tpu.memory_space<vmem>>, vector<1x1x16xf32>,
          %swap3A_1242 = vector.shape_cast %swap3A_1241 : vector<1x1x16xf32> to vector<16xf32>
          %swap3A_1243 = vector.shape_cast %get3A_1232 : vector<16xf32> to vector<1x1x16xf32>
          tpu.vector_store %arg6[%swap3A_1238, %swap3A_1239, %swap3A_1240], %swap3A_1243 {add = true, strides = array<i32>} : memref<4x16x1024xf32, #tpu.memory_space<vmem>>, vector<1x1x16xf32>,
          %mul3A_1244 = arith.constant 4 : i32
          %mul3A_1245 = arith.muli %scan3A_433, %mul3A_1244 : i32
          %add3A_1246 = arith.constant 1 : i32
          %add3A_1247 = arith.addi %mul3A_1245, %add3A_1246 : i32
          %swap3A_1248 = arith.constant 3 : i32
          %swap3A_1249 = arith.index_cast %swap3A_1248 : i32 to index
          %swap3A_1250 = arith.index_cast %add3A_1247 : i32 to index
          %swap3A_1251 = arith.index_cast %add3A_1226 : i32 to index
          %swap3A_1252 = tpu.vector_load %arg6[%swap3A_1249, %swap3A_1250, %swap3A_1251] {strides = array<i32>} : memref<4x16x1024xf32, #tpu.memory_space<vmem>>, vector<1x1x16xf32>,
          %swap3A_1253 = vector.shape_cast %swap3A_1252 : vector<1x1x16xf32> to vector<16xf32>
          %swap3A_1254 = vector.shape_cast %get3A_1232 : vector<16xf32> to vector<1x1x16xf32>
          tpu.vector_store %arg6[%swap3A_1249, %swap3A_1250, %swap3A_1251], %swap3A_1254 {add = true, strides = array<i32>} : memref<4x16x1024xf32, #tpu.memory_space<vmem>>, vector<1x1x16xf32>,
          %mul3A_1255 = arith.constant 4 : i32
          %mul3A_1256 = arith.muli %scan3A_433, %mul3A_1255 : i32
          %add3A_1257 = arith.constant 2 : i32
          %add3A_1258 = arith.addi %mul3A_1256, %add3A_1257 : i32
          %swap3A_1259 = arith.constant 3 : i32
          %swap3A_1260 = arith.index_cast %swap3A_1259 : i32 to index
          %swap3A_1261 = arith.index_cast %add3A_1258 : i32 to index
          %swap3A_1262 = arith.index_cast %add3A_1226 : i32 to index
          %swap3A_1263 = tpu.vector_load %arg6[%swap3A_1260, %swap3A_1261, %swap3A_1262] {strides = array<i32>} : memref<4x16x1024xf32, #tpu.memory_space<vmem>>, vector<1x1x16xf32>,
          %swap3A_1264 = vector.shape_cast %swap3A_1263 : vector<1x1x16xf32> to vector<16xf32>
          %swap3A_1265 = vector.shape_cast %get3A_1232 : vector<16xf32> to vector<1x1x16xf32>
          tpu.vector_store %arg6[%swap3A_1260, %swap3A_1261, %swap3A_1262], %swap3A_1265 {add = true, strides = array<i32>} : memref<4x16x1024xf32, #tpu.memory_space<vmem>>, vector<1x1x16xf32>,
          %mul3A_1266 = arith.constant 4 : i32
          %mul3A_1267 = arith.muli %scan3A_433, %mul3A_1266 : i32
          %add3A_1268 = arith.constant 3 : i32
          %add3A_1269 = arith.addi %mul3A_1267, %add3A_1268 : i32
          %swap3A_1270 = arith.constant 3 : i32
          %swap3A_1271 = arith.index_cast %swap3A_1270 : i32 to index
          %swap3A_1272 = arith.index_cast %add3A_1269 : i32 to index
          %swap3A_1273 = arith.index_cast %add3A_1226 : i32 to index
          %swap3A_1274 = tpu.vector_load %arg6[%swap3A_1271, %swap3A_1272, %swap3A_1273] {strides = array<i32>} : memref<4x16x1024xf32, #tpu.memory_space<vmem>>, vector<1x1x16xf32>,
          %swap3A_1275 = vector.shape_cast %swap3A_1274 : vector<1x1x16xf32> to vector<16xf32>
          %swap3A_1276 = vector.shape_cast %get3A_1232 : vector<16xf32> to vector<1x1x16xf32>
          tpu.vector_store %arg6[%swap3A_1271, %swap3A_1272, %swap3A_1273], %swap3A_1276 {add = true, strides = array<i32>} : memref<4x16x1024xf32, #tpu.memory_space<vmem>>, vector<1x1x16xf32>,
          %scan3A_1277 = arith.constant 0 : i32
          scf.yield %scan3A_1277 : i32
        }
        %scan3A_441 = arith.constant 4 : i32
        %scan3A_442 = arith.constant 0 : i32
        scf.yield %scan3A_442 : i32
      }
      %scan3A_406 = arith.constant 4 : i32
      %mul3A_407 = arith.constant 16 : i32
      %mul3A_408 = arith.muli %add3A_362, %mul3A_407 : i32
      %add3A_409 = arith.addi %mul3A_2, %mul3A_408 : i32
      %dma_start3A_410 = arith.constant 3 : i32
      %dma_start3A_411 = arith.constant 3 : i32
      %dma_start3A_412 = arith.constant 0 : i32
      %dma_start3A_413 = arith.constant 0 : i32
      %dma_start3A_414 = tpu.memref_slice %arg6[%dma_start3A_410, %dma_start3A_412, %dma_start3A_413] : memref<4x16x1024xf32, #tpu.memory_space<vmem>> -> memref<1x16x1024xf32, #tpu.memory_space<vmem>>
      %dma_start3A_415 = tpu.memref_squeeze %dma_start3A_414 : memref<1x16x1024xf32, #tpu.memory_space<vmem>> -> memref<16x1024xf32, #tpu.memory_space<vmem>>
      %dma_start3A_416 = arith.constant 0 : i32
      %dma_start3A_417 = tpu.memref_slice %arg5[%add3A_409, %dma_start3A_416] : memref<32768x1024xf32, #tpu.memory_space<hbm>> -> memref<16x1024xf32, #tpu.memory_space<hbm>>
      %dma_start3A_418 = tpu.memref_slice %arg11[%dma_start3A_411] : memref<4x!tpu.dma_semaphore, #tpu.memory_space<semaphore_mem>> -> memref<1x!tpu.dma_semaphore, #tpu.memory_space<semaphore_mem>>
      %dma_start3A_419 = tpu.memref_squeeze %dma_start3A_418 : memref<1x!tpu.dma_semaphore, #tpu.memory_space<semaphore_mem>> -> memref<!tpu.dma_semaphore, #tpu.memory_space<semaphore_mem>>
      %dma_start3A_420 = arith.constant 0 : i32
      %dma_start3A_421 = tpu.memref_slice %arg5[%add3A_409, %dma_start3A_420] : memref<32768x1024xf32, #tpu.memory_space<hbm>> -> memref<16x1024xf32, #tpu.memory_space<hbm>>
      %dma_start3A_422 = arith.constant 0 : i32
      %dma_start3A_423 = arith.constant 0 : i32
      %dma_start3A_424 = tpu.memref_slice %arg6[%dma_start3A_410, %dma_start3A_422, %dma_start3A_423] : memref<4x16x1024xf32, #tpu.memory_space<vmem>> -> memref<1x16x1024xf32, #tpu.memory_space<vmem>>
      %dma_start3A_425 = tpu.memref_squeeze %dma_start3A_424 : memref<1x16x1024xf32, #tpu.memory_space<vmem>> -> memref<16x1024xf32, #tpu.memory_space<vmem>>
      tpu.enqueue_dma source(%dma_start3A_425 : memref<16x1024xf32, #tpu.memory_space<vmem>>) target(%dma_start3A_421 : memref<16x1024xf32, #tpu.memory_space<hbm>>) target_semaphore(%dma_start3A_419 : memref<!tpu.dma_semaphore, #tpu.memory_space<semaphore_mem>>)
      %add3A_426 = arith.constant 2 : i32
      %add3A_427 = arith.addi %add3A_362, %add3A_426 : i32
      %lt3A_428 = arith.constant 64 : i32
      %lt3A_429 = arith.cmpi slt, %add3A_427, %lt3A_428 : i32
      %convert_element_type3A_430 = arith.extui %lt3A_429 : i1 to i32
      %cond3A_431 = arith.constant 0 : i32
      %cond3A_432 = arith.cmpi ne, %convert_element_type3A_430, %cond3A_431 : i32
      scf.if %cond3A_432 {
        %ge3A = arith.constant 4 : i32
        %ge3A_433 = arith.cmpi sge, %add3A_427, %ge3A : i32
        %convert_element_type3A_434 = arith.extui %ge3A_433 : i1 to i32
        %cond3A_435 = arith.constant 0 : i32
        %cond3A_436 = arith.cmpi ne, %convert_element_type3A_434, %cond3A_435 : i32
        scf.if %cond3A_436 {
          %dma_wait3A_470 = arith.constant 1 : i32
          %dma_wait3A_471 = arith.constant 1 : i32
          %dma_wait3A_472 = arith.constant 0 : i32
          %dma_wait3A_473 = arith.constant 0 : i32
          %dma_wait3A_474 = tpu.memref_slice %arg6[%dma_wait3A_470, %dma_wait3A_472, %dma_wait3A_473] : memref<4x16x1024xf32, #tpu.memory_space<vmem>> -> memref<1x16x1024xf32, #tpu.memory_space<vmem>>
          %dma_wait3A_475 = tpu.memref_squeeze %dma_wait3A_474 : memref<1x16x1024xf32, #tpu.memory_space<vmem>> -> memref<16x1024xf32, #tpu.memory_space<vmem>>
          %dma_wait3A_476 = arith.constant 0 : i32
          %dma_wait3A_477 = tpu.memref_slice %arg5[%mul3A_2, %dma_wait3A_476] : memref<32768x1024xf32, #tpu.memory_space<hbm>> -> memref<16x1024xf32, #tpu.memory_space<hbm>>
          %dma_wait3A_478 = tpu.memref_slice %arg11[%dma_wait3A_471] : memref<4x!tpu.dma_semaphore, #tpu.memory_space<semaphore_mem>> -> memref<1x!tpu.dma_semaphore, #tpu.memory_space<semaphore_mem>>
          %dma_wait3A_479 = tpu.memref_squeeze %dma_wait3A_478 : memref<1x!tpu.dma_semaphore, #tpu.memory_space<semaphore_mem>> -> memref<!tpu.dma_semaphore, #tpu.memory_space<semaphore_mem>>
          %dma_wait3A_480 = arith.constant 0 : i32
          %dma_wait3A_481 = tpu.memref_slice %arg5[%mul3A_2, %dma_wait3A_480] : memref<32768x1024xf32, #tpu.memory_space<hbm>> -> memref<16x1024xf32, #tpu.memory_space<hbm>>
          %dma_wait3A_482 = arith.constant 0 : i32
          %dma_wait3A_483 = arith.constant 0 : i32
          %dma_wait3A_484 = tpu.memref_slice %arg6[%dma_wait3A_470, %dma_wait3A_482, %dma_wait3A_483] : memref<4x16x1024xf32, #tpu.memory_space<vmem>> -> memref<1x16x1024xf32, #tpu.memory_space<vmem>>
          %dma_wait3A_485 = tpu.memref_squeeze %dma_wait3A_484 : memref<1x16x1024xf32, #tpu.memory_space<vmem>> -> memref<16x1024xf32, #tpu.memory_space<vmem>>
          tpu.wait_dma2 semaphore(%dma_wait3A_479 : memref<!tpu.dma_semaphore, #tpu.memory_space<semaphore_mem>>) src(%dma_wait3A_485 : memref<16x1024xf32, #tpu.memory_space<vmem>>) dst(%dma_wait3A_481 : memref<16x1024xf32, #tpu.memory_space<hbm>>)
        } else {
        }
        %mul3A_437 = arith.constant 16 : i32
        %mul3A_438 = arith.muli %add3A_427, %mul3A_437 : i32
        %add3A_439 = arith.addi %mul3A_2, %mul3A_438 : i32
        %dma_start3A_440 = arith.constant 1 : i32
        %dma_start3A_441 = arith.constant 1 : i32
        %dma_start3A_442 = arith.constant 0 : i32
        %dma_start3A_443 = arith.constant 0 : i32
        %dma_start3A_444 = tpu.memref_slice %arg6[%dma_start3A_440, %dma_start3A_442, %dma_start3A_443] : memref<4x16x1024xf32, #tpu.memory_space<vmem>> -> memref<1x16x1024xf32, #tpu.memory_space<vmem>>
        %dma_start3A_445 = tpu.memref_squeeze %dma_start3A_444 : memref<1x16x1024xf32, #tpu.memory_space<vmem>> -> memref<16x1024xf32, #tpu.memory_space<vmem>>
        %dma_start3A_446 = arith.constant 0 : i32
        %dma_start3A_447 = tpu.memref_slice %arg2[%add3A_439, %dma_start3A_446] : memref<32768x1024xf32, #tpu.memory_space<hbm>> -> memref<16x1024xf32, #tpu.memory_space<hbm>>
        %dma_start3A_448 = tpu.memref_slice %arg9[%dma_start3A_441] : memref<4x!tpu.dma_semaphore, #tpu.memory_space<semaphore_mem>> -> memref<1x!tpu.dma_semaphore, #tpu.memory_space<semaphore_mem>>
        %dma_start3A_449 = tpu.memref_squeeze %dma_start3A_448 : memref<1x!tpu.dma_semaphore, #tpu.memory_space<semaphore_mem>> -> memref<!tpu.dma_semaphore, #tpu.memory_space<semaphore_mem>>
        %dma_start3A_450 = arith.constant 0 : i32
        %dma_start3A_451 = arith.constant 0 : i32
        %dma_start3A_452 = tpu.memref_slice %arg6[%dma_start3A_440, %dma_start3A_450, %dma_start3A_451] : memref<4x16x1024xf32, #tpu.memory_space<vmem>> -> memref<1x16x1024xf32, #tpu.memory_space<vmem>>
        %dma_start3A_453 = tpu.memref_squeeze %dma_start3A_452 : memref<1x16x1024xf32, #tpu.memory_space<vmem>> -> memref<16x1024xf32, #tpu.memory_space<vmem>>
        %dma_start3A_454 = arith.constant 0 : i32
        %dma_start3A_455 = tpu.memref_slice %arg2[%add3A_439, %dma_start3A_454] : memref<32768x1024xf32, #tpu.memory_space<hbm>> -> memref<16x1024xf32, #tpu.memory_space<hbm>>
        tpu.enqueue_dma source(%dma_start3A_455 : memref<16x1024xf32, #tpu.memory_space<hbm>>) target(%dma_start3A_453 : memref<16x1024xf32, #tpu.memory_space<vmem>>) target_semaphore(%dma_start3A_449 : memref<!tpu.dma_semaphore, #tpu.memory_space<semaphore_mem>>)
        %dma_start3A_456 = arith.constant 1 : i32
        %dma_start3A_457 = arith.constant 1 : i32
        %dma_start3A_458 = arith.constant 0 : i32
        %dma_start3A_459 = arith.constant 0 : i32
        %dma_start3A_460 = tpu.memref_slice %arg7[%dma_start3A_456, %dma_start3A_458, %dma_start3A_459] : memref<4x4x1024xf32, #tpu.memory_space<vmem>> -> memref<1x4x1024xf32, #tpu.memory_space<vmem>>
        %dma_start3A_461 = tpu.memref_squeeze %dma_start3A_460 : memref<1x4x1024xf32, #tpu.memory_space<vmem>> -> memref<4x1024xf32, #tpu.memory_space<vmem>>
        %dma_start3A_462 = arith.constant 0 : i32
        %dma_start3A_463 = tpu.memref_slice %arg8[%add3A_427, %dma_start3A_462] : memref<64x4xi32, #tpu.memory_space<vmem>> -> memref<1x4xi32, #tpu.memory_space<vmem>>
        %dma_start3A_464 = tpu.memref_squeeze %dma_start3A_463 : memref<1x4xi32, #tpu.memory_space<vmem>> -> memref<4xi32, #tpu.memory_space<vmem>>
        %dma_start3A_465 = arith.constant 0 : i32
        %dma_start3A_466 = arith.constant 0 : i32
        %dma_start3A_467 = tpu.memref_slice %arg4[%dma_start3A_465, %dma_start3A_466] : memref<8193x1024xf32, #tpu.memory_space<hbm>> -> memref<8193x1024xf32, #tpu.memory_space<hbm>>
        %dma_start3A_468 = tpu.memref_slice %arg10[%dma_start3A_457] : memref<4x!tpu.dma_semaphore, #tpu.memory_space<semaphore_mem>> -> memref<1x!tpu.dma_semaphore, #tpu.memory_space<semaphore_mem>>
        %dma_start3A_469 = tpu.memref_squeeze %dma_start3A_468 : memref<1x!tpu.dma_semaphore, #tpu.memory_space<semaphore_mem>> -> memref<!tpu.dma_semaphore, #tpu.memory_space<semaphore_mem>>
        tpu.enqueue_indirect_dma source(%dma_start3A_467 : memref<8193x1024xf32, #tpu.memory_space<hbm>>) target(%dma_start3A_461 : memref<4x1024xf32, #tpu.memory_space<vmem>>) offsets(%dma_start3A_464 : memref<4xi32, #tpu.memory_space<vmem>>) semaphore(%dma_start3A_469 : memref<!tpu.dma_semaphore, #tpu.memory_space<semaphore_mem>>)
      } else {
      }
    }
    %scan3A_71 = arith.constant 16 : i32
    %dma_wait3A = arith.constant 0 : i32
    %dma_wait3A_72 = arith.constant 0 : i32
    %dma_wait3A_73 = arith.constant 0 : i32
    %dma_wait3A_74 = arith.constant 0 : i32
    %dma_wait3A_75 = tpu.memref_slice %arg6[%dma_wait3A, %dma_wait3A_73, %dma_wait3A_74] : memref<4x16x1024xf32, #tpu.memory_space<vmem>> -> memref<1x16x1024xf32, #tpu.memory_space<vmem>>
    %dma_wait3A_76 = tpu.memref_squeeze %dma_wait3A_75 : memref<1x16x1024xf32, #tpu.memory_space<vmem>> -> memref<16x1024xf32, #tpu.memory_space<vmem>>
    %dma_wait3A_77 = arith.constant 0 : i32
    %dma_wait3A_78 = tpu.memref_slice %arg5[%mul3A_2, %dma_wait3A_77] : memref<32768x1024xf32, #tpu.memory_space<hbm>> -> memref<16x1024xf32, #tpu.memory_space<hbm>>
    %dma_wait3A_79 = tpu.memref_slice %arg11[%dma_wait3A_72] : memref<4x!tpu.dma_semaphore, #tpu.memory_space<semaphore_mem>> -> memref<1x!tpu.dma_semaphore, #tpu.memory_space<semaphore_mem>>
    %dma_wait3A_80 = tpu.memref_squeeze %dma_wait3A_79 : memref<1x!tpu.dma_semaphore, #tpu.memory_space<semaphore_mem>> -> memref<!tpu.dma_semaphore, #tpu.memory_space<semaphore_mem>>
    %dma_wait3A_81 = arith.constant 0 : i32
    %dma_wait3A_82 = tpu.memref_slice %arg5[%mul3A_2, %dma_wait3A_81] : memref<32768x1024xf32, #tpu.memory_space<hbm>> -> memref<16x1024xf32, #tpu.memory_space<hbm>>
    %dma_wait3A_83 = arith.constant 0 : i32
    %dma_wait3A_84 = arith.constant 0 : i32
    %dma_wait3A_85 = tpu.memref_slice %arg6[%dma_wait3A, %dma_wait3A_83, %dma_wait3A_84] : memref<4x16x1024xf32, #tpu.memory_space<vmem>> -> memref<1x16x1024xf32, #tpu.memory_space<vmem>>
    %dma_wait3A_86 = tpu.memref_squeeze %dma_wait3A_85 : memref<1x16x1024xf32, #tpu.memory_space<vmem>> -> memref<16x1024xf32, #tpu.memory_space<vmem>>
    tpu.wait_dma2 semaphore(%dma_wait3A_80 : memref<!tpu.dma_semaphore, #tpu.memory_space<semaphore_mem>>) src(%dma_wait3A_86 : memref<16x1024xf32, #tpu.memory_space<vmem>>) dst(%dma_wait3A_82 : memref<16x1024xf32, #tpu.memory_space<hbm>>)
    %dma_wait3A_87 = arith.constant 1 : i32
    %dma_wait3A_88 = arith.constant 1 : i32
    %dma_wait3A_89 = arith.constant 0 : i32
    %dma_wait3A_90 = arith.constant 0 : i32
    %dma_wait3A_91 = tpu.memref_slice %arg6[%dma_wait3A_87, %dma_wait3A_89, %dma_wait3A_90] : memref<4x16x1024xf32, #tpu.memory_space<vmem>> -> memref<1x16x1024xf32, #tpu.memory_space<vmem>>
    %dma_wait3A_92 = tpu.memref_squeeze %dma_wait3A_91 : memref<1x16x1024xf32, #tpu.memory_space<vmem>> -> memref<16x1024xf32, #tpu.memory_space<vmem>>
    %dma_wait3A_93 = arith.constant 0 : i32
    %dma_wait3A_94 = tpu.memref_slice %arg5[%mul3A_2, %dma_wait3A_93] : memref<32768x1024xf32, #tpu.memory_space<hbm>> -> memref<16x1024xf32, #tpu.memory_space<hbm>>
    %dma_wait3A_95 = tpu.memref_slice %arg11[%dma_wait3A_88] : memref<4x!tpu.dma_semaphore, #tpu.memory_space<semaphore_mem>> -> memref<1x!tpu.dma_semaphore, #tpu.memory_space<semaphore_mem>>
    %dma_wait3A_96 = tpu.memref_squeeze %dma_wait3A_95 : memref<1x!tpu.dma_semaphore, #tpu.memory_space<semaphore_mem>> -> memref<!tpu.dma_semaphore, #tpu.memory_space<semaphore_mem>>
    %dma_wait3A_97 = arith.constant 0 : i32
    %dma_wait3A_98 = tpu.memref_slice %arg5[%mul3A_2, %dma_wait3A_97] : memref<32768x1024xf32, #tpu.memory_space<hbm>> -> memref<16x1024xf32, #tpu.memory_space<hbm>>
    %dma_wait3A_99 = arith.constant 0 : i32
    %dma_wait3A_100 = arith.constant 0 : i32
    %dma_wait3A_101 = tpu.memref_slice %arg6[%dma_wait3A_87, %dma_wait3A_99, %dma_wait3A_100] : memref<4x16x1024xf32, #tpu.memory_space<vmem>> -> memref<1x16x1024xf32, #tpu.memory_space<vmem>>
    %dma_wait3A_102 = tpu.memref_squeeze %dma_wait3A_101 : memref<1x16x1024xf32, #tpu.memory_space<vmem>> -> memref<16x1024xf32, #tpu.memory_space<vmem>>
    tpu.wait_dma2 semaphore(%dma_wait3A_96 : memref<!tpu.dma_semaphore, #tpu.memory_space<semaphore_mem>>) src(%dma_wait3A_102 : memref<16x1024xf32, #tpu.memory_space<vmem>>) dst(%dma_wait3A_98 : memref<16x1024xf32, #tpu.memory_space<hbm>>)
    %dma_wait3A_103 = arith.constant 2 : i32
    %dma_wait3A_104 = arith.constant 2 : i32
    %dma_wait3A_105 = arith.constant 0 : i32
    %dma_wait3A_106 = arith.constant 0 : i32
    %dma_wait3A_107 = tpu.memref_slice %arg6[%dma_wait3A_103, %dma_wait3A_105, %dma_wait3A_106] : memref<4x16x1024xf32, #tpu.memory_space<vmem>> -> memref<1x16x1024xf32, #tpu.memory_space<vmem>>
    %dma_wait3A_108 = tpu.memref_squeeze %dma_wait3A_107 : memref<1x16x1024xf32, #tpu.memory_space<vmem>> -> memref<16x1024xf32, #tpu.memory_space<vmem>>
    %dma_wait3A_109 = arith.constant 0 : i32
    %dma_wait3A_110 = tpu.memref_slice %arg5[%mul3A_2, %dma_wait3A_109] : memref<32768x1024xf32, #tpu.memory_space<hbm>> -> memref<16x1024xf32, #tpu.memory_space<hbm>>
    %dma_wait3A_111 = tpu.memref_slice %arg11[%dma_wait3A_104] : memref<4x!tpu.dma_semaphore, #tpu.memory_space<semaphore_mem>> -> memref<1x!tpu.dma_semaphore, #tpu.memory_space<semaphore_mem>>
    %dma_wait3A_112 = tpu.memref_squeeze %dma_wait3A_111 : memref<1x!tpu.dma_semaphore, #tpu.memory_space<semaphore_mem>> -> memref<!tpu.dma_semaphore, #tpu.memory_space<semaphore_mem>>
    %dma_wait3A_113 = arith.constant 0 : i32
    %dma_wait3A_114 = tpu.memref_slice %arg5[%mul3A_2, %dma_wait3A_113] : memref<32768x1024xf32, #tpu.memory_space<hbm>> -> memref<16x1024xf32, #tpu.memory_space<hbm>>
    %dma_wait3A_115 = arith.constant 0 : i32
    %dma_wait3A_116 = arith.constant 0 : i32
    %dma_wait3A_117 = tpu.memref_slice %arg6[%dma_wait3A_103, %dma_wait3A_115, %dma_wait3A_116] : memref<4x16x1024xf32, #tpu.memory_space<vmem>> -> memref<1x16x1024xf32, #tpu.memory_space<vmem>>
    %dma_wait3A_118 = tpu.memref_squeeze %dma_wait3A_117 : memref<1x16x1024xf32, #tpu.memory_space<vmem>> -> memref<16x1024xf32, #tpu.memory_space<vmem>>
    tpu.wait_dma2 semaphore(%dma_wait3A_112 : memref<!tpu.dma_semaphore, #tpu.memory_space<semaphore_mem>>) src(%dma_wait3A_118 : memref<16x1024xf32, #tpu.memory_space<vmem>>) dst(%dma_wait3A_114 : memref<16x1024xf32, #tpu.memory_space<hbm>>)
    %dma_wait3A_119 = arith.constant 3 : i32
    %dma_wait3A_120 = arith.constant 3 : i32
    %dma_wait3A_121 = arith.constant 0 : i32
    %dma_wait3A_122 = arith.constant 0 : i32
    %dma_wait3A_123 = tpu.memref_slice %arg6[%dma_wait3A_119, %dma_wait3A_121, %dma_wait3A_122] : memref<4x16x1024xf32, #tpu.memory_space<vmem>> -> memref<1x16x1024xf32, #tpu.memory_space<vmem>>
    %dma_wait3A_124 = tpu.memref_squeeze %dma_wait3A_123 : memref<1x16x1024xf32, #tpu.memory_space<vmem>> -> memref<16x1024xf32, #tpu.memory_space<vmem>>
    %dma_wait3A_125 = arith.constant 0 : i32
    %dma_wait3A_126 = tpu.memref_slice %arg5[%mul3A_2, %dma_wait3A_125] : memref<32768x1024xf32, #tpu.memory_space<hbm>> -> memref<16x1024xf32, #tpu.memory_space<hbm>>
    %dma_wait3A_127 = tpu.memref_slice %arg11[%dma_wait3A_120] : memref<4x!tpu.dma_semaphore, #tpu.memory_space<semaphore_mem>> -> memref<1x!tpu.dma_semaphore, #tpu.memory_space<semaphore_mem>>
    %dma_wait3A_128 = tpu.memref_squeeze %dma_wait3A_127 : memref<1x!tpu.dma_semaphore, #tpu.memory_space<semaphore_mem>> -> memref<!tpu.dma_semaphore, #tpu.memory_space<semaphore_mem>>
    %dma_wait3A_129 = arith.constant 0 : i32
    %dma_wait3A_130 = tpu.memref_slice %arg5[%mul3A_2, %dma_wait3A_129] : memref<32768x1024xf32, #tpu.memory_space<hbm>> -> memref<16x1024xf32, #tpu.memory_space<hbm>>
    %dma_wait3A_131 = arith.constant 0 : i32
    %dma_wait3A_132 = arith.constant 0 : i32
    %dma_wait3A_133 = tpu.memref_slice %arg6[%dma_wait3A_119, %dma_wait3A_131, %dma_wait3A_132] : memref<4x16x1024xf32, #tpu.memory_space<vmem>> -> memref<1x16x1024xf32, #tpu.memory_space<vmem>>
    %dma_wait3A_134 = tpu.memref_squeeze %dma_wait3A_133 : memref<1x16x1024xf32, #tpu.memory_space<vmem>> -> memref<16x1024xf32, #tpu.memory_space<vmem>>
    tpu.wait_dma2 semaphore(%dma_wait3A_128 : memref<!tpu.dma_semaphore, #tpu.memory_space<semaphore_mem>>) src(%dma_wait3A_134 : memref<16x1024xf32, #tpu.memory_space<vmem>>) dst(%dma_wait3A_130 : memref<16x1024xf32, #tpu.memory_space<hbm>>)
    return
  }
}

</mosaic_0001>

<sc_bundles>
// kernel: kernel.3.cloned.1.call-start
scs
__scs_entry_jumppad:
0x0: {  	(pc) =	sbr.rel $0x88, $3  }
0x1: {  	(tag) =	ssettag $0x0;
	lr =	simm.s32 $0x1  }
0x2: {  	[smem:$0x3F9E] =	sst lr;
	_ =	strace $0xD0000000  }
0x3: {  	_ = 	snop  }
0x4: {  	_ = 	snop  }
0x5: {  	_ = 	snop  }
0x6: {  	_ = 	snop  }
0x7: {  	_ = 	snop  }
__scs_overlays_trampoline_lowered:
0x8: {  	[smem:$0x3FAD] =	sst s0  }
0x9: {  	[smem:$0x3FAE] =	sst s1  }
0xa: {  	[smem:$0x3FAF] =	sst s2  }
0xb: {  	[smem:$0x3FB0] =	sst s3  }
0xc: {  	[smem:$0x3FB1] =	sst s4  }
0xd: {  	[smem:$0x3FB2] =	sst s5  }
0xe: {  	[smem:$0x3FB3] =	sst s6  }
0xf: {  	[smem:$0x3FB4] =	sst s7  }
0x10: {  	[smem:$0x3FB5] =	sst s8  }
0x11: {  	[smem:$0x3FB6] =	sst s9;
	s0 =	simm.s32 @!p0 $0x0  }
0x12: {  	s1 =	sld [smem:$0x3F9C];
	s0 =	simm.s32 @p0 $0x1  }
0x13: {  	[smem:$0x3FB7] =	sst s0;
	s0 =	simm.s32 @!p1 $0x0  }
0x14: {  	s2 =	sld [smem:$0x3F9B];
	s0 =	simm.s32 @p1 $0x1  }
0x15: {  	[smem:$0x3FB8] =	sst s0;
	s0 =	simm.s32 @!p2 $0x0  }
0x16: {  	s3 =	sld [smem:$0x3FDB];
	s0 =	simm.s32 @p2 $0x1  }
0x17: {  	s4 =	simm.s32 $0x1BF5;
	[smem:$0x3FBA] =	sst s0  }
0x18: {  	s0 =	sld [smem:$0x3F9D];
	_ =	swait.ge [sflag:s4], $0x0  }
0x19: {  	s7 =	sld [smem:$0x3F9E]  }
0x1a: {  	s8 =	sadd.s32 $0xFFFFE003, lr  }
0x1b: {  	s9 =	sadd.s32 $0xFFFFFEF7, lr;
	s5 =	simm.s32 $0xFFFFFFFF;
	p2 =	slt.u32 s8, $0xFFFFF086  }
0x1c: {  	p1 =	slt.u32 s9, $0xF7A;
	s5 =	simm.s32 @!p2 $0x0  }
0x1d: {  	s5 =	simm.s32 @p1 $0x1;
	p0 =	seq.s32 s7, s2  }
0x1e: {  	s7 =	smul.u32 @!p0 $0xF7A, s2;
	p2 =	seq.s32 @!p0 s5, $0x0  }
0x1f: {  	s9 =	smul.u32 $0xF7A, s1;
	s8 =	simm.s32 @!p0 $0x1BF5;
	p2 =	por !p2, p0  }
0x20: {  	[sflag:s8] =	ssyncset.s32 @!p0 $0xFFFFF086;
	s6 =	sadd.s32 @!p0 s3, s7;
	s7 =	simm.s32 @!p0 $0x108  }
0x21: {  	s3 =	sadd.s32 s3, s9;
	s6 =	sadd.s32 @!p0 $0x88, s6;
	s7 =	simm.s32 @p2 $0x1082  }
0x22: {  	[simem:s7], [sflag:s8] =	dma.local @!p0 [hbm:s6], $0xF7A  }
0x23: {  	s9 =	sor.u32 $0xD0000000, s2;
	s6 =	simm.s32 $0x108;
	_ =	swait.ge @!p0 [sflag:s8], $0x0  }
0x24: {  	s3 =	sadd.s32 $0x88, s3;
	s6 =	simm.s32 @!p1 $0x1082;
	[sflag:s4] =	ssyncset.s32 $0xFFFFF086  }
0x25: {  	[simem:s6], [sflag:s4] =	dma.local [hbm:s3], $0xF7A  }
0x26: {  	[smem:$0x3F9E] =	sst s1;
	(tag) =	ssettag s2;
	_ =	strace s9  }
0x27: {  	s1 =	sld [smem:$0x3FAE]  }
0x28: {  	s2 =	sld [smem:$0x3FAF]  }
0x29: {  	s4 =	sld [smem:$0x3FB1]  }
0x2a: {  	p0 =	seq.s32 s5, $0x0;
	s5 =	sld [smem:$0x3FB2]  }
0x2b: {  	s6 =	sld [smem:$0x3FB3]  }
0x2c: {  	s7 =	sld [smem:$0x3FB4]  }
0x2d: {  	s3 =	simm.s32 $0x108;
	s8 =	sld [smem:$0x3FB5]  }
0x2e: {  	s3 =	simm.s32 @!p0 $0x1082;
	s9 =	sld [smem:$0x3FB6]  }
0x2f: {  	lr =	sadd.s32 s0, s3;
	s0 =	sld [smem:$0x3FAD]  }
0x30: {  	s3 =	sld [smem:$0x3FB0]  }
0x31: {  	[smem:$0x3FB9] =	sst s10  }
0x32: {  	s10 =	sld [smem:$0x3FB7];
	_ =	sdelay $0x3  }
0x33: {  	p0 =	seq.s32 s10, $0x1;
	s10 =	sld [smem:$0x3FB9];
	_ =	sdelay $0x3  }
0x34: {  	[smem:$0x3FB9] =	sst s10  }
0x35: {  	s10 =	sld [smem:$0x3FB8];
	_ =	sdelay $0x3  }
0x36: {  	p1 =	seq.s32 s10, $0x1;
	s10 =	sld [smem:$0x3FB9];
	_ =	sdelay $0x3  }
0x37: {  	[smem:$0x3FB9] =	sst s10  }
0x38: {  	s10 =	sld [smem:$0x3FBA]  }
0x39: {  	_ = 	snop;
	(pc) =	sbr.ind lr, $3  }
0x3a: {  	_ = 	snop  }
0x3b: {  	_ = 	snop  }
0x3c: {  	p2 =	seq.s32 s10, $0x1;
	s10 =	sld [smem:$0x3FB9]  }
0x3d: {  	_ =	shalt  }
0x3e: {  	_ =	shalt  }
0x3f: {  	_ =	shalt  }
0x40: {  	_ =	shalt  }
0x41: {  	_ =	shalt  }
0x42: {  	_ =	shalt  }
0x43: {  	_ =	shalt  }
0x44: {  	_ =	shalt  }
0x45: {  	_ =	shalt  }
0x46: {  	_ =	shalt  }
0x47: {  	_ =	shalt  }
0x48: {  	_ =	shalt  }
0x49: {  	_ =	shalt  }
0x4a: {  	_ =	shalt  }
0x4b: {  	_ =	shalt  }
0x4c: {  	_ =	shalt  }
0x4d: {  	_ =	shalt  }
0x4e: {  	_ =	shalt  }
0x4f: {  	_ =	shalt  }
0x50: {  	_ =	shalt  }
0x51: {  	_ =	shalt  }
0x52: {  	_ =	shalt  }
0x53: {  	_ =	shalt  }
0x54: {  	_ =	shalt  }
0x55: {  	_ =	shalt  }
0x56: {  	_ =	shalt  }
0x57: {  	_ =	shalt  }
0x58: {  	_ =	shalt  }
0x59: {  	_ =	shalt  }
0x5a: {  	_ =	shalt  }
0x5b: {  	_ =	shalt  }
0x5c: {  	_ =	shalt  }
0x5d: {  	_ =	shalt  }
0x5e: {  	_ =	shalt  }
0x5f: {  	_ =	shalt  }
0x60: {  	_ =	shalt  }
0x61: {  	_ =	shalt  }
0x62: {  	_ =	shalt  }
0x63: {  	_ =	shalt  }
0x64: {  	_ =	shalt  }
0x65: {  	_ =	shalt  }
0x66: {  	_ =	shalt  }
0x67: {  	_ =	shalt  }
0x68: {  	_ =	shalt  }
0x69: {  	_ =	shalt  }
0x6a: {  	_ =	shalt  }
0x6b: {  	_ =	shalt  }
0x6c: {  	_ =	shalt  }
0x6d: {  	_ =	shalt  }
0x6e: {  	_ =	shalt  }
0x6f: {  	_ =	shalt  }
0x70: {  	_ =	shalt  }
0x71: {  	_ =	shalt  }
0x72: {  	_ =	shalt  }
0x73: {  	_ =	shalt  }
0x74: {  	_ =	shalt  }
0x75: {  	_ =	shalt  }
0x76: {  	_ =	shalt  }
0x77: {  	_ =	shalt  }
0x78: {  	_ =	shalt  }
0x79: {  	_ =	shalt  }
0x7a: {  	_ =	shalt  }
0x7b: {  	_ =	shalt  }
0x7c: {  	_ =	shalt  }
0x7d: {  	_ =	shalt  }
0x7e: {  	_ =	shalt  }
0x7f: {  	_ =	shalt  }
0x80: {  	_ =	shalt  }
0x81: {  	_ =	shalt  }
0x82: {  	_ =	shalt  }
0x83: {  	_ =	shalt  }
0x84: {  	_ =	shalt  }
0x85: {  	_ =	shalt  }
0x86: {  	_ =	shalt  }
0x87: {  	_ =	shalt  }
.Lfunc_end0:
.L_simem_size_0:
called_computation_lowered:
.L_overlay_start_0:
0x88: {  	s2 =	sld [smem:$0x3FD9]  }
0x89: {  	s3 =	sld [smem:$0x3FFE];
	_ =	sdelay $0x1  }
0x8a: {  	s1 =	srdreg.scid  }
0x8b: {  	s0 =	sand.u32 $0x1, s1  }
0x8c: {  	s17 =	sshll.u32 s0, $0xA;
	s2 =	sadd.s32 s3, s2  }
0x8d: {  	s2 =	sadd.s32 s2, s17  }
0x8e: {  	[smem:$0x3FC5] =	sst s2  }
0x8f: {  	_ = 	snop  }
0x90: {  	s2 =	sld [smem:$0x3FC7]  }
0x91: {  	s18 =	sld [smem:$0x3FD0];
	(tm) =	ssettm $0x1  }
0x92: {  	s4 =	sld [smem:$0x3FFB];
	_ =	sdelay $0x3  }
0x93: {  	_ =	strace s4  }
0x94: {  	s4 =	sld [smem:$0x3FFC];
	_ =	sdelay $0x3  }
0x95: {  	_ =	strace s4  }
0x96: {  	s4 =	sld [smem:$0x3FFD];
	_ =	sdelay $0x3  }
0x97: {  	_ =	strace s4  }
0x98: {  	_ =	strace $0x8FFFFFFF  }
0x99: {  	s19 =	sld [smem:$0x3FDB];
	_ =	sdelay $0x1  }
0x9a: {  	s5 =	simm.s32 $_scs_section_size  }
0x9b: {  	s6 =	simm.s32 $_size__tile_overlayer_lowered;
	s7 =	simm.s32 $_tile_overlayer_lowered  }
0x9c: {  	s22 =	simm.s32 $0x1BFF;
	s21 =	sshll.u32 s7, $0x1;
	s4 =	sadd.s32 s5, s19  }
0x9d: {  	s8 =	simm.s32 $0x0;
	s20 =	sshll.u32 s6, $0x1;
	s6 =	sadd.s32 s21, s4  }
0x9e: {  	[timem:s8], [sflag:s22] =	dma.local [hbm:s6], s20  }
0x9f: {  	_ =	swait.ge [sflag:s22], s20  }
0xa0: {  	s5 =	ssub.s32 $0x0, s20;
	[sflag:s22] =	ssyncset.done $0x0  }
0xa1: {  	[sflag:s22] =	ssyncadd.s32 s5;
	_ =	sdelay $0x1  }
0xa2: {  	s23 =	simm.s32 $0x1B8B  }
0xa3: {  	_ =	swait.ge [sflag:s23], $0x1  }
0xa4: {  	[sflag:s23] =	ssyncset.done $0x0  }
0xa5: {  	s25 =	simm.s32 $0x1B8E;
	s24 =	sld [smem:$0x3FFE];
	[sflag:s23] =	ssyncadd.s32 $0xFFFFFFFF  }
0xa6: {  	s26 =	simm.s32 $execute0_lowered;
	[smem:$0x3FD2] =	sst s25  }
0xa7: {  	s6 =	sshll.u32 s26, $0x1;
	_ =	strace $0x80000046;
	[dreg:$0x1] =	wrdreg $0xFFFFFFFF  }
0xa8: {  	s28 =	simm.s32 $_size_execute0_lowered;
	s4 =	sadd.s32 s4, s6;
	[dreg:$0x0] =	wrdreg $0x0  }
0xa9: {  	s6 =	sshll.u32 s28, $0x1;
	[dreg:$0x2] =	wrdreg s4  }
0xaa: {  	[dreg:$0x3] =	wrdreg s6  }
0xab: {  	[dreg:$0x4] =	wrdreg $0xC0  }
0xac: {  	_ =	task [dreg:s8], $0x5FFFF  }
0xad: {  	[dreg:$0x1] =	wrdreg $0xFFFFFFFF  }
0xae: {  	[dreg:$0x0] =	wrdreg $0x60  }
0xaf: {  	[dreg:$0x2] =	wrdreg s18  }
0xb0: {  	[dreg:$0x3] =	wrdreg s24  }
0xb1: {  	[dreg:$0x4] =	wrdreg s2  }
0xb2: {  	[dreg:$0x5] =	wrdreg $0x9  }
0xb3: {  	_ =	task.clear_ibuf [dreg:s8], $0x6FFFF;
	_ =	strace $0x90000046  }
0xb4: {  	s29 =	simm.s32 $0x9;
	_ =	strace $0x80000048  }
0xb5: {  	_ =	swait.ge [sflag:s29], $0x1  }
0xb6: {  	[sflag:s29] =	ssyncadd.s32 $0xFFFFFFFF  }
0xb7: {  	_ =	strace $0x90000048  }
0xb8: {  	_ =	sfence  }
0xb9: {  	s30 =	sld [smem:$0x0];
	_ =	sdelay $0x2  }
0xba: {  	s31 =	sshll.u32 s1, $0xD;
	s1 =	sshrl.u32 s1, $0x2  }
0xbb: {  	s3 =	sand.u32 $0x4000, s31;
	s1 =	sadd.s32 s1, s30  }
0xbc: {  	s0 =	sor.u32 s3, s0;
	s1 =	sshll.u32 s1, $0x11  }
0xbd: {  	s0 =	sor.u32 s1, s0  }
0xbe: {  	s0 =	sadd.s32 $0x8F2B, s0  }
0xbf: {  	[sflag:s0] =	ssyncadd.remote.s32 $0x1  }
0xc0: {  	_ =	sfence.sel $0xFFFF  }
0xc1: {  	[dreg:$0x0] =	wrdreg $0xFFFFFFFF;
	(pc) =	sbr.abs _section_cstart, $3  }
0xc2: {  	[dreg:$0x1] =	wrdreg $0xFFFFFFFF  }
0xc3: {  	_ =	task.clear_ibuf [dreg:s8], $0x2FFFF;
	_ =	strace $0x9FFFFFFF  }
0xc4: {  	(tm) =	ssettm $0x7FFFFFFF  }
0xc5: {  	_ =	shalt  }
tec
execute0_lowered:
.L_overlay_start_1:
0x0: {  	(tag) =	ssettag $0x1  }
0x1: {  	s8 =	rddreg [dreg:$0x0]  }
0x2: {  	s0 =	rddreg [dreg:$0x1]  }
0x3: {  	s2 =	rddreg [dreg:$0x2];
	s4 =	simm.s32 $0x0;
	s1 =	srdreg.scid  }
0x4: {  	s3 =	stileid.u32;
	s20 =	simm.s32 $0x1;
	s21 =	simm.s32 $0x5  }
0x5: {  	s22 =	simm.s32 $0x8000;
	s28 =	simm.s32 $0xC000;
	s31 =	simm.s32 $0x3  }
0x6: {  	s13 =	simm.s32 $0x8;
	s16 =	simm.s32 $0xA;
	s10 =	simm.s32 $0x0  }
0x7: {  	[smem:$0x7FF] =	sst s4;
	s1 =	sand.u32 $0x1, s1;
	s3 =	sshll.u32 s3, $0x1  }
0x8: {  	s5 =	sadd.s32 $0x8000, s0;
	s17 =	smov.u32 s8;
	s9 =	sadd.s32 $0x200, s2  }
0x9: {  	_ =	strace $0x80000047;
	s7 =	ssub.s32 $0x2, s1;
	s1 =	sor.u32 s1, s3  }
0xa: {  	s25 =	sshrl.u32 s7, $0x1;
	s6 =	sshll.u32 s1, $0x11;
	s1 =	sshll.u32 s1, $0xA  }
.Ltmp0:
0xb: {  	s3 =	ssub.s32 s7, s25;
	s0 =	sadd.s32 s0, s1;
	(pc) =	sbr.rel .LBB2_1-.Ltmp0, $4  }
0xc: {  	s8 =	sadd.s32 s8, s6;
	s29 =	sadd.s32 s5, s6;
	[dreg:$0x4] =	wrdreg s0  }
0xd: {  	v0 =	vlaneseq.u32;
	s25 =	simm.s32 $0x2;
	s26 =	sadd.s32 $0x800, s8;
	[dreg:$0x6] =	wrdreg s29  }
0xe: {  	v1 =	vshrl.u32 v0, $0x2;
	s30 =	smax.u32 s3, $0x1;
	s0 =	simm.s32 $0x7;
	[dreg:$0x5] =	wrdreg s26  }
0xf: {  	vm0 =	vmmov $0xffff;
	v0 =	vand.u32 $0x3, v0;
	v1 =	vmul.u32 $0x8, v1;
	s3 =	simm.s32 $0x4;
	[dreg:$0x7] =	wrdreg s30;
	s26 =	simm.s32 $0x6  }
.LBB2_20:
0x10: {  	s1 =	simm.s32 $0x9  }
0x11: {  	_ =	swait.ge [sflag:s1], $0x4000  }
0x12: {  	[sflag:s1] =	ssyncset.done $0x0  }
0x13: {  	[sflag:s1] =	ssyncadd.s32 $0xFFFFC000  }
0x14: {  	_ =	swait.ge [sflag:s16], $0x4000  }
0x15: {  	[sflag:s16] =	ssyncset.done $0x0  }
0x16: {  	s29 =	simm.s32 $0xB;
	[sflag:s16] =	ssyncadd.s32 $0xFFFFC000  }
0x17: {  	_ =	swait.ge [sflag:s29], $0x4000  }
0x18: {  	[sflag:s29] =	ssyncset.done $0x0  }
0x19: {  	s7 =	simm.s32 $0xC;
	[sflag:s29] =	ssyncadd.s32 $0xFFFFC000  }
0x1a: {  	_ =	swait.ge [sflag:s7], $0x4000  }
0x1b: {  	s10 =	rddreg [dreg:$0x8]  }
0x1c: {  	s30 =	rddreg [dreg:$0x7];
	s10 =	sadd.s32 $0x1, s10  }
0x1d: {  	p0 =	sne.s32 s10, s30  }
.Ltmp1:
0x1e: {  	_ = 	snop;
	(pc) =	sbr.rel @!p0 .LBB2_21-.Ltmp1, $3  }
0x1f: {  	_ =	sdelay $0x1  }
0x20: {  	[sflag:s7] =	ssyncset.done $0x0  }
0x21: {  	[sflag:s7] =	ssyncadd.s32 $0xFFFFC000  }
.LBB2_1:
0x22: {  	[dreg:$0x8] =	wrdreg s10  }
0x23: {  	s1 =	rddreg [dreg:$0x4];
	s7 =	simm.s32 $0x14000;
	s15 =	simm.s32 $0xD  }
0x24: {  	[tilespmem:s7], [sflag:$0xD] =	stream.linear.gather [hbm4b:s1+s4], $0x2000, $0x38;
	[tilespmem:$0x16000] =	vst v63  }
0x25: {  	_ =	swait.ge [sflag:s15], $0x2000  }
0x26: {  	[sflag:s15] =	ssyncset.done $0x0  }
0x27: {  	[sflag:s15] =	ssyncadd.s32 $0xFFFFE000  }
0x28: {  	[tilespmem:s4], [sflag:$0x1] =	stream.linear.gather [hbm4b:s8+s4], $0x4000, $0x38;
	[tilespmem:$0x16000] =	vst v63  }
0x29: {  	v2 =	vld.msk [tilespmem:$0x14000], $0xf;
	_ =	sdelay $0x4  }
0x2a: {  	v3 =	vshll.u32 v2, $0x3  }
0x2b: {  	v2 =	vand.u32 $0x7, v2;
	v3 =	vand.u32 $0xFFFFFFC0, v3  }
0x2c: {  	v2 =	vor.u32 v2, v3  }
0x2d: {  	v2 =	vperm.xlane v2, v0;
	_ =	sdelay $0x1  }
0x2e: {  	v2 =	vadd.s32 v1, v2;
	_ =	sdelay $0x3  }
0x2f: {  	s18 =	simm.s32 $0x10000  }
0x30: {  	[tilespmem:s18], [sflag:$0x5] =	stream.indirect_vreg.gather [hbm4b:s2+s4], $0x80, v2, vm0, $0xb8;
	[tilespmem:$0x16000] =	vst v63  }
0x31: {  	s19 =	simm.s32 $0x10800  }
0x32: {  	[tilespmem:s19], [sflag:$0x5] =	stream.indirect_vreg.gather [hbm4b:s9+s4], $0x80, v2, vm0, $0xb8;
	[tilespmem:$0x16000] =	vst v63  }
0x33: {  	s24 =	simm.s32 $0x4000;
	s23 =	rddreg [dreg:$0x5]  }
0x34: {  	[tilespmem:s24], [sflag:$0x2] =	stream.linear.gather [hbm4b:s23+s4], $0x4000, $0x38;
	[tilespmem:$0x16000] =	vst v63  }
0x35: {  	v2 =	vld.msk [tilespmem:$0x14080], $0xf;
	_ =	sdelay $0x4  }
0x36: {  	v3 =	vshll.u32 v2, $0x3  }
0x37: {  	v2 =	vand.u32 $0x7, v2;
	v3 =	vand.u32 $0xFFFFFFC0, v3  }
0x38: {  	v2 =	vor.u32 v2, v3  }
0x39: {  	v2 =	vperm.xlane v2, v0;
	_ =	sdelay $0x1  }
0x3a: {  	v2 =	vadd.s32 v1, v2;
	_ =	sdelay $0x3  }
0x3b: {  	s29 =	simm.s32 $0x11000  }
0x3c: {  	[tilespmem:s29], [sflag:$0x6] =	stream.indirect_vreg.gather [hbm4b:s2+s4], $0x80, v2, vm0, $0xb8;
	[tilespmem:$0x16000] =	vst v63  }
0x3d: {  	s30 =	simm.s32 $0x11800;
	s14 =	simm.s32 $0x0  }
0x3e: {  	[tilespmem:s30], [sflag:$0x6] =	stream.indirect_vreg.gather [hbm4b:s9+s4], $0x80, v2, vm0, $0xb8;
	[tilespmem:$0x16000] =	vst v63  }
.LBB2_2:
0x3f: {  	_ =	swait.ge [sflag:s20], $0x4000  }
0x40: {  	[sflag:s20] =	ssyncset.done $0x0  }
0x41: {  	[sflag:s20] =	ssyncadd.s32 $0xFFFFC000  }
0x42: {  	_ =	swait.ge [sflag:s21], $0x1000  }
0x43: {  	s7 =	simm.s32 $0x0;
	p0 =	por $0x0, $0x0;
	[sflag:s21] =	ssyncset.done $0x0  }
0x44: {  	s10 =	simm.s32 $0x10200;
	s12 =	simm.s32 $0x0;
	[sflag:s21] =	ssyncadd.s32 $0xFFFFF000  }
.LBB2_3:
0x45: {  	s1 =	simm.s32 $0x1  }
0x46: {  	s11 =	sshll.u32 s7, $0x2;
	v2 =	vld [tilespmem:s10+$0xFFFFFE00];
	s1 =	simm.s32 @!p0 $0x0  }
0x47: {  	s11 =	sand.u32 $0xFFFF8000, s11;
	s1 =	sshll.u32 s1, $0xB  }
0x48: {  	s1 =	sor.u32 s1, s11  }
0x49: {  	s18 =	sshrl.u32 s1, $0x2  }
0x4a: {  	s15 =	sadd.s32 $0x0, s18  }
0x4b: {  	[tilespmem:s15+$0x180] =	vst.add.f32.msk $0xffff, v2  }
0x4c: {  	[tilespmem:s15+$0x100] =	vst.add.f32.msk $0xffff, v2  }
0x4d: {  	[tilespmem:s15+$0x0] =	vst.add.f32.msk $0xffff, v2  }
0x4e: {  	[tilespmem:s15+$0x80] =	vst.add.f32.msk $0xffff, v2  }
0x4f: {  	v2 =	vld [tilespmem:s10+$0xFFFFFE10];
	_ =	sdelay $0x4  }
0x50: {  	[tilespmem:s15+$0x190] =	vst.add.f32.msk $0xffff, v2  }
0x51: {  	[tilespmem:s15+$0x90] =	vst.add.f32.msk $0xffff, v2  }
0x52: {  	[tilespmem:s15+$0x10] =	vst.add.f32.msk $0xffff, v2  }
0x53: {  	[tilespmem:s15+$0x110] =	vst.add.f32.msk $0xffff, v2  }
0x54: {  	v2 =	vld [tilespmem:s10+$0xFFFFFE20];
	_ =	sdelay $0x4  }
0x55: {  	[tilespmem:s15+$0x1A0] =	vst.add.f32.msk $0xffff, v2  }
0x56: {  	[tilespmem:s15+$0xA0] =	vst.add.f32.msk $0xffff, v2  }
0x57: {  	[tilespmem:s15+$0x20] =	vst.add.f32.msk $0xffff, v2  }
0x58: {  	[tilespmem:s15+$0x120] =	vst.add.f32.msk $0xffff, v2  }
0x59: {  	v2 =	vld [tilespmem:s10+$0xFFFFFE30];
	_ =	sdelay $0x4  }
0x5a: {  	[tilespmem:s15+$0x1B0] =	vst.add.f32.msk $0xffff, v2  }
0x5b: {  	[tilespmem:s15+$0xB0] =	vst.add.f32.msk $0xffff, v2  }
0x5c: {  	[tilespmem:s15+$0x30] =	vst.add.f32.msk $0xffff, v2  }
0x5d: {  	[tilespmem:s15+$0x130] =	vst.add.f32.msk $0xffff, v2  }
0x5e: {  	v2 =	vld [tilespmem:s10+$0xFFFFFE40];
	_ =	sdelay $0x4  }
0x5f: {  	[tilespmem:s15+$0x1C0] =	vst.add.f32.msk $0xffff, v2  }
0x60: {  	[tilespmem:s15+$0xC0] =	vst.add.f32.msk $0xffff, v2  }
0x61: {  	[tilespmem:s15+$0x40] =	vst.add.f32.msk $0xffff, v2  }
0x62: {  	[tilespmem:s15+$0x140] =	vst.add.f32.msk $0xffff, v2  }
0x63: {  	v2 =	vld [tilespmem:s10+$0xFFFFFE50];
	_ =	sdelay $0x4  }
0x64: {  	[tilespmem:s15+$0x1D0] =	vst.add.f32.msk $0xffff, v2  }
0x65: {  	[tilespmem:s15+$0xD0] =	vst.add.f32.msk $0xffff, v2  }
0x66: {  	[tilespmem:s15+$0x50] =	vst.add.f32.msk $0xffff, v2  }
0x67: {  	[tilespmem:s15+$0x150] =	vst.add.f32.msk $0xffff, v2  }
0x68: {  	v2 =	vld [tilespmem:s10+$0xFFFFFE60];
	_ =	sdelay $0x4  }
0x69: {  	[tilespmem:s15+$0xE0] =	vst.add.f32.msk $0xffff, v2  }
0x6a: {  	[tilespmem:s15+$0x1E0] =	vst.add.f32.msk $0xffff, v2  }
0x6b: {  	[tilespmem:s15+$0x160] =	vst.add.f32.msk $0xffff, v2  }
0x6c: {  	[tilespmem:s15+$0x60] =	vst.add.f32.msk $0xffff, v2  }
0x6d: {  	v2 =	vld [tilespmem:s10+$0xFFFFFE70];
	_ =	sdelay $0x4  }
0x6e: {  	[tilespmem:s15+$0x1F0] =	vst.add.f32.msk $0xffff, v2  }
0x6f: {  	[tilespmem:s15+$0xF0] =	vst.add.f32.msk $0xffff, v2  }
0x70: {  	[tilespmem:s15+$0x70] =	vst.add.f32.msk $0xffff, v2  }
0x71: {  	[tilespmem:s15+$0x170] =	vst.add.f32.msk $0xffff, v2  }
0x72: {  	v2 =	vld [tilespmem:s10+$0x0];
	_ =	sdelay $0x4  }
0x73: {  	[tilespmem:s15+$0x580] =	vst.add.f32.msk $0xffff, v2  }
0x74: {  	[tilespmem:s15+$0x480] =	vst.add.f32.msk $0xffff, v2  }
0x75: {  	[tilespmem:s15+$0x400] =	vst.add.f32.msk $0xffff, v2  }
0x76: {  	[tilespmem:s15+$0x500] =	vst.add.f32.msk $0xffff, v2  }
0x77: {  	v2 =	vld [tilespmem:s10+$0x10];
	_ =	sdelay $0x4  }
0x78: {  	[tilespmem:s15+$0x590] =	vst.add.f32.msk $0xffff, v2  }
0x79: {  	[tilespmem:s15+$0x490] =	vst.add.f32.msk $0xffff, v2  }
0x7a: {  	[tilespmem:s15+$0x510] =	vst.add.f32.msk $0xffff, v2  }
0x7b: {  	[tilespmem:s15+$0x410] =	vst.add.f32.msk $0xffff, v2  }
0x7c: {  	s23 =	simm.s32 $0x2000;
	s24 =	smov.u32 s10;
	s19 =	smov.u32 s10;
	v2 =	vld [tilespmem:s10+$0x20]  }
.LBB2_4:
0x7d: {  	p1 =	sne.s32 s23, $0x6000  }
0x7e: {  	s24 =	sadd.s32 $0x400, s24;
	s1 =	smov.u32 s23;
	s23 =	sadd.s32 $0x2000, s23  }
0x7f: {  	_ =	sdelay $0x1  }
0x80: {  	[tilespmem:s15+$0x5A0] =	vst.add.f32.msk $0xffff, v2  }
0x81: {  	[tilespmem:s15+$0x520] =	vst.add.f32.msk $0xffff, v2  }
0x82: {  	[tilespmem:s15+$0x4A0] =	vst.add.f32.msk $0xffff, v2  }
0x83: {  	[tilespmem:s15+$0x420] =	vst.add.f32.msk $0xffff, v2  }
0x84: {  	v2 =	vld [tilespmem:s19+$0x30];
	_ =	sdelay $0x4  }
0x85: {  	[tilespmem:s15+$0x5B0] =	vst.add.f32.msk $0xffff, v2  }
0x86: {  	[tilespmem:s15+$0x530] =	vst.add.f32.msk $0xffff, v2  }
0x87: {  	[tilespmem:s15+$0x430] =	vst.add.f32.msk $0xffff, v2  }
0x88: {  	[tilespmem:s15+$0x4B0] =	vst.add.f32.msk $0xffff, v2  }
0x89: {  	v2 =	vld [tilespmem:s19+$0x40];
	_ =	sdelay $0x4  }
0x8a: {  	[tilespmem:s15+$0x440] =	vst.add.f32.msk $0xffff, v2  }
0x8b: {  	[tilespmem:s15+$0x4C0] =	vst.add.f32.msk $0xffff, v2  }
0x8c: {  	[tilespmem:s15+$0x5C0] =	vst.add.f32.msk $0xffff, v2  }
0x8d: {  	[tilespmem:s15+$0x540] =	vst.add.f32.msk $0xffff, v2  }
0x8e: {  	v2 =	vld [tilespmem:s19+$0x50];
	_ =	sdelay $0x4  }
0x8f: {  	[tilespmem:s15+$0x5D0] =	vst.add.f32.msk $0xffff, v2  }
0x90: {  	[tilespmem:s15+$0x450] =	vst.add.f32.msk $0xffff, v2  }
0x91: {  	[tilespmem:s15+$0x4D0] =	vst.add.f32.msk $0xffff, v2  }
0x92: {  	[tilespmem:s15+$0x550] =	vst.add.f32.msk $0xffff, v2  }
0x93: {  	v2 =	vld [tilespmem:s19+$0x60];
	_ =	sdelay $0x4  }
0x94: {  	[tilespmem:s15+$0x5E0] =	vst.add.f32.msk $0xffff, v2  }
0x95: {  	[tilespmem:s15+$0x4E0] =	vst.add.f32.msk $0xffff, v2  }
0x96: {  	[tilespmem:s15+$0x460] =	vst.add.f32.msk $0xffff, v2  }
0x97: {  	[tilespmem:s15+$0x560] =	vst.add.f32.msk $0xffff, v2  }
0x98: {  	v2 =	vld [tilespmem:s19+$0x70];
	s19 =	smov.u32 s24;
	_ =	sdelay $0x4  }
0x99: {  	[tilespmem:s15+$0x570] =	vst.add.f32.msk $0xffff, v2  }
0x9a: {  	[tilespmem:s15+$0x470] =	vst.add.f32.msk $0xffff, v2  }
0x9b: {  	[tilespmem:s15+$0x5F0] =	vst.add.f32.msk $0xffff, v2  }
0x9c: {  	[tilespmem:s15+$0x4F0] =	vst.add.f32.msk $0xffff, v2  }
0x9d: {  	v2 =	vld [tilespmem:s24+$0xFFFFFE00];
	_ =	sdelay $0x2  }
0x9e: {  	s1 =	sshra.s32 s1, $0x2  }
0x9f: {  	s15 =	sadd.s32 s1, s18  }
0xa0: {  	[tilespmem:s15+$0x180] =	vst.add.f32.msk $0xffff, v2  }
0xa1: {  	[tilespmem:s15+$0x100] =	vst.add.f32.msk $0xffff, v2  }
0xa2: {  	[tilespmem:s15+$0x0] =	vst.add.f32.msk $0xffff, v2  }
0xa3: {  	[tilespmem:s15+$0x80] =	vst.add.f32.msk $0xffff, v2  }
0xa4: {  	v2 =	vld [tilespmem:s24+$0xFFFFFE10];
	_ =	sdelay $0x4  }
0xa5: {  	[tilespmem:s15+$0x190] =	vst.add.f32.msk $0xffff, v2  }
0xa6: {  	[tilespmem:s15+$0x90] =	vst.add.f32.msk $0xffff, v2  }
0xa7: {  	[tilespmem:s15+$0x10] =	vst.add.f32.msk $0xffff, v2  }
0xa8: {  	[tilespmem:s15+$0x110] =	vst.add.f32.msk $0xffff, v2  }
0xa9: {  	v2 =	vld [tilespmem:s24+$0xFFFFFE20];
	_ =	sdelay $0x4  }
0xaa: {  	[tilespmem:s15+$0x1A0] =	vst.add.f32.msk $0xffff, v2  }
0xab: {  	[tilespmem:s15+$0xA0] =	vst.add.f32.msk $0xffff, v2  }
0xac: {  	[tilespmem:s15+$0x20] =	vst.add.f32.msk $0xffff, v2  }
0xad: {  	[tilespmem:s15+$0x120] =	vst.add.f32.msk $0xffff, v2  }
0xae: {  	v2 =	vld [tilespmem:s24+$0xFFFFFE30];
	_ =	sdelay $0x4  }
0xaf: {  	[tilespmem:s15+$0x1B0] =	vst.add.f32.msk $0xffff, v2  }
0xb0: {  	[tilespmem:s15+$0xB0] =	vst.add.f32.msk $0xffff, v2  }
0xb1: {  	[tilespmem:s15+$0x30] =	vst.add.f32.msk $0xffff, v2  }
0xb2: {  	[tilespmem:s15+$0x130] =	vst.add.f32.msk $0xffff, v2  }
0xb3: {  	v2 =	vld [tilespmem:s24+$0xFFFFFE40];
	_ =	sdelay $0x4  }
0xb4: {  	[tilespmem:s15+$0x1C0] =	vst.add.f32.msk $0xffff, v2  }
0xb5: {  	[tilespmem:s15+$0xC0] =	vst.add.f32.msk $0xffff, v2  }
0xb6: {  	[tilespmem:s15+$0x40] =	vst.add.f32.msk $0xffff, v2  }
0xb7: {  	[tilespmem:s15+$0x140] =	vst.add.f32.msk $0xffff, v2  }
0xb8: {  	v2 =	vld [tilespmem:s24+$0xFFFFFE50];
	_ =	sdelay $0x4  }
0xb9: {  	[tilespmem:s15+$0x1D0] =	vst.add.f32.msk $0xffff, v2  }
0xba: {  	[tilespmem:s15+$0xD0] =	vst.add.f32.msk $0xffff, v2  }
0xbb: {  	[tilespmem:s15+$0x50] =	vst.add.f32.msk $0xffff, v2  }
0xbc: {  	[tilespmem:s15+$0x150] =	vst.add.f32.msk $0xffff, v2  }
0xbd: {  	v2 =	vld [tilespmem:s24+$0xFFFFFE60];
	_ =	sdelay $0x4  }
0xbe: {  	[tilespmem:s15+$0xE0] =	vst.add.f32.msk $0xffff, v2  }
0xbf: {  	[tilespmem:s15+$0x1E0] =	vst.add.f32.msk $0xffff, v2  }
0xc0: {  	[tilespmem:s15+$0x160] =	vst.add.f32.msk $0xffff, v2  }
0xc1: {  	[tilespmem:s15+$0x60] =	vst.add.f32.msk $0xffff, v2  }
0xc2: {  	v2 =	vld [tilespmem:s24+$0xFFFFFE70];
	_ =	sdelay $0x4  }
0xc3: {  	[tilespmem:s15+$0x1F0] =	vst.add.f32.msk $0xffff, v2  }
0xc4: {  	[tilespmem:s15+$0xF0] =	vst.add.f32.msk $0xffff, v2  }
0xc5: {  	[tilespmem:s15+$0x70] =	vst.add.f32.msk $0xffff, v2  }
0xc6: {  	[tilespmem:s15+$0x170] =	vst.add.f32.msk $0xffff, v2  }
0xc7: {  	v2 =	vld [tilespmem:s24+$0x0];
	_ =	sdelay $0x4  }
0xc8: {  	[tilespmem:s15+$0x580] =	vst.add.f32.msk $0xffff, v2  }
0xc9: {  	[tilespmem:s15+$0x480] =	vst.add.f32.msk $0xffff, v2  }
0xca: {  	[tilespmem:s15+$0x400] =	vst.add.f32.msk $0xffff, v2  }
0xcb: {  	[tilespmem:s15+$0x500] =	vst.add.f32.msk $0xffff, v2  }
0xcc: {  	v2 =	vld [tilespmem:s24+$0x10];
	_ =	sdelay $0x4  }
.Ltmp2:
0xcd: {  	[tilespmem:s15+$0x590] =	vst.add.f32.msk $0xffff, v2;
	(pc) =	sbr.rel @p1 .LBB2_4-.Ltmp2, $4  }
0xce: {  	[tilespmem:s15+$0x490] =	vst.add.f32.msk $0xffff, v2  }
0xcf: {  	[tilespmem:s15+$0x510] =	vst.add.f32.msk $0xffff, v2  }
0xd0: {  	[tilespmem:s15+$0x410] =	vst.add.f32.msk $0xffff, v2  }
0xd1: {  	v2 =	vld [tilespmem:s24+$0x20]  }
0xd2: {  	_ =	sdelay $0x3  }
0xd3: {  	[tilespmem:s15+$0x5A0] =	vst.add.f32.msk $0xffff, v2  }
0xd4: {  	[tilespmem:s15+$0x520] =	vst.add.f32.msk $0xffff, v2  }
0xd5: {  	[tilespmem:s15+$0x4A0] =	vst.add.f32.msk $0xffff, v2  }
0xd6: {  	[tilespmem:s15+$0x420] =	vst.add.f32.msk $0xffff, v2  }
0xd7: {  	v2 =	vld [tilespmem:s19+$0x30];
	_ =	sdelay $0x4  }
0xd8: {  	[tilespmem:s15+$0x5B0] =	vst.add.f32.msk $0xffff, v2  }
0xd9: {  	[tilespmem:s15+$0x530] =	vst.add.f32.msk $0xffff, v2  }
0xda: {  	[tilespmem:s15+$0x430] =	vst.add.f32.msk $0xffff, v2  }
0xdb: {  	[tilespmem:s15+$0x4B0] =	vst.add.f32.msk $0xffff, v2  }
0xdc: {  	v2 =	vld [tilespmem:s19+$0x40];
	_ =	sdelay $0x4  }
0xdd: {  	[tilespmem:s15+$0x440] =	vst.add.f32.msk $0xffff, v2  }
0xde: {  	[tilespmem:s15+$0x4C0] =	vst.add.f32.msk $0xffff, v2  }
0xdf: {  	[tilespmem:s15+$0x5C0] =	vst.add.f32.msk $0xffff, v2  }
0xe0: {  	[tilespmem:s15+$0x540] =	vst.add.f32.msk $0xffff, v2  }
0xe1: {  	v2 =	vld [tilespmem:s19+$0x50];
	_ =	sdelay $0x4  }
0xe2: {  	[tilespmem:s15+$0x5D0] =	vst.add.f32.msk $0xffff, v2  }
0xe3: {  	[tilespmem:s15+$0x450] =	vst.add.f32.msk $0xffff, v2  }
0xe4: {  	[tilespmem:s15+$0x4D0] =	vst.add.f32.msk $0xffff, v2  }
0xe5: {  	[tilespmem:s15+$0x550] =	vst.add.f32.msk $0xffff, v2  }
0xe6: {  	v2 =	vld [tilespmem:s19+$0x60];
	_ =	sdelay $0x4  }
0xe7: {  	[tilespmem:s15+$0x5E0] =	vst.add.f32.msk $0xffff, v2  }
0xe8: {  	[tilespmem:s15+$0x4E0] =	vst.add.f32.msk $0xffff, v2  }
0xe9: {  	[tilespmem:s15+$0x460] =	vst.add.f32.msk $0xffff, v2  }
0xea: {  	[tilespmem:s15+$0x560] =	vst.add.f32.msk $0xffff, v2  }
0xeb: {  	v2 =	vld [tilespmem:s19+$0x70];
	_ =	sdelay $0x1  }
0xec: {  	s12 =	sadd.s32 $0x1, s12  }
0xed: {  	p1 =	sne.s32 s12, $0x4  }
.Ltmp3:
0xee: {  	_ = 	snop;
	(pc) =	sbr.rel @p1 .LBB2_3-.Ltmp3, $4  }
0xef: {  	[tilespmem:s15+$0x570] =	vst.add.f32.msk $0xffff, v2  }
0xf0: {  	[tilespmem:s15+$0x470] =	vst.add.f32.msk $0xffff, v2  }
0xf1: {  	[tilespmem:s15+$0x5F0] =	vst.add.f32.msk $0xffff, v2  }
0xf2: {  	s7 =	sadd.s32 $0x1000, s7;
	p0 =	por !p0, !p0;
	s10 =	sadd.s32 $0x80, s10;
	[tilespmem:s15+$0x4F0] =	vst.add.f32.msk $0xffff, v2  }
0xf3: {  	s1 =	sshll.u32 s14, $0xD  }
0xf4: {  	s7 =	rddreg [dreg:$0x6];
	s15 =	sshll.u32 s14, $0x2;
	p0 =	seq.s32 s14, $0x0  }
0xf5: {  	s7 =	sadd.s32 s1, s7;
	s23 =	sor.u32 $0x2, s15;
	s11 =	simm.s32 @!p0 $0xB  }
0xf6: {  	[hbm4b:s7+s4] =	stream.linear.scatter [tilespmem:s4], [sflag:$0x9], $0x4000, $0x38;
	[tilespmem:$0x16000] =	vst v63  }
0xf7: {  	s12 =	simm.s32 $0x0;
	s10 =	sshll.u32 s23, $0xB;
	_ =	swait.ge @!p0 [sflag:s11], $0x4000  }
0xf8: {  	s1 =	sshll.u32 s23, $0x7;
	s10 =	sadd.s32 s6, s10;
	[sflag:s11] =	ssyncset.done @!p0 $0x0  }
0xf9: {  	s1 =	sand.u32 $0x3FFFFF80, s1;
	s24 =	sadd.s32 s17, s10;
	[sflag:s11] =	ssyncadd.s32 @!p0 $0xFFFFC000  }
0xfa: {  	[tilespmem:s22], [sflag:$0x3] =	stream.linear.gather [hbm4b:s24+s12], $0x4000, $0x38;
	[tilespmem:$0x16000] =	vst v63  }
0xfb: {  	v2 =	vld.msk [tilespmem:s1+$0x14000], $0xf;
	_ =	sdelay $0x4  }
0xfc: {  	v3 =	vshll.u32 v2, $0x3  }
0xfd: {  	v2 =	vand.u32 $0x7, v2;
	v3 =	vand.u32 $0xFFFFFFC0, v3  }
0xfe: {  	v2 =	vor.u32 v2, v3  }
0xff: {  	v2 =	vperm.xlane v2, v0;
	_ =	sdelay $0x1  }
0x100: {  	v2 =	vadd.s32 v1, v2;
	_ =	sdelay $0x3  }
0x101: {  	s29 =	simm.s32 $0x12000  }
0x102: {  	[tilespmem:s29], [sflag:$0x7] =	stream.indirect_vreg.gather [hbm4b:s2+s12], $0x80, v2, vm0, $0xb8;
	[tilespmem:$0x16000] =	vst v63  }
0x103: {  	s30 =	simm.s32 $0x12800  }
0x104: {  	[tilespmem:s30], [sflag:$0x7] =	stream.indirect_vreg.gather [hbm4b:s9+s12], $0x80, v2, vm0, $0xb8;
	[tilespmem:$0x16000] =	vst v63  }
0x105: {  	_ =	swait.ge [sflag:s25], $0x4000  }
0x106: {  	[sflag:s25] =	ssyncset.done $0x0  }
0x107: {  	[sflag:s25] =	ssyncadd.s32 $0xFFFFC000  }
0x108: {  	_ =	swait.ge [sflag:s26], $0x1000  }
0x109: {  	p1 =	por $0x0, $0x0;
	[sflag:s26] =	ssyncset.done $0x0  }
0x10a: {  	s19 =	simm.s32 $0x0;
	s1 =	simm.s32 $0x11270;
	[sflag:s26] =	ssyncadd.s32 $0xFFFFF000  }
.LBB2_7:
0x10b: {  	s11 =	simm.s32 $0x1  }
0x10c: {  	s18 =	sshll.u32 s12, $0x2;
	v2 =	vld [tilespmem:s1+$0xFFFFFD90];
	s11 =	simm.s32 @!p1 $0x0  }
0x10d: {  	s18 =	sand.u32 $0xFFFF8000, s18;
	s11 =	sshll.u32 s11, $0xB  }
0x10e: {  	s11 =	sor.u32 s11, s18  }
0x10f: {  	s24 =	sshrl.u32 s11, $0x2  }
0x110: {  	s23 =	sadd.s32 $0x0, s24  }
0x111: {  	[tilespmem:s23+$0x4180] =	vst.add.f32.msk $0xffff, v2  }
0x112: {  	[tilespmem:s23+$0x4100] =	vst.add.f32.msk $0xffff, v2  }
0x113: {  	[tilespmem:s23+$0x4000] =	vst.add.f32.msk $0xffff, v2  }
0x114: {  	[tilespmem:s23+$0x4080] =	vst.add.f32.msk $0xffff, v2  }
0x115: {  	v2 =	vld [tilespmem:s1+$0xFFFFFDA0];
	_ =	sdelay $0x4  }
0x116: {  	[tilespmem:s23+$0x4190] =	vst.add.f32.msk $0xffff, v2  }
0x117: {  	[tilespmem:s23+$0x4090] =	vst.add.f32.msk $0xffff, v2  }
0x118: {  	[tilespmem:s23+$0x4010] =	vst.add.f32.msk $0xffff, v2  }
0x119: {  	[tilespmem:s23+$0x4110] =	vst.add.f32.msk $0xffff, v2  }
0x11a: {  	v2 =	vld [tilespmem:s1+$0xFFFFFDB0];
	_ =	sdelay $0x4  }
0x11b: {  	[tilespmem:s23+$0x41A0] =	vst.add.f32.msk $0xffff, v2  }
0x11c: {  	[tilespmem:s23+$0x40A0] =	vst.add.f32.msk $0xffff, v2  }
0x11d: {  	[tilespmem:s23+$0x4020] =	vst.add.f32.msk $0xffff, v2  }
0x11e: {  	[tilespmem:s23+$0x4120] =	vst.add.f32.msk $0xffff, v2  }
0x11f: {  	v2 =	vld [tilespmem:s1+$0xFFFFFDC0];
	_ =	sdelay $0x4  }
0x120: {  	[tilespmem:s23+$0x41B0] =	vst.add.f32.msk $0xffff, v2  }
0x121: {  	[tilespmem:s23+$0x40B0] =	vst.add.f32.msk $0xffff, v2  }
0x122: {  	[tilespmem:s23+$0x4030] =	vst.add.f32.msk $0xffff, v2  }
0x123: {  	[tilespmem:s23+$0x4130] =	vst.add.f32.msk $0xffff, v2  }
0x124: {  	v2 =	vld [tilespmem:s1+$0xFFFFFDD0];
	_ =	sdelay $0x4  }
0x125: {  	[tilespmem:s23+$0x41C0] =	vst.add.f32.msk $0xffff, v2  }
0x126: {  	[tilespmem:s23+$0x40C0] =	vst.add.f32.msk $0xffff, v2  }
0x127: {  	[tilespmem:s23+$0x4040] =	vst.add.f32.msk $0xffff, v2  }
0x128: {  	[tilespmem:s23+$0x4140] =	vst.add.f32.msk $0xffff, v2  }
0x129: {  	v2 =	vld [tilespmem:s1+$0xFFFFFDE0];
	_ =	sdelay $0x4  }
0x12a: {  	[tilespmem:s23+$0x41D0] =	vst.add.f32.msk $0xffff, v2  }
0x12b: {  	[tilespmem:s23+$0x40D0] =	vst.add.f32.msk $0xffff, v2  }
0x12c: {  	[tilespmem:s23+$0x4050] =	vst.add.f32.msk $0xffff, v2  }
0x12d: {  	[tilespmem:s23+$0x4150] =	vst.add.f32.msk $0xffff, v2  }
0x12e: {  	v2 =	vld [tilespmem:s1+$0xFFFFFDF0];
	_ =	sdelay $0x4  }
0x12f: {  	[tilespmem:s23+$0x40E0] =	vst.add.f32.msk $0xffff, v2  }
0x130: {  	[tilespmem:s23+$0x41E0] =	vst.add.f32.msk $0xffff, v2  }
0x131: {  	[tilespmem:s23+$0x4160] =	vst.add.f32.msk $0xffff, v2  }
0x132: {  	[tilespmem:s23+$0x4060] =	vst.add.f32.msk $0xffff, v2  }
0x133: {  	v2 =	vld [tilespmem:s1+$0xFFFFFE00];
	_ =	sdelay $0x4  }
0x134: {  	[tilespmem:s23+$0x41F0] =	vst.add.f32.msk $0xffff, v2  }
0x135: {  	[tilespmem:s23+$0x40F0] =	vst.add.f32.msk $0xffff, v2  }
0x136: {  	[tilespmem:s23+$0x4070] =	vst.add.f32.msk $0xffff, v2  }
0x137: {  	[tilespmem:s23+$0x4170] =	vst.add.f32.msk $0xffff, v2  }
0x138: {  	v2 =	vld [tilespmem:s1+$0xFFFFFF90];
	_ =	sdelay $0x4  }
0x139: {  	[tilespmem:s23+$0x4580] =	vst.add.f32.msk $0xffff, v2  }
0x13a: {  	[tilespmem:s23+$0x4480] =	vst.add.f32.msk $0xffff, v2  }
0x13b: {  	[tilespmem:s23+$0x4400] =	vst.add.f32.msk $0xffff, v2  }
0x13c: {  	[tilespmem:s23+$0x4500] =	vst.add.f32.msk $0xffff, v2  }
0x13d: {  	v2 =	vld [tilespmem:s1+$0xFFFFFFA0];
	_ =	sdelay $0x4  }
0x13e: {  	[tilespmem:s23+$0x4590] =	vst.add.f32.msk $0xffff, v2  }
0x13f: {  	[tilespmem:s23+$0x4490] =	vst.add.f32.msk $0xffff, v2  }
0x140: {  	[tilespmem:s23+$0x4510] =	vst.add.f32.msk $0xffff, v2  }
0x141: {  	[tilespmem:s23+$0x4410] =	vst.add.f32.msk $0xffff, v2  }
0x142: {  	s30 =	simm.s32 $0x2000;
	s29 =	smov.u32 s1;
	s18 =	smov.u32 s1;
	v2 =	vld [tilespmem:s1+$0xFFFFFFB0]  }
.LBB2_8:
0x143: {  	p2 =	sne.s32 s30, $0x6000  }
0x144: {  	s29 =	sadd.s32 $0x400, s29;
	s11 =	smov.u32 s30;
	s30 =	sadd.s32 $0x2000, s30  }
0x145: {  	_ =	sdelay $0x1  }
0x146: {  	[tilespmem:s23+$0x45A0] =	vst.add.f32.msk $0xffff, v2  }
0x147: {  	[tilespmem:s23+$0x4520] =	vst.add.f32.msk $0xffff, v2  }
0x148: {  	[tilespmem:s23+$0x44A0] =	vst.add.f32.msk $0xffff, v2  }
0x149: {  	[tilespmem:s23+$0x4420] =	vst.add.f32.msk $0xffff, v2  }
0x14a: {  	v2 =	vld [tilespmem:s18+$0xFFFFFFC0];
	_ =	sdelay $0x4  }
0x14b: {  	[tilespmem:s23+$0x45B0] =	vst.add.f32.msk $0xffff, v2  }
0x14c: {  	[tilespmem:s23+$0x4530] =	vst.add.f32.msk $0xffff, v2  }
0x14d: {  	[tilespmem:s23+$0x4430] =	vst.add.f32.msk $0xffff, v2  }
0x14e: {  	[tilespmem:s23+$0x44B0] =	vst.add.f32.msk $0xffff, v2  }
0x14f: {  	v2 =	vld [tilespmem:s18+$0xFFFFFFD0];
	_ =	sdelay $0x4  }
0x150: {  	[tilespmem:s23+$0x4440] =	vst.add.f32.msk $0xffff, v2  }
0x151: {  	[tilespmem:s23+$0x44C0] =	vst.add.f32.msk $0xffff, v2  }
0x152: {  	[tilespmem:s23+$0x45C0] =	vst.add.f32.msk $0xffff, v2  }
0x153: {  	[tilespmem:s23+$0x4540] =	vst.add.f32.msk $0xffff, v2  }
0x154: {  	v2 =	vld [tilespmem:s18+$0xFFFFFFE0];
	_ =	sdelay $0x4  }
0x155: {  	[tilespmem:s23+$0x45D0] =	vst.add.f32.msk $0xffff, v2  }
0x156: {  	[tilespmem:s23+$0x4450] =	vst.add.f32.msk $0xffff, v2  }
0x157: {  	[tilespmem:s23+$0x44D0] =	vst.add.f32.msk $0xffff, v2  }
0x158: {  	[tilespmem:s23+$0x4550] =	vst.add.f32.msk $0xffff, v2  }
0x159: {  	v2 =	vld [tilespmem:s18+$0xFFFFFFF0];
	_ =	sdelay $0x4  }
0x15a: {  	[tilespmem:s23+$0x45E0] =	vst.add.f32.msk $0xffff, v2  }
0x15b: {  	[tilespmem:s23+$0x44E0] =	vst.add.f32.msk $0xffff, v2  }
0x15c: {  	[tilespmem:s23+$0x4460] =	vst.add.f32.msk $0xffff, v2  }
0x15d: {  	[tilespmem:s23+$0x4560] =	vst.add.f32.msk $0xffff, v2  }
0x15e: {  	v2 =	vld [tilespmem:s18+$0x0];
	s18 =	smov.u32 s29;
	_ =	sdelay $0x4  }
0x15f: {  	[tilespmem:s23+$0x4570] =	vst.add.f32.msk $0xffff, v2  }
0x160: {  	[tilespmem:s23+$0x4470] =	vst.add.f32.msk $0xffff, v2  }
0x161: {  	[tilespmem:s23+$0x45F0] =	vst.add.f32.msk $0xffff, v2  }
0x162: {  	[tilespmem:s23+$0x44F0] =	vst.add.f32.msk $0xffff, v2  }
0x163: {  	v2 =	vld [tilespmem:s29+$0xFFFFFD90];
	_ =	sdelay $0x2  }
0x164: {  	s11 =	sshra.s32 s11, $0x2  }
0x165: {  	s23 =	sadd.s32 s11, s24  }
0x166: {  	[tilespmem:s23+$0x4180] =	vst.add.f32.msk $0xffff, v2  }
0x167: {  	[tilespmem:s23+$0x4100] =	vst.add.f32.msk $0xffff, v2  }
0x168: {  	[tilespmem:s23+$0x4000] =	vst.add.f32.msk $0xffff, v2  }
0x169: {  	[tilespmem:s23+$0x4080] =	vst.add.f32.msk $0xffff, v2  }
0x16a: {  	v2 =	vld [tilespmem:s29+$0xFFFFFDA0];
	_ =	sdelay $0x4  }
0x16b: {  	[tilespmem:s23+$0x4190] =	vst.add.f32.msk $0xffff, v2  }
0x16c: {  	[tilespmem:s23+$0x4090] =	vst.add.f32.msk $0xffff, v2  }
0x16d: {  	[tilespmem:s23+$0x4010] =	vst.add.f32.msk $0xffff, v2  }
0x16e: {  	[tilespmem:s23+$0x4110] =	vst.add.f32.msk $0xffff, v2  }
0x16f: {  	v2 =	vld [tilespmem:s29+$0xFFFFFDB0];
	_ =	sdelay $0x4  }
0x170: {  	[tilespmem:s23+$0x41A0] =	vst.add.f32.msk $0xffff, v2  }
0x171: {  	[tilespmem:s23+$0x40A0] =	vst.add.f32.msk $0xffff, v2  }
0x172: {  	[tilespmem:s23+$0x4020] =	vst.add.f32.msk $0xffff, v2  }
0x173: {  	[tilespmem:s23+$0x4120] =	vst.add.f32.msk $0xffff, v2  }
0x174: {  	v2 =	vld [tilespmem:s29+$0xFFFFFDC0];
	_ =	sdelay $0x4  }
0x175: {  	[tilespmem:s23+$0x41B0] =	vst.add.f32.msk $0xffff, v2  }
0x176: {  	[tilespmem:s23+$0x40B0] =	vst.add.f32.msk $0xffff, v2  }
0x177: {  	[tilespmem:s23+$0x4030] =	vst.add.f32.msk $0xffff, v2  }
0x178: {  	[tilespmem:s23+$0x4130] =	vst.add.f32.msk $0xffff, v2  }
0x179: {  	v2 =	vld [tilespmem:s29+$0xFFFFFDD0];
	_ =	sdelay $0x4  }
0x17a: {  	[tilespmem:s23+$0x41C0] =	vst.add.f32.msk $0xffff, v2  }
0x17b: {  	[tilespmem:s23+$0x40C0] =	vst.add.f32.msk $0xffff, v2  }
0x17c: {  	[tilespmem:s23+$0x4040] =	vst.add.f32.msk $0xffff, v2  }
0x17d: {  	[tilespmem:s23+$0x4140] =	vst.add.f32.msk $0xffff, v2  }
0x17e: {  	v2 =	vld [tilespmem:s29+$0xFFFFFDE0];
	_ =	sdelay $0x4  }
0x17f: {  	[tilespmem:s23+$0x41D0] =	vst.add.f32.msk $0xffff, v2  }
0x180: {  	[tilespmem:s23+$0x40D0] =	vst.add.f32.msk $0xffff, v2  }
0x181: {  	[tilespmem:s23+$0x4050] =	vst.add.f32.msk $0xffff, v2  }
0x182: {  	[tilespmem:s23+$0x4150] =	vst.add.f32.msk $0xffff, v2  }
0x183: {  	v2 =	vld [tilespmem:s29+$0xFFFFFDF0];
	_ =	sdelay $0x4  }
0x184: {  	[tilespmem:s23+$0x40E0] =	vst.add.f32.msk $0xffff, v2  }
0x185: {  	[tilespmem:s23+$0x41E0] =	vst.add.f32.msk $0xffff, v2  }
0x186: {  	[tilespmem:s23+$0x4160] =	vst.add.f32.msk $0xffff, v2  }
0x187: {  	[tilespmem:s23+$0x4060] =	vst.add.f32.msk $0xffff, v2  }
0x188: {  	v2 =	vld [tilespmem:s29+$0xFFFFFE00];
	_ =	sdelay $0x4  }
0x189: {  	[tilespmem:s23+$0x41F0] =	vst.add.f32.msk $0xffff, v2  }
0x18a: {  	[tilespmem:s23+$0x40F0] =	vst.add.f32.msk $0xffff, v2  }
0x18b: {  	[tilespmem:s23+$0x4070] =	vst.add.f32.msk $0xffff, v2  }
0x18c: {  	[tilespmem:s23+$0x4170] =	vst.add.f32.msk $0xffff, v2  }
0x18d: {  	v2 =	vld [tilespmem:s29+$0xFFFFFF90];
	_ =	sdelay $0x4  }
0x18e: {  	[tilespmem:s23+$0x4580] =	vst.add.f32.msk $0xffff, v2  }
0x18f: {  	[tilespmem:s23+$0x4480] =	vst.add.f32.msk $0xffff, v2  }
0x190: {  	[tilespmem:s23+$0x4400] =	vst.add.f32.msk $0xffff, v2  }
0x191: {  	[tilespmem:s23+$0x4500] =	vst.add.f32.msk $0xffff, v2  }
0x192: {  	v2 =	vld [tilespmem:s29+$0xFFFFFFA0];
	_ =	sdelay $0x4  }
.Ltmp4:
0x193: {  	[tilespmem:s23+$0x4590] =	vst.add.f32.msk $0xffff, v2;
	(pc) =	sbr.rel @p2 .LBB2_8-.Ltmp4, $4  }
0x194: {  	[tilespmem:s23+$0x4490] =	vst.add.f32.msk $0xffff, v2  }
0x195: {  	[tilespmem:s23+$0x4510] =	vst.add.f32.msk $0xffff, v2  }
0x196: {  	[tilespmem:s23+$0x4410] =	vst.add.f32.msk $0xffff, v2  }
0x197: {  	v2 =	vld [tilespmem:s29+$0xFFFFFFB0]  }
0x198: {  	_ =	sdelay $0x3  }
0x199: {  	[tilespmem:s23+$0x45A0] =	vst.add.f32.msk $0xffff, v2  }
0x19a: {  	[tilespmem:s23+$0x4520] =	vst.add.f32.msk $0xffff, v2  }
0x19b: {  	[tilespmem:s23+$0x44A0] =	vst.add.f32.msk $0xffff, v2  }
0x19c: {  	[tilespmem:s23+$0x4420] =	vst.add.f32.msk $0xffff, v2  }
0x19d: {  	v2 =	vld [tilespmem:s18+$0xFFFFFFC0];
	_ =	sdelay $0x4  }
0x19e: {  	[tilespmem:s23+$0x45B0] =	vst.add.f32.msk $0xffff, v2  }
0x19f: {  	[tilespmem:s23+$0x4530] =	vst.add.f32.msk $0xffff, v2  }
0x1a0: {  	[tilespmem:s23+$0x4430] =	vst.add.f32.msk $0xffff, v2  }
0x1a1: {  	[tilespmem:s23+$0x44B0] =	vst.add.f32.msk $0xffff, v2  }
0x1a2: {  	v2 =	vld [tilespmem:s18+$0xFFFFFFD0];
	_ =	sdelay $0x4  }
0x1a3: {  	[tilespmem:s23+$0x4440] =	vst.add.f32.msk $0xffff, v2  }
0x1a4: {  	[tilespmem:s23+$0x44C0] =	vst.add.f32.msk $0xffff, v2  }
0x1a5: {  	[tilespmem:s23+$0x45C0] =	vst.add.f32.msk $0xffff, v2  }
0x1a6: {  	[tilespmem:s23+$0x4540] =	vst.add.f32.msk $0xffff, v2  }
0x1a7: {  	v2 =	vld [tilespmem:s18+$0xFFFFFFE0];
	_ =	sdelay $0x4  }
0x1a8: {  	[tilespmem:s23+$0x45D0] =	vst.add.f32.msk $0xffff, v2  }
0x1a9: {  	[tilespmem:s23+$0x4450] =	vst.add.f32.msk $0xffff, v2  }
0x1aa: {  	[tilespmem:s23+$0x44D0] =	vst.add.f32.msk $0xffff, v2  }
0x1ab: {  	[tilespmem:s23+$0x4550] =	vst.add.f32.msk $0xffff, v2  }
0x1ac: {  	v2 =	vld [tilespmem:s18+$0xFFFFFFF0];
	_ =	sdelay $0x4  }
0x1ad: {  	[tilespmem:s23+$0x45E0] =	vst.add.f32.msk $0xffff, v2  }
0x1ae: {  	[tilespmem:s23+$0x44E0] =	vst.add.f32.msk $0xffff, v2  }
0x1af: {  	[tilespmem:s23+$0x4460] =	vst.add.f32.msk $0xffff, v2  }
0x1b0: {  	[tilespmem:s23+$0x4560] =	vst.add.f32.msk $0xffff, v2  }
0x1b1: {  	v2 =	vld [tilespmem:s18+$0x0];
	_ =	sdelay $0x1  }
0x1b2: {  	s19 =	sadd.s32 $0x1, s19  }
0x1b3: {  	p2 =	sne.s32 s19, $0x4  }
.Ltmp5:
0x1b4: {  	_ = 	snop;
	(pc) =	sbr.rel @p2 .LBB2_7-.Ltmp5, $4  }
0x1b5: {  	[tilespmem:s23+$0x4570] =	vst.add.f32.msk $0xffff, v2  }
0x1b6: {  	[tilespmem:s23+$0x4470] =	vst.add.f32.msk $0xffff, v2  }
0x1b7: {  	[tilespmem:s23+$0x45F0] =	vst.add.f32.msk $0xffff, v2  }
0x1b8: {  	s12 =	sadd.s32 $0x1000, s12;
	p1 =	por !p1, !p1;
	s1 =	sadd.s32 $0x80, s1;
	[tilespmem:s23+$0x44F0] =	vst.add.f32.msk $0xffff, v2  }
0x1b9: {  	s1 =	sadd.s32 $0x800, s7  }
0x1ba: {  	s18 =	simm.s32 $0x4000;
	s19 =	sor.u32 $0x3, s15;
	s11 =	simm.s32 @!p0 $0xC  }
0x1bb: {  	[hbm4b:s1+s4] =	stream.linear.scatter [tilespmem:s18], [sflag:$0xA], $0x4000, $0x38;
	[tilespmem:$0x16000] =	vst v63  }
0x1bc: {  	s12 =	simm.s32 $0x0;
	s23 =	sshll.u32 s19, $0xB;
	_ =	swait.ge @!p0 [sflag:s11], $0x4000  }
0x1bd: {  	s1 =	sshll.u32 s19, $0x7;
	s7 =	sadd.s32 s6, s23;
	[sflag:s11] =	ssyncset.done @!p0 $0x0  }
0x1be: {  	s1 =	sand.u32 $0x3FFFFF80, s1;
	s24 =	sadd.s32 s17, s7;
	[sflag:s11] =	ssyncadd.s32 @!p0 $0xFFFFC000  }
0x1bf: {  	[tilespmem:s28], [sflag:$0x4] =	stream.linear.gather [hbm4b:s24+s12], $0x4000, $0x38;
	[tilespmem:$0x16000] =	vst v63  }
0x1c0: {  	v2 =	vld.msk [tilespmem:s1+$0x14000], $0xf;
	_ =	sdelay $0x4  }
0x1c1: {  	v3 =	vshll.u32 v2, $0x3  }
0x1c2: {  	v2 =	vand.u32 $0x7, v2;
	v3 =	vand.u32 $0xFFFFFFC0, v3  }
0x1c3: {  	v2 =	vor.u32 v2, v3  }
0x1c4: {  	v2 =	vperm.xlane v2, v0;
	_ =	sdelay $0x1  }
0x1c5: {  	v2 =	vadd.s32 v1, v2;
	_ =	sdelay $0x3  }
0x1c6: {  	s29 =	simm.s32 $0x13000  }
0x1c7: {  	[tilespmem:s29], [sflag:$0x8] =	stream.indirect_vreg.gather [hbm4b:s2+s12], $0x80, v2, vm0, $0xb8;
	[tilespmem:$0x16000] =	vst v63  }
0x1c8: {  	s30 =	simm.s32 $0x13800  }
0x1c9: {  	[tilespmem:s30], [sflag:$0x8] =	stream.indirect_vreg.gather [hbm4b:s9+s12], $0x80, v2, vm0, $0xb8;
	[tilespmem:$0x16000] =	vst v63  }
0x1ca: {  	_ =	swait.ge [sflag:s31], $0x4000  }
0x1cb: {  	[sflag:s31] =	ssyncset.done $0x0  }
0x1cc: {  	[sflag:s31] =	ssyncadd.s32 $0xFFFFC000  }
0x1cd: {  	_ =	swait.ge [sflag:s0], $0x1000  }
0x1ce: {  	s18 =	simm.s32 $0x12270;
	[sflag:s0] =	ssyncset.done $0x0  }
0x1cf: {  	s19 =	simm.s32 $0x0;
	p0 =	por $0x0, $0x0;
	[sflag:s0] =	ssyncadd.s32 $0xFFFFF000  }
.LBB2_11:
0x1d0: {  	s1 =	simm.s32 $0x1  }
0x1d1: {  	s11 =	sshll.u32 s12, $0x2;
	v2 =	vld [tilespmem:s18+$0xFFFFFD90];
	s1 =	simm.s32 @!p0 $0x0  }
0x1d2: {  	s11 =	sand.u32 $0xFFFF8000, s11;
	s1 =	sshll.u32 s1, $0xB  }
0x1d3: {  	s1 =	sor.u32 s1, s11  }
0x1d4: {  	s24 =	sshrl.u32 s1, $0x2  }
0x1d5: {  	s23 =	sadd.s32 $0x0, s24  }
0x1d6: {  	[tilespmem:s23+$0x8180] =	vst.add.f32.msk $0xffff, v2  }
0x1d7: {  	[tilespmem:s23+$0x8100] =	vst.add.f32.msk $0xffff, v2  }
0x1d8: {  	[tilespmem:s23+$0x8000] =	vst.add.f32.msk $0xffff, v2  }
0x1d9: {  	[tilespmem:s23+$0x8080] =	vst.add.f32.msk $0xffff, v2  }
0x1da: {  	v2 =	vld [tilespmem:s18+$0xFFFFFDA0];
	_ =	sdelay $0x4  }
0x1db: {  	[tilespmem:s23+$0x8190] =	vst.add.f32.msk $0xffff, v2  }
0x1dc: {  	[tilespmem:s23+$0x8090] =	vst.add.f32.msk $0xffff, v2  }
0x1dd: {  	[tilespmem:s23+$0x8010] =	vst.add.f32.msk $0xffff, v2  }
0x1de: {  	[tilespmem:s23+$0x8110] =	vst.add.f32.msk $0xffff, v2  }
0x1df: {  	v2 =	vld [tilespmem:s18+$0xFFFFFDB0];
	_ =	sdelay $0x4  }
0x1e0: {  	[tilespmem:s23+$0x81A0] =	vst.add.f32.msk $0xffff, v2  }
0x1e1: {  	[tilespmem:s23+$0x80A0] =	vst.add.f32.msk $0xffff, v2  }
0x1e2: {  	[tilespmem:s23+$0x8020] =	vst.add.f32.msk $0xffff, v2  }
0x1e3: {  	[tilespmem:s23+$0x8120] =	vst.add.f32.msk $0xffff, v2  }
0x1e4: {  	v2 =	vld [tilespmem:s18+$0xFFFFFDC0];
	_ =	sdelay $0x4  }
0x1e5: {  	[tilespmem:s23+$0x81B0] =	vst.add.f32.msk $0xffff, v2  }
0x1e6: {  	[tilespmem:s23+$0x80B0] =	vst.add.f32.msk $0xffff, v2  }
0x1e7: {  	[tilespmem:s23+$0x8030] =	vst.add.f32.msk $0xffff, v2  }
0x1e8: {  	[tilespmem:s23+$0x8130] =	vst.add.f32.msk $0xffff, v2  }
0x1e9: {  	v2 =	vld [tilespmem:s18+$0xFFFFFDD0];
	_ =	sdelay $0x4  }
0x1ea: {  	[tilespmem:s23+$0x81C0] =	vst.add.f32.msk $0xffff, v2  }
0x1eb: {  	[tilespmem:s23+$0x80C0] =	vst.add.f32.msk $0xffff, v2  }
0x1ec: {  	[tilespmem:s23+$0x8040] =	vst.add.f32.msk $0xffff, v2  }
0x1ed: {  	[tilespmem:s23+$0x8140] =	vst.add.f32.msk $0xffff, v2  }
0x1ee: {  	v2 =	vld [tilespmem:s18+$0xFFFFFDE0];
	_ =	sdelay $0x4  }
0x1ef: {  	[tilespmem:s23+$0x81D0] =	vst.add.f32.msk $0xffff, v2  }
0x1f0: {  	[tilespmem:s23+$0x80D0] =	vst.add.f32.msk $0xffff, v2  }
0x1f1: {  	[tilespmem:s23+$0x8050] =	vst.add.f32.msk $0xffff, v2  }
0x1f2: {  	[tilespmem:s23+$0x8150] =	vst.add.f32.msk $0xffff, v2  }
0x1f3: {  	v2 =	vld [tilespmem:s18+$0xFFFFFDF0];
	_ =	sdelay $0x4  }
0x1f4: {  	[tilespmem:s23+$0x80E0] =	vst.add.f32.msk $0xffff, v2  }
0x1f5: {  	[tilespmem:s23+$0x81E0] =	vst.add.f32.msk $0xffff, v2  }
0x1f6: {  	[tilespmem:s23+$0x8160] =	vst.add.f32.msk $0xffff, v2  }
0x1f7: {  	[tilespmem:s23+$0x8060] =	vst.add.f32.msk $0xffff, v2  }
0x1f8: {  	v2 =	vld [tilespmem:s18+$0xFFFFFE00];
	_ =	sdelay $0x4  }
0x1f9: {  	[tilespmem:s23+$0x81F0] =	vst.add.f32.msk $0xffff, v2  }
0x1fa: {  	[tilespmem:s23+$0x80F0] =	vst.add.f32.msk $0xffff, v2  }
0x1fb: {  	[tilespmem:s23+$0x8070] =	vst.add.f32.msk $0xffff, v2  }
0x1fc: {  	[tilespmem:s23+$0x8170] =	vst.add.f32.msk $0xffff, v2  }
0x1fd: {  	v2 =	vld [tilespmem:s18+$0xFFFFFF90];
	_ =	sdelay $0x4  }
0x1fe: {  	[tilespmem:s23+$0x8580] =	vst.add.f32.msk $0xffff, v2  }
0x1ff: {  	[tilespmem:s23+$0x8480] =	vst.add.f32.msk $0xffff, v2  }
0x200: {  	[tilespmem:s23+$0x8400] =	vst.add.f32.msk $0xffff, v2  }
0x201: {  	[tilespmem:s23+$0x8500] =	vst.add.f32.msk $0xffff, v2  }
0x202: {  	v2 =	vld [tilespmem:s18+$0xFFFFFFA0];
	_ =	sdelay $0x4  }
0x203: {  	[tilespmem:s23+$0x8590] =	vst.add.f32.msk $0xffff, v2  }
0x204: {  	[tilespmem:s23+$0x8490] =	vst.add.f32.msk $0xffff, v2  }
0x205: {  	[tilespmem:s23+$0x8510] =	vst.add.f32.msk $0xffff, v2  }
0x206: {  	[tilespmem:s23+$0x8410] =	vst.add.f32.msk $0xffff, v2  }
0x207: {  	s30 =	simm.s32 $0x2000;
	s29 =	smov.u32 s18;
	s1 =	smov.u32 s18;
	v2 =	vld [tilespmem:s18+$0xFFFFFFB0]  }
.LBB2_12:
0x208: {  	p1 =	sne.s32 s30, $0x6000  }
0x209: {  	s1 =	sadd.s32 $0x400, s1;
	s11 =	smov.u32 s30;
	s30 =	sadd.s32 $0x2000, s30  }
0x20a: {  	_ =	sdelay $0x1  }
0x20b: {  	[tilespmem:s23+$0x85A0] =	vst.add.f32.msk $0xffff, v2  }
0x20c: {  	[tilespmem:s23+$0x8520] =	vst.add.f32.msk $0xffff, v2  }
0x20d: {  	[tilespmem:s23+$0x84A0] =	vst.add.f32.msk $0xffff, v2  }
0x20e: {  	[tilespmem:s23+$0x8420] =	vst.add.f32.msk $0xffff, v2  }
0x20f: {  	v2 =	vld [tilespmem:s29+$0xFFFFFFC0];
	_ =	sdelay $0x4  }
0x210: {  	[tilespmem:s23+$0x85B0] =	vst.add.f32.msk $0xffff, v2  }
0x211: {  	[tilespmem:s23+$0x8530] =	vst.add.f32.msk $0xffff, v2  }
0x212: {  	[tilespmem:s23+$0x8430] =	vst.add.f32.msk $0xffff, v2  }
0x213: {  	[tilespmem:s23+$0x84B0] =	vst.add.f32.msk $0xffff, v2  }
0x214: {  	v2 =	vld [tilespmem:s29+$0xFFFFFFD0];
	_ =	sdelay $0x4  }
0x215: {  	[tilespmem:s23+$0x8440] =	vst.add.f32.msk $0xffff, v2  }
0x216: {  	[tilespmem:s23+$0x84C0] =	vst.add.f32.msk $0xffff, v2  }
0x217: {  	[tilespmem:s23+$0x85C0] =	vst.add.f32.msk $0xffff, v2  }
0x218: {  	[tilespmem:s23+$0x8540] =	vst.add.f32.msk $0xffff, v2  }
0x219: {  	v2 =	vld [tilespmem:s29+$0xFFFFFFE0];
	_ =	sdelay $0x4  }
0x21a: {  	[tilespmem:s23+$0x85D0] =	vst.add.f32.msk $0xffff, v2  }
0x21b: {  	[tilespmem:s23+$0x8450] =	vst.add.f32.msk $0xffff, v2  }
0x21c: {  	[tilespmem:s23+$0x84D0] =	vst.add.f32.msk $0xffff, v2  }
0x21d: {  	[tilespmem:s23+$0x8550] =	vst.add.f32.msk $0xffff, v2  }
0x21e: {  	v2 =	vld [tilespmem:s29+$0xFFFFFFF0];
	_ =	sdelay $0x4  }
0x21f: {  	[tilespmem:s23+$0x85E0] =	vst.add.f32.msk $0xffff, v2  }
0x220: {  	[tilespmem:s23+$0x84E0] =	vst.add.f32.msk $0xffff, v2  }
0x221: {  	[tilespmem:s23+$0x8460] =	vst.add.f32.msk $0xffff, v2  }
0x222: {  	[tilespmem:s23+$0x8560] =	vst.add.f32.msk $0xffff, v2  }
0x223: {  	v2 =	vld [tilespmem:s29+$0x0];
	s29 =	smov.u32 s1;
	_ =	sdelay $0x4  }
0x224: {  	[tilespmem:s23+$0x8570] =	vst.add.f32.msk $0xffff, v2  }
0x225: {  	[tilespmem:s23+$0x8470] =	vst.add.f32.msk $0xffff, v2  }
0x226: {  	[tilespmem:s23+$0x85F0] =	vst.add.f32.msk $0xffff, v2  }
0x227: {  	[tilespmem:s23+$0x84F0] =	vst.add.f32.msk $0xffff, v2  }
0x228: {  	v2 =	vld [tilespmem:s1+$0xFFFFFD90];
	_ =	sdelay $0x2  }
0x229: {  	s11 =	sshra.s32 s11, $0x2  }
0x22a: {  	s23 =	sadd.s32 s11, s24  }
0x22b: {  	[tilespmem:s23+$0x8180] =	vst.add.f32.msk $0xffff, v2  }
0x22c: {  	[tilespmem:s23+$0x8100] =	vst.add.f32.msk $0xffff, v2  }
0x22d: {  	[tilespmem:s23+$0x8000] =	vst.add.f32.msk $0xffff, v2  }
0x22e: {  	[tilespmem:s23+$0x8080] =	vst.add.f32.msk $0xffff, v2  }
0x22f: {  	v2 =	vld [tilespmem:s1+$0xFFFFFDA0];
	_ =	sdelay $0x4  }
0x230: {  	[tilespmem:s23+$0x8190] =	vst.add.f32.msk $0xffff, v2  }
0x231: {  	[tilespmem:s23+$0x8090] =	vst.add.f32.msk $0xffff, v2  }
0x232: {  	[tilespmem:s23+$0x8010] =	vst.add.f32.msk $0xffff, v2  }
0x233: {  	[tilespmem:s23+$0x8110] =	vst.add.f32.msk $0xffff, v2  }
0x234: {  	v2 =	vld [tilespmem:s1+$0xFFFFFDB0];
	_ =	sdelay $0x4  }
0x235: {  	[tilespmem:s23+$0x81A0] =	vst.add.f32.msk $0xffff, v2  }
0x236: {  	[tilespmem:s23+$0x80A0] =	vst.add.f32.msk $0xffff, v2  }
0x237: {  	[tilespmem:s23+$0x8020] =	vst.add.f32.msk $0xffff, v2  }
0x238: {  	[tilespmem:s23+$0x8120] =	vst.add.f32.msk $0xffff, v2  }
0x239: {  	v2 =	vld [tilespmem:s1+$0xFFFFFDC0];
	_ =	sdelay $0x4  }
0x23a: {  	[tilespmem:s23+$0x81B0] =	vst.add.f32.msk $0xffff, v2  }
0x23b: {  	[tilespmem:s23+$0x80B0] =	vst.add.f32.msk $0xffff, v2  }
0x23c: {  	[tilespmem:s23+$0x8030] =	vst.add.f32.msk $0xffff, v2  }
0x23d: {  	[tilespmem:s23+$0x8130] =	vst.add.f32.msk $0xffff, v2  }
0x23e: {  	v2 =	vld [tilespmem:s1+$0xFFFFFDD0];
	_ =	sdelay $0x4  }
0x23f: {  	[tilespmem:s23+$0x81C0] =	vst.add.f32.msk $0xffff, v2  }
0x240: {  	[tilespmem:s23+$0x80C0] =	vst.add.f32.msk $0xffff, v2  }
0x241: {  	[tilespmem:s23+$0x8040] =	vst.add.f32.msk $0xffff, v2  }
0x242: {  	[tilespmem:s23+$0x8140] =	vst.add.f32.msk $0xffff, v2  }
0x243: {  	v2 =	vld [tilespmem:s1+$0xFFFFFDE0];
	_ =	sdelay $0x4  }
0x244: {  	[tilespmem:s23+$0x81D0] =	vst.add.f32.msk $0xffff, v2  }
0x245: {  	[tilespmem:s23+$0x80D0] =	vst.add.f32.msk $0xffff, v2  }
0x246: {  	[tilespmem:s23+$0x8050] =	vst.add.f32.msk $0xffff, v2  }
0x247: {  	[tilespmem:s23+$0x8150] =	vst.add.f32.msk $0xffff, v2  }
0x248: {  	v2 =	vld [tilespmem:s1+$0xFFFFFDF0];
	_ =	sdelay $0x4  }
0x249: {  	[tilespmem:s23+$0x80E0] =	vst.add.f32.msk $0xffff, v2  }
0x24a: {  	[tilespmem:s23+$0x81E0] =	vst.add.f32.msk $0xffff, v2  }
0x24b: {  	[tilespmem:s23+$0x8160] =	vst.add.f32.msk $0xffff, v2  }
0x24c: {  	[tilespmem:s23+$0x8060] =	vst.add.f32.msk $0xffff, v2  }
0x24d: {  	v2 =	vld [tilespmem:s1+$0xFFFFFE00];
	_ =	sdelay $0x4  }
0x24e: {  	[tilespmem:s23+$0x81F0] =	vst.add.f32.msk $0xffff, v2  }
0x24f: {  	[tilespmem:s23+$0x80F0] =	vst.add.f32.msk $0xffff, v2  }
0x250: {  	[tilespmem:s23+$0x8070] =	vst.add.f32.msk $0xffff, v2  }
0x251: {  	[tilespmem:s23+$0x8170] =	vst.add.f32.msk $0xffff, v2  }
0x252: {  	v2 =	vld [tilespmem:s1+$0xFFFFFF90];
	_ =	sdelay $0x4  }
0x253: {  	[tilespmem:s23+$0x8580] =	vst.add.f32.msk $0xffff, v2  }
0x254: {  	[tilespmem:s23+$0x8480] =	vst.add.f32.msk $0xffff, v2  }
0x255: {  	[tilespmem:s23+$0x8400] =	vst.add.f32.msk $0xffff, v2  }
0x256: {  	[tilespmem:s23+$0x8500] =	vst.add.f32.msk $0xffff, v2  }
0x257: {  	v2 =	vld [tilespmem:s1+$0xFFFFFFA0];
	_ =	sdelay $0x4  }
.Ltmp6:
0x258: {  	[tilespmem:s23+$0x8590] =	vst.add.f32.msk $0xffff, v2;
	(pc) =	sbr.rel @p1 .LBB2_12-.Ltmp6, $4  }
0x259: {  	[tilespmem:s23+$0x8490] =	vst.add.f32.msk $0xffff, v2  }
0x25a: {  	[tilespmem:s23+$0x8510] =	vst.add.f32.msk $0xffff, v2  }
0x25b: {  	[tilespmem:s23+$0x8410] =	vst.add.f32.msk $0xffff, v2  }
0x25c: {  	v2 =	vld [tilespmem:s1+$0xFFFFFFB0]  }
0x25d: {  	_ =	sdelay $0x3  }
0x25e: {  	[tilespmem:s23+$0x85A0] =	vst.add.f32.msk $0xffff, v2  }
0x25f: {  	[tilespmem:s23+$0x8520] =	vst.add.f32.msk $0xffff, v2  }
0x260: {  	[tilespmem:s23+$0x84A0] =	vst.add.f32.msk $0xffff, v2  }
0x261: {  	[tilespmem:s23+$0x8420] =	vst.add.f32.msk $0xffff, v2  }
0x262: {  	v2 =	vld [tilespmem:s29+$0xFFFFFFC0];
	_ =	sdelay $0x4  }
0x263: {  	[tilespmem:s23+$0x85B0] =	vst.add.f32.msk $0xffff, v2  }
0x264: {  	[tilespmem:s23+$0x8530] =	vst.add.f32.msk $0xffff, v2  }
0x265: {  	[tilespmem:s23+$0x8430] =	vst.add.f32.msk $0xffff, v2  }
0x266: {  	[tilespmem:s23+$0x84B0] =	vst.add.f32.msk $0xffff, v2  }
0x267: {  	v2 =	vld [tilespmem:s29+$0xFFFFFFD0];
	_ =	sdelay $0x4  }
0x268: {  	[tilespmem:s23+$0x8440] =	vst.add.f32.msk $0xffff, v2  }
0x269: {  	[tilespmem:s23+$0x84C0] =	vst.add.f32.msk $0xffff, v2  }
0x26a: {  	[tilespmem:s23+$0x85C0] =	vst.add.f32.msk $0xffff, v2  }
0x26b: {  	[tilespmem:s23+$0x8540] =	vst.add.f32.msk $0xffff, v2  }
0x26c: {  	v2 =	vld [tilespmem:s29+$0xFFFFFFE0];
	_ =	sdelay $0x4  }
0x26d: {  	[tilespmem:s23+$0x85D0] =	vst.add.f32.msk $0xffff, v2  }
0x26e: {  	[tilespmem:s23+$0x8450] =	vst.add.f32.msk $0xffff, v2  }
0x26f: {  	[tilespmem:s23+$0x84D0] =	vst.add.f32.msk $0xffff, v2  }
0x270: {  	[tilespmem:s23+$0x8550] =	vst.add.f32.msk $0xffff, v2  }
0x271: {  	v2 =	vld [tilespmem:s29+$0xFFFFFFF0];
	_ =	sdelay $0x4  }
0x272: {  	[tilespmem:s23+$0x85E0] =	vst.add.f32.msk $0xffff, v2  }
0x273: {  	[tilespmem:s23+$0x84E0] =	vst.add.f32.msk $0xffff, v2  }
0x274: {  	[tilespmem:s23+$0x8460] =	vst.add.f32.msk $0xffff, v2  }
0x275: {  	[tilespmem:s23+$0x8560] =	vst.add.f32.msk $0xffff, v2  }
0x276: {  	v2 =	vld [tilespmem:s29+$0x0];
	_ =	sdelay $0x1  }
0x277: {  	s19 =	sadd.s32 $0x1, s19  }
0x278: {  	p1 =	sne.s32 s19, $0x4  }
.Ltmp7:
0x279: {  	_ = 	snop;
	(pc) =	sbr.rel @p1 .LBB2_11-.Ltmp7, $4  }
0x27a: {  	[tilespmem:s23+$0x8570] =	vst.add.f32.msk $0xffff, v2  }
0x27b: {  	[tilespmem:s23+$0x8470] =	vst.add.f32.msk $0xffff, v2  }
0x27c: {  	[tilespmem:s23+$0x85F0] =	vst.add.f32.msk $0xffff, v2  }
0x27d: {  	s12 =	sadd.s32 $0x1000, s12;
	p0 =	por !p0, !p0;
	s18 =	sadd.s32 $0x80, s18;
	[tilespmem:s23+$0x84F0] =	vst.add.f32.msk $0xffff, v2  }
0x27e: {  	s1 =	sadd.s32 s5, s10;
	p0 =	seq.s32 s14, $0xF  }
0x27f: {  	[hbm4b:s1+s4] =	stream.linear.scatter [tilespmem:s22], [sflag:$0xB], $0x4000, $0x38;
	[tilespmem:$0x16000] =	vst v63  }
0x280: {  	s1 =	simm.s32 @!p0 $0x9  }
0x281: {  	s10 =	sadd.s32 @!p0 $0x4, s15;
	_ =	swait.ge @!p0 [sflag:s1], $0x4000  }
0x282: {  	s11 =	sshll.u32 @!p0 s10, $0xB;
	[sflag:s1] =	ssyncset.done @!p0 $0x0  }
0x283: {  	[sflag:s1] =	ssyncadd.s32 @!p0 $0xFFFFC000;
	s1 =	sadd.s32 @!p0 s11, s8;
	s11 =	simm.s32 @!p0 $0x0  }
0x284: {  	[tilespmem:s11], [sflag:$0x1] =	stream.linear.gather @!p0 [hbm4b:s1+s11], $0x4000, $0x38;
	[tilespmem:$0x16000] =	vst v63  }
0x285: {  	s1 =	sshll.u32 @!p0 s10, $0x7  }
0x286: {  	s1 =	sand.u32 @!p0 $0x3FFFFF80, s1  }
0x287: {  	v2 =	vld.msk @!p0 [tilespmem:s1+$0x14000], $0xf;
	_ =	sdelay $0x4  }
0x288: {  	v3 =	vshll.u32 @!p0 v2, $0x3  }
0x289: {  	v4 =	vlaneseq.u32 @!p0;
	v2 =	vand.u32 @!p0 $0x7, v2;
	v3 =	vand.u32 @!p0 $0xFFFFFFC0, v3  }
0x28a: {  	v2 =	vor.u32 @!p0 v2, v3;
	v3 =	vand.u32 @!p0 $0x3, v4;
	v4 =	vshrl.u32 @!p0 v4, $0x2  }
0x28b: {  	v2 =	vperm.xlane @!p0 v2, v3;
	v3 =	vmul.u32 @!p0 $0x8, v4;
	_ =	sdelay $0x1  }
0x28c: {  	v2 =	vadd.s32 @!p0 v3, v2;
	_ =	sdelay $0x3  }
0x28d: {  	vm1 =	vmmov @!p0 $0xffff;
	s1 =	simm.s32 @!p0 $0x10000  }
0x28e: {  	[tilespmem:s1], [sflag:$0x5] =	stream.indirect_vreg.gather @!p0 [hbm4b:s2+s11], $0x80, v2, vm1, $0xb8;
	[tilespmem:$0x16000] =	vst v63  }
0x28f: {  	s1 =	simm.s32 @!p0 $0x10800  }
0x290: {  	[tilespmem:s1], [sflag:$0x5] =	stream.indirect_vreg.gather @!p0 [hbm4b:s9+s11], $0x80, v2, vm1, $0xb8;
	[tilespmem:$0x16000] =	vst v63  }
0x291: {  	_ =	swait.ge [sflag:s3], $0x4000  }
0x292: {  	[sflag:s3] =	ssyncset.done $0x0  }
0x293: {  	[sflag:s3] =	ssyncadd.s32 $0xFFFFC000  }
0x294: {  	_ =	swait.ge [sflag:s13], $0x1000  }
0x295: {  	p1 =	por $0x0, $0x0;
	s12 =	simm.s32 $0x13270;
	[sflag:s13] =	ssyncset.done $0x0  }
0x296: {  	s18 =	simm.s32 $0x0;
	s10 =	simm.s32 $0x0;
	[sflag:s13] =	ssyncadd.s32 $0xFFFFF000  }
.LBB2_15:
0x297: {  	s1 =	simm.s32 $0x1  }
0x298: {  	s11 =	sshll.u32 s10, $0x2;
	v2 =	vld [tilespmem:s12+$0xFFFFFD90];
	s1 =	simm.s32 @!p1 $0x0  }
0x299: {  	s11 =	sand.u32 $0xFFFF8000, s11;
	s1 =	sshll.u32 s1, $0xB  }
0x29a: {  	s1 =	sor.u32 s1, s11  }
0x29b: {  	s23 =	sshrl.u32 s1, $0x2  }
0x29c: {  	s19 =	sadd.s32 $0x0, s23  }
0x29d: {  	[tilespmem:s19+$0xC180] =	vst.add.f32.msk $0xffff, v2  }
0x29e: {  	[tilespmem:s19+$0xC100] =	vst.add.f32.msk $0xffff, v2  }
0x29f: {  	[tilespmem:s19+$0xC000] =	vst.add.f32.msk $0xffff, v2  }
0x2a0: {  	[tilespmem:s19+$0xC080] =	vst.add.f32.msk $0xffff, v2  }
0x2a1: {  	v2 =	vld [tilespmem:s12+$0xFFFFFDA0];
	_ =	sdelay $0x4  }
0x2a2: {  	[tilespmem:s19+$0xC190] =	vst.add.f32.msk $0xffff, v2  }
0x2a3: {  	[tilespmem:s19+$0xC090] =	vst.add.f32.msk $0xffff, v2  }
0x2a4: {  	[tilespmem:s19+$0xC010] =	vst.add.f32.msk $0xffff, v2  }
0x2a5: {  	[tilespmem:s19+$0xC110] =	vst.add.f32.msk $0xffff, v2  }
0x2a6: {  	v2 =	vld [tilespmem:s12+$0xFFFFFDB0];
	_ =	sdelay $0x4  }
0x2a7: {  	[tilespmem:s19+$0xC1A0] =	vst.add.f32.msk $0xffff, v2  }
0x2a8: {  	[tilespmem:s19+$0xC0A0] =	vst.add.f32.msk $0xffff, v2  }
0x2a9: {  	[tilespmem:s19+$0xC020] =	vst.add.f32.msk $0xffff, v2  }
0x2aa: {  	[tilespmem:s19+$0xC120] =	vst.add.f32.msk $0xffff, v2  }
0x2ab: {  	v2 =	vld [tilespmem:s12+$0xFFFFFDC0];
	_ =	sdelay $0x4  }
0x2ac: {  	[tilespmem:s19+$0xC1B0] =	vst.add.f32.msk $0xffff, v2  }
0x2ad: {  	[tilespmem:s19+$0xC0B0] =	vst.add.f32.msk $0xffff, v2  }
0x2ae: {  	[tilespmem:s19+$0xC030] =	vst.add.f32.msk $0xffff, v2  }
0x2af: {  	[tilespmem:s19+$0xC130] =	vst.add.f32.msk $0xffff, v2  }
0x2b0: {  	v2 =	vld [tilespmem:s12+$0xFFFFFDD0];
	_ =	sdelay $0x4  }
0x2b1: {  	[tilespmem:s19+$0xC1C0] =	vst.add.f32.msk $0xffff, v2  }
0x2b2: {  	[tilespmem:s19+$0xC0C0] =	vst.add.f32.msk $0xffff, v2  }
0x2b3: {  	[tilespmem:s19+$0xC040] =	vst.add.f32.msk $0xffff, v2  }
0x2b4: {  	[tilespmem:s19+$0xC140] =	vst.add.f32.msk $0xffff, v2  }
0x2b5: {  	v2 =	vld [tilespmem:s12+$0xFFFFFDE0];
	_ =	sdelay $0x4  }
0x2b6: {  	[tilespmem:s19+$0xC1D0] =	vst.add.f32.msk $0xffff, v2  }
0x2b7: {  	[tilespmem:s19+$0xC0D0] =	vst.add.f32.msk $0xffff, v2  }
0x2b8: {  	[tilespmem:s19+$0xC050] =	vst.add.f32.msk $0xffff, v2  }
0x2b9: {  	[tilespmem:s19+$0xC150] =	vst.add.f32.msk $0xffff, v2  }
0x2ba: {  	v2 =	vld [tilespmem:s12+$0xFFFFFDF0];
	_ =	sdelay $0x4  }
0x2bb: {  	[tilespmem:s19+$0xC0E0] =	vst.add.f32.msk $0xffff, v2  }
0x2bc: {  	[tilespmem:s19+$0xC1E0] =	vst.add.f32.msk $0xffff, v2  }
0x2bd: {  	[tilespmem:s19+$0xC160] =	vst.add.f32.msk $0xffff, v2  }
0x2be: {  	[tilespmem:s19+$0xC060] =	vst.add.f32.msk $0xffff, v2  }
0x2bf: {  	v2 =	vld [tilespmem:s12+$0xFFFFFE00];
	_ =	sdelay $0x4  }
0x2c0: {  	[tilespmem:s19+$0xC1F0] =	vst.add.f32.msk $0xffff, v2  }
0x2c1: {  	[tilespmem:s19+$0xC0F0] =	vst.add.f32.msk $0xffff, v2  }
0x2c2: {  	[tilespmem:s19+$0xC070] =	vst.add.f32.msk $0xffff, v2  }
0x2c3: {  	[tilespmem:s19+$0xC170] =	vst.add.f32.msk $0xffff, v2  }
0x2c4: {  	v2 =	vld [tilespmem:s12+$0xFFFFFF90];
	_ =	sdelay $0x4  }
0x2c5: {  	[tilespmem:s19+$0xC580] =	vst.add.f32.msk $0xffff, v2  }
0x2c6: {  	[tilespmem:s19+$0xC480] =	vst.add.f32.msk $0xffff, v2  }
0x2c7: {  	[tilespmem:s19+$0xC400] =	vst.add.f32.msk $0xffff, v2  }
0x2c8: {  	[tilespmem:s19+$0xC500] =	vst.add.f32.msk $0xffff, v2  }
0x2c9: {  	v2 =	vld [tilespmem:s12+$0xFFFFFFA0];
	_ =	sdelay $0x4  }
0x2ca: {  	[tilespmem:s19+$0xC590] =	vst.add.f32.msk $0xffff, v2  }
0x2cb: {  	[tilespmem:s19+$0xC490] =	vst.add.f32.msk $0xffff, v2  }
0x2cc: {  	[tilespmem:s19+$0xC510] =	vst.add.f32.msk $0xffff, v2  }
0x2cd: {  	[tilespmem:s19+$0xC410] =	vst.add.f32.msk $0xffff, v2  }
0x2ce: {  	s29 =	simm.s32 $0x2000;
	s24 =	smov.u32 s12;
	s1 =	smov.u32 s12;
	v2 =	vld [tilespmem:s12+$0xFFFFFFB0]  }
.LBB2_16:
0x2cf: {  	p2 =	sne.s32 s29, $0x6000  }
0x2d0: {  	s1 =	sadd.s32 $0x400, s1;
	s11 =	smov.u32 s29;
	s29 =	sadd.s32 $0x2000, s29  }
0x2d1: {  	_ =	sdelay $0x1  }
0x2d2: {  	[tilespmem:s19+$0xC5A0] =	vst.add.f32.msk $0xffff, v2  }
0x2d3: {  	[tilespmem:s19+$0xC520] =	vst.add.f32.msk $0xffff, v2  }
0x2d4: {  	[tilespmem:s19+$0xC4A0] =	vst.add.f32.msk $0xffff, v2  }
0x2d5: {  	[tilespmem:s19+$0xC420] =	vst.add.f32.msk $0xffff, v2  }
0x2d6: {  	v2 =	vld [tilespmem:s24+$0xFFFFFFC0];
	_ =	sdelay $0x4  }
0x2d7: {  	[tilespmem:s19+$0xC5B0] =	vst.add.f32.msk $0xffff, v2  }
0x2d8: {  	[tilespmem:s19+$0xC530] =	vst.add.f32.msk $0xffff, v2  }
0x2d9: {  	[tilespmem:s19+$0xC430] =	vst.add.f32.msk $0xffff, v2  }
0x2da: {  	[tilespmem:s19+$0xC4B0] =	vst.add.f32.msk $0xffff, v2  }
0x2db: {  	v2 =	vld [tilespmem:s24+$0xFFFFFFD0];
	_ =	sdelay $0x4  }
0x2dc: {  	[tilespmem:s19+$0xC440] =	vst.add.f32.msk $0xffff, v2  }
0x2dd: {  	[tilespmem:s19+$0xC4C0] =	vst.add.f32.msk $0xffff, v2  }
0x2de: {  	[tilespmem:s19+$0xC5C0] =	vst.add.f32.msk $0xffff, v2  }
0x2df: {  	[tilespmem:s19+$0xC540] =	vst.add.f32.msk $0xffff, v2  }
0x2e0: {  	v2 =	vld [tilespmem:s24+$0xFFFFFFE0];
	_ =	sdelay $0x4  }
0x2e1: {  	[tilespmem:s19+$0xC5D0] =	vst.add.f32.msk $0xffff, v2  }
0x2e2: {  	[tilespmem:s19+$0xC450] =	vst.add.f32.msk $0xffff, v2  }
0x2e3: {  	[tilespmem:s19+$0xC4D0] =	vst.add.f32.msk $0xffff, v2  }
0x2e4: {  	[tilespmem:s19+$0xC550] =	vst.add.f32.msk $0xffff, v2  }
0x2e5: {  	v2 =	vld [tilespmem:s24+$0xFFFFFFF0];
	_ =	sdelay $0x4  }
0x2e6: {  	[tilespmem:s19+$0xC5E0] =	vst.add.f32.msk $0xffff, v2  }
0x2e7: {  	[tilespmem:s19+$0xC4E0] =	vst.add.f32.msk $0xffff, v2  }
0x2e8: {  	[tilespmem:s19+$0xC460] =	vst.add.f32.msk $0xffff, v2  }
0x2e9: {  	[tilespmem:s19+$0xC560] =	vst.add.f32.msk $0xffff, v2  }
0x2ea: {  	v2 =	vld [tilespmem:s24+$0x0];
	s24 =	smov.u32 s1;
	_ =	sdelay $0x4  }
0x2eb: {  	[tilespmem:s19+$0xC570] =	vst.add.f32.msk $0xffff, v2  }
0x2ec: {  	[tilespmem:s19+$0xC470] =	vst.add.f32.msk $0xffff, v2  }
0x2ed: {  	[tilespmem:s19+$0xC5F0] =	vst.add.f32.msk $0xffff, v2  }
0x2ee: {  	[tilespmem:s19+$0xC4F0] =	vst.add.f32.msk $0xffff, v2  }
0x2ef: {  	v2 =	vld [tilespmem:s1+$0xFFFFFD90];
	_ =	sdelay $0x2  }
0x2f0: {  	s11 =	sshra.s32 s11, $0x2  }
0x2f1: {  	s19 =	sadd.s32 s11, s23  }
0x2f2: {  	[tilespmem:s19+$0xC180] =	vst.add.f32.msk $0xffff, v2  }
0x2f3: {  	[tilespmem:s19+$0xC100] =	vst.add.f32.msk $0xffff, v2  }
0x2f4: {  	[tilespmem:s19+$0xC000] =	vst.add.f32.msk $0xffff, v2  }
0x2f5: {  	[tilespmem:s19+$0xC080] =	vst.add.f32.msk $0xffff, v2  }
0x2f6: {  	v2 =	vld [tilespmem:s1+$0xFFFFFDA0];
	_ =	sdelay $0x4  }
0x2f7: {  	[tilespmem:s19+$0xC190] =	vst.add.f32.msk $0xffff, v2  }
0x2f8: {  	[tilespmem:s19+$0xC090] =	vst.add.f32.msk $0xffff, v2  }
0x2f9: {  	[tilespmem:s19+$0xC010] =	vst.add.f32.msk $0xffff, v2  }
0x2fa: {  	[tilespmem:s19+$0xC110] =	vst.add.f32.msk $0xffff, v2  }
0x2fb: {  	v2 =	vld [tilespmem:s1+$0xFFFFFDB0];
	_ =	sdelay $0x4  }
0x2fc: {  	[tilespmem:s19+$0xC1A0] =	vst.add.f32.msk $0xffff, v2  }
0x2fd: {  	[tilespmem:s19+$0xC0A0] =	vst.add.f32.msk $0xffff, v2  }
0x2fe: {  	[tilespmem:s19+$0xC020] =	vst.add.f32.msk $0xffff, v2  }
0x2ff: {  	[tilespmem:s19+$0xC120] =	vst.add.f32.msk $0xffff, v2  }
0x300: {  	v2 =	vld [tilespmem:s1+$0xFFFFFDC0];
	_ =	sdelay $0x4  }
0x301: {  	[tilespmem:s19+$0xC1B0] =	vst.add.f32.msk $0xffff, v2  }
0x302: {  	[tilespmem:s19+$0xC0B0] =	vst.add.f32.msk $0xffff, v2  }
0x303: {  	[tilespmem:s19+$0xC030] =	vst.add.f32.msk $0xffff, v2  }
0x304: {  	[tilespmem:s19+$0xC130] =	vst.add.f32.msk $0xffff, v2  }
0x305: {  	v2 =	vld [tilespmem:s1+$0xFFFFFDD0];
	_ =	sdelay $0x4  }
0x306: {  	[tilespmem:s19+$0xC1C0] =	vst.add.f32.msk $0xffff, v2  }
0x307: {  	[tilespmem:s19+$0xC0C0] =	vst.add.f32.msk $0xffff, v2  }
0x308: {  	[tilespmem:s19+$0xC040] =	vst.add.f32.msk $0xffff, v2  }
0x309: {  	[tilespmem:s19+$0xC140] =	vst.add.f32.msk $0xffff, v2  }
0x30a: {  	v2 =	vld [tilespmem:s1+$0xFFFFFDE0];
	_ =	sdelay $0x4  }
0x30b: {  	[tilespmem:s19+$0xC1D0] =	vst.add.f32.msk $0xffff, v2  }
0x30c: {  	[tilespmem:s19+$0xC0D0] =	vst.add.f32.msk $0xffff, v2  }
0x30d: {  	[tilespmem:s19+$0xC050] =	vst.add.f32.msk $0xffff, v2  }
0x30e: {  	[tilespmem:s19+$0xC150] =	vst.add.f32.msk $0xffff, v2  }
0x30f: {  	v2 =	vld [tilespmem:s1+$0xFFFFFDF0];
	_ =	sdelay $0x4  }
0x310: {  	[tilespmem:s19+$0xC0E0] =	vst.add.f32.msk $0xffff, v2  }
0x311: {  	[tilespmem:s19+$0xC1E0] =	vst.add.f32.msk $0xffff, v2  }
0x312: {  	[tilespmem:s19+$0xC160] =	vst.add.f32.msk $0xffff, v2  }
0x313: {  	[tilespmem:s19+$0xC060] =	vst.add.f32.msk $0xffff, v2  }
0x314: {  	v2 =	vld [tilespmem:s1+$0xFFFFFE00];
	_ =	sdelay $0x4  }
0x315: {  	[tilespmem:s19+$0xC1F0] =	vst.add.f32.msk $0xffff, v2  }
0x316: {  	[tilespmem:s19+$0xC0F0] =	vst.add.f32.msk $0xffff, v2  }
0x317: {  	[tilespmem:s19+$0xC070] =	vst.add.f32.msk $0xffff, v2  }
0x318: {  	[tilespmem:s19+$0xC170] =	vst.add.f32.msk $0xffff, v2  }
0x319: {  	v2 =	vld [tilespmem:s1+$0xFFFFFF90];
	_ =	sdelay $0x4  }
0x31a: {  	[tilespmem:s19+$0xC580] =	vst.add.f32.msk $0xffff, v2  }
0x31b: {  	[tilespmem:s19+$0xC480] =	vst.add.f32.msk $0xffff, v2  }
0x31c: {  	[tilespmem:s19+$0xC400] =	vst.add.f32.msk $0xffff, v2  }
0x31d: {  	[tilespmem:s19+$0xC500] =	vst.add.f32.msk $0xffff, v2  }
0x31e: {  	v2 =	vld [tilespmem:s1+$0xFFFFFFA0];
	_ =	sdelay $0x4  }
.Ltmp8:
0x31f: {  	[tilespmem:s19+$0xC590] =	vst.add.f32.msk $0xffff, v2;
	(pc) =	sbr.rel @p2 .LBB2_16-.Ltmp8, $4  }
0x320: {  	[tilespmem:s19+$0xC490] =	vst.add.f32.msk $0xffff, v2  }
0x321: {  	[tilespmem:s19+$0xC510] =	vst.add.f32.msk $0xffff, v2  }
0x322: {  	[tilespmem:s19+$0xC410] =	vst.add.f32.msk $0xffff, v2  }
0x323: {  	v2 =	vld [tilespmem:s1+$0xFFFFFFB0]  }
0x324: {  	_ =	sdelay $0x3  }
0x325: {  	[tilespmem:s19+$0xC5A0] =	vst.add.f32.msk $0xffff, v2  }
0x326: {  	[tilespmem:s19+$0xC520] =	vst.add.f32.msk $0xffff, v2  }
0x327: {  	[tilespmem:s19+$0xC4A0] =	vst.add.f32.msk $0xffff, v2  }
0x328: {  	[tilespmem:s19+$0xC420] =	vst.add.f32.msk $0xffff, v2  }
0x329: {  	v2 =	vld [tilespmem:s24+$0xFFFFFFC0];
	_ =	sdelay $0x4  }
0x32a: {  	[tilespmem:s19+$0xC5B0] =	vst.add.f32.msk $0xffff, v2  }
0x32b: {  	[tilespmem:s19+$0xC530] =	vst.add.f32.msk $0xffff, v2  }
0x32c: {  	[tilespmem:s19+$0xC430] =	vst.add.f32.msk $0xffff, v2  }
0x32d: {  	[tilespmem:s19+$0xC4B0] =	vst.add.f32.msk $0xffff, v2  }
0x32e: {  	v2 =	vld [tilespmem:s24+$0xFFFFFFD0];
	_ =	sdelay $0x4  }
0x32f: {  	[tilespmem:s19+$0xC440] =	vst.add.f32.msk $0xffff, v2  }
0x330: {  	[tilespmem:s19+$0xC4C0] =	vst.add.f32.msk $0xffff, v2  }
0x331: {  	[tilespmem:s19+$0xC5C0] =	vst.add.f32.msk $0xffff, v2  }
0x332: {  	[tilespmem:s19+$0xC540] =	vst.add.f32.msk $0xffff, v2  }
0x333: {  	v2 =	vld [tilespmem:s24+$0xFFFFFFE0];
	_ =	sdelay $0x4  }
0x334: {  	[tilespmem:s19+$0xC5D0] =	vst.add.f32.msk $0xffff, v2  }
0x335: {  	[tilespmem:s19+$0xC450] =	vst.add.f32.msk $0xffff, v2  }
0x336: {  	[tilespmem:s19+$0xC4D0] =	vst.add.f32.msk $0xffff, v2  }
0x337: {  	[tilespmem:s19+$0xC550] =	vst.add.f32.msk $0xffff, v2  }
0x338: {  	v2 =	vld [tilespmem:s24+$0xFFFFFFF0];
	_ =	sdelay $0x4  }
0x339: {  	[tilespmem:s19+$0xC5E0] =	vst.add.f32.msk $0xffff, v2  }
0x33a: {  	[tilespmem:s19+$0xC4E0] =	vst.add.f32.msk $0xffff, v2  }
0x33b: {  	[tilespmem:s19+$0xC460] =	vst.add.f32.msk $0xffff, v2  }
0x33c: {  	[tilespmem:s19+$0xC560] =	vst.add.f32.msk $0xffff, v2  }
0x33d: {  	v2 =	vld [tilespmem:s24+$0x0];
	_ =	sdelay $0x1  }
0x33e: {  	s18 =	sadd.s32 $0x1, s18  }
0x33f: {  	p2 =	sne.s32 s18, $0x4  }
.Ltmp9:
0x340: {  	_ = 	snop;
	(pc) =	sbr.rel @p2 .LBB2_15-.Ltmp9, $4  }
0x341: {  	[tilespmem:s19+$0xC570] =	vst.add.f32.msk $0xffff, v2  }
0x342: {  	[tilespmem:s19+$0xC470] =	vst.add.f32.msk $0xffff, v2  }
0x343: {  	[tilespmem:s19+$0xC5F0] =	vst.add.f32.msk $0xffff, v2  }
0x344: {  	s10 =	sadd.s32 $0x1000, s10;
	p1 =	por !p1, !p1;
	s12 =	sadd.s32 $0x80, s12;
	[tilespmem:s19+$0xC4F0] =	vst.add.f32.msk $0xffff, v2  }
.Ltmp10:
0x345: {  	(pc) =	sbr.rel @p0 .LBB2_20-.Ltmp10, $3  }
0x346: {  	_ =	sdelay $0x1  }
0x347: {  	s1 =	sadd.s32 s5, s7  }
0x348: {  	[hbm4b:s1+s4] =	stream.linear.scatter [tilespmem:s28], [sflag:$0xC], $0x4000, $0x38;
	[tilespmem:$0x16000] =	vst v63  }
0x349: {  	s1 =	sadd.s32 $0x5, s15;
	_ =	swait.ge [sflag:s16], $0x4000;
	s10 =	simm.s32 $0x4000  }
0x34a: {  	[sflag:s16] =	ssyncset.done $0x0;
	s7 =	sshll.u32 s1, $0xB;
	s1 =	sshll.u32 s1, $0x7  }
0x34b: {  	[sflag:s16] =	ssyncadd.s32 $0xFFFFC000;
	s7 =	sadd.s32 s7, s8;
	s1 =	sand.u32 $0x3FFFFF80, s1  }
0x34c: {  	[tilespmem:s10], [sflag:$0x2] =	stream.linear.gather [hbm4b:s7+s4], $0x4000, $0x38;
	[tilespmem:$0x16000] =	vst v63  }
0x34d: {  	v2 =	vld.msk [tilespmem:s1+$0x14000], $0xf;
	_ =	sdelay $0x4  }
0x34e: {  	v3 =	vshll.u32 v2, $0x3  }
0x34f: {  	v2 =	vand.u32 $0x7, v2;
	v3 =	vand.u32 $0xFFFFFFC0, v3  }
0x350: {  	v2 =	vor.u32 v2, v3  }
0x351: {  	v2 =	vperm.xlane v2, v0;
	_ =	sdelay $0x1  }
0x352: {  	v2 =	vadd.s32 v1, v2;
	_ =	sdelay $0x2  }
.Ltmp11:
0x353: {  	_ = 	snop;
	(pc) =	sbr.rel .LBB2_2-.Ltmp11, $4  }
0x354: {  	s29 =	simm.s32 $0x11000  }
0x355: {  	[tilespmem:s29], [sflag:$0x6] =	stream.indirect_vreg.gather [hbm4b:s2+s4], $0x80, v2, vm0, $0xb8;
	[tilespmem:$0x16000] =	vst v63  }
0x356: {  	s30 =	simm.s32 $0x11800;
	s14 =	sadd.s32 $0x1, s14  }
0x357: {  	[tilespmem:s30], [sflag:$0x6] =	stream.indirect_vreg.gather [hbm4b:s9+s4], $0x80, v2, vm0, $0xb8;
	[tilespmem:$0x16000] =	vst v63  }
.LBB2_21:
0x358: {  	_ =	sfence.sel $0x180000  }
0x359: {  	[bflag:$0x0] =	sbarrier.arrive $0xFFFF  }
0x35a: {  	_ =	strace $0x90000047  }
0x35b: {  	s0 =	stileid.u32;
	[bflag:$0x2] =	sbarrier.arrive $0xFFFF  }
0x35c: {  	p0 =	sne.s32 s0, $0x0;
	s0 =	rddreg [dreg:$0x3]  }
0x35d: {  	s0 =	sadd.s32 @!p0 $0x100000, s0  }
0x35e: {  	[sflag:s0] =	ssyncadd.tile.s32 @!p0 $0x1;
	_ =	shalt  }
.Lfunc_end2:
_tile_overlayer_lowered:
.L_overlay_start_2:
0x35f: {  	(tag) =	ssettag $0x2  }
0x360: {  	s0 =	rddreg [dreg:$0x0];
	s2 =	stileid.u32  }
0x361: {  	s1 =	rddreg [dreg:$0x1];
	p0 =	sne.s32 s2, $0x0  }
0x362: {  	s3 =	rddreg [dreg:$0x2];
	[bflag:$0x3] =	sbarrier.arrive $0xFFFF;
	s2 =	simm.s32 @!p0 $0x1C0D  }
0x363: {  	[timem:s3], [sflag:s2] =	dma.local @!p0 [hbm:s0], s1  }
0x364: {  	s0 =	simm.s32 @!p0 $0xD  }
0x365: {  	_ =	swait.ge @!p0 [sflag:s0], s1  }
0x366: {  	s1 =	ssub.s32 @!p0 $0x0, s1;
	[sflag:s0] =	ssyncset.done @!p0 $0x0  }
0x367: {  	[sflag:s0] =	ssyncadd.s32 @!p0 s1  }
0x368: {  	[bflag:$0x3] =	sbarrier.arrive $0xFFFF  }
0x369: {  	_ =	shalt  }

</sc_bundles>
